<compile_context>
chip_gen: v7x
topology: tpu7x:2x2x1
jax: 0.10.2.dev20260603
libtpu: 0.0.44.dev20260713+nightly
codegen_flags: <defaults>
</compile_context>

<pallas_src>
import jax
import jax.numpy as jnp
from jax import lax
from jax.experimental import pallas as pl
from jax.experimental.pallas import tpu as pltpu, tpu_sc as plsc

B, N_CB, T = 16, 8, 2048
K, D = 1024, 128

NC, NS = 2, 16
NW = NC * NS
TC = 128
OC = 2
PAIRS = B * N_CB
PAIRS_PER_W = PAIRS // NW
CHUNKS_PER_PAIR = T // TC
NCHUNK = PAIRS_PER_W * CHUNKS_PER_PAIR
NBG = 2
NBO = 2
STEP = 4
TO = OC * TC
PAD = 1


def _body(idx_hbm, table_hbm, out_hbm, idx_v, rows_v, trans_v, *sems):
    gsems = sems[:NBG]
    osems = sems[NBG:]
    wid = lax.axis_index("s") * NC + lax.axis_index("c")
    iota16 = lax.iota(jnp.int32, 16)

    pltpu.sync_copy(idx_hbm.at[pl.ds(wid * PAIRS_PER_W, PAIRS_PER_W)], idx_v)
    for p in range(PAIRS_PER_W):
        i = (wid * PAIRS_PER_W + p) % N_CB
        off = jnp.broadcast_to(i * K, (16,)).astype(jnp.int32)

        def add_off(r, _, p=p, off=off):
            for k2 in range(TC // 16):
                idx_v[p, r, pl.ds(k2 * 16, 16)] += off
            return 0

        lax.fori_loop(0, CHUNKS_PER_PAIR, add_off, 0)

    def out_slice(co):
        c = co * OC
        pair = wid * PAIRS_PER_W + c // CHUNKS_PER_PAIR
        t0 = (c % CHUNKS_PER_PAIR) * TC
        b = pair // N_CB
        i = pair % N_CB
        return out_hbm.at[b, pl.ds(i * D, D), pl.ds(t0, TO)]

    def fire_gather(c, buf):
        pltpu.async_copy(
            table_hbm.at[idx_v.at[c // CHUNKS_PER_PAIR,
                                  c % CHUNKS_PER_PAIR]],
            rows_v.at[buf], gsems[buf])

    def wait_gather(buf):
        pltpu.make_async_copy(
            table_hbm.at[idx_v.at[0, 0]], rows_v.at[buf], gsems[buf]).wait()

    def fire_out(co, buf):
        pltpu.async_copy(
            trans_v.at[buf, :, pl.ds(0, TO)], out_slice(co), osems[buf])

    def wait_out(co, buf):
        pltpu.make_async_copy(
            trans_v.at[buf, :, pl.ds(0, TO)], out_slice(co),
            osems[buf]).wait()

    def transpose(gbuf, obuf, coloff):
        rows = rows_v.at[gbuf]
        trans = trans_v.at[obuf]

        @plsc.parallel_loop(0, TC, unroll=2)
        def trow(j):
            col = jnp.broadcast_to(j + coloff, (16,)).astype(jnp.int32)
            vs = [rows[j, pl.ds(db * 16, 16)] for db in range(D // 16)]
            for db in range(D // 16):
                plsc.store_scatter(trans, [db * 16 + iota16, col], vs[db])

    def step(c, k, can_fire_gather, must_wait_out):
        gbuf = k % NBG
        co = c // OC
        obuf = (k // OC) % NBO
        wait_gather(gbuf)
        if can_fire_gather:
            fire_gather(c + 1, (k + 1) % NBG)
        if k % OC == 0 and must_wait_out:
            wait_out(co - NBO, obuf)
        transpose(gbuf, obuf, (k % OC) * TC)
        if k % OC == OC - 1:
            fire_out(co, obuf)

    fire_gather(0, 0)
    for c in range(STEP):
        step(c, c, True, False)

    def steady(g, _):
        c0 = STEP * g
        for k in range(STEP):
            step(c0 + k, k, True, True)
        return 0

    lax.fori_loop(1, NCHUNK // STEP - 1, steady, 0)

    for k in range(STEP):
        c = NCHUNK - STEP + k
        step(c, k, c + 1 < NCHUNK, True)
    for ko in range(NBO):
        co = NCHUNK // OC - NBO + ko
        wait_out(co, co % NBO)


@jax.jit
def _decode(idx, table):
    mesh = plsc.VectorSubcoreMesh(core_axis_name="c", subcore_axis_name="s")
    return pl.kernel(
        _body,
        out_type=jax.ShapeDtypeStruct((B, N_CB * D, T), jnp.float32),
        mesh=mesh,
        scratch_types=[
            pltpu.VMEM((PAIRS_PER_W, CHUNKS_PER_PAIR, TC), jnp.int32),
            pltpu.VMEM((NBG, TC, D), jnp.float32),
            pltpu.VMEM((NBO, D, TO + PAD), jnp.float32),
        ] + [pltpu.SemaphoreType.DMA] * (NBG + NBO),
        compiler_params=pltpu.CompilerParams(
            use_tc_tiling_on_sc=False, needs_layout_passes=False),
    )(idx, table)


def kernel(codes, codebooks):
    idx = codes.astype(jnp.int32).reshape(PAIRS, CHUNKS_PER_PAIR, TC)
    table = codebooks.reshape(N_CB * K, D)
    return _decode(idx, table)

# --- scband reference (transcript-rebuilt; emitter-appended) ---
"""Pipeline reference for scband-codes-to-quantized-987842478745 (READ-ONLY COPY).

The authoritative reference and input builder live on the scoring server;
editing this copy changes nothing except your own understanding.
"""

import jax, jax.numpy as jnp
import numpy as np

B, N_CB, T = 16, 8, 2048
K, D = 1024, 128

def setup_inputs(seed: int = 0) -> dict:
    key = jax.random.key(seed)
    k1, k2 = jax.random.split(key)
    codes = jax.random.randint(k1, (B, N_CB, T), 0, K, dtype=jnp.int64)
    codebooks = jax.random.normal(k2, (N_CB, K, D), dtype=jnp.float32)
    return {"codes": codes, "codebooks": codebooks}

def reference(codes, codebooks):
    # codes: (B, n_codebooks, T) int; codebooks: (n_codebooks, K, D) float
    # Each codebook.decode(codes_i): embedding lookup (B, T) -> (B, T, D),
    # then transpose to (B, D, T); concatenate along channel dim.
    n_codebooks = codebooks.shape[0]
    quantized_z = []
    for i in range(n_codebooks):
        codes_i = codes[:, i, :]                      # (B, T)
        emb = jnp.take(codebooks[i], codes_i, axis=0)  # (B, T, D) gather
        quantized_i = jnp.transpose(emb, (0, 2, 1))    # (B, D, T)
        quantized_z.append(quantized_i)
    return jnp.concatenate(quantized_z, axis=1)        # (B, n_codebooks*D, T)

if __name__ == "__main__":
    import jax
    _d = setup_inputs()
    print(jax.jit(kernel)(*tuple(_d.values())))

</pallas_src>

<mosaic_0001>
#map = affine_map<(d0, d1) -> (0, 0, 0)>
#map1 = affine_map<(d0, d1) -> (0, 0)>
module attributes {stable_mosaic.version = 14 : i64} {
  func.func @_body(%arg0: i32, %arg1: i32, %arg2: memref<128x16x128xi32, #tpu.memory_space<hbm>>, %arg3: memref<8192x128xf32, #tpu.memory_space<hbm>>, %arg4: memref<16x1024x2048xf32, #tpu.memory_space<hbm>>, %arg5: memref<4x16x128xi32, #tpu.memory_space<vmem>>, %arg6: memref<2x128x128xf32, #tpu.memory_space<vmem>>, %arg7: memref<2x128x257xf32, #tpu.memory_space<vmem>>, %arg8: memref<!tpu.dma_semaphore, #tpu.memory_space<semaphore_mem>>, %arg9: memref<!tpu.dma_semaphore, #tpu.memory_space<semaphore_mem>>, %arg10: memref<!tpu.dma_semaphore, #tpu.memory_space<semaphore_mem>>, %arg11: memref<!tpu.dma_semaphore, #tpu.memory_space<semaphore_mem>>) attributes {dimension_semantics = [#tpu.dimension_semantics<core_parallel>, #tpu.dimension_semantics<subcore_parallel>], iteration_bounds = array<i64: 2, 16>, scalar_prefetch = 0 : i64, scratch_operands = 7 : i64, tpu.core_type = #tpu.core_type<sc_vector_subcore>, window_params = [{transform_indices = #map}, {transform_indices = #map1}, {transform_indices = #map}]} {
    %mul3A = arith.constant 2 : i32
    %mul3A_0 = arith.muli %arg1, %mul3A : i32
    %add3A = arith.addi %mul3A_0, %arg0 : i32
    %iota3A = tpu.iota {dimensions = array<i32: 0>} : vector<16xi32>
    %mul3A_1 = arith.constant 4 : i32
    %mul3A_2 = arith.muli %add3A, %mul3A_1 : i32
    "tpu.region"() ({
      %run_scoped3A = tpu.sem_alloc : memref<!tpu.dma_semaphore, #tpu.memory_space<semaphore_mem>>
      %dma_start3A_851 = arith.constant 0 : i32
      %dma_start3A_852 = arith.constant 0 : i32
      %dma_start3A_853 = tpu.memref_slice %arg2[%mul3A_2, %dma_start3A_851, %dma_start3A_852] : memref<128x16x128xi32, #tpu.memory_space<hbm>> -> memref<4x16x128xi32, #tpu.memory_space<hbm>>
      %dma_start3A_854 = arith.constant 0 : i32
      %dma_start3A_855 = arith.constant 0 : i32
      %dma_start3A_856 = tpu.memref_slice %arg2[%mul3A_2, %dma_start3A_854, %dma_start3A_855] : memref<128x16x128xi32, #tpu.memory_space<hbm>> -> memref<4x16x128xi32, #tpu.memory_space<hbm>>
      tpu.enqueue_dma source(%dma_start3A_856 : memref<4x16x128xi32, #tpu.memory_space<hbm>>) target(%arg5 : memref<4x16x128xi32, #tpu.memory_space<vmem>>) target_semaphore(%run_scoped3A : memref<!tpu.dma_semaphore, #tpu.memory_space<semaphore_mem>>)
      %dma_wait3A_857 = arith.constant 0 : i32
      %dma_wait3A_858 = arith.constant 0 : i32
      %dma_wait3A_859 = tpu.memref_slice %arg2[%mul3A_2, %dma_wait3A_857, %dma_wait3A_858] : memref<128x16x128xi32, #tpu.memory_space<hbm>> -> memref<4x16x128xi32, #tpu.memory_space<hbm>>
      %dma_wait3A_860 = arith.constant 0 : i32
      %dma_wait3A_861 = arith.constant 0 : i32
      %dma_wait3A_862 = tpu.memref_slice %arg2[%mul3A_2, %dma_wait3A_860, %dma_wait3A_861] : memref<128x16x128xi32, #tpu.memory_space<hbm>> -> memref<4x16x128xi32, #tpu.memory_space<hbm>>
      tpu.wait_dma2 semaphore(%run_scoped3A : memref<!tpu.dma_semaphore, #tpu.memory_space<semaphore_mem>>) src(%dma_wait3A_862 : memref<4x16x128xi32, #tpu.memory_space<hbm>>) dst(%arg5 : memref<4x16x128xi32, #tpu.memory_space<vmem>>)
      tpu.yield
    }) : () -> ()
    %mul3A_3 = arith.constant 4 : i32
    %mul3A_4 = arith.muli %add3A, %mul3A_3 : i32
    %add3A_5 = arith.constant 0 : i32
    %add3A_6 = arith.addi %mul3A_4, %add3A_5 : i32
    %jit3A = arith.constant 8 : i32
    %eq3A = arith.constant 0 : i32
    %eq3A_7 = arith.cmpi eq, %jit3A, %eq3A : i32
    %jit3A_8 = arith.constant 1 : i32
    %select_n3A = arith.select %eq3A_7, %jit3A_8, %jit3A : i32
    %rem3A = arith.remsi %add3A_6, %select_n3A : i32
    %ne3A = arith.constant 0 : i32
    %ne3A_9 = arith.cmpi ne, %rem3A, %ne3A : i32
    %lt3A = arith.constant 0 : i32
    %lt3A_10 = arith.cmpi slt, %rem3A, %lt3A : i32
    %lt3A_11 = arith.constant 0 : i32
    %lt3A_12 = arith.cmpi slt, %select_n3A, %lt3A_11 : i32
    %ne3A_13 = arith.xori %lt3A_10, %lt3A_12 : i1
    %and3A = arith.andi %ne3A_13, %ne3A_9 : i1
    %add3A_14 = arith.addi %rem3A, %select_n3A : i32
    %select_n3A_15 = arith.select %and3A, %add3A_14, %rem3A : i32
    %mul3A_16 = arith.constant 1024 : i32
    %mul3A_17 = arith.muli %select_n3A_15, %mul3A_16 : i32
    %broadcast_in_dim3A = vector.broadcast %mul3A_17 : i32 to vector<16xi32>
    %scan3A = arith.constant 0 : i32
    %scan3A_18 = arith.constant 0 : i32
    %scan3A_19 = arith.constant 16 : i32
    %scan3A_20 = arith.addi %scan3A_18, %scan3A_19 : i32
    %scan3A_21 = arith.constant 1 : i32
    %scan3A_22 = scf.for %scan3A_851 = %scan3A_18 to %scan3A_20 step %scan3A_21 iter_args(%scan3A_852 = %scan3A) -> (i32)  : i32 {
      %get3A = arith.constant 0 : i32
      %get3A_853 = arith.index_cast %get3A : i32 to index
      %get3A_854 = arith.index_cast %scan3A_851 : i32 to index
      %get3A_855 = arith.constant 0 : index
      %get3A_856 = tpu.vector_load %arg5[%get3A_853, %get3A_854, %get3A_855] {strides = array<i32>} : memref<4x16x128xi32, #tpu.memory_space<vmem>>, vector<16xi32>,
      %add3A_857 = arith.addi %get3A_856, %broadcast_in_dim3A : vector<16xi32>
      %swap3A = arith.constant 0 : i32
      %swap3A_858 = arith.index_cast %swap3A : i32 to index
      %swap3A_859 = arith.index_cast %scan3A_851 : i32 to index
      %swap3A_860 = arith.constant 0 : index
      %swap3A_861 = tpu.vector_load %arg5[%swap3A_858, %swap3A_859, %swap3A_860] {strides = array<i32>} : memref<4x16x128xi32, #tpu.memory_space<vmem>>, vector<16xi32>,
      tpu.vector_store %arg5[%swap3A_858, %swap3A_859, %swap3A_860], %add3A_857 {strides = array<i32>} : memref<4x16x128xi32, #tpu.memory_space<vmem>>, vector<16xi32>,
      %get3A_862 = arith.constant 0 : i32
      %get3A_863 = arith.index_cast %get3A_862 : i32 to index
      %get3A_864 = arith.index_cast %scan3A_851 : i32 to index
      %get3A_865 = arith.constant 16 : index
      %get3A_866 = tpu.vector_load %arg5[%get3A_863, %get3A_864, %get3A_865] {strides = array<i32>} : memref<4x16x128xi32, #tpu.memory_space<vmem>>, vector<16xi32>,
      %add3A_867 = arith.addi %get3A_866, %broadcast_in_dim3A : vector<16xi32>
      %swap3A_868 = arith.constant 0 : i32
      %swap3A_869 = arith.index_cast %swap3A_868 : i32 to index
      %swap3A_870 = arith.index_cast %scan3A_851 : i32 to index
      %swap3A_871 = arith.constant 16 : index
      %swap3A_872 = tpu.vector_load %arg5[%swap3A_869, %swap3A_870, %swap3A_871] {strides = array<i32>} : memref<4x16x128xi32, #tpu.memory_space<vmem>>, vector<16xi32>,
      tpu.vector_store %arg5[%swap3A_869, %swap3A_870, %swap3A_871], %add3A_867 {strides = array<i32>} : memref<4x16x128xi32, #tpu.memory_space<vmem>>, vector<16xi32>,
      %get3A_873 = arith.constant 0 : i32
      %get3A_874 = arith.index_cast %get3A_873 : i32 to index
      %get3A_875 = arith.index_cast %scan3A_851 : i32 to index
      %get3A_876 = arith.constant 32 : index
      %get3A_877 = tpu.vector_load %arg5[%get3A_874, %get3A_875, %get3A_876] {strides = array<i32>} : memref<4x16x128xi32, #tpu.memory_space<vmem>>, vector<16xi32>,
      %add3A_878 = arith.addi %get3A_877, %broadcast_in_dim3A : vector<16xi32>
      %swap3A_879 = arith.constant 0 : i32
      %swap3A_880 = arith.index_cast %swap3A_879 : i32 to index
      %swap3A_881 = arith.index_cast %scan3A_851 : i32 to index
      %swap3A_882 = arith.constant 32 : index
      %swap3A_883 = tpu.vector_load %arg5[%swap3A_880, %swap3A_881, %swap3A_882] {strides = array<i32>} : memref<4x16x128xi32, #tpu.memory_space<vmem>>, vector<16xi32>,
      tpu.vector_store %arg5[%swap3A_880, %swap3A_881, %swap3A_882], %add3A_878 {strides = array<i32>} : memref<4x16x128xi32, #tpu.memory_space<vmem>>, vector<16xi32>,
      %get3A_884 = arith.constant 0 : i32
      %get3A_885 = arith.index_cast %get3A_884 : i32 to index
      %get3A_886 = arith.index_cast %scan3A_851 : i32 to index
      %get3A_887 = arith.constant 48 : index
      %get3A_888 = tpu.vector_load %arg5[%get3A_885, %get3A_886, %get3A_887] {strides = array<i32>} : memref<4x16x128xi32, #tpu.memory_space<vmem>>, vector<16xi32>,
      %add3A_889 = arith.addi %get3A_888, %broadcast_in_dim3A : vector<16xi32>
      %swap3A_890 = arith.constant 0 : i32
      %swap3A_891 = arith.index_cast %swap3A_890 : i32 to index
      %swap3A_892 = arith.index_cast %scan3A_851 : i32 to index
      %swap3A_893 = arith.constant 48 : index
      %swap3A_894 = tpu.vector_load %arg5[%swap3A_891, %swap3A_892, %swap3A_893] {strides = array<i32>} : memref<4x16x128xi32, #tpu.memory_space<vmem>>, vector<16xi32>,
      tpu.vector_store %arg5[%swap3A_891, %swap3A_892, %swap3A_893], %add3A_889 {strides = array<i32>} : memref<4x16x128xi32, #tpu.memory_space<vmem>>, vector<16xi32>,
      %get3A_895 = arith.constant 0 : i32
      %get3A_896 = arith.index_cast %get3A_895 : i32 to index
      %get3A_897 = arith.index_cast %scan3A_851 : i32 to index
      %get3A_898 = arith.constant 64 : index
      %get3A_899 = tpu.vector_load %arg5[%get3A_896, %get3A_897, %get3A_898] {strides = array<i32>} : memref<4x16x128xi32, #tpu.memory_space<vmem>>, vector<16xi32>,
      %add3A_900 = arith.addi %get3A_899, %broadcast_in_dim3A : vector<16xi32>
      %swap3A_901 = arith.constant 0 : i32
      %swap3A_902 = arith.index_cast %swap3A_901 : i32 to index
      %swap3A_903 = arith.index_cast %scan3A_851 : i32 to index
      %swap3A_904 = arith.constant 64 : index
      %swap3A_905 = tpu.vector_load %arg5[%swap3A_902, %swap3A_903, %swap3A_904] {strides = array<i32>} : memref<4x16x128xi32, #tpu.memory_space<vmem>>, vector<16xi32>,
      tpu.vector_store %arg5[%swap3A_902, %swap3A_903, %swap3A_904], %add3A_900 {strides = array<i32>} : memref<4x16x128xi32, #tpu.memory_space<vmem>>, vector<16xi32>,
      %get3A_906 = arith.constant 0 : i32
      %get3A_907 = arith.index_cast %get3A_906 : i32 to index
      %get3A_908 = arith.index_cast %scan3A_851 : i32 to index
      %get3A_909 = arith.constant 80 : index
      %get3A_910 = tpu.vector_load %arg5[%get3A_907, %get3A_908, %get3A_909] {strides = array<i32>} : memref<4x16x128xi32, #tpu.memory_space<vmem>>, vector<16xi32>,
      %add3A_911 = arith.addi %get3A_910, %broadcast_in_dim3A : vector<16xi32>
      %swap3A_912 = arith.constant 0 : i32
      %swap3A_913 = arith.index_cast %swap3A_912 : i32 to index
      %swap3A_914 = arith.index_cast %scan3A_851 : i32 to index
      %swap3A_915 = arith.constant 80 : index
      %swap3A_916 = tpu.vector_load %arg5[%swap3A_913, %swap3A_914, %swap3A_915] {strides = array<i32>} : memref<4x16x128xi32, #tpu.memory_space<vmem>>, vector<16xi32>,
      tpu.vector_store %arg5[%swap3A_913, %swap3A_914, %swap3A_915], %add3A_911 {strides = array<i32>} : memref<4x16x128xi32, #tpu.memory_space<vmem>>, vector<16xi32>,
      %get3A_917 = arith.constant 0 : i32
      %get3A_918 = arith.index_cast %get3A_917 : i32 to index
      %get3A_919 = arith.index_cast %scan3A_851 : i32 to index
      %get3A_920 = arith.constant 96 : index
      %get3A_921 = tpu.vector_load %arg5[%get3A_918, %get3A_919, %get3A_920] {strides = array<i32>} : memref<4x16x128xi32, #tpu.memory_space<vmem>>, vector<16xi32>,
      %add3A_922 = arith.addi %get3A_921, %broadcast_in_dim3A : vector<16xi32>
      %swap3A_923 = arith.constant 0 : i32
      %swap3A_924 = arith.index_cast %swap3A_923 : i32 to index
      %swap3A_925 = arith.index_cast %scan3A_851 : i32 to index
      %swap3A_926 = arith.constant 96 : index
      %swap3A_927 = tpu.vector_load %arg5[%swap3A_924, %swap3A_925, %swap3A_926] {strides = array<i32>} : memref<4x16x128xi32, #tpu.memory_space<vmem>>, vector<16xi32>,
      tpu.vector_store %arg5[%swap3A_924, %swap3A_925, %swap3A_926], %add3A_922 {strides = array<i32>} : memref<4x16x128xi32, #tpu.memory_space<vmem>>, vector<16xi32>,
      %get3A_928 = arith.constant 0 : i32
      %get3A_929 = arith.index_cast %get3A_928 : i32 to index
      %get3A_930 = arith.index_cast %scan3A_851 : i32 to index
      %get3A_931 = arith.constant 112 : index
      %get3A_932 = tpu.vector_load %arg5[%get3A_929, %get3A_930, %get3A_931] {strides = array<i32>} : memref<4x16x128xi32, #tpu.memory_space<vmem>>, vector<16xi32>,
      %add3A_933 = arith.addi %get3A_932, %broadcast_in_dim3A : vector<16xi32>
      %swap3A_934 = arith.constant 0 : i32
      %swap3A_935 = arith.index_cast %swap3A_934 : i32 to index
      %swap3A_936 = arith.index_cast %scan3A_851 : i32 to index
      %swap3A_937 = arith.constant 112 : index
      %swap3A_938 = tpu.vector_load %arg5[%swap3A_935, %swap3A_936, %swap3A_937] {strides = array<i32>} : memref<4x16x128xi32, #tpu.memory_space<vmem>>, vector<16xi32>,
      tpu.vector_store %arg5[%swap3A_935, %swap3A_936, %swap3A_937], %add3A_933 {strides = array<i32>} : memref<4x16x128xi32, #tpu.memory_space<vmem>>, vector<16xi32>,
      %scan3A_939 = arith.constant 0 : i32
      scf.yield %scan3A_939 : i32
    }
    %scan3A_23 = arith.constant 16 : i32
    %mul3A_24 = arith.constant 4 : i32
    %mul3A_25 = arith.muli %add3A, %mul3A_24 : i32
    %add3A_26 = arith.constant 1 : i32
    %add3A_27 = arith.addi %mul3A_25, %add3A_26 : i32
    %jit3A_28 = arith.constant 8 : i32
    %eq3A_29 = arith.constant 0 : i32
    %eq3A_30 = arith.cmpi eq, %jit3A_28, %eq3A_29 : i32
    %jit3A_31 = arith.constant 1 : i32
    %select_n3A_32 = arith.select %eq3A_30, %jit3A_31, %jit3A_28 : i32
    %rem3A_33 = arith.remsi %add3A_27, %select_n3A_32 : i32
    %ne3A_34 = arith.constant 0 : i32
    %ne3A_35 = arith.cmpi ne, %rem3A_33, %ne3A_34 : i32
    %lt3A_36 = arith.constant 0 : i32
    %lt3A_37 = arith.cmpi slt, %rem3A_33, %lt3A_36 : i32
    %lt3A_38 = arith.constant 0 : i32
    %lt3A_39 = arith.cmpi slt, %select_n3A_32, %lt3A_38 : i32
    %ne3A_40 = arith.xori %lt3A_37, %lt3A_39 : i1
    %and3A_41 = arith.andi %ne3A_40, %ne3A_35 : i1
    %add3A_42 = arith.addi %rem3A_33, %select_n3A_32 : i32
    %select_n3A_43 = arith.select %and3A_41, %add3A_42, %rem3A_33 : i32
    %mul3A_44 = arith.constant 1024 : i32
    %mul3A_45 = arith.muli %select_n3A_43, %mul3A_44 : i32
    %broadcast_in_dim3A_46 = vector.broadcast %mul3A_45 : i32 to vector<16xi32>
    %scan3A_47 = arith.constant 0 : i32
    %scan3A_48 = arith.constant 0 : i32
    %scan3A_49 = arith.constant 16 : i32
    %scan3A_50 = arith.addi %scan3A_48, %scan3A_49 : i32
    %scan3A_51 = arith.constant 1 : i32
    %scan3A_52 = scf.for %scan3A_851 = %scan3A_48 to %scan3A_50 step %scan3A_51 iter_args(%scan3A_852 = %scan3A_47) -> (i32)  : i32 {
      %get3A = arith.constant 1 : i32
      %get3A_853 = arith.index_cast %get3A : i32 to index
      %get3A_854 = arith.index_cast %scan3A_851 : i32 to index
      %get3A_855 = arith.constant 0 : index
      %get3A_856 = tpu.vector_load %arg5[%get3A_853, %get3A_854, %get3A_855] {strides = array<i32>} : memref<4x16x128xi32, #tpu.memory_space<vmem>>, vector<16xi32>,
      %add3A_857 = arith.addi %get3A_856, %broadcast_in_dim3A_46 : vector<16xi32>
      %swap3A = arith.constant 1 : i32
      %swap3A_858 = arith.index_cast %swap3A : i32 to index
      %swap3A_859 = arith.index_cast %scan3A_851 : i32 to index
      %swap3A_860 = arith.constant 0 : index
      %swap3A_861 = tpu.vector_load %arg5[%swap3A_858, %swap3A_859, %swap3A_860] {strides = array<i32>} : memref<4x16x128xi32, #tpu.memory_space<vmem>>, vector<16xi32>,
      tpu.vector_store %arg5[%swap3A_858, %swap3A_859, %swap3A_860], %add3A_857 {strides = array<i32>} : memref<4x16x128xi32, #tpu.memory_space<vmem>>, vector<16xi32>,
      %get3A_862 = arith.constant 1 : i32
      %get3A_863 = arith.index_cast %get3A_862 : i32 to index
      %get3A_864 = arith.index_cast %scan3A_851 : i32 to index
      %get3A_865 = arith.constant 16 : index
      %get3A_866 = tpu.vector_load %arg5[%get3A_863, %get3A_864, %get3A_865] {strides = array<i32>} : memref<4x16x128xi32, #tpu.memory_space<vmem>>, vector<16xi32>,
      %add3A_867 = arith.addi %get3A_866, %broadcast_in_dim3A_46 : vector<16xi32>
      %swap3A_868 = arith.constant 1 : i32
      %swap3A_869 = arith.index_cast %swap3A_868 : i32 to index
      %swap3A_870 = arith.index_cast %scan3A_851 : i32 to index
      %swap3A_871 = arith.constant 16 : index
      %swap3A_872 = tpu.vector_load %arg5[%swap3A_869, %swap3A_870, %swap3A_871] {strides = array<i32>} : memref<4x16x128xi32, #tpu.memory_space<vmem>>, vector<16xi32>,
      tpu.vector_store %arg5[%swap3A_869, %swap3A_870, %swap3A_871], %add3A_867 {strides = array<i32>} : memref<4x16x128xi32, #tpu.memory_space<vmem>>, vector<16xi32>,
      %get3A_873 = arith.constant 1 : i32
      %get3A_874 = arith.index_cast %get3A_873 : i32 to index
      %get3A_875 = arith.index_cast %scan3A_851 : i32 to index
      %get3A_876 = arith.constant 32 : index
      %get3A_877 = tpu.vector_load %arg5[%get3A_874, %get3A_875, %get3A_876] {strides = array<i32>} : memref<4x16x128xi32, #tpu.memory_space<vmem>>, vector<16xi32>,
      %add3A_878 = arith.addi %get3A_877, %broadcast_in_dim3A_46 : vector<16xi32>
      %swap3A_879 = arith.constant 1 : i32
      %swap3A_880 = arith.index_cast %swap3A_879 : i32 to index
      %swap3A_881 = arith.index_cast %scan3A_851 : i32 to index
      %swap3A_882 = arith.constant 32 : index
      %swap3A_883 = tpu.vector_load %arg5[%swap3A_880, %swap3A_881, %swap3A_882] {strides = array<i32>} : memref<4x16x128xi32, #tpu.memory_space<vmem>>, vector<16xi32>,
      tpu.vector_store %arg5[%swap3A_880, %swap3A_881, %swap3A_882], %add3A_878 {strides = array<i32>} : memref<4x16x128xi32, #tpu.memory_space<vmem>>, vector<16xi32>,
      %get3A_884 = arith.constant 1 : i32
      %get3A_885 = arith.index_cast %get3A_884 : i32 to index
      %get3A_886 = arith.index_cast %scan3A_851 : i32 to index
      %get3A_887 = arith.constant 48 : index
      %get3A_888 = tpu.vector_load %arg5[%get3A_885, %get3A_886, %get3A_887] {strides = array<i32>} : memref<4x16x128xi32, #tpu.memory_space<vmem>>, vector<16xi32>,
      %add3A_889 = arith.addi %get3A_888, %broadcast_in_dim3A_46 : vector<16xi32>
      %swap3A_890 = arith.constant 1 : i32
      %swap3A_891 = arith.index_cast %swap3A_890 : i32 to index
      %swap3A_892 = arith.index_cast %scan3A_851 : i32 to index
      %swap3A_893 = arith.constant 48 : index
      %swap3A_894 = tpu.vector_load %arg5[%swap3A_891, %swap3A_892, %swap3A_893] {strides = array<i32>} : memref<4x16x128xi32, #tpu.memory_space<vmem>>, vector<16xi32>,
      tpu.vector_store %arg5[%swap3A_891, %swap3A_892, %swap3A_893], %add3A_889 {strides = array<i32>} : memref<4x16x128xi32, #tpu.memory_space<vmem>>, vector<16xi32>,
      %get3A_895 = arith.constant 1 : i32
      %get3A_896 = arith.index_cast %get3A_895 : i32 to index
      %get3A_897 = arith.index_cast %scan3A_851 : i32 to index
      %get3A_898 = arith.constant 64 : index
      %get3A_899 = tpu.vector_load %arg5[%get3A_896, %get3A_897, %get3A_898] {strides = array<i32>} : memref<4x16x128xi32, #tpu.memory_space<vmem>>, vector<16xi32>,
      %add3A_900 = arith.addi %get3A_899, %broadcast_in_dim3A_46 : vector<16xi32>
      %swap3A_901 = arith.constant 1 : i32
      %swap3A_902 = arith.index_cast %swap3A_901 : i32 to index
      %swap3A_903 = arith.index_cast %scan3A_851 : i32 to index
      %swap3A_904 = arith.constant 64 : index
      %swap3A_905 = tpu.vector_load %arg5[%swap3A_902, %swap3A_903, %swap3A_904] {strides = array<i32>} : memref<4x16x128xi32, #tpu.memory_space<vmem>>, vector<16xi32>,
      tpu.vector_store %arg5[%swap3A_902, %swap3A_903, %swap3A_904], %add3A_900 {strides = array<i32>} : memref<4x16x128xi32, #tpu.memory_space<vmem>>, vector<16xi32>,
      %get3A_906 = arith.constant 1 : i32
      %get3A_907 = arith.index_cast %get3A_906 : i32 to index
      %get3A_908 = arith.index_cast %scan3A_851 : i32 to index
      %get3A_909 = arith.constant 80 : index
      %get3A_910 = tpu.vector_load %arg5[%get3A_907, %get3A_908, %get3A_909] {strides = array<i32>} : memref<4x16x128xi32, #tpu.memory_space<vmem>>, vector<16xi32>,
      %add3A_911 = arith.addi %get3A_910, %broadcast_in_dim3A_46 : vector<16xi32>
      %swap3A_912 = arith.constant 1 : i32
      %swap3A_913 = arith.index_cast %swap3A_912 : i32 to index
      %swap3A_914 = arith.index_cast %scan3A_851 : i32 to index
      %swap3A_915 = arith.constant 80 : index
      %swap3A_916 = tpu.vector_load %arg5[%swap3A_913, %swap3A_914, %swap3A_915] {strides = array<i32>} : memref<4x16x128xi32, #tpu.memory_space<vmem>>, vector<16xi32>,
      tpu.vector_store %arg5[%swap3A_913, %swap3A_914, %swap3A_915], %add3A_911 {strides = array<i32>} : memref<4x16x128xi32, #tpu.memory_space<vmem>>, vector<16xi32>,
      %get3A_917 = arith.constant 1 : i32
      %get3A_918 = arith.index_cast %get3A_917 : i32 to index
      %get3A_919 = arith.index_cast %scan3A_851 : i32 to index
      %get3A_920 = arith.constant 96 : index
      %get3A_921 = tpu.vector_load %arg5[%get3A_918, %get3A_919, %get3A_920] {strides = array<i32>} : memref<4x16x128xi32, #tpu.memory_space<vmem>>, vector<16xi32>,
      %add3A_922 = arith.addi %get3A_921, %broadcast_in_dim3A_46 : vector<16xi32>
      %swap3A_923 = arith.constant 1 : i32
      %swap3A_924 = arith.index_cast %swap3A_923 : i32 to index
      %swap3A_925 = arith.index_cast %scan3A_851 : i32 to index
      %swap3A_926 = arith.constant 96 : index
      %swap3A_927 = tpu.vector_load %arg5[%swap3A_924, %swap3A_925, %swap3A_926] {strides = array<i32>} : memref<4x16x128xi32, #tpu.memory_space<vmem>>, vector<16xi32>,
      tpu.vector_store %arg5[%swap3A_924, %swap3A_925, %swap3A_926], %add3A_922 {strides = array<i32>} : memref<4x16x128xi32, #tpu.memory_space<vmem>>, vector<16xi32>,
      %get3A_928 = arith.constant 1 : i32
      %get3A_929 = arith.index_cast %get3A_928 : i32 to index
      %get3A_930 = arith.index_cast %scan3A_851 : i32 to index
      %get3A_931 = arith.constant 112 : index
      %get3A_932 = tpu.vector_load %arg5[%get3A_929, %get3A_930, %get3A_931] {strides = array<i32>} : memref<4x16x128xi32, #tpu.memory_space<vmem>>, vector<16xi32>,
      %add3A_933 = arith.addi %get3A_932, %broadcast_in_dim3A_46 : vector<16xi32>
      %swap3A_934 = arith.constant 1 : i32
      %swap3A_935 = arith.index_cast %swap3A_934 : i32 to index
      %swap3A_936 = arith.index_cast %scan3A_851 : i32 to index
      %swap3A_937 = arith.constant 112 : index
      %swap3A_938 = tpu.vector_load %arg5[%swap3A_935, %swap3A_936, %swap3A_937] {strides = array<i32>} : memref<4x16x128xi32, #tpu.memory_space<vmem>>, vector<16xi32>,
      tpu.vector_store %arg5[%swap3A_935, %swap3A_936, %swap3A_937], %add3A_933 {strides = array<i32>} : memref<4x16x128xi32, #tpu.memory_space<vmem>>, vector<16xi32>,
      %scan3A_939 = arith.constant 0 : i32
      scf.yield %scan3A_939 : i32
    }
    %scan3A_53 = arith.constant 16 : i32
    %mul3A_54 = arith.constant 4 : i32
    %mul3A_55 = arith.muli %add3A, %mul3A_54 : i32
    %add3A_56 = arith.constant 2 : i32
    %add3A_57 = arith.addi %mul3A_55, %add3A_56 : i32
    %jit3A_58 = arith.constant 8 : i32
    %eq3A_59 = arith.constant 0 : i32
    %eq3A_60 = arith.cmpi eq, %jit3A_58, %eq3A_59 : i32
    %jit3A_61 = arith.constant 1 : i32
    %select_n3A_62 = arith.select %eq3A_60, %jit3A_61, %jit3A_58 : i32
    %rem3A_63 = arith.remsi %add3A_57, %select_n3A_62 : i32
    %ne3A_64 = arith.constant 0 : i32
    %ne3A_65 = arith.cmpi ne, %rem3A_63, %ne3A_64 : i32
    %lt3A_66 = arith.constant 0 : i32
    %lt3A_67 = arith.cmpi slt, %rem3A_63, %lt3A_66 : i32
    %lt3A_68 = arith.constant 0 : i32
    %lt3A_69 = arith.cmpi slt, %select_n3A_62, %lt3A_68 : i32
    %ne3A_70 = arith.xori %lt3A_67, %lt3A_69 : i1
    %and3A_71 = arith.andi %ne3A_70, %ne3A_65 : i1
    %add3A_72 = arith.addi %rem3A_63, %select_n3A_62 : i32
    %select_n3A_73 = arith.select %and3A_71, %add3A_72, %rem3A_63 : i32
    %mul3A_74 = arith.constant 1024 : i32
    %mul3A_75 = arith.muli %select_n3A_73, %mul3A_74 : i32
    %broadcast_in_dim3A_76 = vector.broadcast %mul3A_75 : i32 to vector<16xi32>
    %scan3A_77 = arith.constant 0 : i32
    %scan3A_78 = arith.constant 0 : i32
    %scan3A_79 = arith.constant 16 : i32
    %scan3A_80 = arith.addi %scan3A_78, %scan3A_79 : i32
    %scan3A_81 = arith.constant 1 : i32
    %scan3A_82 = scf.for %scan3A_851 = %scan3A_78 to %scan3A_80 step %scan3A_81 iter_args(%scan3A_852 = %scan3A_77) -> (i32)  : i32 {
      %get3A = arith.constant 2 : i32
      %get3A_853 = arith.index_cast %get3A : i32 to index
      %get3A_854 = arith.index_cast %scan3A_851 : i32 to index
      %get3A_855 = arith.constant 0 : index
      %get3A_856 = tpu.vector_load %arg5[%get3A_853, %get3A_854, %get3A_855] {strides = array<i32>} : memref<4x16x128xi32, #tpu.memory_space<vmem>>, vector<16xi32>,
      %add3A_857 = arith.addi %get3A_856, %broadcast_in_dim3A_76 : vector<16xi32>
      %swap3A = arith.constant 2 : i32
      %swap3A_858 = arith.index_cast %swap3A : i32 to index
      %swap3A_859 = arith.index_cast %scan3A_851 : i32 to index
      %swap3A_860 = arith.constant 0 : index
      %swap3A_861 = tpu.vector_load %arg5[%swap3A_858, %swap3A_859, %swap3A_860] {strides = array<i32>} : memref<4x16x128xi32, #tpu.memory_space<vmem>>, vector<16xi32>,
      tpu.vector_store %arg5[%swap3A_858, %swap3A_859, %swap3A_860], %add3A_857 {strides = array<i32>} : memref<4x16x128xi32, #tpu.memory_space<vmem>>, vector<16xi32>,
      %get3A_862 = arith.constant 2 : i32
      %get3A_863 = arith.index_cast %get3A_862 : i32 to index
      %get3A_864 = arith.index_cast %scan3A_851 : i32 to index
      %get3A_865 = arith.constant 16 : index
      %get3A_866 = tpu.vector_load %arg5[%get3A_863, %get3A_864, %get3A_865] {strides = array<i32>} : memref<4x16x128xi32, #tpu.memory_space<vmem>>, vector<16xi32>,
      %add3A_867 = arith.addi %get3A_866, %broadcast_in_dim3A_76 : vector<16xi32>
      %swap3A_868 = arith.constant 2 : i32
      %swap3A_869 = arith.index_cast %swap3A_868 : i32 to index
      %swap3A_870 = arith.index_cast %scan3A_851 : i32 to index
      %swap3A_871 = arith.constant 16 : index
      %swap3A_872 = tpu.vector_load %arg5[%swap3A_869, %swap3A_870, %swap3A_871] {strides = array<i32>} : memref<4x16x128xi32, #tpu.memory_space<vmem>>, vector<16xi32>,
      tpu.vector_store %arg5[%swap3A_869, %swap3A_870, %swap3A_871], %add3A_867 {strides = array<i32>} : memref<4x16x128xi32, #tpu.memory_space<vmem>>, vector<16xi32>,
      %get3A_873 = arith.constant 2 : i32
      %get3A_874 = arith.index_cast %get3A_873 : i32 to index
      %get3A_875 = arith.index_cast %scan3A_851 : i32 to index
      %get3A_876 = arith.constant 32 : index
      %get3A_877 = tpu.vector_load %arg5[%get3A_874, %get3A_875, %get3A_876] {strides = array<i32>} : memref<4x16x128xi32, #tpu.memory_space<vmem>>, vector<16xi32>,
      %add3A_878 = arith.addi %get3A_877, %broadcast_in_dim3A_76 : vector<16xi32>
      %swap3A_879 = arith.constant 2 : i32
      %swap3A_880 = arith.index_cast %swap3A_879 : i32 to index
      %swap3A_881 = arith.index_cast %scan3A_851 : i32 to index
      %swap3A_882 = arith.constant 32 : index
      %swap3A_883 = tpu.vector_load %arg5[%swap3A_880, %swap3A_881, %swap3A_882] {strides = array<i32>} : memref<4x16x128xi32, #tpu.memory_space<vmem>>, vector<16xi32>,
      tpu.vector_store %arg5[%swap3A_880, %swap3A_881, %swap3A_882], %add3A_878 {strides = array<i32>} : memref<4x16x128xi32, #tpu.memory_space<vmem>>, vector<16xi32>,
      %get3A_884 = arith.constant 2 : i32
      %get3A_885 = arith.index_cast %get3A_884 : i32 to index
      %get3A_886 = arith.index_cast %scan3A_851 : i32 to index
      %get3A_887 = arith.constant 48 : index
      %get3A_888 = tpu.vector_load %arg5[%get3A_885, %get3A_886, %get3A_887] {strides = array<i32>} : memref<4x16x128xi32, #tpu.memory_space<vmem>>, vector<16xi32>,
      %add3A_889 = arith.addi %get3A_888, %broadcast_in_dim3A_76 : vector<16xi32>
      %swap3A_890 = arith.constant 2 : i32
      %swap3A_891 = arith.index_cast %swap3A_890 : i32 to index
      %swap3A_892 = arith.index_cast %scan3A_851 : i32 to index
      %swap3A_893 = arith.constant 48 : index
      %swap3A_894 = tpu.vector_load %arg5[%swap3A_891, %swap3A_892, %swap3A_893] {strides = array<i32>} : memref<4x16x128xi32, #tpu.memory_space<vmem>>, vector<16xi32>,
      tpu.vector_store %arg5[%swap3A_891, %swap3A_892, %swap3A_893], %add3A_889 {strides = array<i32>} : memref<4x16x128xi32, #tpu.memory_space<vmem>>, vector<16xi32>,
      %get3A_895 = arith.constant 2 : i32
      %get3A_896 = arith.index_cast %get3A_895 : i32 to index
      %get3A_897 = arith.index_cast %scan3A_851 : i32 to index
      %get3A_898 = arith.constant 64 : index
      %get3A_899 = tpu.vector_load %arg5[%get3A_896, %get3A_897, %get3A_898] {strides = array<i32>} : memref<4x16x128xi32, #tpu.memory_space<vmem>>, vector<16xi32>,
      %add3A_900 = arith.addi %get3A_899, %broadcast_in_dim3A_76 : vector<16xi32>
      %swap3A_901 = arith.constant 2 : i32
      %swap3A_902 = arith.index_cast %swap3A_901 : i32 to index
      %swap3A_903 = arith.index_cast %scan3A_851 : i32 to index
      %swap3A_904 = arith.constant 64 : index
      %swap3A_905 = tpu.vector_load %arg5[%swap3A_902, %swap3A_903, %swap3A_904] {strides = array<i32>} : memref<4x16x128xi32, #tpu.memory_space<vmem>>, vector<16xi32>,
      tpu.vector_store %arg5[%swap3A_902, %swap3A_903, %swap3A_904], %add3A_900 {strides = array<i32>} : memref<4x16x128xi32, #tpu.memory_space<vmem>>, vector<16xi32>,
      %get3A_906 = arith.constant 2 : i32
      %get3A_907 = arith.index_cast %get3A_906 : i32 to index
      %get3A_908 = arith.index_cast %scan3A_851 : i32 to index
      %get3A_909 = arith.constant 80 : index
      %get3A_910 = tpu.vector_load %arg5[%get3A_907, %get3A_908, %get3A_909] {strides = array<i32>} : memref<4x16x128xi32, #tpu.memory_space<vmem>>, vector<16xi32>,
      %add3A_911 = arith.addi %get3A_910, %broadcast_in_dim3A_76 : vector<16xi32>
      %swap3A_912 = arith.constant 2 : i32
      %swap3A_913 = arith.index_cast %swap3A_912 : i32 to index
      %swap3A_914 = arith.index_cast %scan3A_851 : i32 to index
      %swap3A_915 = arith.constant 80 : index
      %swap3A_916 = tpu.vector_load %arg5[%swap3A_913, %swap3A_914, %swap3A_915] {strides = array<i32>} : memref<4x16x128xi32, #tpu.memory_space<vmem>>, vector<16xi32>,
      tpu.vector_store %arg5[%swap3A_913, %swap3A_914, %swap3A_915], %add3A_911 {strides = array<i32>} : memref<4x16x128xi32, #tpu.memory_space<vmem>>, vector<16xi32>,
      %get3A_917 = arith.constant 2 : i32
      %get3A_918 = arith.index_cast %get3A_917 : i32 to index
      %get3A_919 = arith.index_cast %scan3A_851 : i32 to index
      %get3A_920 = arith.constant 96 : index
      %get3A_921 = tpu.vector_load %arg5[%get3A_918, %get3A_919, %get3A_920] {strides = array<i32>} : memref<4x16x128xi32, #tpu.memory_space<vmem>>, vector<16xi32>,
      %add3A_922 = arith.addi %get3A_921, %broadcast_in_dim3A_76 : vector<16xi32>
      %swap3A_923 = arith.constant 2 : i32
      %swap3A_924 = arith.index_cast %swap3A_923 : i32 to index
      %swap3A_925 = arith.index_cast %scan3A_851 : i32 to index
      %swap3A_926 = arith.constant 96 : index
      %swap3A_927 = tpu.vector_load %arg5[%swap3A_924, %swap3A_925, %swap3A_926] {strides = array<i32>} : memref<4x16x128xi32, #tpu.memory_space<vmem>>, vector<16xi32>,
      tpu.vector_store %arg5[%swap3A_924, %swap3A_925, %swap3A_926], %add3A_922 {strides = array<i32>} : memref<4x16x128xi32, #tpu.memory_space<vmem>>, vector<16xi32>,
      %get3A_928 = arith.constant 2 : i32
      %get3A_929 = arith.index_cast %get3A_928 : i32 to index
      %get3A_930 = arith.index_cast %scan3A_851 : i32 to index
      %get3A_931 = arith.constant 112 : index
      %get3A_932 = tpu.vector_load %arg5[%get3A_929, %get3A_930, %get3A_931] {strides = array<i32>} : memref<4x16x128xi32, #tpu.memory_space<vmem>>, vector<16xi32>,
      %add3A_933 = arith.addi %get3A_932, %broadcast_in_dim3A_76 : vector<16xi32>
      %swap3A_934 = arith.constant 2 : i32
      %swap3A_935 = arith.index_cast %swap3A_934 : i32 to index
      %swap3A_936 = arith.index_cast %scan3A_851 : i32 to index
      %swap3A_937 = arith.constant 112 : index
      %swap3A_938 = tpu.vector_load %arg5[%swap3A_935, %swap3A_936, %swap3A_937] {strides = array<i32>} : memref<4x16x128xi32, #tpu.memory_space<vmem>>, vector<16xi32>,
      tpu.vector_store %arg5[%swap3A_935, %swap3A_936, %swap3A_937], %add3A_933 {strides = array<i32>} : memref<4x16x128xi32, #tpu.memory_space<vmem>>, vector<16xi32>,
      %scan3A_939 = arith.constant 0 : i32
      scf.yield %scan3A_939 : i32
    }
    %scan3A_83 = arith.constant 16 : i32
    %mul3A_84 = arith.constant 4 : i32
    %mul3A_85 = arith.muli %add3A, %mul3A_84 : i32
    %add3A_86 = arith.constant 3 : i32
    %add3A_87 = arith.addi %mul3A_85, %add3A_86 : i32
    %jit3A_88 = arith.constant 8 : i32
    %eq3A_89 = arith.constant 0 : i32
    %eq3A_90 = arith.cmpi eq, %jit3A_88, %eq3A_89 : i32
    %jit3A_91 = arith.constant 1 : i32
    %select_n3A_92 = arith.select %eq3A_90, %jit3A_91, %jit3A_88 : i32
    %rem3A_93 = arith.remsi %add3A_87, %select_n3A_92 : i32
    %ne3A_94 = arith.constant 0 : i32
    %ne3A_95 = arith.cmpi ne, %rem3A_93, %ne3A_94 : i32
    %lt3A_96 = arith.constant 0 : i32
    %lt3A_97 = arith.cmpi slt, %rem3A_93, %lt3A_96 : i32
    %lt3A_98 = arith.constant 0 : i32
    %lt3A_99 = arith.cmpi slt, %select_n3A_92, %lt3A_98 : i32
    %ne3A_100 = arith.xori %lt3A_97, %lt3A_99 : i1
    %and3A_101 = arith.andi %ne3A_100, %ne3A_95 : i1
    %add3A_102 = arith.addi %rem3A_93, %select_n3A_92 : i32
    %select_n3A_103 = arith.select %and3A_101, %add3A_102, %rem3A_93 : i32
    %mul3A_104 = arith.constant 1024 : i32
    %mul3A_105 = arith.muli %select_n3A_103, %mul3A_104 : i32
    %broadcast_in_dim3A_106 = vector.broadcast %mul3A_105 : i32 to vector<16xi32>
    %scan3A_107 = arith.constant 0 : i32
    %scan3A_108 = arith.constant 0 : i32
    %scan3A_109 = arith.constant 16 : i32
    %scan3A_110 = arith.addi %scan3A_108, %scan3A_109 : i32
    %scan3A_111 = arith.constant 1 : i32
    %scan3A_112 = scf.for %scan3A_851 = %scan3A_108 to %scan3A_110 step %scan3A_111 iter_args(%scan3A_852 = %scan3A_107) -> (i32)  : i32 {
      %get3A = arith.constant 3 : i32
      %get3A_853 = arith.index_cast %get3A : i32 to index
      %get3A_854 = arith.index_cast %scan3A_851 : i32 to index
      %get3A_855 = arith.constant 0 : index
      %get3A_856 = tpu.vector_load %arg5[%get3A_853, %get3A_854, %get3A_855] {strides = array<i32>} : memref<4x16x128xi32, #tpu.memory_space<vmem>>, vector<16xi32>,
      %add3A_857 = arith.addi %get3A_856, %broadcast_in_dim3A_106 : vector<16xi32>
      %swap3A = arith.constant 3 : i32
      %swap3A_858 = arith.index_cast %swap3A : i32 to index
      %swap3A_859 = arith.index_cast %scan3A_851 : i32 to index
      %swap3A_860 = arith.constant 0 : index
      %swap3A_861 = tpu.vector_load %arg5[%swap3A_858, %swap3A_859, %swap3A_860] {strides = array<i32>} : memref<4x16x128xi32, #tpu.memory_space<vmem>>, vector<16xi32>,
      tpu.vector_store %arg5[%swap3A_858, %swap3A_859, %swap3A_860], %add3A_857 {strides = array<i32>} : memref<4x16x128xi32, #tpu.memory_space<vmem>>, vector<16xi32>,
      %get3A_862 = arith.constant 3 : i32
      %get3A_863 = arith.index_cast %get3A_862 : i32 to index
      %get3A_864 = arith.index_cast %scan3A_851 : i32 to index
      %get3A_865 = arith.constant 16 : index
      %get3A_866 = tpu.vector_load %arg5[%get3A_863, %get3A_864, %get3A_865] {strides = array<i32>} : memref<4x16x128xi32, #tpu.memory_space<vmem>>, vector<16xi32>,
      %add3A_867 = arith.addi %get3A_866, %broadcast_in_dim3A_106 : vector<16xi32>
      %swap3A_868 = arith.constant 3 : i32
      %swap3A_869 = arith.index_cast %swap3A_868 : i32 to index
      %swap3A_870 = arith.index_cast %scan3A_851 : i32 to index
      %swap3A_871 = arith.constant 16 : index
      %swap3A_872 = tpu.vector_load %arg5[%swap3A_869, %swap3A_870, %swap3A_871] {strides = array<i32>} : memref<4x16x128xi32, #tpu.memory_space<vmem>>, vector<16xi32>,
      tpu.vector_store %arg5[%swap3A_869, %swap3A_870, %swap3A_871], %add3A_867 {strides = array<i32>} : memref<4x16x128xi32, #tpu.memory_space<vmem>>, vector<16xi32>,
      %get3A_873 = arith.constant 3 : i32
      %get3A_874 = arith.index_cast %get3A_873 : i32 to index
      %get3A_875 = arith.index_cast %scan3A_851 : i32 to index
      %get3A_876 = arith.constant 32 : index
      %get3A_877 = tpu.vector_load %arg5[%get3A_874, %get3A_875, %get3A_876] {strides = array<i32>} : memref<4x16x128xi32, #tpu.memory_space<vmem>>, vector<16xi32>,
      %add3A_878 = arith.addi %get3A_877, %broadcast_in_dim3A_106 : vector<16xi32>
      %swap3A_879 = arith.constant 3 : i32
      %swap3A_880 = arith.index_cast %swap3A_879 : i32 to index
      %swap3A_881 = arith.index_cast %scan3A_851 : i32 to index
      %swap3A_882 = arith.constant 32 : index
      %swap3A_883 = tpu.vector_load %arg5[%swap3A_880, %swap3A_881, %swap3A_882] {strides = array<i32>} : memref<4x16x128xi32, #tpu.memory_space<vmem>>, vector<16xi32>,
      tpu.vector_store %arg5[%swap3A_880, %swap3A_881, %swap3A_882], %add3A_878 {strides = array<i32>} : memref<4x16x128xi32, #tpu.memory_space<vmem>>, vector<16xi32>,
      %get3A_884 = arith.constant 3 : i32
      %get3A_885 = arith.index_cast %get3A_884 : i32 to index
      %get3A_886 = arith.index_cast %scan3A_851 : i32 to index
      %get3A_887 = arith.constant 48 : index
      %get3A_888 = tpu.vector_load %arg5[%get3A_885, %get3A_886, %get3A_887] {strides = array<i32>} : memref<4x16x128xi32, #tpu.memory_space<vmem>>, vector<16xi32>,
      %add3A_889 = arith.addi %get3A_888, %broadcast_in_dim3A_106 : vector<16xi32>
      %swap3A_890 = arith.constant 3 : i32
      %swap3A_891 = arith.index_cast %swap3A_890 : i32 to index
      %swap3A_892 = arith.index_cast %scan3A_851 : i32 to index
      %swap3A_893 = arith.constant 48 : index
      %swap3A_894 = tpu.vector_load %arg5[%swap3A_891, %swap3A_892, %swap3A_893] {strides = array<i32>} : memref<4x16x128xi32, #tpu.memory_space<vmem>>, vector<16xi32>,
      tpu.vector_store %arg5[%swap3A_891, %swap3A_892, %swap3A_893], %add3A_889 {strides = array<i32>} : memref<4x16x128xi32, #tpu.memory_space<vmem>>, vector<16xi32>,
      %get3A_895 = arith.constant 3 : i32
      %get3A_896 = arith.index_cast %get3A_895 : i32 to index
      %get3A_897 = arith.index_cast %scan3A_851 : i32 to index
      %get3A_898 = arith.constant 64 : index
      %get3A_899 = tpu.vector_load %arg5[%get3A_896, %get3A_897, %get3A_898] {strides = array<i32>} : memref<4x16x128xi32, #tpu.memory_space<vmem>>, vector<16xi32>,
      %add3A_900 = arith.addi %get3A_899, %broadcast_in_dim3A_106 : vector<16xi32>
      %swap3A_901 = arith.constant 3 : i32
      %swap3A_902 = arith.index_cast %swap3A_901 : i32 to index
      %swap3A_903 = arith.index_cast %scan3A_851 : i32 to index
      %swap3A_904 = arith.constant 64 : index
      %swap3A_905 = tpu.vector_load %arg5[%swap3A_902, %swap3A_903, %swap3A_904] {strides = array<i32>} : memref<4x16x128xi32, #tpu.memory_space<vmem>>, vector<16xi32>,
      tpu.vector_store %arg5[%swap3A_902, %swap3A_903, %swap3A_904], %add3A_900 {strides = array<i32>} : memref<4x16x128xi32, #tpu.memory_space<vmem>>, vector<16xi32>,
      %get3A_906 = arith.constant 3 : i32
      %get3A_907 = arith.index_cast %get3A_906 : i32 to index
      %get3A_908 = arith.index_cast %scan3A_851 : i32 to index
      %get3A_909 = arith.constant 80 : index
      %get3A_910 = tpu.vector_load %arg5[%get3A_907, %get3A_908, %get3A_909] {strides = array<i32>} : memref<4x16x128xi32, #tpu.memory_space<vmem>>, vector<16xi32>,
      %add3A_911 = arith.addi %get3A_910, %broadcast_in_dim3A_106 : vector<16xi32>
      %swap3A_912 = arith.constant 3 : i32
      %swap3A_913 = arith.index_cast %swap3A_912 : i32 to index
      %swap3A_914 = arith.index_cast %scan3A_851 : i32 to index
      %swap3A_915 = arith.constant 80 : index
      %swap3A_916 = tpu.vector_load %arg5[%swap3A_913, %swap3A_914, %swap3A_915] {strides = array<i32>} : memref<4x16x128xi32, #tpu.memory_space<vmem>>, vector<16xi32>,
      tpu.vector_store %arg5[%swap3A_913, %swap3A_914, %swap3A_915], %add3A_911 {strides = array<i32>} : memref<4x16x128xi32, #tpu.memory_space<vmem>>, vector<16xi32>,
      %get3A_917 = arith.constant 3 : i32
      %get3A_918 = arith.index_cast %get3A_917 : i32 to index
      %get3A_919 = arith.index_cast %scan3A_851 : i32 to index
      %get3A_920 = arith.constant 96 : index
      %get3A_921 = tpu.vector_load %arg5[%get3A_918, %get3A_919, %get3A_920] {strides = array<i32>} : memref<4x16x128xi32, #tpu.memory_space<vmem>>, vector<16xi32>,
      %add3A_922 = arith.addi %get3A_921, %broadcast_in_dim3A_106 : vector<16xi32>
      %swap3A_923 = arith.constant 3 : i32
      %swap3A_924 = arith.index_cast %swap3A_923 : i32 to index
      %swap3A_925 = arith.index_cast %scan3A_851 : i32 to index
      %swap3A_926 = arith.constant 96 : index
      %swap3A_927 = tpu.vector_load %arg5[%swap3A_924, %swap3A_925, %swap3A_926] {strides = array<i32>} : memref<4x16x128xi32, #tpu.memory_space<vmem>>, vector<16xi32>,
      tpu.vector_store %arg5[%swap3A_924, %swap3A_925, %swap3A_926], %add3A_922 {strides = array<i32>} : memref<4x16x128xi32, #tpu.memory_space<vmem>>, vector<16xi32>,
      %get3A_928 = arith.constant 3 : i32
      %get3A_929 = arith.index_cast %get3A_928 : i32 to index
      %get3A_930 = arith.index_cast %scan3A_851 : i32 to index
      %get3A_931 = arith.constant 112 : index
      %get3A_932 = tpu.vector_load %arg5[%get3A_929, %get3A_930, %get3A_931] {strides = array<i32>} : memref<4x16x128xi32, #tpu.memory_space<vmem>>, vector<16xi32>,
      %add3A_933 = arith.addi %get3A_932, %broadcast_in_dim3A_106 : vector<16xi32>
      %swap3A_934 = arith.constant 3 : i32
      %swap3A_935 = arith.index_cast %swap3A_934 : i32 to index
      %swap3A_936 = arith.index_cast %scan3A_851 : i32 to index
      %swap3A_937 = arith.constant 112 : index
      %swap3A_938 = tpu.vector_load %arg5[%swap3A_935, %swap3A_936, %swap3A_937] {strides = array<i32>} : memref<4x16x128xi32, #tpu.memory_space<vmem>>, vector<16xi32>,
      tpu.vector_store %arg5[%swap3A_935, %swap3A_936, %swap3A_937], %add3A_933 {strides = array<i32>} : memref<4x16x128xi32, #tpu.memory_space<vmem>>, vector<16xi32>,
      %scan3A_939 = arith.constant 0 : i32
      scf.yield %scan3A_939 : i32
    }
    %scan3A_113 = arith.constant 16 : i32
    %dma_start3A = arith.constant 0 : i32
    %dma_start3A_114 = arith.constant 0 : i32
    %dma_start3A_115 = arith.constant 0 : i32
    %dma_start3A_116 = arith.constant 0 : i32
    %dma_start3A_117 = arith.constant 0 : i32
    %dma_start3A_118 = tpu.memref_slice %arg6[%dma_start3A_115, %dma_start3A_116, %dma_start3A_117] : memref<2x128x128xf32, #tpu.memory_space<vmem>> -> memref<1x128x128xf32, #tpu.memory_space<vmem>>
    %dma_start3A_119 = tpu.memref_squeeze %dma_start3A_118 : memref<1x128x128xf32, #tpu.memory_space<vmem>> -> memref<128x128xf32, #tpu.memory_space<vmem>>
    %dma_start3A_120 = arith.constant 0 : i32
    %dma_start3A_121 = tpu.memref_slice %arg5[%dma_start3A, %dma_start3A_114, %dma_start3A_120] : memref<4x16x128xi32, #tpu.memory_space<vmem>> -> memref<1x1x128xi32, #tpu.memory_space<vmem>>
    %dma_start3A_122 = tpu.memref_squeeze %dma_start3A_121 : memref<1x1x128xi32, #tpu.memory_space<vmem>> -> memref<128xi32, #tpu.memory_space<vmem>>
    %dma_start3A_123 = arith.constant 0 : i32
    %dma_start3A_124 = arith.constant 0 : i32
    %dma_start3A_125 = tpu.memref_slice %arg3[%dma_start3A_123, %dma_start3A_124] : memref<8192x128xf32, #tpu.memory_space<hbm>> -> memref<8192x128xf32, #tpu.memory_space<hbm>>
    tpu.enqueue_indirect_dma source(%dma_start3A_125 : memref<8192x128xf32, #tpu.memory_space<hbm>>) target(%dma_start3A_119 : memref<128x128xf32, #tpu.memory_space<vmem>>) offsets(%dma_start3A_122 : memref<128xi32, #tpu.memory_space<vmem>>) semaphore(%arg8 : memref<!tpu.dma_semaphore, #tpu.memory_space<semaphore_mem>>)
    %dma_wait3A = arith.constant 0 : i32
    %dma_wait3A_126 = arith.constant 0 : i32
    %dma_wait3A_127 = arith.constant 0 : i32
    %dma_wait3A_128 = arith.constant 0 : i32
    %dma_wait3A_129 = arith.constant 0 : i32
    %dma_wait3A_130 = tpu.memref_slice %arg6[%dma_wait3A_127, %dma_wait3A_128, %dma_wait3A_129] : memref<2x128x128xf32, #tpu.memory_space<vmem>> -> memref<1x128x128xf32, #tpu.memory_space<vmem>>
    %dma_wait3A_131 = tpu.memref_squeeze %dma_wait3A_130 : memref<1x128x128xf32, #tpu.memory_space<vmem>> -> memref<128x128xf32, #tpu.memory_space<vmem>>
    %dma_wait3A_132 = arith.constant 0 : i32
    %dma_wait3A_133 = tpu.memref_slice %arg5[%dma_wait3A, %dma_wait3A_126, %dma_wait3A_132] : memref<4x16x128xi32, #tpu.memory_space<vmem>> -> memref<1x1x128xi32, #tpu.memory_space<vmem>>
    %dma_wait3A_134 = tpu.memref_squeeze %dma_wait3A_133 : memref<1x1x128xi32, #tpu.memory_space<vmem>> -> memref<128xi32, #tpu.memory_space<vmem>>
    %dma_wait3A_135 = arith.constant 0 : i32
    %dma_wait3A_136 = arith.constant 0 : i32
    %dma_wait3A_137 = tpu.memref_slice %arg3[%dma_wait3A_135, %dma_wait3A_136] : memref<8192x128xf32, #tpu.memory_space<hbm>> -> memref<8192x128xf32, #tpu.memory_space<hbm>>
    tpu.wait_indirect_dma semaphore(%arg8 : memref<!tpu.dma_semaphore, #tpu.memory_space<semaphore_mem>>) src(%dma_wait3A_137 : memref<8192x128xf32, #tpu.memory_space<hbm>>) dst(%dma_wait3A_131 : memref<128x128xf32, #tpu.memory_space<vmem>>)
    %dma_start3A_138 = arith.constant 0 : i32
    %dma_start3A_139 = arith.constant 1 : i32
    %dma_start3A_140 = arith.constant 1 : i32
    %dma_start3A_141 = arith.constant 0 : i32
    %dma_start3A_142 = arith.constant 0 : i32
    %dma_start3A_143 = tpu.memref_slice %arg6[%dma_start3A_140, %dma_start3A_141, %dma_start3A_142] : memref<2x128x128xf32, #tpu.memory_space<vmem>> -> memref<1x128x128xf32, #tpu.memory_space<vmem>>
    %dma_start3A_144 = tpu.memref_squeeze %dma_start3A_143 : memref<1x128x128xf32, #tpu.memory_space<vmem>> -> memref<128x128xf32, #tpu.memory_space<vmem>>
    %dma_start3A_145 = arith.constant 0 : i32
    %dma_start3A_146 = tpu.memref_slice %arg5[%dma_start3A_138, %dma_start3A_139, %dma_start3A_145] : memref<4x16x128xi32, #tpu.memory_space<vmem>> -> memref<1x1x128xi32, #tpu.memory_space<vmem>>
    %dma_start3A_147 = tpu.memref_squeeze %dma_start3A_146 : memref<1x1x128xi32, #tpu.memory_space<vmem>> -> memref<128xi32, #tpu.memory_space<vmem>>
    %dma_start3A_148 = arith.constant 0 : i32
    %dma_start3A_149 = arith.constant 0 : i32
    %dma_start3A_150 = tpu.memref_slice %arg3[%dma_start3A_148, %dma_start3A_149] : memref<8192x128xf32, #tpu.memory_space<hbm>> -> memref<8192x128xf32, #tpu.memory_space<hbm>>
    tpu.enqueue_indirect_dma source(%dma_start3A_150 : memref<8192x128xf32, #tpu.memory_space<hbm>>) target(%dma_start3A_144 : memref<128x128xf32, #tpu.memory_space<vmem>>) offsets(%dma_start3A_147 : memref<128xi32, #tpu.memory_space<vmem>>) semaphore(%arg9 : memref<!tpu.dma_semaphore, #tpu.memory_space<semaphore_mem>>)
    %parallel_loop3A = arith.constant 0 : i32
    %parallel_loop3A_151 = arith.constant 128 : i32
    %parallel_loop3A_152 = arith.constant 1 : i32
    %parallel_loop3A_153 = arith.constant 0 : i32
    %parallel_loop3A_154 = arith.constant 0 : i32
    scf.for %parallel_loop3A_851 = %parallel_loop3A to %parallel_loop3A_151 step %parallel_loop3A_152  : i32 {
      %parallel_loop3A_852 = arith.constant 0 : i32
      %parallel_loop3A_853 = arith.addi %parallel_loop3A_851, %parallel_loop3A_852 : i32
      %parallel_loop3A_854 = vector.broadcast %parallel_loop3A_853 : i32 to vector<16xi32>
      %parallel_loop3A_855 = arith.constant 0 : i32
      %parallel_loop3A_856 = arith.constant 0 : i32
      %parallel_loop3A_857 = tpu.memref_slice %arg6[%parallel_loop3A_153, %parallel_loop3A_855, %parallel_loop3A_856] : memref<2x128x128xf32, #tpu.memory_space<vmem>> -> memref<1x128x128xf32, #tpu.memory_space<vmem>>
      %parallel_loop3A_858 = tpu.memref_squeeze %parallel_loop3A_857 : memref<1x128x128xf32, #tpu.memory_space<vmem>> -> memref<128x128xf32, #tpu.memory_space<vmem>>
      %parallel_loop3A_859 = arith.index_cast %parallel_loop3A_851 : i32 to index
      %parallel_loop3A_860 = arith.constant 0 : index
      %parallel_loop3A_861 = tpu.vector_load %parallel_loop3A_858[%parallel_loop3A_859, %parallel_loop3A_860] {strides = array<i32>} : memref<128x128xf32, #tpu.memory_space<vmem>>, vector<16xf32>,
      %parallel_loop3A_862 = arith.constant 0 : i32
      %parallel_loop3A_863 = arith.constant 0 : i32
      %parallel_loop3A_864 = tpu.memref_slice %arg6[%parallel_loop3A_153, %parallel_loop3A_862, %parallel_loop3A_863] : memref<2x128x128xf32, #tpu.memory_space<vmem>> -> memref<1x128x128xf32, #tpu.memory_space<vmem>>
      %parallel_loop3A_865 = tpu.memref_squeeze %parallel_loop3A_864 : memref<1x128x128xf32, #tpu.memory_space<vmem>> -> memref<128x128xf32, #tpu.memory_space<vmem>>
      %parallel_loop3A_866 = arith.index_cast %parallel_loop3A_851 : i32 to index
      %parallel_loop3A_867 = arith.constant 16 : index
      %parallel_loop3A_868 = tpu.vector_load %parallel_loop3A_865[%parallel_loop3A_866, %parallel_loop3A_867] {strides = array<i32>} : memref<128x128xf32, #tpu.memory_space<vmem>>, vector<16xf32>,
      %parallel_loop3A_869 = arith.constant 0 : i32
      %parallel_loop3A_870 = arith.constant 0 : i32
      %parallel_loop3A_871 = tpu.memref_slice %arg6[%parallel_loop3A_153, %parallel_loop3A_869, %parallel_loop3A_870] : memref<2x128x128xf32, #tpu.memory_space<vmem>> -> memref<1x128x128xf32, #tpu.memory_space<vmem>>
      %parallel_loop3A_872 = tpu.memref_squeeze %parallel_loop3A_871 : memref<1x128x128xf32, #tpu.memory_space<vmem>> -> memref<128x128xf32, #tpu.memory_space<vmem>>
      %parallel_loop3A_873 = arith.index_cast %parallel_loop3A_851 : i32 to index
      %parallel_loop3A_874 = arith.constant 32 : index
      %parallel_loop3A_875 = tpu.vector_load %parallel_loop3A_872[%parallel_loop3A_873, %parallel_loop3A_874] {strides = array<i32>} : memref<128x128xf32, #tpu.memory_space<vmem>>, vector<16xf32>,
      %parallel_loop3A_876 = arith.constant 0 : i32
      %parallel_loop3A_877 = arith.constant 0 : i32
      %parallel_loop3A_878 = tpu.memref_slice %arg6[%parallel_loop3A_153, %parallel_loop3A_876, %parallel_loop3A_877] : memref<2x128x128xf32, #tpu.memory_space<vmem>> -> memref<1x128x128xf32, #tpu.memory_space<vmem>>
      %parallel_loop3A_879 = tpu.memref_squeeze %parallel_loop3A_878 : memref<1x128x128xf32, #tpu.memory_space<vmem>> -> memref<128x128xf32, #tpu.memory_space<vmem>>
      %parallel_loop3A_880 = arith.index_cast %parallel_loop3A_851 : i32 to index
      %parallel_loop3A_881 = arith.constant 48 : index
      %parallel_loop3A_882 = tpu.vector_load %parallel_loop3A_879[%parallel_loop3A_880, %parallel_loop3A_881] {strides = array<i32>} : memref<128x128xf32, #tpu.memory_space<vmem>>, vector<16xf32>,
      %parallel_loop3A_883 = arith.constant 0 : i32
      %parallel_loop3A_884 = arith.constant 0 : i32
      %parallel_loop3A_885 = tpu.memref_slice %arg6[%parallel_loop3A_153, %parallel_loop3A_883, %parallel_loop3A_884] : memref<2x128x128xf32, #tpu.memory_space<vmem>> -> memref<1x128x128xf32, #tpu.memory_space<vmem>>
      %parallel_loop3A_886 = tpu.memref_squeeze %parallel_loop3A_885 : memref<1x128x128xf32, #tpu.memory_space<vmem>> -> memref<128x128xf32, #tpu.memory_space<vmem>>
      %parallel_loop3A_887 = arith.index_cast %parallel_loop3A_851 : i32 to index
      %parallel_loop3A_888 = arith.constant 64 : index
      %parallel_loop3A_889 = tpu.vector_load %parallel_loop3A_886[%parallel_loop3A_887, %parallel_loop3A_888] {strides = array<i32>} : memref<128x128xf32, #tpu.memory_space<vmem>>, vector<16xf32>,
      %parallel_loop3A_890 = arith.constant 0 : i32
      %parallel_loop3A_891 = arith.constant 0 : i32
      %parallel_loop3A_892 = tpu.memref_slice %arg6[%parallel_loop3A_153, %parallel_loop3A_890, %parallel_loop3A_891] : memref<2x128x128xf32, #tpu.memory_space<vmem>> -> memref<1x128x128xf32, #tpu.memory_space<vmem>>
      %parallel_loop3A_893 = tpu.memref_squeeze %parallel_loop3A_892 : memref<1x128x128xf32, #tpu.memory_space<vmem>> -> memref<128x128xf32, #tpu.memory_space<vmem>>
      %parallel_loop3A_894 = arith.index_cast %parallel_loop3A_851 : i32 to index
      %parallel_loop3A_895 = arith.constant 80 : index
      %parallel_loop3A_896 = tpu.vector_load %parallel_loop3A_893[%parallel_loop3A_894, %parallel_loop3A_895] {strides = array<i32>} : memref<128x128xf32, #tpu.memory_space<vmem>>, vector<16xf32>,
      %parallel_loop3A_897 = arith.constant 0 : i32
      %parallel_loop3A_898 = arith.constant 0 : i32
      %parallel_loop3A_899 = tpu.memref_slice %arg6[%parallel_loop3A_153, %parallel_loop3A_897, %parallel_loop3A_898] : memref<2x128x128xf32, #tpu.memory_space<vmem>> -> memref<1x128x128xf32, #tpu.memory_space<vmem>>
      %parallel_loop3A_900 = tpu.memref_squeeze %parallel_loop3A_899 : memref<1x128x128xf32, #tpu.memory_space<vmem>> -> memref<128x128xf32, #tpu.memory_space<vmem>>
      %parallel_loop3A_901 = arith.index_cast %parallel_loop3A_851 : i32 to index
      %parallel_loop3A_902 = arith.constant 96 : index
      %parallel_loop3A_903 = tpu.vector_load %parallel_loop3A_900[%parallel_loop3A_901, %parallel_loop3A_902] {strides = array<i32>} : memref<128x128xf32, #tpu.memory_space<vmem>>, vector<16xf32>,
      %parallel_loop3A_904 = arith.constant 0 : i32
      %parallel_loop3A_905 = arith.constant 0 : i32
      %parallel_loop3A_906 = tpu.memref_slice %arg6[%parallel_loop3A_153, %parallel_loop3A_904, %parallel_loop3A_905] : memref<2x128x128xf32, #tpu.memory_space<vmem>> -> memref<1x128x128xf32, #tpu.memory_space<vmem>>
      %parallel_loop3A_907 = tpu.memref_squeeze %parallel_loop3A_906 : memref<1x128x128xf32, #tpu.memory_space<vmem>> -> memref<128x128xf32, #tpu.memory_space<vmem>>
      %parallel_loop3A_908 = arith.index_cast %parallel_loop3A_851 : i32 to index
      %parallel_loop3A_909 = arith.constant 112 : index
      %parallel_loop3A_910 = tpu.vector_load %parallel_loop3A_907[%parallel_loop3A_908, %parallel_loop3A_909] {strides = array<i32>} : memref<128x128xf32, #tpu.memory_space<vmem>>, vector<16xf32>,
      %parallel_loop3A_911 = arith.constant 0 : i32
      %parallel_loop3A_912 = vector.broadcast %parallel_loop3A_911 : i32 to vector<16xi32>
      %parallel_loop3A_913 = arith.addi %parallel_loop3A_912, %iota3A : vector<16xi32>
      %parallel_loop3A_914 = arith.constant 0 : i32
      %parallel_loop3A_915 = arith.constant 0 : i32
      %parallel_loop3A_916 = tpu.memref_slice %arg7[%parallel_loop3A_154, %parallel_loop3A_914, %parallel_loop3A_915] : memref<2x128x257xf32, #tpu.memory_space<vmem>> -> memref<1x128x257xf32, #tpu.memory_space<vmem>>
      %parallel_loop3A_917 = tpu.memref_squeeze %parallel_loop3A_916 : memref<1x128x257xf32, #tpu.memory_space<vmem>> -> memref<128x257xf32, #tpu.memory_space<vmem>>
      tpu.vector_store_idx %parallel_loop3A_917[%parallel_loop3A_913, %parallel_loop3A_854], %parallel_loop3A_861 : memref<128x257xf32, #tpu.memory_space<vmem>>[vector<16xi32>, vector<16xi32>], vector<16xf32>,
      %parallel_loop3A_918 = arith.constant 16 : i32
      %parallel_loop3A_919 = vector.broadcast %parallel_loop3A_918 : i32 to vector<16xi32>
      %parallel_loop3A_920 = arith.addi %parallel_loop3A_919, %iota3A : vector<16xi32>
      %parallel_loop3A_921 = arith.constant 0 : i32
      %parallel_loop3A_922 = arith.constant 0 : i32
      %parallel_loop3A_923 = tpu.memref_slice %arg7[%parallel_loop3A_154, %parallel_loop3A_921, %parallel_loop3A_922] : memref<2x128x257xf32, #tpu.memory_space<vmem>> -> memref<1x128x257xf32, #tpu.memory_space<vmem>>
      %parallel_loop3A_924 = tpu.memref_squeeze %parallel_loop3A_923 : memref<1x128x257xf32, #tpu.memory_space<vmem>> -> memref<128x257xf32, #tpu.memory_space<vmem>>
      tpu.vector_store_idx %parallel_loop3A_924[%parallel_loop3A_920, %parallel_loop3A_854], %parallel_loop3A_868 : memref<128x257xf32, #tpu.memory_space<vmem>>[vector<16xi32>, vector<16xi32>], vector<16xf32>,
      %parallel_loop3A_925 = arith.constant 32 : i32
      %parallel_loop3A_926 = vector.broadcast %parallel_loop3A_925 : i32 to vector<16xi32>
      %parallel_loop3A_927 = arith.addi %parallel_loop3A_926, %iota3A : vector<16xi32>
      %parallel_loop3A_928 = arith.constant 0 : i32
      %parallel_loop3A_929 = arith.constant 0 : i32
      %parallel_loop3A_930 = tpu.memref_slice %arg7[%parallel_loop3A_154, %parallel_loop3A_928, %parallel_loop3A_929] : memref<2x128x257xf32, #tpu.memory_space<vmem>> -> memref<1x128x257xf32, #tpu.memory_space<vmem>>
      %parallel_loop3A_931 = tpu.memref_squeeze %parallel_loop3A_930 : memref<1x128x257xf32, #tpu.memory_space<vmem>> -> memref<128x257xf32, #tpu.memory_space<vmem>>
      tpu.vector_store_idx %parallel_loop3A_931[%parallel_loop3A_927, %parallel_loop3A_854], %parallel_loop3A_875 : memref<128x257xf32, #tpu.memory_space<vmem>>[vector<16xi32>, vector<16xi32>], vector<16xf32>,
      %parallel_loop3A_932 = arith.constant 48 : i32
      %parallel_loop3A_933 = vector.broadcast %parallel_loop3A_932 : i32 to vector<16xi32>
      %parallel_loop3A_934 = arith.addi %parallel_loop3A_933, %iota3A : vector<16xi32>
      %parallel_loop3A_935 = arith.constant 0 : i32
      %parallel_loop3A_936 = arith.constant 0 : i32
      %parallel_loop3A_937 = tpu.memref_slice %arg7[%parallel_loop3A_154, %parallel_loop3A_935, %parallel_loop3A_936] : memref<2x128x257xf32, #tpu.memory_space<vmem>> -> memref<1x128x257xf32, #tpu.memory_space<vmem>>
      %parallel_loop3A_938 = tpu.memref_squeeze %parallel_loop3A_937 : memref<1x128x257xf32, #tpu.memory_space<vmem>> -> memref<128x257xf32, #tpu.memory_space<vmem>>
      tpu.vector_store_idx %parallel_loop3A_938[%parallel_loop3A_934, %parallel_loop3A_854], %parallel_loop3A_882 : memref<128x257xf32, #tpu.memory_space<vmem>>[vector<16xi32>, vector<16xi32>], vector<16xf32>,
      %parallel_loop3A_939 = arith.constant 64 : i32
      %parallel_loop3A_940 = vector.broadcast %parallel_loop3A_939 : i32 to vector<16xi32>
      %parallel_loop3A_941 = arith.addi %parallel_loop3A_940, %iota3A : vector<16xi32>
      %parallel_loop3A_942 = arith.constant 0 : i32
      %parallel_loop3A_943 = arith.constant 0 : i32
      %parallel_loop3A_944 = tpu.memref_slice %arg7[%parallel_loop3A_154, %parallel_loop3A_942, %parallel_loop3A_943] : memref<2x128x257xf32, #tpu.memory_space<vmem>> -> memref<1x128x257xf32, #tpu.memory_space<vmem>>
      %parallel_loop3A_945 = tpu.memref_squeeze %parallel_loop3A_944 : memref<1x128x257xf32, #tpu.memory_space<vmem>> -> memref<128x257xf32, #tpu.memory_space<vmem>>
      tpu.vector_store_idx %parallel_loop3A_945[%parallel_loop3A_941, %parallel_loop3A_854], %parallel_loop3A_889 : memref<128x257xf32, #tpu.memory_space<vmem>>[vector<16xi32>, vector<16xi32>], vector<16xf32>,
      %parallel_loop3A_946 = arith.constant 80 : i32
      %parallel_loop3A_947 = vector.broadcast %parallel_loop3A_946 : i32 to vector<16xi32>
      %parallel_loop3A_948 = arith.addi %parallel_loop3A_947, %iota3A : vector<16xi32>
      %parallel_loop3A_949 = arith.constant 0 : i32
      %parallel_loop3A_950 = arith.constant 0 : i32
      %parallel_loop3A_951 = tpu.memref_slice %arg7[%parallel_loop3A_154, %parallel_loop3A_949, %parallel_loop3A_950] : memref<2x128x257xf32, #tpu.memory_space<vmem>> -> memref<1x128x257xf32, #tpu.memory_space<vmem>>
      %parallel_loop3A_952 = tpu.memref_squeeze %parallel_loop3A_951 : memref<1x128x257xf32, #tpu.memory_space<vmem>> -> memref<128x257xf32, #tpu.memory_space<vmem>>
      tpu.vector_store_idx %parallel_loop3A_952[%parallel_loop3A_948, %parallel_loop3A_854], %parallel_loop3A_896 : memref<128x257xf32, #tpu.memory_space<vmem>>[vector<16xi32>, vector<16xi32>], vector<16xf32>,
      %parallel_loop3A_953 = arith.constant 96 : i32
      %parallel_loop3A_954 = vector.broadcast %parallel_loop3A_953 : i32 to vector<16xi32>
      %parallel_loop3A_955 = arith.addi %parallel_loop3A_954, %iota3A : vector<16xi32>
      %parallel_loop3A_956 = arith.constant 0 : i32
      %parallel_loop3A_957 = arith.constant 0 : i32
      %parallel_loop3A_958 = tpu.memref_slice %arg7[%parallel_loop3A_154, %parallel_loop3A_956, %parallel_loop3A_957] : memref<2x128x257xf32, #tpu.memory_space<vmem>> -> memref<1x128x257xf32, #tpu.memory_space<vmem>>
      %parallel_loop3A_959 = tpu.memref_squeeze %parallel_loop3A_958 : memref<1x128x257xf32, #tpu.memory_space<vmem>> -> memref<128x257xf32, #tpu.memory_space<vmem>>
      tpu.vector_store_idx %parallel_loop3A_959[%parallel_loop3A_955, %parallel_loop3A_854], %parallel_loop3A_903 : memref<128x257xf32, #tpu.memory_space<vmem>>[vector<16xi32>, vector<16xi32>], vector<16xf32>,
      %parallel_loop3A_960 = arith.constant 112 : i32
      %parallel_loop3A_961 = vector.broadcast %parallel_loop3A_960 : i32 to vector<16xi32>
      %parallel_loop3A_962 = arith.addi %parallel_loop3A_961, %iota3A : vector<16xi32>
      %parallel_loop3A_963 = arith.constant 0 : i32
      %parallel_loop3A_964 = arith.constant 0 : i32
      %parallel_loop3A_965 = tpu.memref_slice %arg7[%parallel_loop3A_154, %parallel_loop3A_963, %parallel_loop3A_964] : memref<2x128x257xf32, #tpu.memory_space<vmem>> -> memref<1x128x257xf32, #tpu.memory_space<vmem>>
      %parallel_loop3A_966 = tpu.memref_squeeze %parallel_loop3A_965 : memref<1x128x257xf32, #tpu.memory_space<vmem>> -> memref<128x257xf32, #tpu.memory_space<vmem>>
      tpu.vector_store_idx %parallel_loop3A_966[%parallel_loop3A_962, %parallel_loop3A_854], %parallel_loop3A_910 : memref<128x257xf32, #tpu.memory_space<vmem>>[vector<16xi32>, vector<16xi32>], vector<16xf32>,
    } {sc.loop_unroll_factor = 2 : i64, sc.parallel_access}
    %dma_wait3A_155 = arith.constant 0 : i32
    %dma_wait3A_156 = arith.constant 0 : i32
    %dma_wait3A_157 = arith.constant 1 : i32
    %dma_wait3A_158 = arith.constant 0 : i32
    %dma_wait3A_159 = arith.constant 0 : i32
    %dma_wait3A_160 = tpu.memref_slice %arg6[%dma_wait3A_157, %dma_wait3A_158, %dma_wait3A_159] : memref<2x128x128xf32, #tpu.memory_space<vmem>> -> memref<1x128x128xf32, #tpu.memory_space<vmem>>
    %dma_wait3A_161 = tpu.memref_squeeze %dma_wait3A_160 : memref<1x128x128xf32, #tpu.memory_space<vmem>> -> memref<128x128xf32, #tpu.memory_space<vmem>>
    %dma_wait3A_162 = arith.constant 0 : i32
    %dma_wait3A_163 = tpu.memref_slice %arg5[%dma_wait3A_155, %dma_wait3A_156, %dma_wait3A_162] : memref<4x16x128xi32, #tpu.memory_space<vmem>> -> memref<1x1x128xi32, #tpu.memory_space<vmem>>
    %dma_wait3A_164 = tpu.memref_squeeze %dma_wait3A_163 : memref<1x1x128xi32, #tpu.memory_space<vmem>> -> memref<128xi32, #tpu.memory_space<vmem>>
    %dma_wait3A_165 = arith.constant 0 : i32
    %dma_wait3A_166 = arith.constant 0 : i32
    %dma_wait3A_167 = tpu.memref_slice %arg3[%dma_wait3A_165, %dma_wait3A_166] : memref<8192x128xf32, #tpu.memory_space<hbm>> -> memref<8192x128xf32, #tpu.memory_space<hbm>>
    tpu.wait_indirect_dma semaphore(%arg9 : memref<!tpu.dma_semaphore, #tpu.memory_space<semaphore_mem>>) src(%dma_wait3A_167 : memref<8192x128xf32, #tpu.memory_space<hbm>>) dst(%dma_wait3A_161 : memref<128x128xf32, #tpu.memory_space<vmem>>)
    %dma_start3A_168 = arith.constant 0 : i32
    %dma_start3A_169 = arith.constant 2 : i32
    %dma_start3A_170 = arith.constant 0 : i32
    %dma_start3A_171 = arith.constant 0 : i32
    %dma_start3A_172 = arith.constant 0 : i32
    %dma_start3A_173 = tpu.memref_slice %arg6[%dma_start3A_170, %dma_start3A_171, %dma_start3A_172] : memref<2x128x128xf32, #tpu.memory_space<vmem>> -> memref<1x128x128xf32, #tpu.memory_space<vmem>>
    %dma_start3A_174 = tpu.memref_squeeze %dma_start3A_173 : memref<1x128x128xf32, #tpu.memory_space<vmem>> -> memref<128x128xf32, #tpu.memory_space<vmem>>
    %dma_start3A_175 = arith.constant 0 : i32
    %dma_start3A_176 = tpu.memref_slice %arg5[%dma_start3A_168, %dma_start3A_169, %dma_start3A_175] : memref<4x16x128xi32, #tpu.memory_space<vmem>> -> memref<1x1x128xi32, #tpu.memory_space<vmem>>
    %dma_start3A_177 = tpu.memref_squeeze %dma_start3A_176 : memref<1x1x128xi32, #tpu.memory_space<vmem>> -> memref<128xi32, #tpu.memory_space<vmem>>
    %dma_start3A_178 = arith.constant 0 : i32
    %dma_start3A_179 = arith.constant 0 : i32
    %dma_start3A_180 = tpu.memref_slice %arg3[%dma_start3A_178, %dma_start3A_179] : memref<8192x128xf32, #tpu.memory_space<hbm>> -> memref<8192x128xf32, #tpu.memory_space<hbm>>
    tpu.enqueue_indirect_dma source(%dma_start3A_180 : memref<8192x128xf32, #tpu.memory_space<hbm>>) target(%dma_start3A_174 : memref<128x128xf32, #tpu.memory_space<vmem>>) offsets(%dma_start3A_177 : memref<128xi32, #tpu.memory_space<vmem>>) semaphore(%arg8 : memref<!tpu.dma_semaphore, #tpu.memory_space<semaphore_mem>>)
    %parallel_loop3A_181 = arith.constant 0 : i32
    %parallel_loop3A_182 = arith.constant 128 : i32
    %parallel_loop3A_183 = arith.constant 1 : i32
    %parallel_loop3A_184 = arith.constant 1 : i32
    %parallel_loop3A_185 = arith.constant 0 : i32
    scf.for %parallel_loop3A_851 = %parallel_loop3A_181 to %parallel_loop3A_182 step %parallel_loop3A_183  : i32 {
      %parallel_loop3A_852 = arith.constant 128 : i32
      %parallel_loop3A_853 = arith.addi %parallel_loop3A_851, %parallel_loop3A_852 : i32
      %parallel_loop3A_854 = vector.broadcast %parallel_loop3A_853 : i32 to vector<16xi32>
      %parallel_loop3A_855 = arith.constant 0 : i32
      %parallel_loop3A_856 = arith.constant 0 : i32
      %parallel_loop3A_857 = tpu.memref_slice %arg6[%parallel_loop3A_184, %parallel_loop3A_855, %parallel_loop3A_856] : memref<2x128x128xf32, #tpu.memory_space<vmem>> -> memref<1x128x128xf32, #tpu.memory_space<vmem>>
      %parallel_loop3A_858 = tpu.memref_squeeze %parallel_loop3A_857 : memref<1x128x128xf32, #tpu.memory_space<vmem>> -> memref<128x128xf32, #tpu.memory_space<vmem>>
      %parallel_loop3A_859 = arith.index_cast %parallel_loop3A_851 : i32 to index
      %parallel_loop3A_860 = arith.constant 0 : index
      %parallel_loop3A_861 = tpu.vector_load %parallel_loop3A_858[%parallel_loop3A_859, %parallel_loop3A_860] {strides = array<i32>} : memref<128x128xf32, #tpu.memory_space<vmem>>, vector<16xf32>,
      %parallel_loop3A_862 = arith.constant 0 : i32
      %parallel_loop3A_863 = arith.constant 0 : i32
      %parallel_loop3A_864 = tpu.memref_slice %arg6[%parallel_loop3A_184, %parallel_loop3A_862, %parallel_loop3A_863] : memref<2x128x128xf32, #tpu.memory_space<vmem>> -> memref<1x128x128xf32, #tpu.memory_space<vmem>>
      %parallel_loop3A_865 = tpu.memref_squeeze %parallel_loop3A_864 : memref<1x128x128xf32, #tpu.memory_space<vmem>> -> memref<128x128xf32, #tpu.memory_space<vmem>>
      %parallel_loop3A_866 = arith.index_cast %parallel_loop3A_851 : i32 to index
      %parallel_loop3A_867 = arith.constant 16 : index
      %parallel_loop3A_868 = tpu.vector_load %parallel_loop3A_865[%parallel_loop3A_866, %parallel_loop3A_867] {strides = array<i32>} : memref<128x128xf32, #tpu.memory_space<vmem>>, vector<16xf32>,
      %parallel_loop3A_869 = arith.constant 0 : i32
      %parallel_loop3A_870 = arith.constant 0 : i32
      %parallel_loop3A_871 = tpu.memref_slice %arg6[%parallel_loop3A_184, %parallel_loop3A_869, %parallel_loop3A_870] : memref<2x128x128xf32, #tpu.memory_space<vmem>> -> memref<1x128x128xf32, #tpu.memory_space<vmem>>
      %parallel_loop3A_872 = tpu.memref_squeeze %parallel_loop3A_871 : memref<1x128x128xf32, #tpu.memory_space<vmem>> -> memref<128x128xf32, #tpu.memory_space<vmem>>
      %parallel_loop3A_873 = arith.index_cast %parallel_loop3A_851 : i32 to index
      %parallel_loop3A_874 = arith.constant 32 : index
      %parallel_loop3A_875 = tpu.vector_load %parallel_loop3A_872[%parallel_loop3A_873, %parallel_loop3A_874] {strides = array<i32>} : memref<128x128xf32, #tpu.memory_space<vmem>>, vector<16xf32>,
      %parallel_loop3A_876 = arith.constant 0 : i32
      %parallel_loop3A_877 = arith.constant 0 : i32
      %parallel_loop3A_878 = tpu.memref_slice %arg6[%parallel_loop3A_184, %parallel_loop3A_876, %parallel_loop3A_877] : memref<2x128x128xf32, #tpu.memory_space<vmem>> -> memref<1x128x128xf32, #tpu.memory_space<vmem>>
      %parallel_loop3A_879 = tpu.memref_squeeze %parallel_loop3A_878 : memref<1x128x128xf32, #tpu.memory_space<vmem>> -> memref<128x128xf32, #tpu.memory_space<vmem>>
      %parallel_loop3A_880 = arith.index_cast %parallel_loop3A_851 : i32 to index
      %parallel_loop3A_881 = arith.constant 48 : index
      %parallel_loop3A_882 = tpu.vector_load %parallel_loop3A_879[%parallel_loop3A_880, %parallel_loop3A_881] {strides = array<i32>} : memref<128x128xf32, #tpu.memory_space<vmem>>, vector<16xf32>,
      %parallel_loop3A_883 = arith.constant 0 : i32
      %parallel_loop3A_884 = arith.constant 0 : i32
      %parallel_loop3A_885 = tpu.memref_slice %arg6[%parallel_loop3A_184, %parallel_loop3A_883, %parallel_loop3A_884] : memref<2x128x128xf32, #tpu.memory_space<vmem>> -> memref<1x128x128xf32, #tpu.memory_space<vmem>>
      %parallel_loop3A_886 = tpu.memref_squeeze %parallel_loop3A_885 : memref<1x128x128xf32, #tpu.memory_space<vmem>> -> memref<128x128xf32, #tpu.memory_space<vmem>>
      %parallel_loop3A_887 = arith.index_cast %parallel_loop3A_851 : i32 to index
      %parallel_loop3A_888 = arith.constant 64 : index
      %parallel_loop3A_889 = tpu.vector_load %parallel_loop3A_886[%parallel_loop3A_887, %parallel_loop3A_888] {strides = array<i32>} : memref<128x128xf32, #tpu.memory_space<vmem>>, vector<16xf32>,
      %parallel_loop3A_890 = arith.constant 0 : i32
      %parallel_loop3A_891 = arith.constant 0 : i32
      %parallel_loop3A_892 = tpu.memref_slice %arg6[%parallel_loop3A_184, %parallel_loop3A_890, %parallel_loop3A_891] : memref<2x128x128xf32, #tpu.memory_space<vmem>> -> memref<1x128x128xf32, #tpu.memory_space<vmem>>
      %parallel_loop3A_893 = tpu.memref_squeeze %parallel_loop3A_892 : memref<1x128x128xf32, #tpu.memory_space<vmem>> -> memref<128x128xf32, #tpu.memory_space<vmem>>
      %parallel_loop3A_894 = arith.index_cast %parallel_loop3A_851 : i32 to index
      %parallel_loop3A_895 = arith.constant 80 : index
      %parallel_loop3A_896 = tpu.vector_load %parallel_loop3A_893[%parallel_loop3A_894, %parallel_loop3A_895] {strides = array<i32>} : memref<128x128xf32, #tpu.memory_space<vmem>>, vector<16xf32>,
      %parallel_loop3A_897 = arith.constant 0 : i32
      %parallel_loop3A_898 = arith.constant 0 : i32
      %parallel_loop3A_899 = tpu.memref_slice %arg6[%parallel_loop3A_184, %parallel_loop3A_897, %parallel_loop3A_898] : memref<2x128x128xf32, #tpu.memory_space<vmem>> -> memref<1x128x128xf32, #tpu.memory_space<vmem>>
      %parallel_loop3A_900 = tpu.memref_squeeze %parallel_loop3A_899 : memref<1x128x128xf32, #tpu.memory_space<vmem>> -> memref<128x128xf32, #tpu.memory_space<vmem>>
      %parallel_loop3A_901 = arith.index_cast %parallel_loop3A_851 : i32 to index
      %parallel_loop3A_902 = arith.constant 96 : index
      %parallel_loop3A_903 = tpu.vector_load %parallel_loop3A_900[%parallel_loop3A_901, %parallel_loop3A_902] {strides = array<i32>} : memref<128x128xf32, #tpu.memory_space<vmem>>, vector<16xf32>,
      %parallel_loop3A_904 = arith.constant 0 : i32
      %parallel_loop3A_905 = arith.constant 0 : i32
      %parallel_loop3A_906 = tpu.memref_slice %arg6[%parallel_loop3A_184, %parallel_loop3A_904, %parallel_loop3A_905] : memref<2x128x128xf32, #tpu.memory_space<vmem>> -> memref<1x128x128xf32, #tpu.memory_space<vmem>>
      %parallel_loop3A_907 = tpu.memref_squeeze %parallel_loop3A_906 : memref<1x128x128xf32, #tpu.memory_space<vmem>> -> memref<128x128xf32, #tpu.memory_space<vmem>>
      %parallel_loop3A_908 = arith.index_cast %parallel_loop3A_851 : i32 to index
      %parallel_loop3A_909 = arith.constant 112 : index
      %parallel_loop3A_910 = tpu.vector_load %parallel_loop3A_907[%parallel_loop3A_908, %parallel_loop3A_909] {strides = array<i32>} : memref<128x128xf32, #tpu.memory_space<vmem>>, vector<16xf32>,
      %parallel_loop3A_911 = arith.constant 0 : i32
      %parallel_loop3A_912 = vector.broadcast %parallel_loop3A_911 : i32 to vector<16xi32>
      %parallel_loop3A_913 = arith.addi %parallel_loop3A_912, %iota3A : vector<16xi32>
      %parallel_loop3A_914 = arith.constant 0 : i32
      %parallel_loop3A_915 = arith.constant 0 : i32
      %parallel_loop3A_916 = tpu.memref_slice %arg7[%parallel_loop3A_185, %parallel_loop3A_914, %parallel_loop3A_915] : memref<2x128x257xf32, #tpu.memory_space<vmem>> -> memref<1x128x257xf32, #tpu.memory_space<vmem>>
      %parallel_loop3A_917 = tpu.memref_squeeze %parallel_loop3A_916 : memref<1x128x257xf32, #tpu.memory_space<vmem>> -> memref<128x257xf32, #tpu.memory_space<vmem>>
      tpu.vector_store_idx %parallel_loop3A_917[%parallel_loop3A_913, %parallel_loop3A_854], %parallel_loop3A_861 : memref<128x257xf32, #tpu.memory_space<vmem>>[vector<16xi32>, vector<16xi32>], vector<16xf32>,
      %parallel_loop3A_918 = arith.constant 16 : i32
      %parallel_loop3A_919 = vector.broadcast %parallel_loop3A_918 : i32 to vector<16xi32>
      %parallel_loop3A_920 = arith.addi %parallel_loop3A_919, %iota3A : vector<16xi32>
      %parallel_loop3A_921 = arith.constant 0 : i32
      %parallel_loop3A_922 = arith.constant 0 : i32
      %parallel_loop3A_923 = tpu.memref_slice %arg7[%parallel_loop3A_185, %parallel_loop3A_921, %parallel_loop3A_922] : memref<2x128x257xf32, #tpu.memory_space<vmem>> -> memref<1x128x257xf32, #tpu.memory_space<vmem>>
      %parallel_loop3A_924 = tpu.memref_squeeze %parallel_loop3A_923 : memref<1x128x257xf32, #tpu.memory_space<vmem>> -> memref<128x257xf32, #tpu.memory_space<vmem>>
      tpu.vector_store_idx %parallel_loop3A_924[%parallel_loop3A_920, %parallel_loop3A_854], %parallel_loop3A_868 : memref<128x257xf32, #tpu.memory_space<vmem>>[vector<16xi32>, vector<16xi32>], vector<16xf32>,
      %parallel_loop3A_925 = arith.constant 32 : i32
      %parallel_loop3A_926 = vector.broadcast %parallel_loop3A_925 : i32 to vector<16xi32>
      %parallel_loop3A_927 = arith.addi %parallel_loop3A_926, %iota3A : vector<16xi32>
      %parallel_loop3A_928 = arith.constant 0 : i32
      %parallel_loop3A_929 = arith.constant 0 : i32
      %parallel_loop3A_930 = tpu.memref_slice %arg7[%parallel_loop3A_185, %parallel_loop3A_928, %parallel_loop3A_929] : memref<2x128x257xf32, #tpu.memory_space<vmem>> -> memref<1x128x257xf32, #tpu.memory_space<vmem>>
      %parallel_loop3A_931 = tpu.memref_squeeze %parallel_loop3A_930 : memref<1x128x257xf32, #tpu.memory_space<vmem>> -> memref<128x257xf32, #tpu.memory_space<vmem>>
      tpu.vector_store_idx %parallel_loop3A_931[%parallel_loop3A_927, %parallel_loop3A_854], %parallel_loop3A_875 : memref<128x257xf32, #tpu.memory_space<vmem>>[vector<16xi32>, vector<16xi32>], vector<16xf32>,
      %parallel_loop3A_932 = arith.constant 48 : i32
      %parallel_loop3A_933 = vector.broadcast %parallel_loop3A_932 : i32 to vector<16xi32>
      %parallel_loop3A_934 = arith.addi %parallel_loop3A_933, %iota3A : vector<16xi32>
      %parallel_loop3A_935 = arith.constant 0 : i32
      %parallel_loop3A_936 = arith.constant 0 : i32
      %parallel_loop3A_937 = tpu.memref_slice %arg7[%parallel_loop3A_185, %parallel_loop3A_935, %parallel_loop3A_936] : memref<2x128x257xf32, #tpu.memory_space<vmem>> -> memref<1x128x257xf32, #tpu.memory_space<vmem>>
      %parallel_loop3A_938 = tpu.memref_squeeze %parallel_loop3A_937 : memref<1x128x257xf32, #tpu.memory_space<vmem>> -> memref<128x257xf32, #tpu.memory_space<vmem>>
      tpu.vector_store_idx %parallel_loop3A_938[%parallel_loop3A_934, %parallel_loop3A_854], %parallel_loop3A_882 : memref<128x257xf32, #tpu.memory_space<vmem>>[vector<16xi32>, vector<16xi32>], vector<16xf32>,
      %parallel_loop3A_939 = arith.constant 64 : i32
      %parallel_loop3A_940 = vector.broadcast %parallel_loop3A_939 : i32 to vector<16xi32>
      %parallel_loop3A_941 = arith.addi %parallel_loop3A_940, %iota3A : vector<16xi32>
      %parallel_loop3A_942 = arith.constant 0 : i32
      %parallel_loop3A_943 = arith.constant 0 : i32
      %parallel_loop3A_944 = tpu.memref_slice %arg7[%parallel_loop3A_185, %parallel_loop3A_942, %parallel_loop3A_943] : memref<2x128x257xf32, #tpu.memory_space<vmem>> -> memref<1x128x257xf32, #tpu.memory_space<vmem>>
      %parallel_loop3A_945 = tpu.memref_squeeze %parallel_loop3A_944 : memref<1x128x257xf32, #tpu.memory_space<vmem>> -> memref<128x257xf32, #tpu.memory_space<vmem>>
      tpu.vector_store_idx %parallel_loop3A_945[%parallel_loop3A_941, %parallel_loop3A_854], %parallel_loop3A_889 : memref<128x257xf32, #tpu.memory_space<vmem>>[vector<16xi32>, vector<16xi32>], vector<16xf32>,
      %parallel_loop3A_946 = arith.constant 80 : i32
      %parallel_loop3A_947 = vector.broadcast %parallel_loop3A_946 : i32 to vector<16xi32>
      %parallel_loop3A_948 = arith.addi %parallel_loop3A_947, %iota3A : vector<16xi32>
      %parallel_loop3A_949 = arith.constant 0 : i32
      %parallel_loop3A_950 = arith.constant 0 : i32
      %parallel_loop3A_951 = tpu.memref_slice %arg7[%parallel_loop3A_185, %parallel_loop3A_949, %parallel_loop3A_950] : memref<2x128x257xf32, #tpu.memory_space<vmem>> -> memref<1x128x257xf32, #tpu.memory_space<vmem>>
      %parallel_loop3A_952 = tpu.memref_squeeze %parallel_loop3A_951 : memref<1x128x257xf32, #tpu.memory_space<vmem>> -> memref<128x257xf32, #tpu.memory_space<vmem>>
      tpu.vector_store_idx %parallel_loop3A_952[%parallel_loop3A_948, %parallel_loop3A_854], %parallel_loop3A_896 : memref<128x257xf32, #tpu.memory_space<vmem>>[vector<16xi32>, vector<16xi32>], vector<16xf32>,
      %parallel_loop3A_953 = arith.constant 96 : i32
      %parallel_loop3A_954 = vector.broadcast %parallel_loop3A_953 : i32 to vector<16xi32>
      %parallel_loop3A_955 = arith.addi %parallel_loop3A_954, %iota3A : vector<16xi32>
      %parallel_loop3A_956 = arith.constant 0 : i32
      %parallel_loop3A_957 = arith.constant 0 : i32
      %parallel_loop3A_958 = tpu.memref_slice %arg7[%parallel_loop3A_185, %parallel_loop3A_956, %parallel_loop3A_957] : memref<2x128x257xf32, #tpu.memory_space<vmem>> -> memref<1x128x257xf32, #tpu.memory_space<vmem>>
      %parallel_loop3A_959 = tpu.memref_squeeze %parallel_loop3A_958 : memref<1x128x257xf32, #tpu.memory_space<vmem>> -> memref<128x257xf32, #tpu.memory_space<vmem>>
      tpu.vector_store_idx %parallel_loop3A_959[%parallel_loop3A_955, %parallel_loop3A_854], %parallel_loop3A_903 : memref<128x257xf32, #tpu.memory_space<vmem>>[vector<16xi32>, vector<16xi32>], vector<16xf32>,
      %parallel_loop3A_960 = arith.constant 112 : i32
      %parallel_loop3A_961 = vector.broadcast %parallel_loop3A_960 : i32 to vector<16xi32>
      %parallel_loop3A_962 = arith.addi %parallel_loop3A_961, %iota3A : vector<16xi32>
      %parallel_loop3A_963 = arith.constant 0 : i32
      %parallel_loop3A_964 = arith.constant 0 : i32
      %parallel_loop3A_965 = tpu.memref_slice %arg7[%parallel_loop3A_185, %parallel_loop3A_963, %parallel_loop3A_964] : memref<2x128x257xf32, #tpu.memory_space<vmem>> -> memref<1x128x257xf32, #tpu.memory_space<vmem>>
      %parallel_loop3A_966 = tpu.memref_squeeze %parallel_loop3A_965 : memref<1x128x257xf32, #tpu.memory_space<vmem>> -> memref<128x257xf32, #tpu.memory_space<vmem>>
      tpu.vector_store_idx %parallel_loop3A_966[%parallel_loop3A_962, %parallel_loop3A_854], %parallel_loop3A_910 : memref<128x257xf32, #tpu.memory_space<vmem>>[vector<16xi32>, vector<16xi32>], vector<16xf32>,
    } {sc.loop_unroll_factor = 2 : i64, sc.parallel_access}
    %mul3A_186 = arith.constant 4 : i32
    %mul3A_187 = arith.muli %add3A, %mul3A_186 : i32
    %add3A_188 = arith.constant 0 : i32
    %add3A_189 = arith.addi %mul3A_187, %add3A_188 : i32
    %jit3A_190 = arith.constant 8 : i32
    %div3A = arith.divsi %add3A_189, %jit3A_190 : i32
    %sign3A = arith.constant 0 : i32
    %sign3A_191 = arith.cmpi sgt, %add3A_189, %sign3A : i32
    %sign3A_192 = arith.extui %sign3A_191 : i1 to i32
    %sign3A_193 = arith.constant 0 : i32
    %sign3A_194 = arith.cmpi slt, %add3A_189, %sign3A_193 : i32
    %sign3A_195 = arith.extui %sign3A_194 : i1 to i32
    %sign3A_196 = arith.subi %sign3A_192, %sign3A_195 : i32
    %sign3A_197 = arith.constant 0 : i32
    %sign3A_198 = arith.cmpi sgt, %jit3A_190, %sign3A_197 : i32
    %sign3A_199 = arith.extui %sign3A_198 : i1 to i32
    %sign3A_200 = arith.constant 0 : i32
    %sign3A_201 = arith.cmpi slt, %jit3A_190, %sign3A_200 : i32
    %sign3A_202 = arith.extui %sign3A_201 : i1 to i32
    %sign3A_203 = arith.subi %sign3A_199, %sign3A_202 : i32
    %ne3A_204 = arith.cmpi ne, %sign3A_196, %sign3A_203 : i32
    %rem3A_205 = arith.remsi %add3A_189, %jit3A_190 : i32
    %ne3A_206 = arith.constant 0 : i32
    %ne3A_207 = arith.cmpi ne, %rem3A_205, %ne3A_206 : i32
    %and3A_208 = arith.andi %ne3A_204, %ne3A_207 : i1
    %sub3A = arith.constant 1 : i32
    %sub3A_209 = arith.subi %div3A, %sub3A : i32
    %select_n3A_210 = arith.select %and3A_208, %sub3A_209, %div3A : i32
    %jit3A_211 = arith.constant 8 : i32
    %eq3A_212 = arith.constant 0 : i32
    %eq3A_213 = arith.cmpi eq, %jit3A_211, %eq3A_212 : i32
    %jit3A_214 = arith.constant 1 : i32
    %select_n3A_215 = arith.select %eq3A_213, %jit3A_214, %jit3A_211 : i32
    %rem3A_216 = arith.remsi %add3A_189, %select_n3A_215 : i32
    %ne3A_217 = arith.constant 0 : i32
    %ne3A_218 = arith.cmpi ne, %rem3A_216, %ne3A_217 : i32
    %lt3A_219 = arith.constant 0 : i32
    %lt3A_220 = arith.cmpi slt, %rem3A_216, %lt3A_219 : i32
    %lt3A_221 = arith.constant 0 : i32
    %lt3A_222 = arith.cmpi slt, %select_n3A_215, %lt3A_221 : i32
    %ne3A_223 = arith.xori %lt3A_220, %lt3A_222 : i1
    %and3A_224 = arith.andi %ne3A_223, %ne3A_218 : i1
    %add3A_225 = arith.addi %rem3A_216, %select_n3A_215 : i32
    %select_n3A_226 = arith.select %and3A_224, %add3A_225, %rem3A_216 : i32
    %mul3A_227 = arith.constant 128 : i32
    %mul3A_228 = arith.muli %select_n3A_226, %mul3A_227 : i32
    %dma_start3A_229 = arith.constant 0 : i32
    %dma_start3A_230 = arith.constant 0 : i32
    %dma_start3A_231 = arith.constant 0 : i32
    %dma_start3A_232 = tpu.memref_slice %arg7[%dma_start3A_229, %dma_start3A_230, %dma_start3A_231] : memref<2x128x257xf32, #tpu.memory_space<vmem>> -> memref<1x128x256xf32, #tpu.memory_space<vmem>>
    %dma_start3A_233 = tpu.memref_squeeze %dma_start3A_232 : memref<1x128x256xf32, #tpu.memory_space<vmem>> -> memref<128x256xf32, #tpu.memory_space<vmem>>
    %dma_start3A_234 = arith.constant 0 : i32
    %dma_start3A_235 = tpu.memref_slice %arg4[%select_n3A_210, %mul3A_228, %dma_start3A_234] : memref<16x1024x2048xf32, #tpu.memory_space<hbm>> -> memref<1x128x256xf32, #tpu.memory_space<hbm>>
    %dma_start3A_236 = tpu.memref_squeeze %dma_start3A_235 : memref<1x128x256xf32, #tpu.memory_space<hbm>> -> memref<128x256xf32, #tpu.memory_space<hbm>>
    %dma_start3A_237 = arith.constant 0 : i32
    %dma_start3A_238 = tpu.memref_slice %arg4[%select_n3A_210, %mul3A_228, %dma_start3A_237] : memref<16x1024x2048xf32, #tpu.memory_space<hbm>> -> memref<1x128x256xf32, #tpu.memory_space<hbm>>
    %dma_start3A_239 = tpu.memref_squeeze %dma_start3A_238 : memref<1x128x256xf32, #tpu.memory_space<hbm>> -> memref<128x256xf32, #tpu.memory_space<hbm>>
    %dma_start3A_240 = arith.constant 0 : i32
    %dma_start3A_241 = arith.constant 0 : i32
    %dma_start3A_242 = tpu.memref_slice %arg7[%dma_start3A_229, %dma_start3A_240, %dma_start3A_241] : memref<2x128x257xf32, #tpu.memory_space<vmem>> -> memref<1x128x256xf32, #tpu.memory_space<vmem>>
    %dma_start3A_243 = tpu.memref_squeeze %dma_start3A_242 : memref<1x128x256xf32, #tpu.memory_space<vmem>> -> memref<128x256xf32, #tpu.memory_space<vmem>>
    tpu.enqueue_dma source(%dma_start3A_243 : memref<128x256xf32, #tpu.memory_space<vmem>>) target(%dma_start3A_239 : memref<128x256xf32, #tpu.memory_space<hbm>>) target_semaphore(%arg10 : memref<!tpu.dma_semaphore, #tpu.memory_space<semaphore_mem>>)
    %dma_wait3A_244 = arith.constant 0 : i32
    %dma_wait3A_245 = arith.constant 0 : i32
    %dma_wait3A_246 = arith.constant 0 : i32
    %dma_wait3A_247 = arith.constant 0 : i32
    %dma_wait3A_248 = arith.constant 0 : i32
    %dma_wait3A_249 = tpu.memref_slice %arg6[%dma_wait3A_246, %dma_wait3A_247, %dma_wait3A_248] : memref<2x128x128xf32, #tpu.memory_space<vmem>> -> memref<1x128x128xf32, #tpu.memory_space<vmem>>
    %dma_wait3A_250 = tpu.memref_squeeze %dma_wait3A_249 : memref<1x128x128xf32, #tpu.memory_space<vmem>> -> memref<128x128xf32, #tpu.memory_space<vmem>>
    %dma_wait3A_251 = arith.constant 0 : i32
    %dma_wait3A_252 = tpu.memref_slice %arg5[%dma_wait3A_244, %dma_wait3A_245, %dma_wait3A_251] : memref<4x16x128xi32, #tpu.memory_space<vmem>> -> memref<1x1x128xi32, #tpu.memory_space<vmem>>
    %dma_wait3A_253 = tpu.memref_squeeze %dma_wait3A_252 : memref<1x1x128xi32, #tpu.memory_space<vmem>> -> memref<128xi32, #tpu.memory_space<vmem>>
    %dma_wait3A_254 = arith.constant 0 : i32
    %dma_wait3A_255 = arith.constant 0 : i32
    %dma_wait3A_256 = tpu.memref_slice %arg3[%dma_wait3A_254, %dma_wait3A_255] : memref<8192x128xf32, #tpu.memory_space<hbm>> -> memref<8192x128xf32, #tpu.memory_space<hbm>>
    tpu.wait_indirect_dma semaphore(%arg8 : memref<!tpu.dma_semaphore, #tpu.memory_space<semaphore_mem>>) src(%dma_wait3A_256 : memref<8192x128xf32, #tpu.memory_space<hbm>>) dst(%dma_wait3A_250 : memref<128x128xf32, #tpu.memory_space<vmem>>)
    %dma_start3A_257 = arith.constant 0 : i32
    %dma_start3A_258 = arith.constant 3 : i32
    %dma_start3A_259 = arith.constant 1 : i32
    %dma_start3A_260 = arith.constant 0 : i32
    %dma_start3A_261 = arith.constant 0 : i32
    %dma_start3A_262 = tpu.memref_slice %arg6[%dma_start3A_259, %dma_start3A_260, %dma_start3A_261] : memref<2x128x128xf32, #tpu.memory_space<vmem>> -> memref<1x128x128xf32, #tpu.memory_space<vmem>>
    %dma_start3A_263 = tpu.memref_squeeze %dma_start3A_262 : memref<1x128x128xf32, #tpu.memory_space<vmem>> -> memref<128x128xf32, #tpu.memory_space<vmem>>
    %dma_start3A_264 = arith.constant 0 : i32
    %dma_start3A_265 = tpu.memref_slice %arg5[%dma_start3A_257, %dma_start3A_258, %dma_start3A_264] : memref<4x16x128xi32, #tpu.memory_space<vmem>> -> memref<1x1x128xi32, #tpu.memory_space<vmem>>
    %dma_start3A_266 = tpu.memref_squeeze %dma_start3A_265 : memref<1x1x128xi32, #tpu.memory_space<vmem>> -> memref<128xi32, #tpu.memory_space<vmem>>
    %dma_start3A_267 = arith.constant 0 : i32
    %dma_start3A_268 = arith.constant 0 : i32
    %dma_start3A_269 = tpu.memref_slice %arg3[%dma_start3A_267, %dma_start3A_268] : memref<8192x128xf32, #tpu.memory_space<hbm>> -> memref<8192x128xf32, #tpu.memory_space<hbm>>
    tpu.enqueue_indirect_dma source(%dma_start3A_269 : memref<8192x128xf32, #tpu.memory_space<hbm>>) target(%dma_start3A_263 : memref<128x128xf32, #tpu.memory_space<vmem>>) offsets(%dma_start3A_266 : memref<128xi32, #tpu.memory_space<vmem>>) semaphore(%arg9 : memref<!tpu.dma_semaphore, #tpu.memory_space<semaphore_mem>>)
    %parallel_loop3A_270 = arith.constant 0 : i32
    %parallel_loop3A_271 = arith.constant 128 : i32
    %parallel_loop3A_272 = arith.constant 1 : i32
    %parallel_loop3A_273 = arith.constant 0 : i32
    %parallel_loop3A_274 = arith.constant 1 : i32
    scf.for %parallel_loop3A_851 = %parallel_loop3A_270 to %parallel_loop3A_271 step %parallel_loop3A_272  : i32 {
      %parallel_loop3A_852 = arith.constant 0 : i32
      %parallel_loop3A_853 = arith.addi %parallel_loop3A_851, %parallel_loop3A_852 : i32
      %parallel_loop3A_854 = vector.broadcast %parallel_loop3A_853 : i32 to vector<16xi32>
      %parallel_loop3A_855 = arith.constant 0 : i32
      %parallel_loop3A_856 = arith.constant 0 : i32
      %parallel_loop3A_857 = tpu.memref_slice %arg6[%parallel_loop3A_273, %parallel_loop3A_855, %parallel_loop3A_856] : memref<2x128x128xf32, #tpu.memory_space<vmem>> -> memref<1x128x128xf32, #tpu.memory_space<vmem>>
      %parallel_loop3A_858 = tpu.memref_squeeze %parallel_loop3A_857 : memref<1x128x128xf32, #tpu.memory_space<vmem>> -> memref<128x128xf32, #tpu.memory_space<vmem>>
      %parallel_loop3A_859 = arith.index_cast %parallel_loop3A_851 : i32 to index
      %parallel_loop3A_860 = arith.constant 0 : index
      %parallel_loop3A_861 = tpu.vector_load %parallel_loop3A_858[%parallel_loop3A_859, %parallel_loop3A_860] {strides = array<i32>} : memref<128x128xf32, #tpu.memory_space<vmem>>, vector<16xf32>,
      %parallel_loop3A_862 = arith.constant 0 : i32
      %parallel_loop3A_863 = arith.constant 0 : i32
      %parallel_loop3A_864 = tpu.memref_slice %arg6[%parallel_loop3A_273, %parallel_loop3A_862, %parallel_loop3A_863] : memref<2x128x128xf32, #tpu.memory_space<vmem>> -> memref<1x128x128xf32, #tpu.memory_space<vmem>>
      %parallel_loop3A_865 = tpu.memref_squeeze %parallel_loop3A_864 : memref<1x128x128xf32, #tpu.memory_space<vmem>> -> memref<128x128xf32, #tpu.memory_space<vmem>>
      %parallel_loop3A_866 = arith.index_cast %parallel_loop3A_851 : i32 to index
      %parallel_loop3A_867 = arith.constant 16 : index
      %parallel_loop3A_868 = tpu.vector_load %parallel_loop3A_865[%parallel_loop3A_866, %parallel_loop3A_867] {strides = array<i32>} : memref<128x128xf32, #tpu.memory_space<vmem>>, vector<16xf32>,
      %parallel_loop3A_869 = arith.constant 0 : i32
      %parallel_loop3A_870 = arith.constant 0 : i32
      %parallel_loop3A_871 = tpu.memref_slice %arg6[%parallel_loop3A_273, %parallel_loop3A_869, %parallel_loop3A_870] : memref<2x128x128xf32, #tpu.memory_space<vmem>> -> memref<1x128x128xf32, #tpu.memory_space<vmem>>
      %parallel_loop3A_872 = tpu.memref_squeeze %parallel_loop3A_871 : memref<1x128x128xf32, #tpu.memory_space<vmem>> -> memref<128x128xf32, #tpu.memory_space<vmem>>
      %parallel_loop3A_873 = arith.index_cast %parallel_loop3A_851 : i32 to index
      %parallel_loop3A_874 = arith.constant 32 : index
      %parallel_loop3A_875 = tpu.vector_load %parallel_loop3A_872[%parallel_loop3A_873, %parallel_loop3A_874] {strides = array<i32>} : memref<128x128xf32, #tpu.memory_space<vmem>>, vector<16xf32>,
      %parallel_loop3A_876 = arith.constant 0 : i32
      %parallel_loop3A_877 = arith.constant 0 : i32
      %parallel_loop3A_878 = tpu.memref_slice %arg6[%parallel_loop3A_273, %parallel_loop3A_876, %parallel_loop3A_877] : memref<2x128x128xf32, #tpu.memory_space<vmem>> -> memref<1x128x128xf32, #tpu.memory_space<vmem>>
      %parallel_loop3A_879 = tpu.memref_squeeze %parallel_loop3A_878 : memref<1x128x128xf32, #tpu.memory_space<vmem>> -> memref<128x128xf32, #tpu.memory_space<vmem>>
      %parallel_loop3A_880 = arith.index_cast %parallel_loop3A_851 : i32 to index
      %parallel_loop3A_881 = arith.constant 48 : index
      %parallel_loop3A_882 = tpu.vector_load %parallel_loop3A_879[%parallel_loop3A_880, %parallel_loop3A_881] {strides = array<i32>} : memref<128x128xf32, #tpu.memory_space<vmem>>, vector<16xf32>,
      %parallel_loop3A_883 = arith.constant 0 : i32
      %parallel_loop3A_884 = arith.constant 0 : i32
      %parallel_loop3A_885 = tpu.memref_slice %arg6[%parallel_loop3A_273, %parallel_loop3A_883, %parallel_loop3A_884] : memref<2x128x128xf32, #tpu.memory_space<vmem>> -> memref<1x128x128xf32, #tpu.memory_space<vmem>>
      %parallel_loop3A_886 = tpu.memref_squeeze %parallel_loop3A_885 : memref<1x128x128xf32, #tpu.memory_space<vmem>> -> memref<128x128xf32, #tpu.memory_space<vmem>>
      %parallel_loop3A_887 = arith.index_cast %parallel_loop3A_851 : i32 to index
      %parallel_loop3A_888 = arith.constant 64 : index
      %parallel_loop3A_889 = tpu.vector_load %parallel_loop3A_886[%parallel_loop3A_887, %parallel_loop3A_888] {strides = array<i32>} : memref<128x128xf32, #tpu.memory_space<vmem>>, vector<16xf32>,
      %parallel_loop3A_890 = arith.constant 0 : i32
      %parallel_loop3A_891 = arith.constant 0 : i32
      %parallel_loop3A_892 = tpu.memref_slice %arg6[%parallel_loop3A_273, %parallel_loop3A_890, %parallel_loop3A_891] : memref<2x128x128xf32, #tpu.memory_space<vmem>> -> memref<1x128x128xf32, #tpu.memory_space<vmem>>
      %parallel_loop3A_893 = tpu.memref_squeeze %parallel_loop3A_892 : memref<1x128x128xf32, #tpu.memory_space<vmem>> -> memref<128x128xf32, #tpu.memory_space<vmem>>
      %parallel_loop3A_894 = arith.index_cast %parallel_loop3A_851 : i32 to index
      %parallel_loop3A_895 = arith.constant 80 : index
      %parallel_loop3A_896 = tpu.vector_load %parallel_loop3A_893[%parallel_loop3A_894, %parallel_loop3A_895] {strides = array<i32>} : memref<128x128xf32, #tpu.memory_space<vmem>>, vector<16xf32>,
      %parallel_loop3A_897 = arith.constant 0 : i32
      %parallel_loop3A_898 = arith.constant 0 : i32
      %parallel_loop3A_899 = tpu.memref_slice %arg6[%parallel_loop3A_273, %parallel_loop3A_897, %parallel_loop3A_898] : memref<2x128x128xf32, #tpu.memory_space<vmem>> -> memref<1x128x128xf32, #tpu.memory_space<vmem>>
      %parallel_loop3A_900 = tpu.memref_squeeze %parallel_loop3A_899 : memref<1x128x128xf32, #tpu.memory_space<vmem>> -> memref<128x128xf32, #tpu.memory_space<vmem>>
      %parallel_loop3A_901 = arith.index_cast %parallel_loop3A_851 : i32 to index
      %parallel_loop3A_902 = arith.constant 96 : index
      %parallel_loop3A_903 = tpu.vector_load %parallel_loop3A_900[%parallel_loop3A_901, %parallel_loop3A_902] {strides = array<i32>} : memref<128x128xf32, #tpu.memory_space<vmem>>, vector<16xf32>,
      %parallel_loop3A_904 = arith.constant 0 : i32
      %parallel_loop3A_905 = arith.constant 0 : i32
      %parallel_loop3A_906 = tpu.memref_slice %arg6[%parallel_loop3A_273, %parallel_loop3A_904, %parallel_loop3A_905] : memref<2x128x128xf32, #tpu.memory_space<vmem>> -> memref<1x128x128xf32, #tpu.memory_space<vmem>>
      %parallel_loop3A_907 = tpu.memref_squeeze %parallel_loop3A_906 : memref<1x128x128xf32, #tpu.memory_space<vmem>> -> memref<128x128xf32, #tpu.memory_space<vmem>>
      %parallel_loop3A_908 = arith.index_cast %parallel_loop3A_851 : i32 to index
      %parallel_loop3A_909 = arith.constant 112 : index
      %parallel_loop3A_910 = tpu.vector_load %parallel_loop3A_907[%parallel_loop3A_908, %parallel_loop3A_909] {strides = array<i32>} : memref<128x128xf32, #tpu.memory_space<vmem>>, vector<16xf32>,
      %parallel_loop3A_911 = arith.constant 0 : i32
      %parallel_loop3A_912 = vector.broadcast %parallel_loop3A_911 : i32 to vector<16xi32>
      %parallel_loop3A_913 = arith.addi %parallel_loop3A_912, %iota3A : vector<16xi32>
      %parallel_loop3A_914 = arith.constant 0 : i32
      %parallel_loop3A_915 = arith.constant 0 : i32
      %parallel_loop3A_916 = tpu.memref_slice %arg7[%parallel_loop3A_274, %parallel_loop3A_914, %parallel_loop3A_915] : memref<2x128x257xf32, #tpu.memory_space<vmem>> -> memref<1x128x257xf32, #tpu.memory_space<vmem>>
      %parallel_loop3A_917 = tpu.memref_squeeze %parallel_loop3A_916 : memref<1x128x257xf32, #tpu.memory_space<vmem>> -> memref<128x257xf32, #tpu.memory_space<vmem>>
      tpu.vector_store_idx %parallel_loop3A_917[%parallel_loop3A_913, %parallel_loop3A_854], %parallel_loop3A_861 : memref<128x257xf32, #tpu.memory_space<vmem>>[vector<16xi32>, vector<16xi32>], vector<16xf32>,
      %parallel_loop3A_918 = arith.constant 16 : i32
      %parallel_loop3A_919 = vector.broadcast %parallel_loop3A_918 : i32 to vector<16xi32>
      %parallel_loop3A_920 = arith.addi %parallel_loop3A_919, %iota3A : vector<16xi32>
      %parallel_loop3A_921 = arith.constant 0 : i32
      %parallel_loop3A_922 = arith.constant 0 : i32
      %parallel_loop3A_923 = tpu.memref_slice %arg7[%parallel_loop3A_274, %parallel_loop3A_921, %parallel_loop3A_922] : memref<2x128x257xf32, #tpu.memory_space<vmem>> -> memref<1x128x257xf32, #tpu.memory_space<vmem>>
      %parallel_loop3A_924 = tpu.memref_squeeze %parallel_loop3A_923 : memref<1x128x257xf32, #tpu.memory_space<vmem>> -> memref<128x257xf32, #tpu.memory_space<vmem>>
      tpu.vector_store_idx %parallel_loop3A_924[%parallel_loop3A_920, %parallel_loop3A_854], %parallel_loop3A_868 : memref<128x257xf32, #tpu.memory_space<vmem>>[vector<16xi32>, vector<16xi32>], vector<16xf32>,
      %parallel_loop3A_925 = arith.constant 32 : i32
      %parallel_loop3A_926 = vector.broadcast %parallel_loop3A_925 : i32 to vector<16xi32>
      %parallel_loop3A_927 = arith.addi %parallel_loop3A_926, %iota3A : vector<16xi32>
      %parallel_loop3A_928 = arith.constant 0 : i32
      %parallel_loop3A_929 = arith.constant 0 : i32
      %parallel_loop3A_930 = tpu.memref_slice %arg7[%parallel_loop3A_274, %parallel_loop3A_928, %parallel_loop3A_929] : memref<2x128x257xf32, #tpu.memory_space<vmem>> -> memref<1x128x257xf32, #tpu.memory_space<vmem>>
      %parallel_loop3A_931 = tpu.memref_squeeze %parallel_loop3A_930 : memref<1x128x257xf32, #tpu.memory_space<vmem>> -> memref<128x257xf32, #tpu.memory_space<vmem>>
      tpu.vector_store_idx %parallel_loop3A_931[%parallel_loop3A_927, %parallel_loop3A_854], %parallel_loop3A_875 : memref<128x257xf32, #tpu.memory_space<vmem>>[vector<16xi32>, vector<16xi32>], vector<16xf32>,
      %parallel_loop3A_932 = arith.constant 48 : i32
      %parallel_loop3A_933 = vector.broadcast %parallel_loop3A_932 : i32 to vector<16xi32>
      %parallel_loop3A_934 = arith.addi %parallel_loop3A_933, %iota3A : vector<16xi32>
      %parallel_loop3A_935 = arith.constant 0 : i32
      %parallel_loop3A_936 = arith.constant 0 : i32
      %parallel_loop3A_937 = tpu.memref_slice %arg7[%parallel_loop3A_274, %parallel_loop3A_935, %parallel_loop3A_936] : memref<2x128x257xf32, #tpu.memory_space<vmem>> -> memref<1x128x257xf32, #tpu.memory_space<vmem>>
      %parallel_loop3A_938 = tpu.memref_squeeze %parallel_loop3A_937 : memref<1x128x257xf32, #tpu.memory_space<vmem>> -> memref<128x257xf32, #tpu.memory_space<vmem>>
      tpu.vector_store_idx %parallel_loop3A_938[%parallel_loop3A_934, %parallel_loop3A_854], %parallel_loop3A_882 : memref<128x257xf32, #tpu.memory_space<vmem>>[vector<16xi32>, vector<16xi32>], vector<16xf32>,
      %parallel_loop3A_939 = arith.constant 64 : i32
      %parallel_loop3A_940 = vector.broadcast %parallel_loop3A_939 : i32 to vector<16xi32>
      %parallel_loop3A_941 = arith.addi %parallel_loop3A_940, %iota3A : vector<16xi32>
      %parallel_loop3A_942 = arith.constant 0 : i32
      %parallel_loop3A_943 = arith.constant 0 : i32
      %parallel_loop3A_944 = tpu.memref_slice %arg7[%parallel_loop3A_274, %parallel_loop3A_942, %parallel_loop3A_943] : memref<2x128x257xf32, #tpu.memory_space<vmem>> -> memref<1x128x257xf32, #tpu.memory_space<vmem>>
      %parallel_loop3A_945 = tpu.memref_squeeze %parallel_loop3A_944 : memref<1x128x257xf32, #tpu.memory_space<vmem>> -> memref<128x257xf32, #tpu.memory_space<vmem>>
      tpu.vector_store_idx %parallel_loop3A_945[%parallel_loop3A_941, %parallel_loop3A_854], %parallel_loop3A_889 : memref<128x257xf32, #tpu.memory_space<vmem>>[vector<16xi32>, vector<16xi32>], vector<16xf32>,
      %parallel_loop3A_946 = arith.constant 80 : i32
      %parallel_loop3A_947 = vector.broadcast %parallel_loop3A_946 : i32 to vector<16xi32>
      %parallel_loop3A_948 = arith.addi %parallel_loop3A_947, %iota3A : vector<16xi32>
      %parallel_loop3A_949 = arith.constant 0 : i32
      %parallel_loop3A_950 = arith.constant 0 : i32
      %parallel_loop3A_951 = tpu.memref_slice %arg7[%parallel_loop3A_274, %parallel_loop3A_949, %parallel_loop3A_950] : memref<2x128x257xf32, #tpu.memory_space<vmem>> -> memref<1x128x257xf32, #tpu.memory_space<vmem>>
      %parallel_loop3A_952 = tpu.memref_squeeze %parallel_loop3A_951 : memref<1x128x257xf32, #tpu.memory_space<vmem>> -> memref<128x257xf32, #tpu.memory_space<vmem>>
      tpu.vector_store_idx %parallel_loop3A_952[%parallel_loop3A_948, %parallel_loop3A_854], %parallel_loop3A_896 : memref<128x257xf32, #tpu.memory_space<vmem>>[vector<16xi32>, vector<16xi32>], vector<16xf32>,
      %parallel_loop3A_953 = arith.constant 96 : i32
      %parallel_loop3A_954 = vector.broadcast %parallel_loop3A_953 : i32 to vector<16xi32>
      %parallel_loop3A_955 = arith.addi %parallel_loop3A_954, %iota3A : vector<16xi32>
      %parallel_loop3A_956 = arith.constant 0 : i32
      %parallel_loop3A_957 = arith.constant 0 : i32
      %parallel_loop3A_958 = tpu.memref_slice %arg7[%parallel_loop3A_274, %parallel_loop3A_956, %parallel_loop3A_957] : memref<2x128x257xf32, #tpu.memory_space<vmem>> -> memref<1x128x257xf32, #tpu.memory_space<vmem>>
      %parallel_loop3A_959 = tpu.memref_squeeze %parallel_loop3A_958 : memref<1x128x257xf32, #tpu.memory_space<vmem>> -> memref<128x257xf32, #tpu.memory_space<vmem>>
      tpu.vector_store_idx %parallel_loop3A_959[%parallel_loop3A_955, %parallel_loop3A_854], %parallel_loop3A_903 : memref<128x257xf32, #tpu.memory_space<vmem>>[vector<16xi32>, vector<16xi32>], vector<16xf32>,
      %parallel_loop3A_960 = arith.constant 112 : i32
      %parallel_loop3A_961 = vector.broadcast %parallel_loop3A_960 : i32 to vector<16xi32>
      %parallel_loop3A_962 = arith.addi %parallel_loop3A_961, %iota3A : vector<16xi32>
      %parallel_loop3A_963 = arith.constant 0 : i32
      %parallel_loop3A_964 = arith.constant 0 : i32
      %parallel_loop3A_965 = tpu.memref_slice %arg7[%parallel_loop3A_274, %parallel_loop3A_963, %parallel_loop3A_964] : memref<2x128x257xf32, #tpu.memory_space<vmem>> -> memref<1x128x257xf32, #tpu.memory_space<vmem>>
      %parallel_loop3A_966 = tpu.memref_squeeze %parallel_loop3A_965 : memref<1x128x257xf32, #tpu.memory_space<vmem>> -> memref<128x257xf32, #tpu.memory_space<vmem>>
      tpu.vector_store_idx %parallel_loop3A_966[%parallel_loop3A_962, %parallel_loop3A_854], %parallel_loop3A_910 : memref<128x257xf32, #tpu.memory_space<vmem>>[vector<16xi32>, vector<16xi32>], vector<16xf32>,
    } {sc.loop_unroll_factor = 2 : i64, sc.parallel_access}
    %dma_wait3A_275 = arith.constant 0 : i32
    %dma_wait3A_276 = arith.constant 0 : i32
    %dma_wait3A_277 = arith.constant 1 : i32
    %dma_wait3A_278 = arith.constant 0 : i32
    %dma_wait3A_279 = arith.constant 0 : i32
    %dma_wait3A_280 = tpu.memref_slice %arg6[%dma_wait3A_277, %dma_wait3A_278, %dma_wait3A_279] : memref<2x128x128xf32, #tpu.memory_space<vmem>> -> memref<1x128x128xf32, #tpu.memory_space<vmem>>
    %dma_wait3A_281 = tpu.memref_squeeze %dma_wait3A_280 : memref<1x128x128xf32, #tpu.memory_space<vmem>> -> memref<128x128xf32, #tpu.memory_space<vmem>>
    %dma_wait3A_282 = arith.constant 0 : i32
    %dma_wait3A_283 = tpu.memref_slice %arg5[%dma_wait3A_275, %dma_wait3A_276, %dma_wait3A_282] : memref<4x16x128xi32, #tpu.memory_space<vmem>> -> memref<1x1x128xi32, #tpu.memory_space<vmem>>
    %dma_wait3A_284 = tpu.memref_squeeze %dma_wait3A_283 : memref<1x1x128xi32, #tpu.memory_space<vmem>> -> memref<128xi32, #tpu.memory_space<vmem>>
    %dma_wait3A_285 = arith.constant 0 : i32
    %dma_wait3A_286 = arith.constant 0 : i32
    %dma_wait3A_287 = tpu.memref_slice %arg3[%dma_wait3A_285, %dma_wait3A_286] : memref<8192x128xf32, #tpu.memory_space<hbm>> -> memref<8192x128xf32, #tpu.memory_space<hbm>>
    tpu.wait_indirect_dma semaphore(%arg9 : memref<!tpu.dma_semaphore, #tpu.memory_space<semaphore_mem>>) src(%dma_wait3A_287 : memref<8192x128xf32, #tpu.memory_space<hbm>>) dst(%dma_wait3A_281 : memref<128x128xf32, #tpu.memory_space<vmem>>)
    %dma_start3A_288 = arith.constant 0 : i32
    %dma_start3A_289 = arith.constant 4 : i32
    %dma_start3A_290 = arith.constant 0 : i32
    %dma_start3A_291 = arith.constant 0 : i32
    %dma_start3A_292 = arith.constant 0 : i32
    %dma_start3A_293 = tpu.memref_slice %arg6[%dma_start3A_290, %dma_start3A_291, %dma_start3A_292] : memref<2x128x128xf32, #tpu.memory_space<vmem>> -> memref<1x128x128xf32, #tpu.memory_space<vmem>>
    %dma_start3A_294 = tpu.memref_squeeze %dma_start3A_293 : memref<1x128x128xf32, #tpu.memory_space<vmem>> -> memref<128x128xf32, #tpu.memory_space<vmem>>
    %dma_start3A_295 = arith.constant 0 : i32
    %dma_start3A_296 = tpu.memref_slice %arg5[%dma_start3A_288, %dma_start3A_289, %dma_start3A_295] : memref<4x16x128xi32, #tpu.memory_space<vmem>> -> memref<1x1x128xi32, #tpu.memory_space<vmem>>
    %dma_start3A_297 = tpu.memref_squeeze %dma_start3A_296 : memref<1x1x128xi32, #tpu.memory_space<vmem>> -> memref<128xi32, #tpu.memory_space<vmem>>
    %dma_start3A_298 = arith.constant 0 : i32
    %dma_start3A_299 = arith.constant 0 : i32
    %dma_start3A_300 = tpu.memref_slice %arg3[%dma_start3A_298, %dma_start3A_299] : memref<8192x128xf32, #tpu.memory_space<hbm>> -> memref<8192x128xf32, #tpu.memory_space<hbm>>
    tpu.enqueue_indirect_dma source(%dma_start3A_300 : memref<8192x128xf32, #tpu.memory_space<hbm>>) target(%dma_start3A_294 : memref<128x128xf32, #tpu.memory_space<vmem>>) offsets(%dma_start3A_297 : memref<128xi32, #tpu.memory_space<vmem>>) semaphore(%arg8 : memref<!tpu.dma_semaphore, #tpu.memory_space<semaphore_mem>>)
    %parallel_loop3A_301 = arith.constant 0 : i32
    %parallel_loop3A_302 = arith.constant 128 : i32
    %parallel_loop3A_303 = arith.constant 1 : i32
    %parallel_loop3A_304 = arith.constant 1 : i32
    %parallel_loop3A_305 = arith.constant 1 : i32
    scf.for %parallel_loop3A_851 = %parallel_loop3A_301 to %parallel_loop3A_302 step %parallel_loop3A_303  : i32 {
      %parallel_loop3A_852 = arith.constant 128 : i32
      %parallel_loop3A_853 = arith.addi %parallel_loop3A_851, %parallel_loop3A_852 : i32
      %parallel_loop3A_854 = vector.broadcast %parallel_loop3A_853 : i32 to vector<16xi32>
      %parallel_loop3A_855 = arith.constant 0 : i32
      %parallel_loop3A_856 = arith.constant 0 : i32
      %parallel_loop3A_857 = tpu.memref_slice %arg6[%parallel_loop3A_304, %parallel_loop3A_855, %parallel_loop3A_856] : memref<2x128x128xf32, #tpu.memory_space<vmem>> -> memref<1x128x128xf32, #tpu.memory_space<vmem>>
      %parallel_loop3A_858 = tpu.memref_squeeze %parallel_loop3A_857 : memref<1x128x128xf32, #tpu.memory_space<vmem>> -> memref<128x128xf32, #tpu.memory_space<vmem>>
      %parallel_loop3A_859 = arith.index_cast %parallel_loop3A_851 : i32 to index
      %parallel_loop3A_860 = arith.constant 0 : index
      %parallel_loop3A_861 = tpu.vector_load %parallel_loop3A_858[%parallel_loop3A_859, %parallel_loop3A_860] {strides = array<i32>} : memref<128x128xf32, #tpu.memory_space<vmem>>, vector<16xf32>,
      %parallel_loop3A_862 = arith.constant 0 : i32
      %parallel_loop3A_863 = arith.constant 0 : i32
      %parallel_loop3A_864 = tpu.memref_slice %arg6[%parallel_loop3A_304, %parallel_loop3A_862, %parallel_loop3A_863] : memref<2x128x128xf32, #tpu.memory_space<vmem>> -> memref<1x128x128xf32, #tpu.memory_space<vmem>>
      %parallel_loop3A_865 = tpu.memref_squeeze %parallel_loop3A_864 : memref<1x128x128xf32, #tpu.memory_space<vmem>> -> memref<128x128xf32, #tpu.memory_space<vmem>>
      %parallel_loop3A_866 = arith.index_cast %parallel_loop3A_851 : i32 to index
      %parallel_loop3A_867 = arith.constant 16 : index
      %parallel_loop3A_868 = tpu.vector_load %parallel_loop3A_865[%parallel_loop3A_866, %parallel_loop3A_867] {strides = array<i32>} : memref<128x128xf32, #tpu.memory_space<vmem>>, vector<16xf32>,
      %parallel_loop3A_869 = arith.constant 0 : i32
      %parallel_loop3A_870 = arith.constant 0 : i32
      %parallel_loop3A_871 = tpu.memref_slice %arg6[%parallel_loop3A_304, %parallel_loop3A_869, %parallel_loop3A_870] : memref<2x128x128xf32, #tpu.memory_space<vmem>> -> memref<1x128x128xf32, #tpu.memory_space<vmem>>
      %parallel_loop3A_872 = tpu.memref_squeeze %parallel_loop3A_871 : memref<1x128x128xf32, #tpu.memory_space<vmem>> -> memref<128x128xf32, #tpu.memory_space<vmem>>
      %parallel_loop3A_873 = arith.index_cast %parallel_loop3A_851 : i32 to index
      %parallel_loop3A_874 = arith.constant 32 : index
      %parallel_loop3A_875 = tpu.vector_load %parallel_loop3A_872[%parallel_loop3A_873, %parallel_loop3A_874] {strides = array<i32>} : memref<128x128xf32, #tpu.memory_space<vmem>>, vector<16xf32>,
      %parallel_loop3A_876 = arith.constant 0 : i32
      %parallel_loop3A_877 = arith.constant 0 : i32
      %parallel_loop3A_878 = tpu.memref_slice %arg6[%parallel_loop3A_304, %parallel_loop3A_876, %parallel_loop3A_877] : memref<2x128x128xf32, #tpu.memory_space<vmem>> -> memref<1x128x128xf32, #tpu.memory_space<vmem>>
      %parallel_loop3A_879 = tpu.memref_squeeze %parallel_loop3A_878 : memref<1x128x128xf32, #tpu.memory_space<vmem>> -> memref<128x128xf32, #tpu.memory_space<vmem>>
      %parallel_loop3A_880 = arith.index_cast %parallel_loop3A_851 : i32 to index
      %parallel_loop3A_881 = arith.constant 48 : index
      %parallel_loop3A_882 = tpu.vector_load %parallel_loop3A_879[%parallel_loop3A_880, %parallel_loop3A_881] {strides = array<i32>} : memref<128x128xf32, #tpu.memory_space<vmem>>, vector<16xf32>,
      %parallel_loop3A_883 = arith.constant 0 : i32
      %parallel_loop3A_884 = arith.constant 0 : i32
      %parallel_loop3A_885 = tpu.memref_slice %arg6[%parallel_loop3A_304, %parallel_loop3A_883, %parallel_loop3A_884] : memref<2x128x128xf32, #tpu.memory_space<vmem>> -> memref<1x128x128xf32, #tpu.memory_space<vmem>>
      %parallel_loop3A_886 = tpu.memref_squeeze %parallel_loop3A_885 : memref<1x128x128xf32, #tpu.memory_space<vmem>> -> memref<128x128xf32, #tpu.memory_space<vmem>>
      %parallel_loop3A_887 = arith.index_cast %parallel_loop3A_851 : i32 to index
      %parallel_loop3A_888 = arith.constant 64 : index
      %parallel_loop3A_889 = tpu.vector_load %parallel_loop3A_886[%parallel_loop3A_887, %parallel_loop3A_888] {strides = array<i32>} : memref<128x128xf32, #tpu.memory_space<vmem>>, vector<16xf32>,
      %parallel_loop3A_890 = arith.constant 0 : i32
      %parallel_loop3A_891 = arith.constant 0 : i32
      %parallel_loop3A_892 = tpu.memref_slice %arg6[%parallel_loop3A_304, %parallel_loop3A_890, %parallel_loop3A_891] : memref<2x128x128xf32, #tpu.memory_space<vmem>> -> memref<1x128x128xf32, #tpu.memory_space<vmem>>
      %parallel_loop3A_893 = tpu.memref_squeeze %parallel_loop3A_892 : memref<1x128x128xf32, #tpu.memory_space<vmem>> -> memref<128x128xf32, #tpu.memory_space<vmem>>
      %parallel_loop3A_894 = arith.index_cast %parallel_loop3A_851 : i32 to index
      %parallel_loop3A_895 = arith.constant 80 : index
      %parallel_loop3A_896 = tpu.vector_load %parallel_loop3A_893[%parallel_loop3A_894, %parallel_loop3A_895] {strides = array<i32>} : memref<128x128xf32, #tpu.memory_space<vmem>>, vector<16xf32>,
      %parallel_loop3A_897 = arith.constant 0 : i32
      %parallel_loop3A_898 = arith.constant 0 : i32
      %parallel_loop3A_899 = tpu.memref_slice %arg6[%parallel_loop3A_304, %parallel_loop3A_897, %parallel_loop3A_898] : memref<2x128x128xf32, #tpu.memory_space<vmem>> -> memref<1x128x128xf32, #tpu.memory_space<vmem>>
      %parallel_loop3A_900 = tpu.memref_squeeze %parallel_loop3A_899 : memref<1x128x128xf32, #tpu.memory_space<vmem>> -> memref<128x128xf32, #tpu.memory_space<vmem>>
      %parallel_loop3A_901 = arith.index_cast %parallel_loop3A_851 : i32 to index
      %parallel_loop3A_902 = arith.constant 96 : index
      %parallel_loop3A_903 = tpu.vector_load %parallel_loop3A_900[%parallel_loop3A_901, %parallel_loop3A_902] {strides = array<i32>} : memref<128x128xf32, #tpu.memory_space<vmem>>, vector<16xf32>,
      %parallel_loop3A_904 = arith.constant 0 : i32
      %parallel_loop3A_905 = arith.constant 0 : i32
      %parallel_loop3A_906 = tpu.memref_slice %arg6[%parallel_loop3A_304, %parallel_loop3A_904, %parallel_loop3A_905] : memref<2x128x128xf32, #tpu.memory_space<vmem>> -> memref<1x128x128xf32, #tpu.memory_space<vmem>>
      %parallel_loop3A_907 = tpu.memref_squeeze %parallel_loop3A_906 : memref<1x128x128xf32, #tpu.memory_space<vmem>> -> memref<128x128xf32, #tpu.memory_space<vmem>>
      %parallel_loop3A_908 = arith.index_cast %parallel_loop3A_851 : i32 to index
      %parallel_loop3A_909 = arith.constant 112 : index
      %parallel_loop3A_910 = tpu.vector_load %parallel_loop3A_907[%parallel_loop3A_908, %parallel_loop3A_909] {strides = array<i32>} : memref<128x128xf32, #tpu.memory_space<vmem>>, vector<16xf32>,
      %parallel_loop3A_911 = arith.constant 0 : i32
      %parallel_loop3A_912 = vector.broadcast %parallel_loop3A_911 : i32 to vector<16xi32>
      %parallel_loop3A_913 = arith.addi %parallel_loop3A_912, %iota3A : vector<16xi32>
      %parallel_loop3A_914 = arith.constant 0 : i32
      %parallel_loop3A_915 = arith.constant 0 : i32
      %parallel_loop3A_916 = tpu.memref_slice %arg7[%parallel_loop3A_305, %parallel_loop3A_914, %parallel_loop3A_915] : memref<2x128x257xf32, #tpu.memory_space<vmem>> -> memref<1x128x257xf32, #tpu.memory_space<vmem>>
      %parallel_loop3A_917 = tpu.memref_squeeze %parallel_loop3A_916 : memref<1x128x257xf32, #tpu.memory_space<vmem>> -> memref<128x257xf32, #tpu.memory_space<vmem>>
      tpu.vector_store_idx %parallel_loop3A_917[%parallel_loop3A_913, %parallel_loop3A_854], %parallel_loop3A_861 : memref<128x257xf32, #tpu.memory_space<vmem>>[vector<16xi32>, vector<16xi32>], vector<16xf32>,
      %parallel_loop3A_918 = arith.constant 16 : i32
      %parallel_loop3A_919 = vector.broadcast %parallel_loop3A_918 : i32 to vector<16xi32>
      %parallel_loop3A_920 = arith.addi %parallel_loop3A_919, %iota3A : vector<16xi32>
      %parallel_loop3A_921 = arith.constant 0 : i32
      %parallel_loop3A_922 = arith.constant 0 : i32
      %parallel_loop3A_923 = tpu.memref_slice %arg7[%parallel_loop3A_305, %parallel_loop3A_921, %parallel_loop3A_922] : memref<2x128x257xf32, #tpu.memory_space<vmem>> -> memref<1x128x257xf32, #tpu.memory_space<vmem>>
      %parallel_loop3A_924 = tpu.memref_squeeze %parallel_loop3A_923 : memref<1x128x257xf32, #tpu.memory_space<vmem>> -> memref<128x257xf32, #tpu.memory_space<vmem>>
      tpu.vector_store_idx %parallel_loop3A_924[%parallel_loop3A_920, %parallel_loop3A_854], %parallel_loop3A_868 : memref<128x257xf32, #tpu.memory_space<vmem>>[vector<16xi32>, vector<16xi32>], vector<16xf32>,
      %parallel_loop3A_925 = arith.constant 32 : i32
      %parallel_loop3A_926 = vector.broadcast %parallel_loop3A_925 : i32 to vector<16xi32>
      %parallel_loop3A_927 = arith.addi %parallel_loop3A_926, %iota3A : vector<16xi32>
      %parallel_loop3A_928 = arith.constant 0 : i32
      %parallel_loop3A_929 = arith.constant 0 : i32
      %parallel_loop3A_930 = tpu.memref_slice %arg7[%parallel_loop3A_305, %parallel_loop3A_928, %parallel_loop3A_929] : memref<2x128x257xf32, #tpu.memory_space<vmem>> -> memref<1x128x257xf32, #tpu.memory_space<vmem>>
      %parallel_loop3A_931 = tpu.memref_squeeze %parallel_loop3A_930 : memref<1x128x257xf32, #tpu.memory_space<vmem>> -> memref<128x257xf32, #tpu.memory_space<vmem>>
      tpu.vector_store_idx %parallel_loop3A_931[%parallel_loop3A_927, %parallel_loop3A_854], %parallel_loop3A_875 : memref<128x257xf32, #tpu.memory_space<vmem>>[vector<16xi32>, vector<16xi32>], vector<16xf32>,
      %parallel_loop3A_932 = arith.constant 48 : i32
      %parallel_loop3A_933 = vector.broadcast %parallel_loop3A_932 : i32 to vector<16xi32>
      %parallel_loop3A_934 = arith.addi %parallel_loop3A_933, %iota3A : vector<16xi32>
      %parallel_loop3A_935 = arith.constant 0 : i32
      %parallel_loop3A_936 = arith.constant 0 : i32
      %parallel_loop3A_937 = tpu.memref_slice %arg7[%parallel_loop3A_305, %parallel_loop3A_935, %parallel_loop3A_936] : memref<2x128x257xf32, #tpu.memory_space<vmem>> -> memref<1x128x257xf32, #tpu.memory_space<vmem>>
      %parallel_loop3A_938 = tpu.memref_squeeze %parallel_loop3A_937 : memref<1x128x257xf32, #tpu.memory_space<vmem>> -> memref<128x257xf32, #tpu.memory_space<vmem>>
      tpu.vector_store_idx %parallel_loop3A_938[%parallel_loop3A_934, %parallel_loop3A_854], %parallel_loop3A_882 : memref<128x257xf32, #tpu.memory_space<vmem>>[vector<16xi32>, vector<16xi32>], vector<16xf32>,
      %parallel_loop3A_939 = arith.constant 64 : i32
      %parallel_loop3A_940 = vector.broadcast %parallel_loop3A_939 : i32 to vector<16xi32>
      %parallel_loop3A_941 = arith.addi %parallel_loop3A_940, %iota3A : vector<16xi32>
      %parallel_loop3A_942 = arith.constant 0 : i32
      %parallel_loop3A_943 = arith.constant 0 : i32
      %parallel_loop3A_944 = tpu.memref_slice %arg7[%parallel_loop3A_305, %parallel_loop3A_942, %parallel_loop3A_943] : memref<2x128x257xf32, #tpu.memory_space<vmem>> -> memref<1x128x257xf32, #tpu.memory_space<vmem>>
      %parallel_loop3A_945 = tpu.memref_squeeze %parallel_loop3A_944 : memref<1x128x257xf32, #tpu.memory_space<vmem>> -> memref<128x257xf32, #tpu.memory_space<vmem>>
      tpu.vector_store_idx %parallel_loop3A_945[%parallel_loop3A_941, %parallel_loop3A_854], %parallel_loop3A_889 : memref<128x257xf32, #tpu.memory_space<vmem>>[vector<16xi32>, vector<16xi32>], vector<16xf32>,
      %parallel_loop3A_946 = arith.constant 80 : i32
      %parallel_loop3A_947 = vector.broadcast %parallel_loop3A_946 : i32 to vector<16xi32>
      %parallel_loop3A_948 = arith.addi %parallel_loop3A_947, %iota3A : vector<16xi32>
      %parallel_loop3A_949 = arith.constant 0 : i32
      %parallel_loop3A_950 = arith.constant 0 : i32
      %parallel_loop3A_951 = tpu.memref_slice %arg7[%parallel_loop3A_305, %parallel_loop3A_949, %parallel_loop3A_950] : memref<2x128x257xf32, #tpu.memory_space<vmem>> -> memref<1x128x257xf32, #tpu.memory_space<vmem>>
      %parallel_loop3A_952 = tpu.memref_squeeze %parallel_loop3A_951 : memref<1x128x257xf32, #tpu.memory_space<vmem>> -> memref<128x257xf32, #tpu.memory_space<vmem>>
      tpu.vector_store_idx %parallel_loop3A_952[%parallel_loop3A_948, %parallel_loop3A_854], %parallel_loop3A_896 : memref<128x257xf32, #tpu.memory_space<vmem>>[vector<16xi32>, vector<16xi32>], vector<16xf32>,
      %parallel_loop3A_953 = arith.constant 96 : i32
      %parallel_loop3A_954 = vector.broadcast %parallel_loop3A_953 : i32 to vector<16xi32>
      %parallel_loop3A_955 = arith.addi %parallel_loop3A_954, %iota3A : vector<16xi32>
      %parallel_loop3A_956 = arith.constant 0 : i32
      %parallel_loop3A_957 = arith.constant 0 : i32
      %parallel_loop3A_958 = tpu.memref_slice %arg7[%parallel_loop3A_305, %parallel_loop3A_956, %parallel_loop3A_957] : memref<2x128x257xf32, #tpu.memory_space<vmem>> -> memref<1x128x257xf32, #tpu.memory_space<vmem>>
      %parallel_loop3A_959 = tpu.memref_squeeze %parallel_loop3A_958 : memref<1x128x257xf32, #tpu.memory_space<vmem>> -> memref<128x257xf32, #tpu.memory_space<vmem>>
      tpu.vector_store_idx %parallel_loop3A_959[%parallel_loop3A_955, %parallel_loop3A_854], %parallel_loop3A_903 : memref<128x257xf32, #tpu.memory_space<vmem>>[vector<16xi32>, vector<16xi32>], vector<16xf32>,
      %parallel_loop3A_960 = arith.constant 112 : i32
      %parallel_loop3A_961 = vector.broadcast %parallel_loop3A_960 : i32 to vector<16xi32>
      %parallel_loop3A_962 = arith.addi %parallel_loop3A_961, %iota3A : vector<16xi32>
      %parallel_loop3A_963 = arith.constant 0 : i32
      %parallel_loop3A_964 = arith.constant 0 : i32
      %parallel_loop3A_965 = tpu.memref_slice %arg7[%parallel_loop3A_305, %parallel_loop3A_963, %parallel_loop3A_964] : memref<2x128x257xf32, #tpu.memory_space<vmem>> -> memref<1x128x257xf32, #tpu.memory_space<vmem>>
      %parallel_loop3A_966 = tpu.memref_squeeze %parallel_loop3A_965 : memref<1x128x257xf32, #tpu.memory_space<vmem>> -> memref<128x257xf32, #tpu.memory_space<vmem>>
      tpu.vector_store_idx %parallel_loop3A_966[%parallel_loop3A_962, %parallel_loop3A_854], %parallel_loop3A_910 : memref<128x257xf32, #tpu.memory_space<vmem>>[vector<16xi32>, vector<16xi32>], vector<16xf32>,
    } {sc.loop_unroll_factor = 2 : i64, sc.parallel_access}
    %mul3A_306 = arith.constant 4 : i32
    %mul3A_307 = arith.muli %add3A, %mul3A_306 : i32
    %add3A_308 = arith.constant 0 : i32
    %add3A_309 = arith.addi %mul3A_307, %add3A_308 : i32
    %jit3A_310 = arith.constant 8 : i32
    %div3A_311 = arith.divsi %add3A_309, %jit3A_310 : i32
    %sign3A_312 = arith.constant 0 : i32
    %sign3A_313 = arith.cmpi sgt, %add3A_309, %sign3A_312 : i32
    %sign3A_314 = arith.extui %sign3A_313 : i1 to i32
    %sign3A_315 = arith.constant 0 : i32
    %sign3A_316 = arith.cmpi slt, %add3A_309, %sign3A_315 : i32
    %sign3A_317 = arith.extui %sign3A_316 : i1 to i32
    %sign3A_318 = arith.subi %sign3A_314, %sign3A_317 : i32
    %sign3A_319 = arith.constant 0 : i32
    %sign3A_320 = arith.cmpi sgt, %jit3A_310, %sign3A_319 : i32
    %sign3A_321 = arith.extui %sign3A_320 : i1 to i32
    %sign3A_322 = arith.constant 0 : i32
    %sign3A_323 = arith.cmpi slt, %jit3A_310, %sign3A_322 : i32
    %sign3A_324 = arith.extui %sign3A_323 : i1 to i32
    %sign3A_325 = arith.subi %sign3A_321, %sign3A_324 : i32
    %ne3A_326 = arith.cmpi ne, %sign3A_318, %sign3A_325 : i32
    %rem3A_327 = arith.remsi %add3A_309, %jit3A_310 : i32
    %ne3A_328 = arith.constant 0 : i32
    %ne3A_329 = arith.cmpi ne, %rem3A_327, %ne3A_328 : i32
    %and3A_330 = arith.andi %ne3A_326, %ne3A_329 : i1
    %sub3A_331 = arith.constant 1 : i32
    %sub3A_332 = arith.subi %div3A_311, %sub3A_331 : i32
    %select_n3A_333 = arith.select %and3A_330, %sub3A_332, %div3A_311 : i32
    %jit3A_334 = arith.constant 8 : i32
    %eq3A_335 = arith.constant 0 : i32
    %eq3A_336 = arith.cmpi eq, %jit3A_334, %eq3A_335 : i32
    %jit3A_337 = arith.constant 1 : i32
    %select_n3A_338 = arith.select %eq3A_336, %jit3A_337, %jit3A_334 : i32
    %rem3A_339 = arith.remsi %add3A_309, %select_n3A_338 : i32
    %ne3A_340 = arith.constant 0 : i32
    %ne3A_341 = arith.cmpi ne, %rem3A_339, %ne3A_340 : i32
    %lt3A_342 = arith.constant 0 : i32
    %lt3A_343 = arith.cmpi slt, %rem3A_339, %lt3A_342 : i32
    %lt3A_344 = arith.constant 0 : i32
    %lt3A_345 = arith.cmpi slt, %select_n3A_338, %lt3A_344 : i32
    %ne3A_346 = arith.xori %lt3A_343, %lt3A_345 : i1
    %and3A_347 = arith.andi %ne3A_346, %ne3A_341 : i1
    %add3A_348 = arith.addi %rem3A_339, %select_n3A_338 : i32
    %select_n3A_349 = arith.select %and3A_347, %add3A_348, %rem3A_339 : i32
    %mul3A_350 = arith.constant 128 : i32
    %mul3A_351 = arith.muli %select_n3A_349, %mul3A_350 : i32
    %dma_start3A_352 = arith.constant 1 : i32
    %dma_start3A_353 = arith.constant 0 : i32
    %dma_start3A_354 = arith.constant 0 : i32
    %dma_start3A_355 = tpu.memref_slice %arg7[%dma_start3A_352, %dma_start3A_353, %dma_start3A_354] : memref<2x128x257xf32, #tpu.memory_space<vmem>> -> memref<1x128x256xf32, #tpu.memory_space<vmem>>
    %dma_start3A_356 = tpu.memref_squeeze %dma_start3A_355 : memref<1x128x256xf32, #tpu.memory_space<vmem>> -> memref<128x256xf32, #tpu.memory_space<vmem>>
    %dma_start3A_357 = arith.constant 256 : i32
    %dma_start3A_358 = tpu.memref_slice %arg4[%select_n3A_333, %mul3A_351, %dma_start3A_357] : memref<16x1024x2048xf32, #tpu.memory_space<hbm>> -> memref<1x128x256xf32, #tpu.memory_space<hbm>>
    %dma_start3A_359 = tpu.memref_squeeze %dma_start3A_358 : memref<1x128x256xf32, #tpu.memory_space<hbm>> -> memref<128x256xf32, #tpu.memory_space<hbm>>
    %dma_start3A_360 = arith.constant 256 : i32
    %dma_start3A_361 = tpu.memref_slice %arg4[%select_n3A_333, %mul3A_351, %dma_start3A_360] : memref<16x1024x2048xf32, #tpu.memory_space<hbm>> -> memref<1x128x256xf32, #tpu.memory_space<hbm>>
    %dma_start3A_362 = tpu.memref_squeeze %dma_start3A_361 : memref<1x128x256xf32, #tpu.memory_space<hbm>> -> memref<128x256xf32, #tpu.memory_space<hbm>>
    %dma_start3A_363 = arith.constant 0 : i32
    %dma_start3A_364 = arith.constant 0 : i32
    %dma_start3A_365 = tpu.memref_slice %arg7[%dma_start3A_352, %dma_start3A_363, %dma_start3A_364] : memref<2x128x257xf32, #tpu.memory_space<vmem>> -> memref<1x128x256xf32, #tpu.memory_space<vmem>>
    %dma_start3A_366 = tpu.memref_squeeze %dma_start3A_365 : memref<1x128x256xf32, #tpu.memory_space<vmem>> -> memref<128x256xf32, #tpu.memory_space<vmem>>
    tpu.enqueue_dma source(%dma_start3A_366 : memref<128x256xf32, #tpu.memory_space<vmem>>) target(%dma_start3A_362 : memref<128x256xf32, #tpu.memory_space<hbm>>) target_semaphore(%arg11 : memref<!tpu.dma_semaphore, #tpu.memory_space<semaphore_mem>>)
    %scan3A_367 = arith.constant 0 : i32
    %scan3A_368 = arith.constant 1 : i32
    %scan3A_369 = arith.constant 14 : i32
    %scan3A_370 = arith.addi %scan3A_368, %scan3A_369 : i32
    %scan3A_371 = arith.constant 1 : i32
    %scan3A_372 = scf.for %scan3A_851 = %scan3A_368 to %scan3A_370 step %scan3A_371 iter_args(%scan3A_852 = %scan3A_367) -> (i32)  : i32 {
      %mul3A_853 = arith.constant 4 : i32
      %mul3A_854 = arith.muli %mul3A_853, %scan3A_851 : i32
      %add3A_855 = arith.constant 0 : i32
      %add3A_856 = arith.addi %mul3A_854, %add3A_855 : i32
      %jit3A_857 = arith.constant 2 : i32
      %div3A_858 = arith.divsi %add3A_856, %jit3A_857 : i32
      %sign3A_859 = arith.constant 0 : i32
      %sign3A_860 = arith.cmpi sgt, %add3A_856, %sign3A_859 : i32
      %sign3A_861 = arith.extui %sign3A_860 : i1 to i32
      %sign3A_862 = arith.constant 0 : i32
      %sign3A_863 = arith.cmpi slt, %add3A_856, %sign3A_862 : i32
      %sign3A_864 = arith.extui %sign3A_863 : i1 to i32
      %sign3A_865 = arith.subi %sign3A_861, %sign3A_864 : i32
      %sign3A_866 = arith.constant 0 : i32
      %sign3A_867 = arith.cmpi sgt, %jit3A_857, %sign3A_866 : i32
      %sign3A_868 = arith.extui %sign3A_867 : i1 to i32
      %sign3A_869 = arith.constant 0 : i32
      %sign3A_870 = arith.cmpi slt, %jit3A_857, %sign3A_869 : i32
      %sign3A_871 = arith.extui %sign3A_870 : i1 to i32
      %sign3A_872 = arith.subi %sign3A_868, %sign3A_871 : i32
      %ne3A_873 = arith.cmpi ne, %sign3A_865, %sign3A_872 : i32
      %rem3A_874 = arith.remsi %add3A_856, %jit3A_857 : i32
      %ne3A_875 = arith.constant 0 : i32
      %ne3A_876 = arith.cmpi ne, %rem3A_874, %ne3A_875 : i32
      %and3A_877 = arith.andi %ne3A_873, %ne3A_876 : i1
      %sub3A_878 = arith.constant 1 : i32
      %sub3A_879 = arith.subi %div3A_858, %sub3A_878 : i32
      %select_n3A_880 = arith.select %and3A_877, %sub3A_879, %div3A_858 : i32
      %dma_wait3A_881 = arith.constant 0 : i32
      %dma_wait3A_882 = arith.constant 0 : i32
      %dma_wait3A_883 = arith.constant 0 : i32
      %dma_wait3A_884 = arith.constant 0 : i32
      %dma_wait3A_885 = arith.constant 0 : i32
      %dma_wait3A_886 = tpu.memref_slice %arg6[%dma_wait3A_883, %dma_wait3A_884, %dma_wait3A_885] : memref<2x128x128xf32, #tpu.memory_space<vmem>> -> memref<1x128x128xf32, #tpu.memory_space<vmem>>
      %dma_wait3A_887 = tpu.memref_squeeze %dma_wait3A_886 : memref<1x128x128xf32, #tpu.memory_space<vmem>> -> memref<128x128xf32, #tpu.memory_space<vmem>>
      %dma_wait3A_888 = arith.constant 0 : i32
      %dma_wait3A_889 = tpu.memref_slice %arg5[%dma_wait3A_881, %dma_wait3A_882, %dma_wait3A_888] : memref<4x16x128xi32, #tpu.memory_space<vmem>> -> memref<1x1x128xi32, #tpu.memory_space<vmem>>
      %dma_wait3A_890 = tpu.memref_squeeze %dma_wait3A_889 : memref<1x1x128xi32, #tpu.memory_space<vmem>> -> memref<128xi32, #tpu.memory_space<vmem>>
      %dma_wait3A_891 = arith.constant 0 : i32
      %dma_wait3A_892 = arith.constant 0 : i32
      %dma_wait3A_893 = tpu.memref_slice %arg3[%dma_wait3A_891, %dma_wait3A_892] : memref<8192x128xf32, #tpu.memory_space<hbm>> -> memref<8192x128xf32, #tpu.memory_space<hbm>>
      tpu.wait_indirect_dma semaphore(%arg8 : memref<!tpu.dma_semaphore, #tpu.memory_space<semaphore_mem>>) src(%dma_wait3A_893 : memref<8192x128xf32, #tpu.memory_space<hbm>>) dst(%dma_wait3A_887 : memref<128x128xf32, #tpu.memory_space<vmem>>)
      %add3A_894 = arith.constant 1 : i32
      %add3A_895 = arith.addi %add3A_856, %add3A_894 : i32
      %jit3A_896 = arith.constant 16 : i32
      %div3A_897 = arith.divsi %add3A_895, %jit3A_896 : i32
      %sign3A_898 = arith.constant 0 : i32
      %sign3A_899 = arith.cmpi sgt, %add3A_895, %sign3A_898 : i32
      %sign3A_900 = arith.extui %sign3A_899 : i1 to i32
      %sign3A_901 = arith.constant 0 : i32
      %sign3A_902 = arith.cmpi slt, %add3A_895, %sign3A_901 : i32
      %sign3A_903 = arith.extui %sign3A_902 : i1 to i32
      %sign3A_904 = arith.subi %sign3A_900, %sign3A_903 : i32
      %sign3A_905 = arith.constant 0 : i32
      %sign3A_906 = arith.cmpi sgt, %jit3A_896, %sign3A_905 : i32
      %sign3A_907 = arith.extui %sign3A_906 : i1 to i32
      %sign3A_908 = arith.constant 0 : i32
      %sign3A_909 = arith.cmpi slt, %jit3A_896, %sign3A_908 : i32
      %sign3A_910 = arith.extui %sign3A_909 : i1 to i32
      %sign3A_911 = arith.subi %sign3A_907, %sign3A_910 : i32
      %ne3A_912 = arith.cmpi ne, %sign3A_904, %sign3A_911 : i32
      %rem3A_913 = arith.remsi %add3A_895, %jit3A_896 : i32
      %ne3A_914 = arith.constant 0 : i32
      %ne3A_915 = arith.cmpi ne, %rem3A_913, %ne3A_914 : i32
      %and3A_916 = arith.andi %ne3A_912, %ne3A_915 : i1
      %sub3A_917 = arith.constant 1 : i32
      %sub3A_918 = arith.subi %div3A_897, %sub3A_917 : i32
      %select_n3A_919 = arith.select %and3A_916, %sub3A_918, %div3A_897 : i32
      %jit3A_920 = arith.constant 16 : i32
      %eq3A_921 = arith.constant 0 : i32
      %eq3A_922 = arith.cmpi eq, %jit3A_920, %eq3A_921 : i32
      %jit3A_923 = arith.constant 1 : i32
      %select_n3A_924 = arith.select %eq3A_922, %jit3A_923, %jit3A_920 : i32
      %rem3A_925 = arith.remsi %add3A_895, %select_n3A_924 : i32
      %ne3A_926 = arith.constant 0 : i32
      %ne3A_927 = arith.cmpi ne, %rem3A_925, %ne3A_926 : i32
      %lt3A_928 = arith.constant 0 : i32
      %lt3A_929 = arith.cmpi slt, %rem3A_925, %lt3A_928 : i32
      %lt3A_930 = arith.constant 0 : i32
      %lt3A_931 = arith.cmpi slt, %select_n3A_924, %lt3A_930 : i32
      %ne3A_932 = arith.xori %lt3A_929, %lt3A_931 : i1
      %and3A_933 = arith.andi %ne3A_932, %ne3A_927 : i1
      %add3A_934 = arith.addi %rem3A_925, %select_n3A_924 : i32
      %select_n3A_935 = arith.select %and3A_933, %add3A_934, %rem3A_925 : i32
      %dma_start3A_936 = arith.constant 1 : i32
      %dma_start3A_937 = arith.constant 0 : i32
      %dma_start3A_938 = arith.constant 0 : i32
      %dma_start3A_939 = tpu.memref_slice %arg6[%dma_start3A_936, %dma_start3A_937, %dma_start3A_938] : memref<2x128x128xf32, #tpu.memory_space<vmem>> -> memref<1x128x128xf32, #tpu.memory_space<vmem>>
      %dma_start3A_940 = tpu.memref_squeeze %dma_start3A_939 : memref<1x128x128xf32, #tpu.memory_space<vmem>> -> memref<128x128xf32, #tpu.memory_space<vmem>>
      %dma_start3A_941 = arith.constant 0 : i32
      %dma_start3A_942 = tpu.memref_slice %arg5[%select_n3A_919, %select_n3A_935, %dma_start3A_941] : memref<4x16x128xi32, #tpu.memory_space<vmem>> -> memref<1x1x128xi32, #tpu.memory_space<vmem>>
      %dma_start3A_943 = tpu.memref_squeeze %dma_start3A_942 : memref<1x1x128xi32, #tpu.memory_space<vmem>> -> memref<128xi32, #tpu.memory_space<vmem>>
      %dma_start3A_944 = arith.constant 0 : i32
      %dma_start3A_945 = arith.constant 0 : i32
      %dma_start3A_946 = tpu.memref_slice %arg3[%dma_start3A_944, %dma_start3A_945] : memref<8192x128xf32, #tpu.memory_space<hbm>> -> memref<8192x128xf32, #tpu.memory_space<hbm>>
      tpu.enqueue_indirect_dma source(%dma_start3A_946 : memref<8192x128xf32, #tpu.memory_space<hbm>>) target(%dma_start3A_940 : memref<128x128xf32, #tpu.memory_space<vmem>>) offsets(%dma_start3A_943 : memref<128xi32, #tpu.memory_space<vmem>>) semaphore(%arg9 : memref<!tpu.dma_semaphore, #tpu.memory_space<semaphore_mem>>)
      %sub3A_947 = arith.constant 2 : i32
      %sub3A_948 = arith.subi %select_n3A_880, %sub3A_947 : i32
      %mul3A_949 = arith.constant 2 : i32
      %mul3A_950 = arith.muli %sub3A_948, %mul3A_949 : i32
      %mul3A_951 = arith.constant 4 : i32
      %mul3A_952 = arith.muli %add3A, %mul3A_951 : i32
      %jit3A_953 = arith.constant 16 : i32
      %div3A_954 = arith.divsi %mul3A_950, %jit3A_953 : i32
      %sign3A_955 = arith.constant 0 : i32
      %sign3A_956 = arith.cmpi sgt, %mul3A_950, %sign3A_955 : i32
      %sign3A_957 = arith.extui %sign3A_956 : i1 to i32
      %sign3A_958 = arith.constant 0 : i32
      %sign3A_959 = arith.cmpi slt, %mul3A_950, %sign3A_958 : i32
      %sign3A_960 = arith.extui %sign3A_959 : i1 to i32
      %sign3A_961 = arith.subi %sign3A_957, %sign3A_960 : i32
      %sign3A_962 = arith.constant 0 : i32
      %sign3A_963 = arith.cmpi sgt, %jit3A_953, %sign3A_962 : i32
      %sign3A_964 = arith.extui %sign3A_963 : i1 to i32
      %sign3A_965 = arith.constant 0 : i32
      %sign3A_966 = arith.cmpi slt, %jit3A_953, %sign3A_965 : i32
      %sign3A_967 = arith.extui %sign3A_966 : i1 to i32
      %sign3A_968 = arith.subi %sign3A_964, %sign3A_967 : i32
      %ne3A_969 = arith.cmpi ne, %sign3A_961, %sign3A_968 : i32
      %rem3A_970 = arith.remsi %mul3A_950, %jit3A_953 : i32
      %ne3A_971 = arith.constant 0 : i32
      %ne3A_972 = arith.cmpi ne, %rem3A_970, %ne3A_971 : i32
      %and3A_973 = arith.andi %ne3A_969, %ne3A_972 : i1
      %sub3A_974 = arith.constant 1 : i32
      %sub3A_975 = arith.subi %div3A_954, %sub3A_974 : i32
      %select_n3A_976 = arith.select %and3A_973, %sub3A_975, %div3A_954 : i32
      %add3A_977 = arith.addi %mul3A_952, %select_n3A_976 : i32
      %jit3A_978 = arith.constant 16 : i32
      %eq3A_979 = arith.constant 0 : i32
      %eq3A_980 = arith.cmpi eq, %jit3A_978, %eq3A_979 : i32
      %jit3A_981 = arith.constant 1 : i32
      %select_n3A_982 = arith.select %eq3A_980, %jit3A_981, %jit3A_978 : i32
      %rem3A_983 = arith.remsi %mul3A_950, %select_n3A_982 : i32
      %ne3A_984 = arith.constant 0 : i32
      %ne3A_985 = arith.cmpi ne, %rem3A_983, %ne3A_984 : i32
      %lt3A_986 = arith.constant 0 : i32
      %lt3A_987 = arith.cmpi slt, %rem3A_983, %lt3A_986 : i32
      %lt3A_988 = arith.constant 0 : i32
      %lt3A_989 = arith.cmpi slt, %select_n3A_982, %lt3A_988 : i32
      %ne3A_990 = arith.xori %lt3A_987, %lt3A_989 : i1
      %and3A_991 = arith.andi %ne3A_990, %ne3A_985 : i1
      %add3A_992 = arith.addi %rem3A_983, %select_n3A_982 : i32
      %select_n3A_993 = arith.select %and3A_991, %add3A_992, %rem3A_983 : i32
      %mul3A_994 = arith.constant 128 : i32
      %mul3A_995 = arith.muli %select_n3A_993, %mul3A_994 : i32
      %jit3A_996 = arith.constant 8 : i32
      %div3A_997 = arith.divsi %add3A_977, %jit3A_996 : i32
      %sign3A_998 = arith.constant 0 : i32
      %sign3A_999 = arith.cmpi sgt, %add3A_977, %sign3A_998 : i32
      %sign3A_1000 = arith.extui %sign3A_999 : i1 to i32
      %sign3A_1001 = arith.constant 0 : i32
      %sign3A_1002 = arith.cmpi slt, %add3A_977, %sign3A_1001 : i32
      %sign3A_1003 = arith.extui %sign3A_1002 : i1 to i32
      %sign3A_1004 = arith.subi %sign3A_1000, %sign3A_1003 : i32
      %sign3A_1005 = arith.constant 0 : i32
      %sign3A_1006 = arith.cmpi sgt, %jit3A_996, %sign3A_1005 : i32
      %sign3A_1007 = arith.extui %sign3A_1006 : i1 to i32
      %sign3A_1008 = arith.constant 0 : i32
      %sign3A_1009 = arith.cmpi slt, %jit3A_996, %sign3A_1008 : i32
      %sign3A_1010 = arith.extui %sign3A_1009 : i1 to i32
      %sign3A_1011 = arith.subi %sign3A_1007, %sign3A_1010 : i32
      %ne3A_1012 = arith.cmpi ne, %sign3A_1004, %sign3A_1011 : i32
      %rem3A_1013 = arith.remsi %add3A_977, %jit3A_996 : i32
      %ne3A_1014 = arith.constant 0 : i32
      %ne3A_1015 = arith.cmpi ne, %rem3A_1013, %ne3A_1014 : i32
      %and3A_1016 = arith.andi %ne3A_1012, %ne3A_1015 : i1
      %sub3A_1017 = arith.constant 1 : i32
      %sub3A_1018 = arith.subi %div3A_997, %sub3A_1017 : i32
      %select_n3A_1019 = arith.select %and3A_1016, %sub3A_1018, %div3A_997 : i32
      %jit3A_1020 = arith.constant 8 : i32
      %eq3A_1021 = arith.constant 0 : i32
      %eq3A_1022 = arith.cmpi eq, %jit3A_1020, %eq3A_1021 : i32
      %jit3A_1023 = arith.constant 1 : i32
      %select_n3A_1024 = arith.select %eq3A_1022, %jit3A_1023, %jit3A_1020 : i32
      %rem3A_1025 = arith.remsi %add3A_977, %select_n3A_1024 : i32
      %ne3A_1026 = arith.constant 0 : i32
      %ne3A_1027 = arith.cmpi ne, %rem3A_1025, %ne3A_1026 : i32
      %lt3A_1028 = arith.constant 0 : i32
      %lt3A_1029 = arith.cmpi slt, %rem3A_1025, %lt3A_1028 : i32
      %lt3A_1030 = arith.constant 0 : i32
      %lt3A_1031 = arith.cmpi slt, %select_n3A_1024, %lt3A_1030 : i32
      %ne3A_1032 = arith.xori %lt3A_1029, %lt3A_1031 : i1
      %and3A_1033 = arith.andi %ne3A_1032, %ne3A_1027 : i1
      %add3A_1034 = arith.addi %rem3A_1025, %select_n3A_1024 : i32
      %select_n3A_1035 = arith.select %and3A_1033, %add3A_1034, %rem3A_1025 : i32
      %mul3A_1036 = arith.constant 128 : i32
      %mul3A_1037 = arith.muli %select_n3A_1035, %mul3A_1036 : i32
      %dma_wait3A_1038 = arith.constant 0 : i32
      %dma_wait3A_1039 = arith.constant 0 : i32
      %dma_wait3A_1040 = arith.constant 0 : i32
      %dma_wait3A_1041 = tpu.memref_slice %arg7[%dma_wait3A_1038, %dma_wait3A_1039, %dma_wait3A_1040] : memref<2x128x257xf32, #tpu.memory_space<vmem>> -> memref<1x128x256xf32, #tpu.memory_space<vmem>>
      %dma_wait3A_1042 = tpu.memref_squeeze %dma_wait3A_1041 : memref<1x128x256xf32, #tpu.memory_space<vmem>> -> memref<128x256xf32, #tpu.memory_space<vmem>>
      %dma_wait3A_1043 = tpu.memref_slice %arg4[%select_n3A_1019, %mul3A_1037, %mul3A_995] : memref<16x1024x2048xf32, #tpu.memory_space<hbm>> -> memref<1x128x256xf32, #tpu.memory_space<hbm>>
      %dma_wait3A_1044 = tpu.memref_squeeze %dma_wait3A_1043 : memref<1x128x256xf32, #tpu.memory_space<hbm>> -> memref<128x256xf32, #tpu.memory_space<hbm>>
      %dma_wait3A_1045 = tpu.memref_slice %arg4[%select_n3A_1019, %mul3A_1037, %mul3A_995] : memref<16x1024x2048xf32, #tpu.memory_space<hbm>> -> memref<1x128x256xf32, #tpu.memory_space<hbm>>
      %dma_wait3A_1046 = tpu.memref_squeeze %dma_wait3A_1045 : memref<1x128x256xf32, #tpu.memory_space<hbm>> -> memref<128x256xf32, #tpu.memory_space<hbm>>
      %dma_wait3A_1047 = arith.constant 0 : i32
      %dma_wait3A_1048 = arith.constant 0 : i32
      %dma_wait3A_1049 = tpu.memref_slice %arg7[%dma_wait3A_1038, %dma_wait3A_1047, %dma_wait3A_1048] : memref<2x128x257xf32, #tpu.memory_space<vmem>> -> memref<1x128x256xf32, #tpu.memory_space<vmem>>
      %dma_wait3A_1050 = tpu.memref_squeeze %dma_wait3A_1049 : memref<1x128x256xf32, #tpu.memory_space<vmem>> -> memref<128x256xf32, #tpu.memory_space<vmem>>
      tpu.wait_dma2 semaphore(%arg10 : memref<!tpu.dma_semaphore, #tpu.memory_space<semaphore_mem>>) src(%dma_wait3A_1050 : memref<128x256xf32, #tpu.memory_space<vmem>>) dst(%dma_wait3A_1046 : memref<128x256xf32, #tpu.memory_space<hbm>>)
      %parallel_loop3A_1051 = arith.constant 0 : i32
      %parallel_loop3A_1052 = arith.constant 128 : i32
      %parallel_loop3A_1053 = arith.constant 1 : i32
      %parallel_loop3A_1054 = arith.constant 0 : i32
      %parallel_loop3A_1055 = arith.constant 0 : i32
      scf.for %parallel_loop3A_1656 = %parallel_loop3A_1051 to %parallel_loop3A_1052 step %parallel_loop3A_1053  : i32 {
        %parallel_loop3A_1657 = arith.constant 0 : i32
        %parallel_loop3A_1658 = arith.addi %parallel_loop3A_1656, %parallel_loop3A_1657 : i32
        %parallel_loop3A_1659 = vector.broadcast %parallel_loop3A_1658 : i32 to vector<16xi32>
        %parallel_loop3A_1660 = arith.constant 0 : i32
        %parallel_loop3A_1661 = arith.constant 0 : i32
        %parallel_loop3A_1662 = tpu.memref_slice %arg6[%parallel_loop3A_1054, %parallel_loop3A_1660, %parallel_loop3A_1661] : memref<2x128x128xf32, #tpu.memory_space<vmem>> -> memref<1x128x128xf32, #tpu.memory_space<vmem>>
        %parallel_loop3A_1663 = tpu.memref_squeeze %parallel_loop3A_1662 : memref<1x128x128xf32, #tpu.memory_space<vmem>> -> memref<128x128xf32, #tpu.memory_space<vmem>>
        %parallel_loop3A_1664 = arith.index_cast %parallel_loop3A_1656 : i32 to index
        %parallel_loop3A_1665 = arith.constant 0 : index
        %parallel_loop3A_1666 = tpu.vector_load %parallel_loop3A_1663[%parallel_loop3A_1664, %parallel_loop3A_1665] {strides = array<i32>} : memref<128x128xf32, #tpu.memory_space<vmem>>, vector<16xf32>,
        %parallel_loop3A_1667 = arith.constant 0 : i32
        %parallel_loop3A_1668 = arith.constant 0 : i32
        %parallel_loop3A_1669 = tpu.memref_slice %arg6[%parallel_loop3A_1054, %parallel_loop3A_1667, %parallel_loop3A_1668] : memref<2x128x128xf32, #tpu.memory_space<vmem>> -> memref<1x128x128xf32, #tpu.memory_space<vmem>>
        %parallel_loop3A_1670 = tpu.memref_squeeze %parallel_loop3A_1669 : memref<1x128x128xf32, #tpu.memory_space<vmem>> -> memref<128x128xf32, #tpu.memory_space<vmem>>
        %parallel_loop3A_1671 = arith.index_cast %parallel_loop3A_1656 : i32 to index
        %parallel_loop3A_1672 = arith.constant 16 : index
        %parallel_loop3A_1673 = tpu.vector_load %parallel_loop3A_1670[%parallel_loop3A_1671, %parallel_loop3A_1672] {strides = array<i32>} : memref<128x128xf32, #tpu.memory_space<vmem>>, vector<16xf32>,
        %parallel_loop3A_1674 = arith.constant 0 : i32
        %parallel_loop3A_1675 = arith.constant 0 : i32
        %parallel_loop3A_1676 = tpu.memref_slice %arg6[%parallel_loop3A_1054, %parallel_loop3A_1674, %parallel_loop3A_1675] : memref<2x128x128xf32, #tpu.memory_space<vmem>> -> memref<1x128x128xf32, #tpu.memory_space<vmem>>
        %parallel_loop3A_1677 = tpu.memref_squeeze %parallel_loop3A_1676 : memref<1x128x128xf32, #tpu.memory_space<vmem>> -> memref<128x128xf32, #tpu.memory_space<vmem>>
        %parallel_loop3A_1678 = arith.index_cast %parallel_loop3A_1656 : i32 to index
        %parallel_loop3A_1679 = arith.constant 32 : index
        %parallel_loop3A_1680 = tpu.vector_load %parallel_loop3A_1677[%parallel_loop3A_1678, %parallel_loop3A_1679] {strides = array<i32>} : memref<128x128xf32, #tpu.memory_space<vmem>>, vector<16xf32>,
        %parallel_loop3A_1681 = arith.constant 0 : i32
        %parallel_loop3A_1682 = arith.constant 0 : i32
        %parallel_loop3A_1683 = tpu.memref_slice %arg6[%parallel_loop3A_1054, %parallel_loop3A_1681, %parallel_loop3A_1682] : memref<2x128x128xf32, #tpu.memory_space<vmem>> -> memref<1x128x128xf32, #tpu.memory_space<vmem>>
        %parallel_loop3A_1684 = tpu.memref_squeeze %parallel_loop3A_1683 : memref<1x128x128xf32, #tpu.memory_space<vmem>> -> memref<128x128xf32, #tpu.memory_space<vmem>>
        %parallel_loop3A_1685 = arith.index_cast %parallel_loop3A_1656 : i32 to index
        %parallel_loop3A_1686 = arith.constant 48 : index
        %parallel_loop3A_1687 = tpu.vector_load %parallel_loop3A_1684[%parallel_loop3A_1685, %parallel_loop3A_1686] {strides = array<i32>} : memref<128x128xf32, #tpu.memory_space<vmem>>, vector<16xf32>,
        %parallel_loop3A_1688 = arith.constant 0 : i32
        %parallel_loop3A_1689 = arith.constant 0 : i32
        %parallel_loop3A_1690 = tpu.memref_slice %arg6[%parallel_loop3A_1054, %parallel_loop3A_1688, %parallel_loop3A_1689] : memref<2x128x128xf32, #tpu.memory_space<vmem>> -> memref<1x128x128xf32, #tpu.memory_space<vmem>>
        %parallel_loop3A_1691 = tpu.memref_squeeze %parallel_loop3A_1690 : memref<1x128x128xf32, #tpu.memory_space<vmem>> -> memref<128x128xf32, #tpu.memory_space<vmem>>
        %parallel_loop3A_1692 = arith.index_cast %parallel_loop3A_1656 : i32 to index
        %parallel_loop3A_1693 = arith.constant 64 : index
        %parallel_loop3A_1694 = tpu.vector_load %parallel_loop3A_1691[%parallel_loop3A_1692, %parallel_loop3A_1693] {strides = array<i32>} : memref<128x128xf32, #tpu.memory_space<vmem>>, vector<16xf32>,
        %parallel_loop3A_1695 = arith.constant 0 : i32
        %parallel_loop3A_1696 = arith.constant 0 : i32
        %parallel_loop3A_1697 = tpu.memref_slice %arg6[%parallel_loop3A_1054, %parallel_loop3A_1695, %parallel_loop3A_1696] : memref<2x128x128xf32, #tpu.memory_space<vmem>> -> memref<1x128x128xf32, #tpu.memory_space<vmem>>
        %parallel_loop3A_1698 = tpu.memref_squeeze %parallel_loop3A_1697 : memref<1x128x128xf32, #tpu.memory_space<vmem>> -> memref<128x128xf32, #tpu.memory_space<vmem>>
        %parallel_loop3A_1699 = arith.index_cast %parallel_loop3A_1656 : i32 to index
        %parallel_loop3A_1700 = arith.constant 80 : index
        %parallel_loop3A_1701 = tpu.vector_load %parallel_loop3A_1698[%parallel_loop3A_1699, %parallel_loop3A_1700] {strides = array<i32>} : memref<128x128xf32, #tpu.memory_space<vmem>>, vector<16xf32>,
        %parallel_loop3A_1702 = arith.constant 0 : i32
        %parallel_loop3A_1703 = arith.constant 0 : i32
        %parallel_loop3A_1704 = tpu.memref_slice %arg6[%parallel_loop3A_1054, %parallel_loop3A_1702, %parallel_loop3A_1703] : memref<2x128x128xf32, #tpu.memory_space<vmem>> -> memref<1x128x128xf32, #tpu.memory_space<vmem>>
        %parallel_loop3A_1705 = tpu.memref_squeeze %parallel_loop3A_1704 : memref<1x128x128xf32, #tpu.memory_space<vmem>> -> memref<128x128xf32, #tpu.memory_space<vmem>>
        %parallel_loop3A_1706 = arith.index_cast %parallel_loop3A_1656 : i32 to index
        %parallel_loop3A_1707 = arith.constant 96 : index
        %parallel_loop3A_1708 = tpu.vector_load %parallel_loop3A_1705[%parallel_loop3A_1706, %parallel_loop3A_1707] {strides = array<i32>} : memref<128x128xf32, #tpu.memory_space<vmem>>, vector<16xf32>,
        %parallel_loop3A_1709 = arith.constant 0 : i32
        %parallel_loop3A_1710 = arith.constant 0 : i32
        %parallel_loop3A_1711 = tpu.memref_slice %arg6[%parallel_loop3A_1054, %parallel_loop3A_1709, %parallel_loop3A_1710] : memref<2x128x128xf32, #tpu.memory_space<vmem>> -> memref<1x128x128xf32, #tpu.memory_space<vmem>>
        %parallel_loop3A_1712 = tpu.memref_squeeze %parallel_loop3A_1711 : memref<1x128x128xf32, #tpu.memory_space<vmem>> -> memref<128x128xf32, #tpu.memory_space<vmem>>
        %parallel_loop3A_1713 = arith.index_cast %parallel_loop3A_1656 : i32 to index
        %parallel_loop3A_1714 = arith.constant 112 : index
        %parallel_loop3A_1715 = tpu.vector_load %parallel_loop3A_1712[%parallel_loop3A_1713, %parallel_loop3A_1714] {strides = array<i32>} : memref<128x128xf32, #tpu.memory_space<vmem>>, vector<16xf32>,
        %parallel_loop3A_1716 = arith.constant 0 : i32
        %parallel_loop3A_1717 = vector.broadcast %parallel_loop3A_1716 : i32 to vector<16xi32>
        %parallel_loop3A_1718 = arith.addi %parallel_loop3A_1717, %iota3A : vector<16xi32>
        %parallel_loop3A_1719 = arith.constant 0 : i32
        %parallel_loop3A_1720 = arith.constant 0 : i32
        %parallel_loop3A_1721 = tpu.memref_slice %arg7[%parallel_loop3A_1055, %parallel_loop3A_1719, %parallel_loop3A_1720] : memref<2x128x257xf32, #tpu.memory_space<vmem>> -> memref<1x128x257xf32, #tpu.memory_space<vmem>>
        %parallel_loop3A_1722 = tpu.memref_squeeze %parallel_loop3A_1721 : memref<1x128x257xf32, #tpu.memory_space<vmem>> -> memref<128x257xf32, #tpu.memory_space<vmem>>
        tpu.vector_store_idx %parallel_loop3A_1722[%parallel_loop3A_1718, %parallel_loop3A_1659], %parallel_loop3A_1666 : memref<128x257xf32, #tpu.memory_space<vmem>>[vector<16xi32>, vector<16xi32>], vector<16xf32>,
        %parallel_loop3A_1723 = arith.constant 16 : i32
        %parallel_loop3A_1724 = vector.broadcast %parallel_loop3A_1723 : i32 to vector<16xi32>
        %parallel_loop3A_1725 = arith.addi %parallel_loop3A_1724, %iota3A : vector<16xi32>
        %parallel_loop3A_1726 = arith.constant 0 : i32
        %parallel_loop3A_1727 = arith.constant 0 : i32
        %parallel_loop3A_1728 = tpu.memref_slice %arg7[%parallel_loop3A_1055, %parallel_loop3A_1726, %parallel_loop3A_1727] : memref<2x128x257xf32, #tpu.memory_space<vmem>> -> memref<1x128x257xf32, #tpu.memory_space<vmem>>
        %parallel_loop3A_1729 = tpu.memref_squeeze %parallel_loop3A_1728 : memref<1x128x257xf32, #tpu.memory_space<vmem>> -> memref<128x257xf32, #tpu.memory_space<vmem>>
        tpu.vector_store_idx %parallel_loop3A_1729[%parallel_loop3A_1725, %parallel_loop3A_1659], %parallel_loop3A_1673 : memref<128x257xf32, #tpu.memory_space<vmem>>[vector<16xi32>, vector<16xi32>], vector<16xf32>,
        %parallel_loop3A_1730 = arith.constant 32 : i32
        %parallel_loop3A_1731 = vector.broadcast %parallel_loop3A_1730 : i32 to vector<16xi32>
        %parallel_loop3A_1732 = arith.addi %parallel_loop3A_1731, %iota3A : vector<16xi32>
        %parallel_loop3A_1733 = arith.constant 0 : i32
        %parallel_loop3A_1734 = arith.constant 0 : i32
        %parallel_loop3A_1735 = tpu.memref_slice %arg7[%parallel_loop3A_1055, %parallel_loop3A_1733, %parallel_loop3A_1734] : memref<2x128x257xf32, #tpu.memory_space<vmem>> -> memref<1x128x257xf32, #tpu.memory_space<vmem>>
        %parallel_loop3A_1736 = tpu.memref_squeeze %parallel_loop3A_1735 : memref<1x128x257xf32, #tpu.memory_space<vmem>> -> memref<128x257xf32, #tpu.memory_space<vmem>>
        tpu.vector_store_idx %parallel_loop3A_1736[%parallel_loop3A_1732, %parallel_loop3A_1659], %parallel_loop3A_1680 : memref<128x257xf32, #tpu.memory_space<vmem>>[vector<16xi32>, vector<16xi32>], vector<16xf32>,
        %parallel_loop3A_1737 = arith.constant 48 : i32
        %parallel_loop3A_1738 = vector.broadcast %parallel_loop3A_1737 : i32 to vector<16xi32>
        %parallel_loop3A_1739 = arith.addi %parallel_loop3A_1738, %iota3A : vector<16xi32>
        %parallel_loop3A_1740 = arith.constant 0 : i32
        %parallel_loop3A_1741 = arith.constant 0 : i32
        %parallel_loop3A_1742 = tpu.memref_slice %arg7[%parallel_loop3A_1055, %parallel_loop3A_1740, %parallel_loop3A_1741] : memref<2x128x257xf32, #tpu.memory_space<vmem>> -> memref<1x128x257xf32, #tpu.memory_space<vmem>>
        %parallel_loop3A_1743 = tpu.memref_squeeze %parallel_loop3A_1742 : memref<1x128x257xf32, #tpu.memory_space<vmem>> -> memref<128x257xf32, #tpu.memory_space<vmem>>
        tpu.vector_store_idx %parallel_loop3A_1743[%parallel_loop3A_1739, %parallel_loop3A_1659], %parallel_loop3A_1687 : memref<128x257xf32, #tpu.memory_space<vmem>>[vector<16xi32>, vector<16xi32>], vector<16xf32>,
        %parallel_loop3A_1744 = arith.constant 64 : i32
        %parallel_loop3A_1745 = vector.broadcast %parallel_loop3A_1744 : i32 to vector<16xi32>
        %parallel_loop3A_1746 = arith.addi %parallel_loop3A_1745, %iota3A : vector<16xi32>
        %parallel_loop3A_1747 = arith.constant 0 : i32
        %parallel_loop3A_1748 = arith.constant 0 : i32
        %parallel_loop3A_1749 = tpu.memref_slice %arg7[%parallel_loop3A_1055, %parallel_loop3A_1747, %parallel_loop3A_1748] : memref<2x128x257xf32, #tpu.memory_space<vmem>> -> memref<1x128x257xf32, #tpu.memory_space<vmem>>
        %parallel_loop3A_1750 = tpu.memref_squeeze %parallel_loop3A_1749 : memref<1x128x257xf32, #tpu.memory_space<vmem>> -> memref<128x257xf32, #tpu.memory_space<vmem>>
        tpu.vector_store_idx %parallel_loop3A_1750[%parallel_loop3A_1746, %parallel_loop3A_1659], %parallel_loop3A_1694 : memref<128x257xf32, #tpu.memory_space<vmem>>[vector<16xi32>, vector<16xi32>], vector<16xf32>,
        %parallel_loop3A_1751 = arith.constant 80 : i32
        %parallel_loop3A_1752 = vector.broadcast %parallel_loop3A_1751 : i32 to vector<16xi32>
        %parallel_loop3A_1753 = arith.addi %parallel_loop3A_1752, %iota3A : vector<16xi32>
        %parallel_loop3A_1754 = arith.constant 0 : i32
        %parallel_loop3A_1755 = arith.constant 0 : i32
        %parallel_loop3A_1756 = tpu.memref_slice %arg7[%parallel_loop3A_1055, %parallel_loop3A_1754, %parallel_loop3A_1755] : memref<2x128x257xf32, #tpu.memory_space<vmem>> -> memref<1x128x257xf32, #tpu.memory_space<vmem>>
        %parallel_loop3A_1757 = tpu.memref_squeeze %parallel_loop3A_1756 : memref<1x128x257xf32, #tpu.memory_space<vmem>> -> memref<128x257xf32, #tpu.memory_space<vmem>>
        tpu.vector_store_idx %parallel_loop3A_1757[%parallel_loop3A_1753, %parallel_loop3A_1659], %parallel_loop3A_1701 : memref<128x257xf32, #tpu.memory_space<vmem>>[vector<16xi32>, vector<16xi32>], vector<16xf32>,
        %parallel_loop3A_1758 = arith.constant 96 : i32
        %parallel_loop3A_1759 = vector.broadcast %parallel_loop3A_1758 : i32 to vector<16xi32>
        %parallel_loop3A_1760 = arith.addi %parallel_loop3A_1759, %iota3A : vector<16xi32>
        %parallel_loop3A_1761 = arith.constant 0 : i32
        %parallel_loop3A_1762 = arith.constant 0 : i32
        %parallel_loop3A_1763 = tpu.memref_slice %arg7[%parallel_loop3A_1055, %parallel_loop3A_1761, %parallel_loop3A_1762] : memref<2x128x257xf32, #tpu.memory_space<vmem>> -> memref<1x128x257xf32, #tpu.memory_space<vmem>>
        %parallel_loop3A_1764 = tpu.memref_squeeze %parallel_loop3A_1763 : memref<1x128x257xf32, #tpu.memory_space<vmem>> -> memref<128x257xf32, #tpu.memory_space<vmem>>
        tpu.vector_store_idx %parallel_loop3A_1764[%parallel_loop3A_1760, %parallel_loop3A_1659], %parallel_loop3A_1708 : memref<128x257xf32, #tpu.memory_space<vmem>>[vector<16xi32>, vector<16xi32>], vector<16xf32>,
        %parallel_loop3A_1765 = arith.constant 112 : i32
        %parallel_loop3A_1766 = vector.broadcast %parallel_loop3A_1765 : i32 to vector<16xi32>
        %parallel_loop3A_1767 = arith.addi %parallel_loop3A_1766, %iota3A : vector<16xi32>
        %parallel_loop3A_1768 = arith.constant 0 : i32
        %parallel_loop3A_1769 = arith.constant 0 : i32
        %parallel_loop3A_1770 = tpu.memref_slice %arg7[%parallel_loop3A_1055, %parallel_loop3A_1768, %parallel_loop3A_1769] : memref<2x128x257xf32, #tpu.memory_space<vmem>> -> memref<1x128x257xf32, #tpu.memory_space<vmem>>
        %parallel_loop3A_1771 = tpu.memref_squeeze %parallel_loop3A_1770 : memref<1x128x257xf32, #tpu.memory_space<vmem>> -> memref<128x257xf32, #tpu.memory_space<vmem>>
        tpu.vector_store_idx %parallel_loop3A_1771[%parallel_loop3A_1767, %parallel_loop3A_1659], %parallel_loop3A_1715 : memref<128x257xf32, #tpu.memory_space<vmem>>[vector<16xi32>, vector<16xi32>], vector<16xf32>,
      } {sc.loop_unroll_factor = 2 : i64, sc.parallel_access}
      %add3A_1056 = arith.constant 1 : i32
      %add3A_1057 = arith.addi %mul3A_854, %add3A_1056 : i32
      %jit3A_1058 = arith.constant 2 : i32
      %div3A_1059 = arith.divsi %add3A_1057, %jit3A_1058 : i32
      %sign3A_1060 = arith.constant 0 : i32
      %sign3A_1061 = arith.cmpi sgt, %add3A_1057, %sign3A_1060 : i32
      %sign3A_1062 = arith.extui %sign3A_1061 : i1 to i32
      %sign3A_1063 = arith.constant 0 : i32
      %sign3A_1064 = arith.cmpi slt, %add3A_1057, %sign3A_1063 : i32
      %sign3A_1065 = arith.extui %sign3A_1064 : i1 to i32
      %sign3A_1066 = arith.subi %sign3A_1062, %sign3A_1065 : i32
      %sign3A_1067 = arith.constant 0 : i32
      %sign3A_1068 = arith.cmpi sgt, %jit3A_1058, %sign3A_1067 : i32
      %sign3A_1069 = arith.extui %sign3A_1068 : i1 to i32
      %sign3A_1070 = arith.constant 0 : i32
      %sign3A_1071 = arith.cmpi slt, %jit3A_1058, %sign3A_1070 : i32
      %sign3A_1072 = arith.extui %sign3A_1071 : i1 to i32
      %sign3A_1073 = arith.subi %sign3A_1069, %sign3A_1072 : i32
      %ne3A_1074 = arith.cmpi ne, %sign3A_1066, %sign3A_1073 : i32
      %rem3A_1075 = arith.remsi %add3A_1057, %jit3A_1058 : i32
      %ne3A_1076 = arith.constant 0 : i32
      %ne3A_1077 = arith.cmpi ne, %rem3A_1075, %ne3A_1076 : i32
      %and3A_1078 = arith.andi %ne3A_1074, %ne3A_1077 : i1
      %sub3A_1079 = arith.constant 1 : i32
      %sub3A_1080 = arith.subi %div3A_1059, %sub3A_1079 : i32
      %select_n3A_1081 = arith.select %and3A_1078, %sub3A_1080, %div3A_1059 : i32
      %dma_wait3A_1082 = arith.constant 0 : i32
      %dma_wait3A_1083 = arith.constant 0 : i32
      %dma_wait3A_1084 = arith.constant 1 : i32
      %dma_wait3A_1085 = arith.constant 0 : i32
      %dma_wait3A_1086 = arith.constant 0 : i32
      %dma_wait3A_1087 = tpu.memref_slice %arg6[%dma_wait3A_1084, %dma_wait3A_1085, %dma_wait3A_1086] : memref<2x128x128xf32, #tpu.memory_space<vmem>> -> memref<1x128x128xf32, #tpu.memory_space<vmem>>
      %dma_wait3A_1088 = tpu.memref_squeeze %dma_wait3A_1087 : memref<1x128x128xf32, #tpu.memory_space<vmem>> -> memref<128x128xf32, #tpu.memory_space<vmem>>
      %dma_wait3A_1089 = arith.constant 0 : i32
      %dma_wait3A_1090 = tpu.memref_slice %arg5[%dma_wait3A_1082, %dma_wait3A_1083, %dma_wait3A_1089] : memref<4x16x128xi32, #tpu.memory_space<vmem>> -> memref<1x1x128xi32, #tpu.memory_space<vmem>>
      %dma_wait3A_1091 = tpu.memref_squeeze %dma_wait3A_1090 : memref<1x1x128xi32, #tpu.memory_space<vmem>> -> memref<128xi32, #tpu.memory_space<vmem>>
      %dma_wait3A_1092 = arith.constant 0 : i32
      %dma_wait3A_1093 = arith.constant 0 : i32
      %dma_wait3A_1094 = tpu.memref_slice %arg3[%dma_wait3A_1092, %dma_wait3A_1093] : memref<8192x128xf32, #tpu.memory_space<hbm>> -> memref<8192x128xf32, #tpu.memory_space<hbm>>
      tpu.wait_indirect_dma semaphore(%arg9 : memref<!tpu.dma_semaphore, #tpu.memory_space<semaphore_mem>>) src(%dma_wait3A_1094 : memref<8192x128xf32, #tpu.memory_space<hbm>>) dst(%dma_wait3A_1088 : memref<128x128xf32, #tpu.memory_space<vmem>>)
      %add3A_1095 = arith.constant 1 : i32
      %add3A_1096 = arith.addi %add3A_1057, %add3A_1095 : i32
      %jit3A_1097 = arith.constant 16 : i32
      %div3A_1098 = arith.divsi %add3A_1096, %jit3A_1097 : i32
      %sign3A_1099 = arith.constant 0 : i32
      %sign3A_1100 = arith.cmpi sgt, %add3A_1096, %sign3A_1099 : i32
      %sign3A_1101 = arith.extui %sign3A_1100 : i1 to i32
      %sign3A_1102 = arith.constant 0 : i32
      %sign3A_1103 = arith.cmpi slt, %add3A_1096, %sign3A_1102 : i32
      %sign3A_1104 = arith.extui %sign3A_1103 : i1 to i32
      %sign3A_1105 = arith.subi %sign3A_1101, %sign3A_1104 : i32
      %sign3A_1106 = arith.constant 0 : i32
      %sign3A_1107 = arith.cmpi sgt, %jit3A_1097, %sign3A_1106 : i32
      %sign3A_1108 = arith.extui %sign3A_1107 : i1 to i32
      %sign3A_1109 = arith.constant 0 : i32
      %sign3A_1110 = arith.cmpi slt, %jit3A_1097, %sign3A_1109 : i32
      %sign3A_1111 = arith.extui %sign3A_1110 : i1 to i32
      %sign3A_1112 = arith.subi %sign3A_1108, %sign3A_1111 : i32
      %ne3A_1113 = arith.cmpi ne, %sign3A_1105, %sign3A_1112 : i32
      %rem3A_1114 = arith.remsi %add3A_1096, %jit3A_1097 : i32
      %ne3A_1115 = arith.constant 0 : i32
      %ne3A_1116 = arith.cmpi ne, %rem3A_1114, %ne3A_1115 : i32
      %and3A_1117 = arith.andi %ne3A_1113, %ne3A_1116 : i1
      %sub3A_1118 = arith.constant 1 : i32
      %sub3A_1119 = arith.subi %div3A_1098, %sub3A_1118 : i32
      %select_n3A_1120 = arith.select %and3A_1117, %sub3A_1119, %div3A_1098 : i32
      %jit3A_1121 = arith.constant 16 : i32
      %eq3A_1122 = arith.constant 0 : i32
      %eq3A_1123 = arith.cmpi eq, %jit3A_1121, %eq3A_1122 : i32
      %jit3A_1124 = arith.constant 1 : i32
      %select_n3A_1125 = arith.select %eq3A_1123, %jit3A_1124, %jit3A_1121 : i32
      %rem3A_1126 = arith.remsi %add3A_1096, %select_n3A_1125 : i32
      %ne3A_1127 = arith.constant 0 : i32
      %ne3A_1128 = arith.cmpi ne, %rem3A_1126, %ne3A_1127 : i32
      %lt3A_1129 = arith.constant 0 : i32
      %lt3A_1130 = arith.cmpi slt, %rem3A_1126, %lt3A_1129 : i32
      %lt3A_1131 = arith.constant 0 : i32
      %lt3A_1132 = arith.cmpi slt, %select_n3A_1125, %lt3A_1131 : i32
      %ne3A_1133 = arith.xori %lt3A_1130, %lt3A_1132 : i1
      %and3A_1134 = arith.andi %ne3A_1133, %ne3A_1128 : i1
      %add3A_1135 = arith.addi %rem3A_1126, %select_n3A_1125 : i32
      %select_n3A_1136 = arith.select %and3A_1134, %add3A_1135, %rem3A_1126 : i32
      %dma_start3A_1137 = arith.constant 0 : i32
      %dma_start3A_1138 = arith.constant 0 : i32
      %dma_start3A_1139 = arith.constant 0 : i32
      %dma_start3A_1140 = tpu.memref_slice %arg6[%dma_start3A_1137, %dma_start3A_1138, %dma_start3A_1139] : memref<2x128x128xf32, #tpu.memory_space<vmem>> -> memref<1x128x128xf32, #tpu.memory_space<vmem>>
      %dma_start3A_1141 = tpu.memref_squeeze %dma_start3A_1140 : memref<1x128x128xf32, #tpu.memory_space<vmem>> -> memref<128x128xf32, #tpu.memory_space<vmem>>
      %dma_start3A_1142 = arith.constant 0 : i32
      %dma_start3A_1143 = tpu.memref_slice %arg5[%select_n3A_1120, %select_n3A_1136, %dma_start3A_1142] : memref<4x16x128xi32, #tpu.memory_space<vmem>> -> memref<1x1x128xi32, #tpu.memory_space<vmem>>
      %dma_start3A_1144 = tpu.memref_squeeze %dma_start3A_1143 : memref<1x1x128xi32, #tpu.memory_space<vmem>> -> memref<128xi32, #tpu.memory_space<vmem>>
      %dma_start3A_1145 = arith.constant 0 : i32
      %dma_start3A_1146 = arith.constant 0 : i32
      %dma_start3A_1147 = tpu.memref_slice %arg3[%dma_start3A_1145, %dma_start3A_1146] : memref<8192x128xf32, #tpu.memory_space<hbm>> -> memref<8192x128xf32, #tpu.memory_space<hbm>>
      tpu.enqueue_indirect_dma source(%dma_start3A_1147 : memref<8192x128xf32, #tpu.memory_space<hbm>>) target(%dma_start3A_1141 : memref<128x128xf32, #tpu.memory_space<vmem>>) offsets(%dma_start3A_1144 : memref<128xi32, #tpu.memory_space<vmem>>) semaphore(%arg8 : memref<!tpu.dma_semaphore, #tpu.memory_space<semaphore_mem>>)
      %parallel_loop3A_1148 = arith.constant 0 : i32
      %parallel_loop3A_1149 = arith.constant 128 : i32
      %parallel_loop3A_1150 = arith.constant 1 : i32
      %parallel_loop3A_1151 = arith.constant 1 : i32
      %parallel_loop3A_1152 = arith.constant 0 : i32
      scf.for %parallel_loop3A_1656 = %parallel_loop3A_1148 to %parallel_loop3A_1149 step %parallel_loop3A_1150  : i32 {
        %parallel_loop3A_1657 = arith.constant 128 : i32
        %parallel_loop3A_1658 = arith.addi %parallel_loop3A_1656, %parallel_loop3A_1657 : i32
        %parallel_loop3A_1659 = vector.broadcast %parallel_loop3A_1658 : i32 to vector<16xi32>
        %parallel_loop3A_1660 = arith.constant 0 : i32
        %parallel_loop3A_1661 = arith.constant 0 : i32
        %parallel_loop3A_1662 = tpu.memref_slice %arg6[%parallel_loop3A_1151, %parallel_loop3A_1660, %parallel_loop3A_1661] : memref<2x128x128xf32, #tpu.memory_space<vmem>> -> memref<1x128x128xf32, #tpu.memory_space<vmem>>
        %parallel_loop3A_1663 = tpu.memref_squeeze %parallel_loop3A_1662 : memref<1x128x128xf32, #tpu.memory_space<vmem>> -> memref<128x128xf32, #tpu.memory_space<vmem>>
        %parallel_loop3A_1664 = arith.index_cast %parallel_loop3A_1656 : i32 to index
        %parallel_loop3A_1665 = arith.constant 0 : index
        %parallel_loop3A_1666 = tpu.vector_load %parallel_loop3A_1663[%parallel_loop3A_1664, %parallel_loop3A_1665] {strides = array<i32>} : memref<128x128xf32, #tpu.memory_space<vmem>>, vector<16xf32>,
        %parallel_loop3A_1667 = arith.constant 0 : i32
        %parallel_loop3A_1668 = arith.constant 0 : i32
        %parallel_loop3A_1669 = tpu.memref_slice %arg6[%parallel_loop3A_1151, %parallel_loop3A_1667, %parallel_loop3A_1668] : memref<2x128x128xf32, #tpu.memory_space<vmem>> -> memref<1x128x128xf32, #tpu.memory_space<vmem>>
        %parallel_loop3A_1670 = tpu.memref_squeeze %parallel_loop3A_1669 : memref<1x128x128xf32, #tpu.memory_space<vmem>> -> memref<128x128xf32, #tpu.memory_space<vmem>>
        %parallel_loop3A_1671 = arith.index_cast %parallel_loop3A_1656 : i32 to index
        %parallel_loop3A_1672 = arith.constant 16 : index
        %parallel_loop3A_1673 = tpu.vector_load %parallel_loop3A_1670[%parallel_loop3A_1671, %parallel_loop3A_1672] {strides = array<i32>} : memref<128x128xf32, #tpu.memory_space<vmem>>, vector<16xf32>,
        %parallel_loop3A_1674 = arith.constant 0 : i32
        %parallel_loop3A_1675 = arith.constant 0 : i32
        %parallel_loop3A_1676 = tpu.memref_slice %arg6[%parallel_loop3A_1151, %parallel_loop3A_1674, %parallel_loop3A_1675] : memref<2x128x128xf32, #tpu.memory_space<vmem>> -> memref<1x128x128xf32, #tpu.memory_space<vmem>>
        %parallel_loop3A_1677 = tpu.memref_squeeze %parallel_loop3A_1676 : memref<1x128x128xf32, #tpu.memory_space<vmem>> -> memref<128x128xf32, #tpu.memory_space<vmem>>
        %parallel_loop3A_1678 = arith.index_cast %parallel_loop3A_1656 : i32 to index
        %parallel_loop3A_1679 = arith.constant 32 : index
        %parallel_loop3A_1680 = tpu.vector_load %parallel_loop3A_1677[%parallel_loop3A_1678, %parallel_loop3A_1679] {strides = array<i32>} : memref<128x128xf32, #tpu.memory_space<vmem>>, vector<16xf32>,
        %parallel_loop3A_1681 = arith.constant 0 : i32
        %parallel_loop3A_1682 = arith.constant 0 : i32
        %parallel_loop3A_1683 = tpu.memref_slice %arg6[%parallel_loop3A_1151, %parallel_loop3A_1681, %parallel_loop3A_1682] : memref<2x128x128xf32, #tpu.memory_space<vmem>> -> memref<1x128x128xf32, #tpu.memory_space<vmem>>
        %parallel_loop3A_1684 = tpu.memref_squeeze %parallel_loop3A_1683 : memref<1x128x128xf32, #tpu.memory_space<vmem>> -> memref<128x128xf32, #tpu.memory_space<vmem>>
        %parallel_loop3A_1685 = arith.index_cast %parallel_loop3A_1656 : i32 to index
        %parallel_loop3A_1686 = arith.constant 48 : index
        %parallel_loop3A_1687 = tpu.vector_load %parallel_loop3A_1684[%parallel_loop3A_1685, %parallel_loop3A_1686] {strides = array<i32>} : memref<128x128xf32, #tpu.memory_space<vmem>>, vector<16xf32>,
        %parallel_loop3A_1688 = arith.constant 0 : i32
        %parallel_loop3A_1689 = arith.constant 0 : i32
        %parallel_loop3A_1690 = tpu.memref_slice %arg6[%parallel_loop3A_1151, %parallel_loop3A_1688, %parallel_loop3A_1689] : memref<2x128x128xf32, #tpu.memory_space<vmem>> -> memref<1x128x128xf32, #tpu.memory_space<vmem>>
        %parallel_loop3A_1691 = tpu.memref_squeeze %parallel_loop3A_1690 : memref<1x128x128xf32, #tpu.memory_space<vmem>> -> memref<128x128xf32, #tpu.memory_space<vmem>>
        %parallel_loop3A_1692 = arith.index_cast %parallel_loop3A_1656 : i32 to index
        %parallel_loop3A_1693 = arith.constant 64 : index
        %parallel_loop3A_1694 = tpu.vector_load %parallel_loop3A_1691[%parallel_loop3A_1692, %parallel_loop3A_1693] {strides = array<i32>} : memref<128x128xf32, #tpu.memory_space<vmem>>, vector<16xf32>,
        %parallel_loop3A_1695 = arith.constant 0 : i32
        %parallel_loop3A_1696 = arith.constant 0 : i32
        %parallel_loop3A_1697 = tpu.memref_slice %arg6[%parallel_loop3A_1151, %parallel_loop3A_1695, %parallel_loop3A_1696] : memref<2x128x128xf32, #tpu.memory_space<vmem>> -> memref<1x128x128xf32, #tpu.memory_space<vmem>>
        %parallel_loop3A_1698 = tpu.memref_squeeze %parallel_loop3A_1697 : memref<1x128x128xf32, #tpu.memory_space<vmem>> -> memref<128x128xf32, #tpu.memory_space<vmem>>
        %parallel_loop3A_1699 = arith.index_cast %parallel_loop3A_1656 : i32 to index
        %parallel_loop3A_1700 = arith.constant 80 : index
        %parallel_loop3A_1701 = tpu.vector_load %parallel_loop3A_1698[%parallel_loop3A_1699, %parallel_loop3A_1700] {strides = array<i32>} : memref<128x128xf32, #tpu.memory_space<vmem>>, vector<16xf32>,
        %parallel_loop3A_1702 = arith.constant 0 : i32
        %parallel_loop3A_1703 = arith.constant 0 : i32
        %parallel_loop3A_1704 = tpu.memref_slice %arg6[%parallel_loop3A_1151, %parallel_loop3A_1702, %parallel_loop3A_1703] : memref<2x128x128xf32, #tpu.memory_space<vmem>> -> memref<1x128x128xf32, #tpu.memory_space<vmem>>
        %parallel_loop3A_1705 = tpu.memref_squeeze %parallel_loop3A_1704 : memref<1x128x128xf32, #tpu.memory_space<vmem>> -> memref<128x128xf32, #tpu.memory_space<vmem>>
        %parallel_loop3A_1706 = arith.index_cast %parallel_loop3A_1656 : i32 to index
        %parallel_loop3A_1707 = arith.constant 96 : index
        %parallel_loop3A_1708 = tpu.vector_load %parallel_loop3A_1705[%parallel_loop3A_1706, %parallel_loop3A_1707] {strides = array<i32>} : memref<128x128xf32, #tpu.memory_space<vmem>>, vector<16xf32>,
        %parallel_loop3A_1709 = arith.constant 0 : i32
        %parallel_loop3A_1710 = arith.constant 0 : i32
        %parallel_loop3A_1711 = tpu.memref_slice %arg6[%parallel_loop3A_1151, %parallel_loop3A_1709, %parallel_loop3A_1710] : memref<2x128x128xf32, #tpu.memory_space<vmem>> -> memref<1x128x128xf32, #tpu.memory_space<vmem>>
        %parallel_loop3A_1712 = tpu.memref_squeeze %parallel_loop3A_1711 : memref<1x128x128xf32, #tpu.memory_space<vmem>> -> memref<128x128xf32, #tpu.memory_space<vmem>>
        %parallel_loop3A_1713 = arith.index_cast %parallel_loop3A_1656 : i32 to index
        %parallel_loop3A_1714 = arith.constant 112 : index
        %parallel_loop3A_1715 = tpu.vector_load %parallel_loop3A_1712[%parallel_loop3A_1713, %parallel_loop3A_1714] {strides = array<i32>} : memref<128x128xf32, #tpu.memory_space<vmem>>, vector<16xf32>,
        %parallel_loop3A_1716 = arith.constant 0 : i32
        %parallel_loop3A_1717 = vector.broadcast %parallel_loop3A_1716 : i32 to vector<16xi32>
        %parallel_loop3A_1718 = arith.addi %parallel_loop3A_1717, %iota3A : vector<16xi32>
        %parallel_loop3A_1719 = arith.constant 0 : i32
        %parallel_loop3A_1720 = arith.constant 0 : i32
        %parallel_loop3A_1721 = tpu.memref_slice %arg7[%parallel_loop3A_1152, %parallel_loop3A_1719, %parallel_loop3A_1720] : memref<2x128x257xf32, #tpu.memory_space<vmem>> -> memref<1x128x257xf32, #tpu.memory_space<vmem>>
        %parallel_loop3A_1722 = tpu.memref_squeeze %parallel_loop3A_1721 : memref<1x128x257xf32, #tpu.memory_space<vmem>> -> memref<128x257xf32, #tpu.memory_space<vmem>>
        tpu.vector_store_idx %parallel_loop3A_1722[%parallel_loop3A_1718, %parallel_loop3A_1659], %parallel_loop3A_1666 : memref<128x257xf32, #tpu.memory_space<vmem>>[vector<16xi32>, vector<16xi32>], vector<16xf32>,
        %parallel_loop3A_1723 = arith.constant 16 : i32
        %parallel_loop3A_1724 = vector.broadcast %parallel_loop3A_1723 : i32 to vector<16xi32>
        %parallel_loop3A_1725 = arith.addi %parallel_loop3A_1724, %iota3A : vector<16xi32>
        %parallel_loop3A_1726 = arith.constant 0 : i32
        %parallel_loop3A_1727 = arith.constant 0 : i32
        %parallel_loop3A_1728 = tpu.memref_slice %arg7[%parallel_loop3A_1152, %parallel_loop3A_1726, %parallel_loop3A_1727] : memref<2x128x257xf32, #tpu.memory_space<vmem>> -> memref<1x128x257xf32, #tpu.memory_space<vmem>>
        %parallel_loop3A_1729 = tpu.memref_squeeze %parallel_loop3A_1728 : memref<1x128x257xf32, #tpu.memory_space<vmem>> -> memref<128x257xf32, #tpu.memory_space<vmem>>
        tpu.vector_store_idx %parallel_loop3A_1729[%parallel_loop3A_1725, %parallel_loop3A_1659], %parallel_loop3A_1673 : memref<128x257xf32, #tpu.memory_space<vmem>>[vector<16xi32>, vector<16xi32>], vector<16xf32>,
        %parallel_loop3A_1730 = arith.constant 32 : i32
        %parallel_loop3A_1731 = vector.broadcast %parallel_loop3A_1730 : i32 to vector<16xi32>
        %parallel_loop3A_1732 = arith.addi %parallel_loop3A_1731, %iota3A : vector<16xi32>
        %parallel_loop3A_1733 = arith.constant 0 : i32
        %parallel_loop3A_1734 = arith.constant 0 : i32
        %parallel_loop3A_1735 = tpu.memref_slice %arg7[%parallel_loop3A_1152, %parallel_loop3A_1733, %parallel_loop3A_1734] : memref<2x128x257xf32, #tpu.memory_space<vmem>> -> memref<1x128x257xf32, #tpu.memory_space<vmem>>
        %parallel_loop3A_1736 = tpu.memref_squeeze %parallel_loop3A_1735 : memref<1x128x257xf32, #tpu.memory_space<vmem>> -> memref<128x257xf32, #tpu.memory_space<vmem>>
        tpu.vector_store_idx %parallel_loop3A_1736[%parallel_loop3A_1732, %parallel_loop3A_1659], %parallel_loop3A_1680 : memref<128x257xf32, #tpu.memory_space<vmem>>[vector<16xi32>, vector<16xi32>], vector<16xf32>,
        %parallel_loop3A_1737 = arith.constant 48 : i32
        %parallel_loop3A_1738 = vector.broadcast %parallel_loop3A_1737 : i32 to vector<16xi32>
        %parallel_loop3A_1739 = arith.addi %parallel_loop3A_1738, %iota3A : vector<16xi32>
        %parallel_loop3A_1740 = arith.constant 0 : i32
        %parallel_loop3A_1741 = arith.constant 0 : i32
        %parallel_loop3A_1742 = tpu.memref_slice %arg7[%parallel_loop3A_1152, %parallel_loop3A_1740, %parallel_loop3A_1741] : memref<2x128x257xf32, #tpu.memory_space<vmem>> -> memref<1x128x257xf32, #tpu.memory_space<vmem>>
        %parallel_loop3A_1743 = tpu.memref_squeeze %parallel_loop3A_1742 : memref<1x128x257xf32, #tpu.memory_space<vmem>> -> memref<128x257xf32, #tpu.memory_space<vmem>>
        tpu.vector_store_idx %parallel_loop3A_1743[%parallel_loop3A_1739, %parallel_loop3A_1659], %parallel_loop3A_1687 : memref<128x257xf32, #tpu.memory_space<vmem>>[vector<16xi32>, vector<16xi32>], vector<16xf32>,
        %parallel_loop3A_1744 = arith.constant 64 : i32
        %parallel_loop3A_1745 = vector.broadcast %parallel_loop3A_1744 : i32 to vector<16xi32>
        %parallel_loop3A_1746 = arith.addi %parallel_loop3A_1745, %iota3A : vector<16xi32>
        %parallel_loop3A_1747 = arith.constant 0 : i32
        %parallel_loop3A_1748 = arith.constant 0 : i32
        %parallel_loop3A_1749 = tpu.memref_slice %arg7[%parallel_loop3A_1152, %parallel_loop3A_1747, %parallel_loop3A_1748] : memref<2x128x257xf32, #tpu.memory_space<vmem>> -> memref<1x128x257xf32, #tpu.memory_space<vmem>>
        %parallel_loop3A_1750 = tpu.memref_squeeze %parallel_loop3A_1749 : memref<1x128x257xf32, #tpu.memory_space<vmem>> -> memref<128x257xf32, #tpu.memory_space<vmem>>
        tpu.vector_store_idx %parallel_loop3A_1750[%parallel_loop3A_1746, %parallel_loop3A_1659], %parallel_loop3A_1694 : memref<128x257xf32, #tpu.memory_space<vmem>>[vector<16xi32>, vector<16xi32>], vector<16xf32>,
        %parallel_loop3A_1751 = arith.constant 80 : i32
        %parallel_loop3A_1752 = vector.broadcast %parallel_loop3A_1751 : i32 to vector<16xi32>
        %parallel_loop3A_1753 = arith.addi %parallel_loop3A_1752, %iota3A : vector<16xi32>
        %parallel_loop3A_1754 = arith.constant 0 : i32
        %parallel_loop3A_1755 = arith.constant 0 : i32
        %parallel_loop3A_1756 = tpu.memref_slice %arg7[%parallel_loop3A_1152, %parallel_loop3A_1754, %parallel_loop3A_1755] : memref<2x128x257xf32, #tpu.memory_space<vmem>> -> memref<1x128x257xf32, #tpu.memory_space<vmem>>
        %parallel_loop3A_1757 = tpu.memref_squeeze %parallel_loop3A_1756 : memref<1x128x257xf32, #tpu.memory_space<vmem>> -> memref<128x257xf32, #tpu.memory_space<vmem>>
        tpu.vector_store_idx %parallel_loop3A_1757[%parallel_loop3A_1753, %parallel_loop3A_1659], %parallel_loop3A_1701 : memref<128x257xf32, #tpu.memory_space<vmem>>[vector<16xi32>, vector<16xi32>], vector<16xf32>,
        %parallel_loop3A_1758 = arith.constant 96 : i32
        %parallel_loop3A_1759 = vector.broadcast %parallel_loop3A_1758 : i32 to vector<16xi32>
        %parallel_loop3A_1760 = arith.addi %parallel_loop3A_1759, %iota3A : vector<16xi32>
        %parallel_loop3A_1761 = arith.constant 0 : i32
        %parallel_loop3A_1762 = arith.constant 0 : i32
        %parallel_loop3A_1763 = tpu.memref_slice %arg7[%parallel_loop3A_1152, %parallel_loop3A_1761, %parallel_loop3A_1762] : memref<2x128x257xf32, #tpu.memory_space<vmem>> -> memref<1x128x257xf32, #tpu.memory_space<vmem>>
        %parallel_loop3A_1764 = tpu.memref_squeeze %parallel_loop3A_1763 : memref<1x128x257xf32, #tpu.memory_space<vmem>> -> memref<128x257xf32, #tpu.memory_space<vmem>>
        tpu.vector_store_idx %parallel_loop3A_1764[%parallel_loop3A_1760, %parallel_loop3A_1659], %parallel_loop3A_1708 : memref<128x257xf32, #tpu.memory_space<vmem>>[vector<16xi32>, vector<16xi32>], vector<16xf32>,
        %parallel_loop3A_1765 = arith.constant 112 : i32
        %parallel_loop3A_1766 = vector.broadcast %parallel_loop3A_1765 : i32 to vector<16xi32>
        %parallel_loop3A_1767 = arith.addi %parallel_loop3A_1766, %iota3A : vector<16xi32>
        %parallel_loop3A_1768 = arith.constant 0 : i32
        %parallel_loop3A_1769 = arith.constant 0 : i32
        %parallel_loop3A_1770 = tpu.memref_slice %arg7[%parallel_loop3A_1152, %parallel_loop3A_1768, %parallel_loop3A_1769] : memref<2x128x257xf32, #tpu.memory_space<vmem>> -> memref<1x128x257xf32, #tpu.memory_space<vmem>>
        %parallel_loop3A_1771 = tpu.memref_squeeze %parallel_loop3A_1770 : memref<1x128x257xf32, #tpu.memory_space<vmem>> -> memref<128x257xf32, #tpu.memory_space<vmem>>
        tpu.vector_store_idx %parallel_loop3A_1771[%parallel_loop3A_1767, %parallel_loop3A_1659], %parallel_loop3A_1715 : memref<128x257xf32, #tpu.memory_space<vmem>>[vector<16xi32>, vector<16xi32>], vector<16xf32>,
      } {sc.loop_unroll_factor = 2 : i64, sc.parallel_access}
      %mul3A_1153 = arith.constant 2 : i32
      %mul3A_1154 = arith.muli %select_n3A_1081, %mul3A_1153 : i32
      %mul3A_1155 = arith.constant 4 : i32
      %mul3A_1156 = arith.muli %add3A, %mul3A_1155 : i32
      %jit3A_1157 = arith.constant 16 : i32
      %div3A_1158 = arith.divsi %mul3A_1154, %jit3A_1157 : i32
      %sign3A_1159 = arith.constant 0 : i32
      %sign3A_1160 = arith.cmpi sgt, %mul3A_1154, %sign3A_1159 : i32
      %sign3A_1161 = arith.extui %sign3A_1160 : i1 to i32
      %sign3A_1162 = arith.constant 0 : i32
      %sign3A_1163 = arith.cmpi slt, %mul3A_1154, %sign3A_1162 : i32
      %sign3A_1164 = arith.extui %sign3A_1163 : i1 to i32
      %sign3A_1165 = arith.subi %sign3A_1161, %sign3A_1164 : i32
      %sign3A_1166 = arith.constant 0 : i32
      %sign3A_1167 = arith.cmpi sgt, %jit3A_1157, %sign3A_1166 : i32
      %sign3A_1168 = arith.extui %sign3A_1167 : i1 to i32
      %sign3A_1169 = arith.constant 0 : i32
      %sign3A_1170 = arith.cmpi slt, %jit3A_1157, %sign3A_1169 : i32
      %sign3A_1171 = arith.extui %sign3A_1170 : i1 to i32
      %sign3A_1172 = arith.subi %sign3A_1168, %sign3A_1171 : i32
      %ne3A_1173 = arith.cmpi ne, %sign3A_1165, %sign3A_1172 : i32
      %rem3A_1174 = arith.remsi %mul3A_1154, %jit3A_1157 : i32
      %ne3A_1175 = arith.constant 0 : i32
      %ne3A_1176 = arith.cmpi ne, %rem3A_1174, %ne3A_1175 : i32
      %and3A_1177 = arith.andi %ne3A_1173, %ne3A_1176 : i1
      %sub3A_1178 = arith.constant 1 : i32
      %sub3A_1179 = arith.subi %div3A_1158, %sub3A_1178 : i32
      %select_n3A_1180 = arith.select %and3A_1177, %sub3A_1179, %div3A_1158 : i32
      %add3A_1181 = arith.addi %mul3A_1156, %select_n3A_1180 : i32
      %jit3A_1182 = arith.constant 16 : i32
      %eq3A_1183 = arith.constant 0 : i32
      %eq3A_1184 = arith.cmpi eq, %jit3A_1182, %eq3A_1183 : i32
      %jit3A_1185 = arith.constant 1 : i32
      %select_n3A_1186 = arith.select %eq3A_1184, %jit3A_1185, %jit3A_1182 : i32
      %rem3A_1187 = arith.remsi %mul3A_1154, %select_n3A_1186 : i32
      %ne3A_1188 = arith.constant 0 : i32
      %ne3A_1189 = arith.cmpi ne, %rem3A_1187, %ne3A_1188 : i32
      %lt3A_1190 = arith.constant 0 : i32
      %lt3A_1191 = arith.cmpi slt, %rem3A_1187, %lt3A_1190 : i32
      %lt3A_1192 = arith.constant 0 : i32
      %lt3A_1193 = arith.cmpi slt, %select_n3A_1186, %lt3A_1192 : i32
      %ne3A_1194 = arith.xori %lt3A_1191, %lt3A_1193 : i1
      %and3A_1195 = arith.andi %ne3A_1194, %ne3A_1189 : i1
      %add3A_1196 = arith.addi %rem3A_1187, %select_n3A_1186 : i32
      %select_n3A_1197 = arith.select %and3A_1195, %add3A_1196, %rem3A_1187 : i32
      %mul3A_1198 = arith.constant 128 : i32
      %mul3A_1199 = arith.muli %select_n3A_1197, %mul3A_1198 : i32
      %jit3A_1200 = arith.constant 8 : i32
      %div3A_1201 = arith.divsi %add3A_1181, %jit3A_1200 : i32
      %sign3A_1202 = arith.constant 0 : i32
      %sign3A_1203 = arith.cmpi sgt, %add3A_1181, %sign3A_1202 : i32
      %sign3A_1204 = arith.extui %sign3A_1203 : i1 to i32
      %sign3A_1205 = arith.constant 0 : i32
      %sign3A_1206 = arith.cmpi slt, %add3A_1181, %sign3A_1205 : i32
      %sign3A_1207 = arith.extui %sign3A_1206 : i1 to i32
      %sign3A_1208 = arith.subi %sign3A_1204, %sign3A_1207 : i32
      %sign3A_1209 = arith.constant 0 : i32
      %sign3A_1210 = arith.cmpi sgt, %jit3A_1200, %sign3A_1209 : i32
      %sign3A_1211 = arith.extui %sign3A_1210 : i1 to i32
      %sign3A_1212 = arith.constant 0 : i32
      %sign3A_1213 = arith.cmpi slt, %jit3A_1200, %sign3A_1212 : i32
      %sign3A_1214 = arith.extui %sign3A_1213 : i1 to i32
      %sign3A_1215 = arith.subi %sign3A_1211, %sign3A_1214 : i32
      %ne3A_1216 = arith.cmpi ne, %sign3A_1208, %sign3A_1215 : i32
      %rem3A_1217 = arith.remsi %add3A_1181, %jit3A_1200 : i32
      %ne3A_1218 = arith.constant 0 : i32
      %ne3A_1219 = arith.cmpi ne, %rem3A_1217, %ne3A_1218 : i32
      %and3A_1220 = arith.andi %ne3A_1216, %ne3A_1219 : i1
      %sub3A_1221 = arith.constant 1 : i32
      %sub3A_1222 = arith.subi %div3A_1201, %sub3A_1221 : i32
      %select_n3A_1223 = arith.select %and3A_1220, %sub3A_1222, %div3A_1201 : i32
      %jit3A_1224 = arith.constant 8 : i32
      %eq3A_1225 = arith.constant 0 : i32
      %eq3A_1226 = arith.cmpi eq, %jit3A_1224, %eq3A_1225 : i32
      %jit3A_1227 = arith.constant 1 : i32
      %select_n3A_1228 = arith.select %eq3A_1226, %jit3A_1227, %jit3A_1224 : i32
      %rem3A_1229 = arith.remsi %add3A_1181, %select_n3A_1228 : i32
      %ne3A_1230 = arith.constant 0 : i32
      %ne3A_1231 = arith.cmpi ne, %rem3A_1229, %ne3A_1230 : i32
      %lt3A_1232 = arith.constant 0 : i32
      %lt3A_1233 = arith.cmpi slt, %rem3A_1229, %lt3A_1232 : i32
      %lt3A_1234 = arith.constant 0 : i32
      %lt3A_1235 = arith.cmpi slt, %select_n3A_1228, %lt3A_1234 : i32
      %ne3A_1236 = arith.xori %lt3A_1233, %lt3A_1235 : i1
      %and3A_1237 = arith.andi %ne3A_1236, %ne3A_1231 : i1
      %add3A_1238 = arith.addi %rem3A_1229, %select_n3A_1228 : i32
      %select_n3A_1239 = arith.select %and3A_1237, %add3A_1238, %rem3A_1229 : i32
      %mul3A_1240 = arith.constant 128 : i32
      %mul3A_1241 = arith.muli %select_n3A_1239, %mul3A_1240 : i32
      %dma_start3A_1242 = arith.constant 0 : i32
      %dma_start3A_1243 = arith.constant 0 : i32
      %dma_start3A_1244 = arith.constant 0 : i32
      %dma_start3A_1245 = tpu.memref_slice %arg7[%dma_start3A_1242, %dma_start3A_1243, %dma_start3A_1244] : memref<2x128x257xf32, #tpu.memory_space<vmem>> -> memref<1x128x256xf32, #tpu.memory_space<vmem>>
      %dma_start3A_1246 = tpu.memref_squeeze %dma_start3A_1245 : memref<1x128x256xf32, #tpu.memory_space<vmem>> -> memref<128x256xf32, #tpu.memory_space<vmem>>
      %dma_start3A_1247 = tpu.memref_slice %arg4[%select_n3A_1223, %mul3A_1241, %mul3A_1199] : memref<16x1024x2048xf32, #tpu.memory_space<hbm>> -> memref<1x128x256xf32, #tpu.memory_space<hbm>>
      %dma_start3A_1248 = tpu.memref_squeeze %dma_start3A_1247 : memref<1x128x256xf32, #tpu.memory_space<hbm>> -> memref<128x256xf32, #tpu.memory_space<hbm>>
      %dma_start3A_1249 = tpu.memref_slice %arg4[%select_n3A_1223, %mul3A_1241, %mul3A_1199] : memref<16x1024x2048xf32, #tpu.memory_space<hbm>> -> memref<1x128x256xf32, #tpu.memory_space<hbm>>
      %dma_start3A_1250 = tpu.memref_squeeze %dma_start3A_1249 : memref<1x128x256xf32, #tpu.memory_space<hbm>> -> memref<128x256xf32, #tpu.memory_space<hbm>>
      %dma_start3A_1251 = arith.constant 0 : i32
      %dma_start3A_1252 = arith.constant 0 : i32
      %dma_start3A_1253 = tpu.memref_slice %arg7[%dma_start3A_1242, %dma_start3A_1251, %dma_start3A_1252] : memref<2x128x257xf32, #tpu.memory_space<vmem>> -> memref<1x128x256xf32, #tpu.memory_space<vmem>>
      %dma_start3A_1254 = tpu.memref_squeeze %dma_start3A_1253 : memref<1x128x256xf32, #tpu.memory_space<vmem>> -> memref<128x256xf32, #tpu.memory_space<vmem>>
      tpu.enqueue_dma source(%dma_start3A_1254 : memref<128x256xf32, #tpu.memory_space<vmem>>) target(%dma_start3A_1250 : memref<128x256xf32, #tpu.memory_space<hbm>>) target_semaphore(%arg10 : memref<!tpu.dma_semaphore, #tpu.memory_space<semaphore_mem>>)
      %add3A_1255 = arith.constant 2 : i32
      %add3A_1256 = arith.addi %mul3A_854, %add3A_1255 : i32
      %jit3A_1257 = arith.constant 2 : i32
      %div3A_1258 = arith.divsi %add3A_1256, %jit3A_1257 : i32
      %sign3A_1259 = arith.constant 0 : i32
      %sign3A_1260 = arith.cmpi sgt, %add3A_1256, %sign3A_1259 : i32
      %sign3A_1261 = arith.extui %sign3A_1260 : i1 to i32
      %sign3A_1262 = arith.constant 0 : i32
      %sign3A_1263 = arith.cmpi slt, %add3A_1256, %sign3A_1262 : i32
      %sign3A_1264 = arith.extui %sign3A_1263 : i1 to i32
      %sign3A_1265 = arith.subi %sign3A_1261, %sign3A_1264 : i32
      %sign3A_1266 = arith.constant 0 : i32
      %sign3A_1267 = arith.cmpi sgt, %jit3A_1257, %sign3A_1266 : i32
      %sign3A_1268 = arith.extui %sign3A_1267 : i1 to i32
      %sign3A_1269 = arith.constant 0 : i32
      %sign3A_1270 = arith.cmpi slt, %jit3A_1257, %sign3A_1269 : i32
      %sign3A_1271 = arith.extui %sign3A_1270 : i1 to i32
      %sign3A_1272 = arith.subi %sign3A_1268, %sign3A_1271 : i32
      %ne3A_1273 = arith.cmpi ne, %sign3A_1265, %sign3A_1272 : i32
      %rem3A_1274 = arith.remsi %add3A_1256, %jit3A_1257 : i32
      %ne3A_1275 = arith.constant 0 : i32
      %ne3A_1276 = arith.cmpi ne, %rem3A_1274, %ne3A_1275 : i32
      %and3A_1277 = arith.andi %ne3A_1273, %ne3A_1276 : i1
      %sub3A_1278 = arith.constant 1 : i32
      %sub3A_1279 = arith.subi %div3A_1258, %sub3A_1278 : i32
      %select_n3A_1280 = arith.select %and3A_1277, %sub3A_1279, %div3A_1258 : i32
      %dma_wait3A_1281 = arith.constant 0 : i32
      %dma_wait3A_1282 = arith.constant 0 : i32
      %dma_wait3A_1283 = arith.constant 0 : i32
      %dma_wait3A_1284 = arith.constant 0 : i32
      %dma_wait3A_1285 = arith.constant 0 : i32
      %dma_wait3A_1286 = tpu.memref_slice %arg6[%dma_wait3A_1283, %dma_wait3A_1284, %dma_wait3A_1285] : memref<2x128x128xf32, #tpu.memory_space<vmem>> -> memref<1x128x128xf32, #tpu.memory_space<vmem>>
      %dma_wait3A_1287 = tpu.memref_squeeze %dma_wait3A_1286 : memref<1x128x128xf32, #tpu.memory_space<vmem>> -> memref<128x128xf32, #tpu.memory_space<vmem>>
      %dma_wait3A_1288 = arith.constant 0 : i32
      %dma_wait3A_1289 = tpu.memref_slice %arg5[%dma_wait3A_1281, %dma_wait3A_1282, %dma_wait3A_1288] : memref<4x16x128xi32, #tpu.memory_space<vmem>> -> memref<1x1x128xi32, #tpu.memory_space<vmem>>
      %dma_wait3A_1290 = tpu.memref_squeeze %dma_wait3A_1289 : memref<1x1x128xi32, #tpu.memory_space<vmem>> -> memref<128xi32, #tpu.memory_space<vmem>>
      %dma_wait3A_1291 = arith.constant 0 : i32
      %dma_wait3A_1292 = arith.constant 0 : i32
      %dma_wait3A_1293 = tpu.memref_slice %arg3[%dma_wait3A_1291, %dma_wait3A_1292] : memref<8192x128xf32, #tpu.memory_space<hbm>> -> memref<8192x128xf32, #tpu.memory_space<hbm>>
      tpu.wait_indirect_dma semaphore(%arg8 : memref<!tpu.dma_semaphore, #tpu.memory_space<semaphore_mem>>) src(%dma_wait3A_1293 : memref<8192x128xf32, #tpu.memory_space<hbm>>) dst(%dma_wait3A_1287 : memref<128x128xf32, #tpu.memory_space<vmem>>)
      %add3A_1294 = arith.constant 1 : i32
      %add3A_1295 = arith.addi %add3A_1256, %add3A_1294 : i32
      %jit3A_1296 = arith.constant 16 : i32
      %div3A_1297 = arith.divsi %add3A_1295, %jit3A_1296 : i32
      %sign3A_1298 = arith.constant 0 : i32
      %sign3A_1299 = arith.cmpi sgt, %add3A_1295, %sign3A_1298 : i32
      %sign3A_1300 = arith.extui %sign3A_1299 : i1 to i32
      %sign3A_1301 = arith.constant 0 : i32
      %sign3A_1302 = arith.cmpi slt, %add3A_1295, %sign3A_1301 : i32
      %sign3A_1303 = arith.extui %sign3A_1302 : i1 to i32
      %sign3A_1304 = arith.subi %sign3A_1300, %sign3A_1303 : i32
      %sign3A_1305 = arith.constant 0 : i32
      %sign3A_1306 = arith.cmpi sgt, %jit3A_1296, %sign3A_1305 : i32
      %sign3A_1307 = arith.extui %sign3A_1306 : i1 to i32
      %sign3A_1308 = arith.constant 0 : i32
      %sign3A_1309 = arith.cmpi slt, %jit3A_1296, %sign3A_1308 : i32
      %sign3A_1310 = arith.extui %sign3A_1309 : i1 to i32
      %sign3A_1311 = arith.subi %sign3A_1307, %sign3A_1310 : i32
      %ne3A_1312 = arith.cmpi ne, %sign3A_1304, %sign3A_1311 : i32
      %rem3A_1313 = arith.remsi %add3A_1295, %jit3A_1296 : i32
      %ne3A_1314 = arith.constant 0 : i32
      %ne3A_1315 = arith.cmpi ne, %rem3A_1313, %ne3A_1314 : i32
      %and3A_1316 = arith.andi %ne3A_1312, %ne3A_1315 : i1
      %sub3A_1317 = arith.constant 1 : i32
      %sub3A_1318 = arith.subi %div3A_1297, %sub3A_1317 : i32
      %select_n3A_1319 = arith.select %and3A_1316, %sub3A_1318, %div3A_1297 : i32
      %jit3A_1320 = arith.constant 16 : i32
      %eq3A_1321 = arith.constant 0 : i32
      %eq3A_1322 = arith.cmpi eq, %jit3A_1320, %eq3A_1321 : i32
      %jit3A_1323 = arith.constant 1 : i32
      %select_n3A_1324 = arith.select %eq3A_1322, %jit3A_1323, %jit3A_1320 : i32
      %rem3A_1325 = arith.remsi %add3A_1295, %select_n3A_1324 : i32
      %ne3A_1326 = arith.constant 0 : i32
      %ne3A_1327 = arith.cmpi ne, %rem3A_1325, %ne3A_1326 : i32
      %lt3A_1328 = arith.constant 0 : i32
      %lt3A_1329 = arith.cmpi slt, %rem3A_1325, %lt3A_1328 : i32
      %lt3A_1330 = arith.constant 0 : i32
      %lt3A_1331 = arith.cmpi slt, %select_n3A_1324, %lt3A_1330 : i32
      %ne3A_1332 = arith.xori %lt3A_1329, %lt3A_1331 : i1
      %and3A_1333 = arith.andi %ne3A_1332, %ne3A_1327 : i1
      %add3A_1334 = arith.addi %rem3A_1325, %select_n3A_1324 : i32
      %select_n3A_1335 = arith.select %and3A_1333, %add3A_1334, %rem3A_1325 : i32
      %dma_start3A_1336 = arith.constant 1 : i32
      %dma_start3A_1337 = arith.constant 0 : i32
      %dma_start3A_1338 = arith.constant 0 : i32
      %dma_start3A_1339 = tpu.memref_slice %arg6[%dma_start3A_1336, %dma_start3A_1337, %dma_start3A_1338] : memref<2x128x128xf32, #tpu.memory_space<vmem>> -> memref<1x128x128xf32, #tpu.memory_space<vmem>>
      %dma_start3A_1340 = tpu.memref_squeeze %dma_start3A_1339 : memref<1x128x128xf32, #tpu.memory_space<vmem>> -> memref<128x128xf32, #tpu.memory_space<vmem>>
      %dma_start3A_1341 = arith.constant 0 : i32
      %dma_start3A_1342 = tpu.memref_slice %arg5[%select_n3A_1319, %select_n3A_1335, %dma_start3A_1341] : memref<4x16x128xi32, #tpu.memory_space<vmem>> -> memref<1x1x128xi32, #tpu.memory_space<vmem>>
      %dma_start3A_1343 = tpu.memref_squeeze %dma_start3A_1342 : memref<1x1x128xi32, #tpu.memory_space<vmem>> -> memref<128xi32, #tpu.memory_space<vmem>>
      %dma_start3A_1344 = arith.constant 0 : i32
      %dma_start3A_1345 = arith.constant 0 : i32
      %dma_start3A_1346 = tpu.memref_slice %arg3[%dma_start3A_1344, %dma_start3A_1345] : memref<8192x128xf32, #tpu.memory_space<hbm>> -> memref<8192x128xf32, #tpu.memory_space<hbm>>
      tpu.enqueue_indirect_dma source(%dma_start3A_1346 : memref<8192x128xf32, #tpu.memory_space<hbm>>) target(%dma_start3A_1340 : memref<128x128xf32, #tpu.memory_space<vmem>>) offsets(%dma_start3A_1343 : memref<128xi32, #tpu.memory_space<vmem>>) semaphore(%arg9 : memref<!tpu.dma_semaphore, #tpu.memory_space<semaphore_mem>>)
      %sub3A_1347 = arith.constant 2 : i32
      %sub3A_1348 = arith.subi %select_n3A_1280, %sub3A_1347 : i32
      %mul3A_1349 = arith.constant 2 : i32
      %mul3A_1350 = arith.muli %sub3A_1348, %mul3A_1349 : i32
      %mul3A_1351 = arith.constant 4 : i32
      %mul3A_1352 = arith.muli %add3A, %mul3A_1351 : i32
      %jit3A_1353 = arith.constant 16 : i32
      %div3A_1354 = arith.divsi %mul3A_1350, %jit3A_1353 : i32
      %sign3A_1355 = arith.constant 0 : i32
      %sign3A_1356 = arith.cmpi sgt, %mul3A_1350, %sign3A_1355 : i32
      %sign3A_1357 = arith.extui %sign3A_1356 : i1 to i32
      %sign3A_1358 = arith.constant 0 : i32
      %sign3A_1359 = arith.cmpi slt, %mul3A_1350, %sign3A_1358 : i32
      %sign3A_1360 = arith.extui %sign3A_1359 : i1 to i32
      %sign3A_1361 = arith.subi %sign3A_1357, %sign3A_1360 : i32
      %sign3A_1362 = arith.constant 0 : i32
      %sign3A_1363 = arith.cmpi sgt, %jit3A_1353, %sign3A_1362 : i32
      %sign3A_1364 = arith.extui %sign3A_1363 : i1 to i32
      %sign3A_1365 = arith.constant 0 : i32
      %sign3A_1366 = arith.cmpi slt, %jit3A_1353, %sign3A_1365 : i32
      %sign3A_1367 = arith.extui %sign3A_1366 : i1 to i32
      %sign3A_1368 = arith.subi %sign3A_1364, %sign3A_1367 : i32
      %ne3A_1369 = arith.cmpi ne, %sign3A_1361, %sign3A_1368 : i32
      %rem3A_1370 = arith.remsi %mul3A_1350, %jit3A_1353 : i32
      %ne3A_1371 = arith.constant 0 : i32
      %ne3A_1372 = arith.cmpi ne, %rem3A_1370, %ne3A_1371 : i32
      %and3A_1373 = arith.andi %ne3A_1369, %ne3A_1372 : i1
      %sub3A_1374 = arith.constant 1 : i32
      %sub3A_1375 = arith.subi %div3A_1354, %sub3A_1374 : i32
      %select_n3A_1376 = arith.select %and3A_1373, %sub3A_1375, %div3A_1354 : i32
      %add3A_1377 = arith.addi %mul3A_1352, %select_n3A_1376 : i32
      %jit3A_1378 = arith.constant 16 : i32
      %eq3A_1379 = arith.constant 0 : i32
      %eq3A_1380 = arith.cmpi eq, %jit3A_1378, %eq3A_1379 : i32
      %jit3A_1381 = arith.constant 1 : i32
      %select_n3A_1382 = arith.select %eq3A_1380, %jit3A_1381, %jit3A_1378 : i32
      %rem3A_1383 = arith.remsi %mul3A_1350, %select_n3A_1382 : i32
      %ne3A_1384 = arith.constant 0 : i32
      %ne3A_1385 = arith.cmpi ne, %rem3A_1383, %ne3A_1384 : i32
      %lt3A_1386 = arith.constant 0 : i32
      %lt3A_1387 = arith.cmpi slt, %rem3A_1383, %lt3A_1386 : i32
      %lt3A_1388 = arith.constant 0 : i32
      %lt3A_1389 = arith.cmpi slt, %select_n3A_1382, %lt3A_1388 : i32
      %ne3A_1390 = arith.xori %lt3A_1387, %lt3A_1389 : i1
      %and3A_1391 = arith.andi %ne3A_1390, %ne3A_1385 : i1
      %add3A_1392 = arith.addi %rem3A_1383, %select_n3A_1382 : i32
      %select_n3A_1393 = arith.select %and3A_1391, %add3A_1392, %rem3A_1383 : i32
      %mul3A_1394 = arith.constant 128 : i32
      %mul3A_1395 = arith.muli %select_n3A_1393, %mul3A_1394 : i32
      %jit3A_1396 = arith.constant 8 : i32
      %div3A_1397 = arith.divsi %add3A_1377, %jit3A_1396 : i32
      %sign3A_1398 = arith.constant 0 : i32
      %sign3A_1399 = arith.cmpi sgt, %add3A_1377, %sign3A_1398 : i32
      %sign3A_1400 = arith.extui %sign3A_1399 : i1 to i32
      %sign3A_1401 = arith.constant 0 : i32
      %sign3A_1402 = arith.cmpi slt, %add3A_1377, %sign3A_1401 : i32
      %sign3A_1403 = arith.extui %sign3A_1402 : i1 to i32
      %sign3A_1404 = arith.subi %sign3A_1400, %sign3A_1403 : i32
      %sign3A_1405 = arith.constant 0 : i32
      %sign3A_1406 = arith.cmpi sgt, %jit3A_1396, %sign3A_1405 : i32
      %sign3A_1407 = arith.extui %sign3A_1406 : i1 to i32
      %sign3A_1408 = arith.constant 0 : i32
      %sign3A_1409 = arith.cmpi slt, %jit3A_1396, %sign3A_1408 : i32
      %sign3A_1410 = arith.extui %sign3A_1409 : i1 to i32
      %sign3A_1411 = arith.subi %sign3A_1407, %sign3A_1410 : i32
      %ne3A_1412 = arith.cmpi ne, %sign3A_1404, %sign3A_1411 : i32
      %rem3A_1413 = arith.remsi %add3A_1377, %jit3A_1396 : i32
      %ne3A_1414 = arith.constant 0 : i32
      %ne3A_1415 = arith.cmpi ne, %rem3A_1413, %ne3A_1414 : i32
      %and3A_1416 = arith.andi %ne3A_1412, %ne3A_1415 : i1
      %sub3A_1417 = arith.constant 1 : i32
      %sub3A_1418 = arith.subi %div3A_1397, %sub3A_1417 : i32
      %select_n3A_1419 = arith.select %and3A_1416, %sub3A_1418, %div3A_1397 : i32
      %jit3A_1420 = arith.constant 8 : i32
      %eq3A_1421 = arith.constant 0 : i32
      %eq3A_1422 = arith.cmpi eq, %jit3A_1420, %eq3A_1421 : i32
      %jit3A_1423 = arith.constant 1 : i32
      %select_n3A_1424 = arith.select %eq3A_1422, %jit3A_1423, %jit3A_1420 : i32
      %rem3A_1425 = arith.remsi %add3A_1377, %select_n3A_1424 : i32
      %ne3A_1426 = arith.constant 0 : i32
      %ne3A_1427 = arith.cmpi ne, %rem3A_1425, %ne3A_1426 : i32
      %lt3A_1428 = arith.constant 0 : i32
      %lt3A_1429 = arith.cmpi slt, %rem3A_1425, %lt3A_1428 : i32
      %lt3A_1430 = arith.constant 0 : i32
      %lt3A_1431 = arith.cmpi slt, %select_n3A_1424, %lt3A_1430 : i32
      %ne3A_1432 = arith.xori %lt3A_1429, %lt3A_1431 : i1
      %and3A_1433 = arith.andi %ne3A_1432, %ne3A_1427 : i1
      %add3A_1434 = arith.addi %rem3A_1425, %select_n3A_1424 : i32
      %select_n3A_1435 = arith.select %and3A_1433, %add3A_1434, %rem3A_1425 : i32
      %mul3A_1436 = arith.constant 128 : i32
      %mul3A_1437 = arith.muli %select_n3A_1435, %mul3A_1436 : i32
      %dma_wait3A_1438 = arith.constant 1 : i32
      %dma_wait3A_1439 = arith.constant 0 : i32
      %dma_wait3A_1440 = arith.constant 0 : i32
      %dma_wait3A_1441 = tpu.memref_slice %arg7[%dma_wait3A_1438, %dma_wait3A_1439, %dma_wait3A_1440] : memref<2x128x257xf32, #tpu.memory_space<vmem>> -> memref<1x128x256xf32, #tpu.memory_space<vmem>>
      %dma_wait3A_1442 = tpu.memref_squeeze %dma_wait3A_1441 : memref<1x128x256xf32, #tpu.memory_space<vmem>> -> memref<128x256xf32, #tpu.memory_space<vmem>>
      %dma_wait3A_1443 = tpu.memref_slice %arg4[%select_n3A_1419, %mul3A_1437, %mul3A_1395] : memref<16x1024x2048xf32, #tpu.memory_space<hbm>> -> memref<1x128x256xf32, #tpu.memory_space<hbm>>
      %dma_wait3A_1444 = tpu.memref_squeeze %dma_wait3A_1443 : memref<1x128x256xf32, #tpu.memory_space<hbm>> -> memref<128x256xf32, #tpu.memory_space<hbm>>
      %dma_wait3A_1445 = tpu.memref_slice %arg4[%select_n3A_1419, %mul3A_1437, %mul3A_1395] : memref<16x1024x2048xf32, #tpu.memory_space<hbm>> -> memref<1x128x256xf32, #tpu.memory_space<hbm>>
      %dma_wait3A_1446 = tpu.memref_squeeze %dma_wait3A_1445 : memref<1x128x256xf32, #tpu.memory_space<hbm>> -> memref<128x256xf32, #tpu.memory_space<hbm>>
      %dma_wait3A_1447 = arith.constant 0 : i32
      %dma_wait3A_1448 = arith.constant 0 : i32
      %dma_wait3A_1449 = tpu.memref_slice %arg7[%dma_wait3A_1438, %dma_wait3A_1447, %dma_wait3A_1448] : memref<2x128x257xf32, #tpu.memory_space<vmem>> -> memref<1x128x256xf32, #tpu.memory_space<vmem>>
      %dma_wait3A_1450 = tpu.memref_squeeze %dma_wait3A_1449 : memref<1x128x256xf32, #tpu.memory_space<vmem>> -> memref<128x256xf32, #tpu.memory_space<vmem>>
      tpu.wait_dma2 semaphore(%arg11 : memref<!tpu.dma_semaphore, #tpu.memory_space<semaphore_mem>>) src(%dma_wait3A_1450 : memref<128x256xf32, #tpu.memory_space<vmem>>) dst(%dma_wait3A_1446 : memref<128x256xf32, #tpu.memory_space<hbm>>)
      %parallel_loop3A_1451 = arith.constant 0 : i32
      %parallel_loop3A_1452 = arith.constant 128 : i32
      %parallel_loop3A_1453 = arith.constant 1 : i32
      %parallel_loop3A_1454 = arith.constant 0 : i32
      %parallel_loop3A_1455 = arith.constant 1 : i32
      scf.for %parallel_loop3A_1656 = %parallel_loop3A_1451 to %parallel_loop3A_1452 step %parallel_loop3A_1453  : i32 {
        %parallel_loop3A_1657 = arith.constant 0 : i32
        %parallel_loop3A_1658 = arith.addi %parallel_loop3A_1656, %parallel_loop3A_1657 : i32
        %parallel_loop3A_1659 = vector.broadcast %parallel_loop3A_1658 : i32 to vector<16xi32>
        %parallel_loop3A_1660 = arith.constant 0 : i32
        %parallel_loop3A_1661 = arith.constant 0 : i32
        %parallel_loop3A_1662 = tpu.memref_slice %arg6[%parallel_loop3A_1454, %parallel_loop3A_1660, %parallel_loop3A_1661] : memref<2x128x128xf32, #tpu.memory_space<vmem>> -> memref<1x128x128xf32, #tpu.memory_space<vmem>>
        %parallel_loop3A_1663 = tpu.memref_squeeze %parallel_loop3A_1662 : memref<1x128x128xf32, #tpu.memory_space<vmem>> -> memref<128x128xf32, #tpu.memory_space<vmem>>
        %parallel_loop3A_1664 = arith.index_cast %parallel_loop3A_1656 : i32 to index
        %parallel_loop3A_1665 = arith.constant 0 : index
        %parallel_loop3A_1666 = tpu.vector_load %parallel_loop3A_1663[%parallel_loop3A_1664, %parallel_loop3A_1665] {strides = array<i32>} : memref<128x128xf32, #tpu.memory_space<vmem>>, vector<16xf32>,
        %parallel_loop3A_1667 = arith.constant 0 : i32
        %parallel_loop3A_1668 = arith.constant 0 : i32
        %parallel_loop3A_1669 = tpu.memref_slice %arg6[%parallel_loop3A_1454, %parallel_loop3A_1667, %parallel_loop3A_1668] : memref<2x128x128xf32, #tpu.memory_space<vmem>> -> memref<1x128x128xf32, #tpu.memory_space<vmem>>
        %parallel_loop3A_1670 = tpu.memref_squeeze %parallel_loop3A_1669 : memref<1x128x128xf32, #tpu.memory_space<vmem>> -> memref<128x128xf32, #tpu.memory_space<vmem>>
        %parallel_loop3A_1671 = arith.index_cast %parallel_loop3A_1656 : i32 to index
        %parallel_loop3A_1672 = arith.constant 16 : index
        %parallel_loop3A_1673 = tpu.vector_load %parallel_loop3A_1670[%parallel_loop3A_1671, %parallel_loop3A_1672] {strides = array<i32>} : memref<128x128xf32, #tpu.memory_space<vmem>>, vector<16xf32>,
        %parallel_loop3A_1674 = arith.constant 0 : i32
        %parallel_loop3A_1675 = arith.constant 0 : i32
        %parallel_loop3A_1676 = tpu.memref_slice %arg6[%parallel_loop3A_1454, %parallel_loop3A_1674, %parallel_loop3A_1675] : memref<2x128x128xf32, #tpu.memory_space<vmem>> -> memref<1x128x128xf32, #tpu.memory_space<vmem>>
        %parallel_loop3A_1677 = tpu.memref_squeeze %parallel_loop3A_1676 : memref<1x128x128xf32, #tpu.memory_space<vmem>> -> memref<128x128xf32, #tpu.memory_space<vmem>>
        %parallel_loop3A_1678 = arith.index_cast %parallel_loop3A_1656 : i32 to index
        %parallel_loop3A_1679 = arith.constant 32 : index
        %parallel_loop3A_1680 = tpu.vector_load %parallel_loop3A_1677[%parallel_loop3A_1678, %parallel_loop3A_1679] {strides = array<i32>} : memref<128x128xf32, #tpu.memory_space<vmem>>, vector<16xf32>,
        %parallel_loop3A_1681 = arith.constant 0 : i32
        %parallel_loop3A_1682 = arith.constant 0 : i32
        %parallel_loop3A_1683 = tpu.memref_slice %arg6[%parallel_loop3A_1454, %parallel_loop3A_1681, %parallel_loop3A_1682] : memref<2x128x128xf32, #tpu.memory_space<vmem>> -> memref<1x128x128xf32, #tpu.memory_space<vmem>>
        %parallel_loop3A_1684 = tpu.memref_squeeze %parallel_loop3A_1683 : memref<1x128x128xf32, #tpu.memory_space<vmem>> -> memref<128x128xf32, #tpu.memory_space<vmem>>
        %parallel_loop3A_1685 = arith.index_cast %parallel_loop3A_1656 : i32 to index
        %parallel_loop3A_1686 = arith.constant 48 : index
        %parallel_loop3A_1687 = tpu.vector_load %parallel_loop3A_1684[%parallel_loop3A_1685, %parallel_loop3A_1686] {strides = array<i32>} : memref<128x128xf32, #tpu.memory_space<vmem>>, vector<16xf32>,
        %parallel_loop3A_1688 = arith.constant 0 : i32
        %parallel_loop3A_1689 = arith.constant 0 : i32
        %parallel_loop3A_1690 = tpu.memref_slice %arg6[%parallel_loop3A_1454, %parallel_loop3A_1688, %parallel_loop3A_1689] : memref<2x128x128xf32, #tpu.memory_space<vmem>> -> memref<1x128x128xf32, #tpu.memory_space<vmem>>
        %parallel_loop3A_1691 = tpu.memref_squeeze %parallel_loop3A_1690 : memref<1x128x128xf32, #tpu.memory_space<vmem>> -> memref<128x128xf32, #tpu.memory_space<vmem>>
        %parallel_loop3A_1692 = arith.index_cast %parallel_loop3A_1656 : i32 to index
        %parallel_loop3A_1693 = arith.constant 64 : index
        %parallel_loop3A_1694 = tpu.vector_load %parallel_loop3A_1691[%parallel_loop3A_1692, %parallel_loop3A_1693] {strides = array<i32>} : memref<128x128xf32, #tpu.memory_space<vmem>>, vector<16xf32>,
        %parallel_loop3A_1695 = arith.constant 0 : i32
        %parallel_loop3A_1696 = arith.constant 0 : i32
        %parallel_loop3A_1697 = tpu.memref_slice %arg6[%parallel_loop3A_1454, %parallel_loop3A_1695, %parallel_loop3A_1696] : memref<2x128x128xf32, #tpu.memory_space<vmem>> -> memref<1x128x128xf32, #tpu.memory_space<vmem>>
        %parallel_loop3A_1698 = tpu.memref_squeeze %parallel_loop3A_1697 : memref<1x128x128xf32, #tpu.memory_space<vmem>> -> memref<128x128xf32, #tpu.memory_space<vmem>>
        %parallel_loop3A_1699 = arith.index_cast %parallel_loop3A_1656 : i32 to index
        %parallel_loop3A_1700 = arith.constant 80 : index
        %parallel_loop3A_1701 = tpu.vector_load %parallel_loop3A_1698[%parallel_loop3A_1699, %parallel_loop3A_1700] {strides = array<i32>} : memref<128x128xf32, #tpu.memory_space<vmem>>, vector<16xf32>,
        %parallel_loop3A_1702 = arith.constant 0 : i32
        %parallel_loop3A_1703 = arith.constant 0 : i32
        %parallel_loop3A_1704 = tpu.memref_slice %arg6[%parallel_loop3A_1454, %parallel_loop3A_1702, %parallel_loop3A_1703] : memref<2x128x128xf32, #tpu.memory_space<vmem>> -> memref<1x128x128xf32, #tpu.memory_space<vmem>>
        %parallel_loop3A_1705 = tpu.memref_squeeze %parallel_loop3A_1704 : memref<1x128x128xf32, #tpu.memory_space<vmem>> -> memref<128x128xf32, #tpu.memory_space<vmem>>
        %parallel_loop3A_1706 = arith.index_cast %parallel_loop3A_1656 : i32 to index
        %parallel_loop3A_1707 = arith.constant 96 : index
        %parallel_loop3A_1708 = tpu.vector_load %parallel_loop3A_1705[%parallel_loop3A_1706, %parallel_loop3A_1707] {strides = array<i32>} : memref<128x128xf32, #tpu.memory_space<vmem>>, vector<16xf32>,
        %parallel_loop3A_1709 = arith.constant 0 : i32
        %parallel_loop3A_1710 = arith.constant 0 : i32
        %parallel_loop3A_1711 = tpu.memref_slice %arg6[%parallel_loop3A_1454, %parallel_loop3A_1709, %parallel_loop3A_1710] : memref<2x128x128xf32, #tpu.memory_space<vmem>> -> memref<1x128x128xf32, #tpu.memory_space<vmem>>
        %parallel_loop3A_1712 = tpu.memref_squeeze %parallel_loop3A_1711 : memref<1x128x128xf32, #tpu.memory_space<vmem>> -> memref<128x128xf32, #tpu.memory_space<vmem>>
        %parallel_loop3A_1713 = arith.index_cast %parallel_loop3A_1656 : i32 to index
        %parallel_loop3A_1714 = arith.constant 112 : index
        %parallel_loop3A_1715 = tpu.vector_load %parallel_loop3A_1712[%parallel_loop3A_1713, %parallel_loop3A_1714] {strides = array<i32>} : memref<128x128xf32, #tpu.memory_space<vmem>>, vector<16xf32>,
        %parallel_loop3A_1716 = arith.constant 0 : i32
        %parallel_loop3A_1717 = vector.broadcast %parallel_loop3A_1716 : i32 to vector<16xi32>
        %parallel_loop3A_1718 = arith.addi %parallel_loop3A_1717, %iota3A : vector<16xi32>
        %parallel_loop3A_1719 = arith.constant 0 : i32
        %parallel_loop3A_1720 = arith.constant 0 : i32
        %parallel_loop3A_1721 = tpu.memref_slice %arg7[%parallel_loop3A_1455, %parallel_loop3A_1719, %parallel_loop3A_1720] : memref<2x128x257xf32, #tpu.memory_space<vmem>> -> memref<1x128x257xf32, #tpu.memory_space<vmem>>
        %parallel_loop3A_1722 = tpu.memref_squeeze %parallel_loop3A_1721 : memref<1x128x257xf32, #tpu.memory_space<vmem>> -> memref<128x257xf32, #tpu.memory_space<vmem>>
        tpu.vector_store_idx %parallel_loop3A_1722[%parallel_loop3A_1718, %parallel_loop3A_1659], %parallel_loop3A_1666 : memref<128x257xf32, #tpu.memory_space<vmem>>[vector<16xi32>, vector<16xi32>], vector<16xf32>,
        %parallel_loop3A_1723 = arith.constant 16 : i32
        %parallel_loop3A_1724 = vector.broadcast %parallel_loop3A_1723 : i32 to vector<16xi32>
        %parallel_loop3A_1725 = arith.addi %parallel_loop3A_1724, %iota3A : vector<16xi32>
        %parallel_loop3A_1726 = arith.constant 0 : i32
        %parallel_loop3A_1727 = arith.constant 0 : i32
        %parallel_loop3A_1728 = tpu.memref_slice %arg7[%parallel_loop3A_1455, %parallel_loop3A_1726, %parallel_loop3A_1727] : memref<2x128x257xf32, #tpu.memory_space<vmem>> -> memref<1x128x257xf32, #tpu.memory_space<vmem>>
        %parallel_loop3A_1729 = tpu.memref_squeeze %parallel_loop3A_1728 : memref<1x128x257xf32, #tpu.memory_space<vmem>> -> memref<128x257xf32, #tpu.memory_space<vmem>>
        tpu.vector_store_idx %parallel_loop3A_1729[%parallel_loop3A_1725, %parallel_loop3A_1659], %parallel_loop3A_1673 : memref<128x257xf32, #tpu.memory_space<vmem>>[vector<16xi32>, vector<16xi32>], vector<16xf32>,
        %parallel_loop3A_1730 = arith.constant 32 : i32
        %parallel_loop3A_1731 = vector.broadcast %parallel_loop3A_1730 : i32 to vector<16xi32>
        %parallel_loop3A_1732 = arith.addi %parallel_loop3A_1731, %iota3A : vector<16xi32>
        %parallel_loop3A_1733 = arith.constant 0 : i32
        %parallel_loop3A_1734 = arith.constant 0 : i32
        %parallel_loop3A_1735 = tpu.memref_slice %arg7[%parallel_loop3A_1455, %parallel_loop3A_1733, %parallel_loop3A_1734] : memref<2x128x257xf32, #tpu.memory_space<vmem>> -> memref<1x128x257xf32, #tpu.memory_space<vmem>>
        %parallel_loop3A_1736 = tpu.memref_squeeze %parallel_loop3A_1735 : memref<1x128x257xf32, #tpu.memory_space<vmem>> -> memref<128x257xf32, #tpu.memory_space<vmem>>
        tpu.vector_store_idx %parallel_loop3A_1736[%parallel_loop3A_1732, %parallel_loop3A_1659], %parallel_loop3A_1680 : memref<128x257xf32, #tpu.memory_space<vmem>>[vector<16xi32>, vector<16xi32>], vector<16xf32>,
        %parallel_loop3A_1737 = arith.constant 48 : i32
        %parallel_loop3A_1738 = vector.broadcast %parallel_loop3A_1737 : i32 to vector<16xi32>
        %parallel_loop3A_1739 = arith.addi %parallel_loop3A_1738, %iota3A : vector<16xi32>
        %parallel_loop3A_1740 = arith.constant 0 : i32
        %parallel_loop3A_1741 = arith.constant 0 : i32
        %parallel_loop3A_1742 = tpu.memref_slice %arg7[%parallel_loop3A_1455, %parallel_loop3A_1740, %parallel_loop3A_1741] : memref<2x128x257xf32, #tpu.memory_space<vmem>> -> memref<1x128x257xf32, #tpu.memory_space<vmem>>
        %parallel_loop3A_1743 = tpu.memref_squeeze %parallel_loop3A_1742 : memref<1x128x257xf32, #tpu.memory_space<vmem>> -> memref<128x257xf32, #tpu.memory_space<vmem>>
        tpu.vector_store_idx %parallel_loop3A_1743[%parallel_loop3A_1739, %parallel_loop3A_1659], %parallel_loop3A_1687 : memref<128x257xf32, #tpu.memory_space<vmem>>[vector<16xi32>, vector<16xi32>], vector<16xf32>,
        %parallel_loop3A_1744 = arith.constant 64 : i32
        %parallel_loop3A_1745 = vector.broadcast %parallel_loop3A_1744 : i32 to vector<16xi32>
        %parallel_loop3A_1746 = arith.addi %parallel_loop3A_1745, %iota3A : vector<16xi32>
        %parallel_loop3A_1747 = arith.constant 0 : i32
        %parallel_loop3A_1748 = arith.constant 0 : i32
        %parallel_loop3A_1749 = tpu.memref_slice %arg7[%parallel_loop3A_1455, %parallel_loop3A_1747, %parallel_loop3A_1748] : memref<2x128x257xf32, #tpu.memory_space<vmem>> -> memref<1x128x257xf32, #tpu.memory_space<vmem>>
        %parallel_loop3A_1750 = tpu.memref_squeeze %parallel_loop3A_1749 : memref<1x128x257xf32, #tpu.memory_space<vmem>> -> memref<128x257xf32, #tpu.memory_space<vmem>>
        tpu.vector_store_idx %parallel_loop3A_1750[%parallel_loop3A_1746, %parallel_loop3A_1659], %parallel_loop3A_1694 : memref<128x257xf32, #tpu.memory_space<vmem>>[vector<16xi32>, vector<16xi32>], vector<16xf32>,
        %parallel_loop3A_1751 = arith.constant 80 : i32
        %parallel_loop3A_1752 = vector.broadcast %parallel_loop3A_1751 : i32 to vector<16xi32>
        %parallel_loop3A_1753 = arith.addi %parallel_loop3A_1752, %iota3A : vector<16xi32>
        %parallel_loop3A_1754 = arith.constant 0 : i32
        %parallel_loop3A_1755 = arith.constant 0 : i32
        %parallel_loop3A_1756 = tpu.memref_slice %arg7[%parallel_loop3A_1455, %parallel_loop3A_1754, %parallel_loop3A_1755] : memref<2x128x257xf32, #tpu.memory_space<vmem>> -> memref<1x128x257xf32, #tpu.memory_space<vmem>>
        %parallel_loop3A_1757 = tpu.memref_squeeze %parallel_loop3A_1756 : memref<1x128x257xf32, #tpu.memory_space<vmem>> -> memref<128x257xf32, #tpu.memory_space<vmem>>
        tpu.vector_store_idx %parallel_loop3A_1757[%parallel_loop3A_1753, %parallel_loop3A_1659], %parallel_loop3A_1701 : memref<128x257xf32, #tpu.memory_space<vmem>>[vector<16xi32>, vector<16xi32>], vector<16xf32>,
        %parallel_loop3A_1758 = arith.constant 96 : i32
        %parallel_loop3A_1759 = vector.broadcast %parallel_loop3A_1758 : i32 to vector<16xi32>
        %parallel_loop3A_1760 = arith.addi %parallel_loop3A_1759, %iota3A : vector<16xi32>
        %parallel_loop3A_1761 = arith.constant 0 : i32
        %parallel_loop3A_1762 = arith.constant 0 : i32
        %parallel_loop3A_1763 = tpu.memref_slice %arg7[%parallel_loop3A_1455, %parallel_loop3A_1761, %parallel_loop3A_1762] : memref<2x128x257xf32, #tpu.memory_space<vmem>> -> memref<1x128x257xf32, #tpu.memory_space<vmem>>
        %parallel_loop3A_1764 = tpu.memref_squeeze %parallel_loop3A_1763 : memref<1x128x257xf32, #tpu.memory_space<vmem>> -> memref<128x257xf32, #tpu.memory_space<vmem>>
        tpu.vector_store_idx %parallel_loop3A_1764[%parallel_loop3A_1760, %parallel_loop3A_1659], %parallel_loop3A_1708 : memref<128x257xf32, #tpu.memory_space<vmem>>[vector<16xi32>, vector<16xi32>], vector<16xf32>,
        %parallel_loop3A_1765 = arith.constant 112 : i32
        %parallel_loop3A_1766 = vector.broadcast %parallel_loop3A_1765 : i32 to vector<16xi32>
        %parallel_loop3A_1767 = arith.addi %parallel_loop3A_1766, %iota3A : vector<16xi32>
        %parallel_loop3A_1768 = arith.constant 0 : i32
        %parallel_loop3A_1769 = arith.constant 0 : i32
        %parallel_loop3A_1770 = tpu.memref_slice %arg7[%parallel_loop3A_1455, %parallel_loop3A_1768, %parallel_loop3A_1769] : memref<2x128x257xf32, #tpu.memory_space<vmem>> -> memref<1x128x257xf32, #tpu.memory_space<vmem>>
        %parallel_loop3A_1771 = tpu.memref_squeeze %parallel_loop3A_1770 : memref<1x128x257xf32, #tpu.memory_space<vmem>> -> memref<128x257xf32, #tpu.memory_space<vmem>>
        tpu.vector_store_idx %parallel_loop3A_1771[%parallel_loop3A_1767, %parallel_loop3A_1659], %parallel_loop3A_1715 : memref<128x257xf32, #tpu.memory_space<vmem>>[vector<16xi32>, vector<16xi32>], vector<16xf32>,
      } {sc.loop_unroll_factor = 2 : i64, sc.parallel_access}
      %add3A_1456 = arith.constant 3 : i32
      %add3A_1457 = arith.addi %mul3A_854, %add3A_1456 : i32
      %jit3A_1458 = arith.constant 2 : i32
      %div3A_1459 = arith.divsi %add3A_1457, %jit3A_1458 : i32
      %sign3A_1460 = arith.constant 0 : i32
      %sign3A_1461 = arith.cmpi sgt, %add3A_1457, %sign3A_1460 : i32
      %sign3A_1462 = arith.extui %sign3A_1461 : i1 to i32
      %sign3A_1463 = arith.constant 0 : i32
      %sign3A_1464 = arith.cmpi slt, %add3A_1457, %sign3A_1463 : i32
      %sign3A_1465 = arith.extui %sign3A_1464 : i1 to i32
      %sign3A_1466 = arith.subi %sign3A_1462, %sign3A_1465 : i32
      %sign3A_1467 = arith.constant 0 : i32
      %sign3A_1468 = arith.cmpi sgt, %jit3A_1458, %sign3A_1467 : i32
      %sign3A_1469 = arith.extui %sign3A_1468 : i1 to i32
      %sign3A_1470 = arith.constant 0 : i32
      %sign3A_1471 = arith.cmpi slt, %jit3A_1458, %sign3A_1470 : i32
      %sign3A_1472 = arith.extui %sign3A_1471 : i1 to i32
      %sign3A_1473 = arith.subi %sign3A_1469, %sign3A_1472 : i32
      %ne3A_1474 = arith.cmpi ne, %sign3A_1466, %sign3A_1473 : i32
      %rem3A_1475 = arith.remsi %add3A_1457, %jit3A_1458 : i32
      %ne3A_1476 = arith.constant 0 : i32
      %ne3A_1477 = arith.cmpi ne, %rem3A_1475, %ne3A_1476 : i32
      %and3A_1478 = arith.andi %ne3A_1474, %ne3A_1477 : i1
      %sub3A_1479 = arith.constant 1 : i32
      %sub3A_1480 = arith.subi %div3A_1459, %sub3A_1479 : i32
      %select_n3A_1481 = arith.select %and3A_1478, %sub3A_1480, %div3A_1459 : i32
      %dma_wait3A_1482 = arith.constant 0 : i32
      %dma_wait3A_1483 = arith.constant 0 : i32
      %dma_wait3A_1484 = arith.constant 1 : i32
      %dma_wait3A_1485 = arith.constant 0 : i32
      %dma_wait3A_1486 = arith.constant 0 : i32
      %dma_wait3A_1487 = tpu.memref_slice %arg6[%dma_wait3A_1484, %dma_wait3A_1485, %dma_wait3A_1486] : memref<2x128x128xf32, #tpu.memory_space<vmem>> -> memref<1x128x128xf32, #tpu.memory_space<vmem>>
      %dma_wait3A_1488 = tpu.memref_squeeze %dma_wait3A_1487 : memref<1x128x128xf32, #tpu.memory_space<vmem>> -> memref<128x128xf32, #tpu.memory_space<vmem>>
      %dma_wait3A_1489 = arith.constant 0 : i32
      %dma_wait3A_1490 = tpu.memref_slice %arg5[%dma_wait3A_1482, %dma_wait3A_1483, %dma_wait3A_1489] : memref<4x16x128xi32, #tpu.memory_space<vmem>> -> memref<1x1x128xi32, #tpu.memory_space<vmem>>
      %dma_wait3A_1491 = tpu.memref_squeeze %dma_wait3A_1490 : memref<1x1x128xi32, #tpu.memory_space<vmem>> -> memref<128xi32, #tpu.memory_space<vmem>>
      %dma_wait3A_1492 = arith.constant 0 : i32
      %dma_wait3A_1493 = arith.constant 0 : i32
      %dma_wait3A_1494 = tpu.memref_slice %arg3[%dma_wait3A_1492, %dma_wait3A_1493] : memref<8192x128xf32, #tpu.memory_space<hbm>> -> memref<8192x128xf32, #tpu.memory_space<hbm>>
      tpu.wait_indirect_dma semaphore(%arg9 : memref<!tpu.dma_semaphore, #tpu.memory_space<semaphore_mem>>) src(%dma_wait3A_1494 : memref<8192x128xf32, #tpu.memory_space<hbm>>) dst(%dma_wait3A_1488 : memref<128x128xf32, #tpu.memory_space<vmem>>)
      %add3A_1495 = arith.constant 1 : i32
      %add3A_1496 = arith.addi %add3A_1457, %add3A_1495 : i32
      %jit3A_1497 = arith.constant 16 : i32
      %div3A_1498 = arith.divsi %add3A_1496, %jit3A_1497 : i32
      %sign3A_1499 = arith.constant 0 : i32
      %sign3A_1500 = arith.cmpi sgt, %add3A_1496, %sign3A_1499 : i32
      %sign3A_1501 = arith.extui %sign3A_1500 : i1 to i32
      %sign3A_1502 = arith.constant 0 : i32
      %sign3A_1503 = arith.cmpi slt, %add3A_1496, %sign3A_1502 : i32
      %sign3A_1504 = arith.extui %sign3A_1503 : i1 to i32
      %sign3A_1505 = arith.subi %sign3A_1501, %sign3A_1504 : i32
      %sign3A_1506 = arith.constant 0 : i32
      %sign3A_1507 = arith.cmpi sgt, %jit3A_1497, %sign3A_1506 : i32
      %sign3A_1508 = arith.extui %sign3A_1507 : i1 to i32
      %sign3A_1509 = arith.constant 0 : i32
      %sign3A_1510 = arith.cmpi slt, %jit3A_1497, %sign3A_1509 : i32
      %sign3A_1511 = arith.extui %sign3A_1510 : i1 to i32
      %sign3A_1512 = arith.subi %sign3A_1508, %sign3A_1511 : i32
      %ne3A_1513 = arith.cmpi ne, %sign3A_1505, %sign3A_1512 : i32
      %rem3A_1514 = arith.remsi %add3A_1496, %jit3A_1497 : i32
      %ne3A_1515 = arith.constant 0 : i32
      %ne3A_1516 = arith.cmpi ne, %rem3A_1514, %ne3A_1515 : i32
      %and3A_1517 = arith.andi %ne3A_1513, %ne3A_1516 : i1
      %sub3A_1518 = arith.constant 1 : i32
      %sub3A_1519 = arith.subi %div3A_1498, %sub3A_1518 : i32
      %select_n3A_1520 = arith.select %and3A_1517, %sub3A_1519, %div3A_1498 : i32
      %jit3A_1521 = arith.constant 16 : i32
      %eq3A_1522 = arith.constant 0 : i32
      %eq3A_1523 = arith.cmpi eq, %jit3A_1521, %eq3A_1522 : i32
      %jit3A_1524 = arith.constant 1 : i32
      %select_n3A_1525 = arith.select %eq3A_1523, %jit3A_1524, %jit3A_1521 : i32
      %rem3A_1526 = arith.remsi %add3A_1496, %select_n3A_1525 : i32
      %ne3A_1527 = arith.constant 0 : i32
      %ne3A_1528 = arith.cmpi ne, %rem3A_1526, %ne3A_1527 : i32
      %lt3A_1529 = arith.constant 0 : i32
      %lt3A_1530 = arith.cmpi slt, %rem3A_1526, %lt3A_1529 : i32
      %lt3A_1531 = arith.constant 0 : i32
      %lt3A_1532 = arith.cmpi slt, %select_n3A_1525, %lt3A_1531 : i32
      %ne3A_1533 = arith.xori %lt3A_1530, %lt3A_1532 : i1
      %and3A_1534 = arith.andi %ne3A_1533, %ne3A_1528 : i1
      %add3A_1535 = arith.addi %rem3A_1526, %select_n3A_1525 : i32
      %select_n3A_1536 = arith.select %and3A_1534, %add3A_1535, %rem3A_1526 : i32
      %dma_start3A_1537 = arith.constant 0 : i32
      %dma_start3A_1538 = arith.constant 0 : i32
      %dma_start3A_1539 = arith.constant 0 : i32
      %dma_start3A_1540 = tpu.memref_slice %arg6[%dma_start3A_1537, %dma_start3A_1538, %dma_start3A_1539] : memref<2x128x128xf32, #tpu.memory_space<vmem>> -> memref<1x128x128xf32, #tpu.memory_space<vmem>>
      %dma_start3A_1541 = tpu.memref_squeeze %dma_start3A_1540 : memref<1x128x128xf32, #tpu.memory_space<vmem>> -> memref<128x128xf32, #tpu.memory_space<vmem>>
      %dma_start3A_1542 = arith.constant 0 : i32
      %dma_start3A_1543 = tpu.memref_slice %arg5[%select_n3A_1520, %select_n3A_1536, %dma_start3A_1542] : memref<4x16x128xi32, #tpu.memory_space<vmem>> -> memref<1x1x128xi32, #tpu.memory_space<vmem>>
      %dma_start3A_1544 = tpu.memref_squeeze %dma_start3A_1543 : memref<1x1x128xi32, #tpu.memory_space<vmem>> -> memref<128xi32, #tpu.memory_space<vmem>>
      %dma_start3A_1545 = arith.constant 0 : i32
      %dma_start3A_1546 = arith.constant 0 : i32
      %dma_start3A_1547 = tpu.memref_slice %arg3[%dma_start3A_1545, %dma_start3A_1546] : memref<8192x128xf32, #tpu.memory_space<hbm>> -> memref<8192x128xf32, #tpu.memory_space<hbm>>
      tpu.enqueue_indirect_dma source(%dma_start3A_1547 : memref<8192x128xf32, #tpu.memory_space<hbm>>) target(%dma_start3A_1541 : memref<128x128xf32, #tpu.memory_space<vmem>>) offsets(%dma_start3A_1544 : memref<128xi32, #tpu.memory_space<vmem>>) semaphore(%arg8 : memref<!tpu.dma_semaphore, #tpu.memory_space<semaphore_mem>>)
      %parallel_loop3A_1548 = arith.constant 0 : i32
      %parallel_loop3A_1549 = arith.constant 128 : i32
      %parallel_loop3A_1550 = arith.constant 1 : i32
      %parallel_loop3A_1551 = arith.constant 1 : i32
      %parallel_loop3A_1552 = arith.constant 1 : i32
      scf.for %parallel_loop3A_1656 = %parallel_loop3A_1548 to %parallel_loop3A_1549 step %parallel_loop3A_1550  : i32 {
        %parallel_loop3A_1657 = arith.constant 128 : i32
        %parallel_loop3A_1658 = arith.addi %parallel_loop3A_1656, %parallel_loop3A_1657 : i32
        %parallel_loop3A_1659 = vector.broadcast %parallel_loop3A_1658 : i32 to vector<16xi32>
        %parallel_loop3A_1660 = arith.constant 0 : i32
        %parallel_loop3A_1661 = arith.constant 0 : i32
        %parallel_loop3A_1662 = tpu.memref_slice %arg6[%parallel_loop3A_1551, %parallel_loop3A_1660, %parallel_loop3A_1661] : memref<2x128x128xf32, #tpu.memory_space<vmem>> -> memref<1x128x128xf32, #tpu.memory_space<vmem>>
        %parallel_loop3A_1663 = tpu.memref_squeeze %parallel_loop3A_1662 : memref<1x128x128xf32, #tpu.memory_space<vmem>> -> memref<128x128xf32, #tpu.memory_space<vmem>>
        %parallel_loop3A_1664 = arith.index_cast %parallel_loop3A_1656 : i32 to index
        %parallel_loop3A_1665 = arith.constant 0 : index
        %parallel_loop3A_1666 = tpu.vector_load %parallel_loop3A_1663[%parallel_loop3A_1664, %parallel_loop3A_1665] {strides = array<i32>} : memref<128x128xf32, #tpu.memory_space<vmem>>, vector<16xf32>,
        %parallel_loop3A_1667 = arith.constant 0 : i32
        %parallel_loop3A_1668 = arith.constant 0 : i32
        %parallel_loop3A_1669 = tpu.memref_slice %arg6[%parallel_loop3A_1551, %parallel_loop3A_1667, %parallel_loop3A_1668] : memref<2x128x128xf32, #tpu.memory_space<vmem>> -> memref<1x128x128xf32, #tpu.memory_space<vmem>>
        %parallel_loop3A_1670 = tpu.memref_squeeze %parallel_loop3A_1669 : memref<1x128x128xf32, #tpu.memory_space<vmem>> -> memref<128x128xf32, #tpu.memory_space<vmem>>
        %parallel_loop3A_1671 = arith.index_cast %parallel_loop3A_1656 : i32 to index
        %parallel_loop3A_1672 = arith.constant 16 : index
        %parallel_loop3A_1673 = tpu.vector_load %parallel_loop3A_1670[%parallel_loop3A_1671, %parallel_loop3A_1672] {strides = array<i32>} : memref<128x128xf32, #tpu.memory_space<vmem>>, vector<16xf32>,
        %parallel_loop3A_1674 = arith.constant 0 : i32
        %parallel_loop3A_1675 = arith.constant 0 : i32
        %parallel_loop3A_1676 = tpu.memref_slice %arg6[%parallel_loop3A_1551, %parallel_loop3A_1674, %parallel_loop3A_1675] : memref<2x128x128xf32, #tpu.memory_space<vmem>> -> memref<1x128x128xf32, #tpu.memory_space<vmem>>
        %parallel_loop3A_1677 = tpu.memref_squeeze %parallel_loop3A_1676 : memref<1x128x128xf32, #tpu.memory_space<vmem>> -> memref<128x128xf32, #tpu.memory_space<vmem>>
        %parallel_loop3A_1678 = arith.index_cast %parallel_loop3A_1656 : i32 to index
        %parallel_loop3A_1679 = arith.constant 32 : index
        %parallel_loop3A_1680 = tpu.vector_load %parallel_loop3A_1677[%parallel_loop3A_1678, %parallel_loop3A_1679] {strides = array<i32>} : memref<128x128xf32, #tpu.memory_space<vmem>>, vector<16xf32>,
        %parallel_loop3A_1681 = arith.constant 0 : i32
        %parallel_loop3A_1682 = arith.constant 0 : i32
        %parallel_loop3A_1683 = tpu.memref_slice %arg6[%parallel_loop3A_1551, %parallel_loop3A_1681, %parallel_loop3A_1682] : memref<2x128x128xf32, #tpu.memory_space<vmem>> -> memref<1x128x128xf32, #tpu.memory_space<vmem>>
        %parallel_loop3A_1684 = tpu.memref_squeeze %parallel_loop3A_1683 : memref<1x128x128xf32, #tpu.memory_space<vmem>> -> memref<128x128xf32, #tpu.memory_space<vmem>>
        %parallel_loop3A_1685 = arith.index_cast %parallel_loop3A_1656 : i32 to index
        %parallel_loop3A_1686 = arith.constant 48 : index
        %parallel_loop3A_1687 = tpu.vector_load %parallel_loop3A_1684[%parallel_loop3A_1685, %parallel_loop3A_1686] {strides = array<i32>} : memref<128x128xf32, #tpu.memory_space<vmem>>, vector<16xf32>,
        %parallel_loop3A_1688 = arith.constant 0 : i32
        %parallel_loop3A_1689 = arith.constant 0 : i32
        %parallel_loop3A_1690 = tpu.memref_slice %arg6[%parallel_loop3A_1551, %parallel_loop3A_1688, %parallel_loop3A_1689] : memref<2x128x128xf32, #tpu.memory_space<vmem>> -> memref<1x128x128xf32, #tpu.memory_space<vmem>>
        %parallel_loop3A_1691 = tpu.memref_squeeze %parallel_loop3A_1690 : memref<1x128x128xf32, #tpu.memory_space<vmem>> -> memref<128x128xf32, #tpu.memory_space<vmem>>
        %parallel_loop3A_1692 = arith.index_cast %parallel_loop3A_1656 : i32 to index
        %parallel_loop3A_1693 = arith.constant 64 : index
        %parallel_loop3A_1694 = tpu.vector_load %parallel_loop3A_1691[%parallel_loop3A_1692, %parallel_loop3A_1693] {strides = array<i32>} : memref<128x128xf32, #tpu.memory_space<vmem>>, vector<16xf32>,
        %parallel_loop3A_1695 = arith.constant 0 : i32
        %parallel_loop3A_1696 = arith.constant 0 : i32
        %parallel_loop3A_1697 = tpu.memref_slice %arg6[%parallel_loop3A_1551, %parallel_loop3A_1695, %parallel_loop3A_1696] : memref<2x128x128xf32, #tpu.memory_space<vmem>> -> memref<1x128x128xf32, #tpu.memory_space<vmem>>
        %parallel_loop3A_1698 = tpu.memref_squeeze %parallel_loop3A_1697 : memref<1x128x128xf32, #tpu.memory_space<vmem>> -> memref<128x128xf32, #tpu.memory_space<vmem>>
        %parallel_loop3A_1699 = arith.index_cast %parallel_loop3A_1656 : i32 to index
        %parallel_loop3A_1700 = arith.constant 80 : index
        %parallel_loop3A_1701 = tpu.vector_load %parallel_loop3A_1698[%parallel_loop3A_1699, %parallel_loop3A_1700] {strides = array<i32>} : memref<128x128xf32, #tpu.memory_space<vmem>>, vector<16xf32>,
        %parallel_loop3A_1702 = arith.constant 0 : i32
        %parallel_loop3A_1703 = arith.constant 0 : i32
        %parallel_loop3A_1704 = tpu.memref_slice %arg6[%parallel_loop3A_1551, %parallel_loop3A_1702, %parallel_loop3A_1703] : memref<2x128x128xf32, #tpu.memory_space<vmem>> -> memref<1x128x128xf32, #tpu.memory_space<vmem>>
        %parallel_loop3A_1705 = tpu.memref_squeeze %parallel_loop3A_1704 : memref<1x128x128xf32, #tpu.memory_space<vmem>> -> memref<128x128xf32, #tpu.memory_space<vmem>>
        %parallel_loop3A_1706 = arith.index_cast %parallel_loop3A_1656 : i32 to index
        %parallel_loop3A_1707 = arith.constant 96 : index
        %parallel_loop3A_1708 = tpu.vector_load %parallel_loop3A_1705[%parallel_loop3A_1706, %parallel_loop3A_1707] {strides = array<i32>} : memref<128x128xf32, #tpu.memory_space<vmem>>, vector<16xf32>,
        %parallel_loop3A_1709 = arith.constant 0 : i32
        %parallel_loop3A_1710 = arith.constant 0 : i32
        %parallel_loop3A_1711 = tpu.memref_slice %arg6[%parallel_loop3A_1551, %parallel_loop3A_1709, %parallel_loop3A_1710] : memref<2x128x128xf32, #tpu.memory_space<vmem>> -> memref<1x128x128xf32, #tpu.memory_space<vmem>>
        %parallel_loop3A_1712 = tpu.memref_squeeze %parallel_loop3A_1711 : memref<1x128x128xf32, #tpu.memory_space<vmem>> -> memref<128x128xf32, #tpu.memory_space<vmem>>
        %parallel_loop3A_1713 = arith.index_cast %parallel_loop3A_1656 : i32 to index
        %parallel_loop3A_1714 = arith.constant 112 : index
        %parallel_loop3A_1715 = tpu.vector_load %parallel_loop3A_1712[%parallel_loop3A_1713, %parallel_loop3A_1714] {strides = array<i32>} : memref<128x128xf32, #tpu.memory_space<vmem>>, vector<16xf32>,
        %parallel_loop3A_1716 = arith.constant 0 : i32
        %parallel_loop3A_1717 = vector.broadcast %parallel_loop3A_1716 : i32 to vector<16xi32>
        %parallel_loop3A_1718 = arith.addi %parallel_loop3A_1717, %iota3A : vector<16xi32>
        %parallel_loop3A_1719 = arith.constant 0 : i32
        %parallel_loop3A_1720 = arith.constant 0 : i32
        %parallel_loop3A_1721 = tpu.memref_slice %arg7[%parallel_loop3A_1552, %parallel_loop3A_1719, %parallel_loop3A_1720] : memref<2x128x257xf32, #tpu.memory_space<vmem>> -> memref<1x128x257xf32, #tpu.memory_space<vmem>>
        %parallel_loop3A_1722 = tpu.memref_squeeze %parallel_loop3A_1721 : memref<1x128x257xf32, #tpu.memory_space<vmem>> -> memref<128x257xf32, #tpu.memory_space<vmem>>
        tpu.vector_store_idx %parallel_loop3A_1722[%parallel_loop3A_1718, %parallel_loop3A_1659], %parallel_loop3A_1666 : memref<128x257xf32, #tpu.memory_space<vmem>>[vector<16xi32>, vector<16xi32>], vector<16xf32>,
        %parallel_loop3A_1723 = arith.constant 16 : i32
        %parallel_loop3A_1724 = vector.broadcast %parallel_loop3A_1723 : i32 to vector<16xi32>
        %parallel_loop3A_1725 = arith.addi %parallel_loop3A_1724, %iota3A : vector<16xi32>
        %parallel_loop3A_1726 = arith.constant 0 : i32
        %parallel_loop3A_1727 = arith.constant 0 : i32
        %parallel_loop3A_1728 = tpu.memref_slice %arg7[%parallel_loop3A_1552, %parallel_loop3A_1726, %parallel_loop3A_1727] : memref<2x128x257xf32, #tpu.memory_space<vmem>> -> memref<1x128x257xf32, #tpu.memory_space<vmem>>
        %parallel_loop3A_1729 = tpu.memref_squeeze %parallel_loop3A_1728 : memref<1x128x257xf32, #tpu.memory_space<vmem>> -> memref<128x257xf32, #tpu.memory_space<vmem>>
        tpu.vector_store_idx %parallel_loop3A_1729[%parallel_loop3A_1725, %parallel_loop3A_1659], %parallel_loop3A_1673 : memref<128x257xf32, #tpu.memory_space<vmem>>[vector<16xi32>, vector<16xi32>], vector<16xf32>,
        %parallel_loop3A_1730 = arith.constant 32 : i32
        %parallel_loop3A_1731 = vector.broadcast %parallel_loop3A_1730 : i32 to vector<16xi32>
        %parallel_loop3A_1732 = arith.addi %parallel_loop3A_1731, %iota3A : vector<16xi32>
        %parallel_loop3A_1733 = arith.constant 0 : i32
        %parallel_loop3A_1734 = arith.constant 0 : i32
        %parallel_loop3A_1735 = tpu.memref_slice %arg7[%parallel_loop3A_1552, %parallel_loop3A_1733, %parallel_loop3A_1734] : memref<2x128x257xf32, #tpu.memory_space<vmem>> -> memref<1x128x257xf32, #tpu.memory_space<vmem>>
        %parallel_loop3A_1736 = tpu.memref_squeeze %parallel_loop3A_1735 : memref<1x128x257xf32, #tpu.memory_space<vmem>> -> memref<128x257xf32, #tpu.memory_space<vmem>>
        tpu.vector_store_idx %parallel_loop3A_1736[%parallel_loop3A_1732, %parallel_loop3A_1659], %parallel_loop3A_1680 : memref<128x257xf32, #tpu.memory_space<vmem>>[vector<16xi32>, vector<16xi32>], vector<16xf32>,
        %parallel_loop3A_1737 = arith.constant 48 : i32
        %parallel_loop3A_1738 = vector.broadcast %parallel_loop3A_1737 : i32 to vector<16xi32>
        %parallel_loop3A_1739 = arith.addi %parallel_loop3A_1738, %iota3A : vector<16xi32>
        %parallel_loop3A_1740 = arith.constant 0 : i32
        %parallel_loop3A_1741 = arith.constant 0 : i32
        %parallel_loop3A_1742 = tpu.memref_slice %arg7[%parallel_loop3A_1552, %parallel_loop3A_1740, %parallel_loop3A_1741] : memref<2x128x257xf32, #tpu.memory_space<vmem>> -> memref<1x128x257xf32, #tpu.memory_space<vmem>>
        %parallel_loop3A_1743 = tpu.memref_squeeze %parallel_loop3A_1742 : memref<1x128x257xf32, #tpu.memory_space<vmem>> -> memref<128x257xf32, #tpu.memory_space<vmem>>
        tpu.vector_store_idx %parallel_loop3A_1743[%parallel_loop3A_1739, %parallel_loop3A_1659], %parallel_loop3A_1687 : memref<128x257xf32, #tpu.memory_space<vmem>>[vector<16xi32>, vector<16xi32>], vector<16xf32>,
        %parallel_loop3A_1744 = arith.constant 64 : i32
        %parallel_loop3A_1745 = vector.broadcast %parallel_loop3A_1744 : i32 to vector<16xi32>
        %parallel_loop3A_1746 = arith.addi %parallel_loop3A_1745, %iota3A : vector<16xi32>
        %parallel_loop3A_1747 = arith.constant 0 : i32
        %parallel_loop3A_1748 = arith.constant 0 : i32
        %parallel_loop3A_1749 = tpu.memref_slice %arg7[%parallel_loop3A_1552, %parallel_loop3A_1747, %parallel_loop3A_1748] : memref<2x128x257xf32, #tpu.memory_space<vmem>> -> memref<1x128x257xf32, #tpu.memory_space<vmem>>
        %parallel_loop3A_1750 = tpu.memref_squeeze %parallel_loop3A_1749 : memref<1x128x257xf32, #tpu.memory_space<vmem>> -> memref<128x257xf32, #tpu.memory_space<vmem>>
        tpu.vector_store_idx %parallel_loop3A_1750[%parallel_loop3A_1746, %parallel_loop3A_1659], %parallel_loop3A_1694 : memref<128x257xf32, #tpu.memory_space<vmem>>[vector<16xi32>, vector<16xi32>], vector<16xf32>,
        %parallel_loop3A_1751 = arith.constant 80 : i32
        %parallel_loop3A_1752 = vector.broadcast %parallel_loop3A_1751 : i32 to vector<16xi32>
        %parallel_loop3A_1753 = arith.addi %parallel_loop3A_1752, %iota3A : vector<16xi32>
        %parallel_loop3A_1754 = arith.constant 0 : i32
        %parallel_loop3A_1755 = arith.constant 0 : i32
        %parallel_loop3A_1756 = tpu.memref_slice %arg7[%parallel_loop3A_1552, %parallel_loop3A_1754, %parallel_loop3A_1755] : memref<2x128x257xf32, #tpu.memory_space<vmem>> -> memref<1x128x257xf32, #tpu.memory_space<vmem>>
        %parallel_loop3A_1757 = tpu.memref_squeeze %parallel_loop3A_1756 : memref<1x128x257xf32, #tpu.memory_space<vmem>> -> memref<128x257xf32, #tpu.memory_space<vmem>>
        tpu.vector_store_idx %parallel_loop3A_1757[%parallel_loop3A_1753, %parallel_loop3A_1659], %parallel_loop3A_1701 : memref<128x257xf32, #tpu.memory_space<vmem>>[vector<16xi32>, vector<16xi32>], vector<16xf32>,
        %parallel_loop3A_1758 = arith.constant 96 : i32
        %parallel_loop3A_1759 = vector.broadcast %parallel_loop3A_1758 : i32 to vector<16xi32>
        %parallel_loop3A_1760 = arith.addi %parallel_loop3A_1759, %iota3A : vector<16xi32>
        %parallel_loop3A_1761 = arith.constant 0 : i32
        %parallel_loop3A_1762 = arith.constant 0 : i32
        %parallel_loop3A_1763 = tpu.memref_slice %arg7[%parallel_loop3A_1552, %parallel_loop3A_1761, %parallel_loop3A_1762] : memref<2x128x257xf32, #tpu.memory_space<vmem>> -> memref<1x128x257xf32, #tpu.memory_space<vmem>>
        %parallel_loop3A_1764 = tpu.memref_squeeze %parallel_loop3A_1763 : memref<1x128x257xf32, #tpu.memory_space<vmem>> -> memref<128x257xf32, #tpu.memory_space<vmem>>
        tpu.vector_store_idx %parallel_loop3A_1764[%parallel_loop3A_1760, %parallel_loop3A_1659], %parallel_loop3A_1708 : memref<128x257xf32, #tpu.memory_space<vmem>>[vector<16xi32>, vector<16xi32>], vector<16xf32>,
        %parallel_loop3A_1765 = arith.constant 112 : i32
        %parallel_loop3A_1766 = vector.broadcast %parallel_loop3A_1765 : i32 to vector<16xi32>
        %parallel_loop3A_1767 = arith.addi %parallel_loop3A_1766, %iota3A : vector<16xi32>
        %parallel_loop3A_1768 = arith.constant 0 : i32
        %parallel_loop3A_1769 = arith.constant 0 : i32
        %parallel_loop3A_1770 = tpu.memref_slice %arg7[%parallel_loop3A_1552, %parallel_loop3A_1768, %parallel_loop3A_1769] : memref<2x128x257xf32, #tpu.memory_space<vmem>> -> memref<1x128x257xf32, #tpu.memory_space<vmem>>
        %parallel_loop3A_1771 = tpu.memref_squeeze %parallel_loop3A_1770 : memref<1x128x257xf32, #tpu.memory_space<vmem>> -> memref<128x257xf32, #tpu.memory_space<vmem>>
        tpu.vector_store_idx %parallel_loop3A_1771[%parallel_loop3A_1767, %parallel_loop3A_1659], %parallel_loop3A_1715 : memref<128x257xf32, #tpu.memory_space<vmem>>[vector<16xi32>, vector<16xi32>], vector<16xf32>,
      } {sc.loop_unroll_factor = 2 : i64, sc.parallel_access}
      %mul3A_1553 = arith.constant 2 : i32
      %mul3A_1554 = arith.muli %select_n3A_1481, %mul3A_1553 : i32
      %mul3A_1555 = arith.constant 4 : i32
      %mul3A_1556 = arith.muli %add3A, %mul3A_1555 : i32
      %jit3A_1557 = arith.constant 16 : i32
      %div3A_1558 = arith.divsi %mul3A_1554, %jit3A_1557 : i32
      %sign3A_1559 = arith.constant 0 : i32
      %sign3A_1560 = arith.cmpi sgt, %mul3A_1554, %sign3A_1559 : i32
      %sign3A_1561 = arith.extui %sign3A_1560 : i1 to i32
      %sign3A_1562 = arith.constant 0 : i32
      %sign3A_1563 = arith.cmpi slt, %mul3A_1554, %sign3A_1562 : i32
      %sign3A_1564 = arith.extui %sign3A_1563 : i1 to i32
      %sign3A_1565 = arith.subi %sign3A_1561, %sign3A_1564 : i32
      %sign3A_1566 = arith.constant 0 : i32
      %sign3A_1567 = arith.cmpi sgt, %jit3A_1557, %sign3A_1566 : i32
      %sign3A_1568 = arith.extui %sign3A_1567 : i1 to i32
      %sign3A_1569 = arith.constant 0 : i32
      %sign3A_1570 = arith.cmpi slt, %jit3A_1557, %sign3A_1569 : i32
      %sign3A_1571 = arith.extui %sign3A_1570 : i1 to i32
      %sign3A_1572 = arith.subi %sign3A_1568, %sign3A_1571 : i32
      %ne3A_1573 = arith.cmpi ne, %sign3A_1565, %sign3A_1572 : i32
      %rem3A_1574 = arith.remsi %mul3A_1554, %jit3A_1557 : i32
      %ne3A_1575 = arith.constant 0 : i32
      %ne3A_1576 = arith.cmpi ne, %rem3A_1574, %ne3A_1575 : i32
      %and3A_1577 = arith.andi %ne3A_1573, %ne3A_1576 : i1
      %sub3A_1578 = arith.constant 1 : i32
      %sub3A_1579 = arith.subi %div3A_1558, %sub3A_1578 : i32
      %select_n3A_1580 = arith.select %and3A_1577, %sub3A_1579, %div3A_1558 : i32
      %add3A_1581 = arith.addi %mul3A_1556, %select_n3A_1580 : i32
      %jit3A_1582 = arith.constant 16 : i32
      %eq3A_1583 = arith.constant 0 : i32
      %eq3A_1584 = arith.cmpi eq, %jit3A_1582, %eq3A_1583 : i32
      %jit3A_1585 = arith.constant 1 : i32
      %select_n3A_1586 = arith.select %eq3A_1584, %jit3A_1585, %jit3A_1582 : i32
      %rem3A_1587 = arith.remsi %mul3A_1554, %select_n3A_1586 : i32
      %ne3A_1588 = arith.constant 0 : i32
      %ne3A_1589 = arith.cmpi ne, %rem3A_1587, %ne3A_1588 : i32
      %lt3A_1590 = arith.constant 0 : i32
      %lt3A_1591 = arith.cmpi slt, %rem3A_1587, %lt3A_1590 : i32
      %lt3A_1592 = arith.constant 0 : i32
      %lt3A_1593 = arith.cmpi slt, %select_n3A_1586, %lt3A_1592 : i32
      %ne3A_1594 = arith.xori %lt3A_1591, %lt3A_1593 : i1
      %and3A_1595 = arith.andi %ne3A_1594, %ne3A_1589 : i1
      %add3A_1596 = arith.addi %rem3A_1587, %select_n3A_1586 : i32
      %select_n3A_1597 = arith.select %and3A_1595, %add3A_1596, %rem3A_1587 : i32
      %mul3A_1598 = arith.constant 128 : i32
      %mul3A_1599 = arith.muli %select_n3A_1597, %mul3A_1598 : i32
      %jit3A_1600 = arith.constant 8 : i32
      %div3A_1601 = arith.divsi %add3A_1581, %jit3A_1600 : i32
      %sign3A_1602 = arith.constant 0 : i32
      %sign3A_1603 = arith.cmpi sgt, %add3A_1581, %sign3A_1602 : i32
      %sign3A_1604 = arith.extui %sign3A_1603 : i1 to i32
      %sign3A_1605 = arith.constant 0 : i32
      %sign3A_1606 = arith.cmpi slt, %add3A_1581, %sign3A_1605 : i32
      %sign3A_1607 = arith.extui %sign3A_1606 : i1 to i32
      %sign3A_1608 = arith.subi %sign3A_1604, %sign3A_1607 : i32
      %sign3A_1609 = arith.constant 0 : i32
      %sign3A_1610 = arith.cmpi sgt, %jit3A_1600, %sign3A_1609 : i32
      %sign3A_1611 = arith.extui %sign3A_1610 : i1 to i32
      %sign3A_1612 = arith.constant 0 : i32
      %sign3A_1613 = arith.cmpi slt, %jit3A_1600, %sign3A_1612 : i32
      %sign3A_1614 = arith.extui %sign3A_1613 : i1 to i32
      %sign3A_1615 = arith.subi %sign3A_1611, %sign3A_1614 : i32
      %ne3A_1616 = arith.cmpi ne, %sign3A_1608, %sign3A_1615 : i32
      %rem3A_1617 = arith.remsi %add3A_1581, %jit3A_1600 : i32
      %ne3A_1618 = arith.constant 0 : i32
      %ne3A_1619 = arith.cmpi ne, %rem3A_1617, %ne3A_1618 : i32
      %and3A_1620 = arith.andi %ne3A_1616, %ne3A_1619 : i1
      %sub3A_1621 = arith.constant 1 : i32
      %sub3A_1622 = arith.subi %div3A_1601, %sub3A_1621 : i32
      %select_n3A_1623 = arith.select %and3A_1620, %sub3A_1622, %div3A_1601 : i32
      %jit3A_1624 = arith.constant 8 : i32
      %eq3A_1625 = arith.constant 0 : i32
      %eq3A_1626 = arith.cmpi eq, %jit3A_1624, %eq3A_1625 : i32
      %jit3A_1627 = arith.constant 1 : i32
      %select_n3A_1628 = arith.select %eq3A_1626, %jit3A_1627, %jit3A_1624 : i32
      %rem3A_1629 = arith.remsi %add3A_1581, %select_n3A_1628 : i32
      %ne3A_1630 = arith.constant 0 : i32
      %ne3A_1631 = arith.cmpi ne, %rem3A_1629, %ne3A_1630 : i32
      %lt3A_1632 = arith.constant 0 : i32
      %lt3A_1633 = arith.cmpi slt, %rem3A_1629, %lt3A_1632 : i32
      %lt3A_1634 = arith.constant 0 : i32
      %lt3A_1635 = arith.cmpi slt, %select_n3A_1628, %lt3A_1634 : i32
      %ne3A_1636 = arith.xori %lt3A_1633, %lt3A_1635 : i1
      %and3A_1637 = arith.andi %ne3A_1636, %ne3A_1631 : i1
      %add3A_1638 = arith.addi %rem3A_1629, %select_n3A_1628 : i32
      %select_n3A_1639 = arith.select %and3A_1637, %add3A_1638, %rem3A_1629 : i32
      %mul3A_1640 = arith.constant 128 : i32
      %mul3A_1641 = arith.muli %select_n3A_1639, %mul3A_1640 : i32
      %dma_start3A_1642 = arith.constant 1 : i32
      %dma_start3A_1643 = arith.constant 0 : i32
      %dma_start3A_1644 = arith.constant 0 : i32
      %dma_start3A_1645 = tpu.memref_slice %arg7[%dma_start3A_1642, %dma_start3A_1643, %dma_start3A_1644] : memref<2x128x257xf32, #tpu.memory_space<vmem>> -> memref<1x128x256xf32, #tpu.memory_space<vmem>>
      %dma_start3A_1646 = tpu.memref_squeeze %dma_start3A_1645 : memref<1x128x256xf32, #tpu.memory_space<vmem>> -> memref<128x256xf32, #tpu.memory_space<vmem>>
      %dma_start3A_1647 = tpu.memref_slice %arg4[%select_n3A_1623, %mul3A_1641, %mul3A_1599] : memref<16x1024x2048xf32, #tpu.memory_space<hbm>> -> memref<1x128x256xf32, #tpu.memory_space<hbm>>
      %dma_start3A_1648 = tpu.memref_squeeze %dma_start3A_1647 : memref<1x128x256xf32, #tpu.memory_space<hbm>> -> memref<128x256xf32, #tpu.memory_space<hbm>>
      %dma_start3A_1649 = tpu.memref_slice %arg4[%select_n3A_1623, %mul3A_1641, %mul3A_1599] : memref<16x1024x2048xf32, #tpu.memory_space<hbm>> -> memref<1x128x256xf32, #tpu.memory_space<hbm>>
      %dma_start3A_1650 = tpu.memref_squeeze %dma_start3A_1649 : memref<1x128x256xf32, #tpu.memory_space<hbm>> -> memref<128x256xf32, #tpu.memory_space<hbm>>
      %dma_start3A_1651 = arith.constant 0 : i32
      %dma_start3A_1652 = arith.constant 0 : i32
      %dma_start3A_1653 = tpu.memref_slice %arg7[%dma_start3A_1642, %dma_start3A_1651, %dma_start3A_1652] : memref<2x128x257xf32, #tpu.memory_space<vmem>> -> memref<1x128x256xf32, #tpu.memory_space<vmem>>
      %dma_start3A_1654 = tpu.memref_squeeze %dma_start3A_1653 : memref<1x128x256xf32, #tpu.memory_space<vmem>> -> memref<128x256xf32, #tpu.memory_space<vmem>>
      tpu.enqueue_dma source(%dma_start3A_1654 : memref<128x256xf32, #tpu.memory_space<vmem>>) target(%dma_start3A_1650 : memref<128x256xf32, #tpu.memory_space<hbm>>) target_semaphore(%arg11 : memref<!tpu.dma_semaphore, #tpu.memory_space<semaphore_mem>>)
      %scan3A_1655 = arith.constant 0 : i32
      scf.yield %scan3A_1655 : i32
    }
    %scan3A_373 = arith.constant 14 : i32
    %dma_wait3A_374 = arith.constant 0 : i32
    %dma_wait3A_375 = arith.constant 0 : i32
    %dma_wait3A_376 = arith.constant 0 : i32
    %dma_wait3A_377 = arith.constant 0 : i32
    %dma_wait3A_378 = arith.constant 0 : i32
    %dma_wait3A_379 = tpu.memref_slice %arg6[%dma_wait3A_376, %dma_wait3A_377, %dma_wait3A_378] : memref<2x128x128xf32, #tpu.memory_space<vmem>> -> memref<1x128x128xf32, #tpu.memory_space<vmem>>
    %dma_wait3A_380 = tpu.memref_squeeze %dma_wait3A_379 : memref<1x128x128xf32, #tpu.memory_space<vmem>> -> memref<128x128xf32, #tpu.memory_space<vmem>>
    %dma_wait3A_381 = arith.constant 0 : i32
    %dma_wait3A_382 = tpu.memref_slice %arg5[%dma_wait3A_374, %dma_wait3A_375, %dma_wait3A_381] : memref<4x16x128xi32, #tpu.memory_space<vmem>> -> memref<1x1x128xi32, #tpu.memory_space<vmem>>
    %dma_wait3A_383 = tpu.memref_squeeze %dma_wait3A_382 : memref<1x1x128xi32, #tpu.memory_space<vmem>> -> memref<128xi32, #tpu.memory_space<vmem>>
    %dma_wait3A_384 = arith.constant 0 : i32
    %dma_wait3A_385 = arith.constant 0 : i32
    %dma_wait3A_386 = tpu.memref_slice %arg3[%dma_wait3A_384, %dma_wait3A_385] : memref<8192x128xf32, #tpu.memory_space<hbm>> -> memref<8192x128xf32, #tpu.memory_space<hbm>>
    tpu.wait_indirect_dma semaphore(%arg8 : memref<!tpu.dma_semaphore, #tpu.memory_space<semaphore_mem>>) src(%dma_wait3A_386 : memref<8192x128xf32, #tpu.memory_space<hbm>>) dst(%dma_wait3A_380 : memref<128x128xf32, #tpu.memory_space<vmem>>)
    %dma_start3A_387 = arith.constant 3 : i32
    %dma_start3A_388 = arith.constant 13 : i32
    %dma_start3A_389 = arith.constant 1 : i32
    %dma_start3A_390 = arith.constant 0 : i32
    %dma_start3A_391 = arith.constant 0 : i32
    %dma_start3A_392 = tpu.memref_slice %arg6[%dma_start3A_389, %dma_start3A_390, %dma_start3A_391] : memref<2x128x128xf32, #tpu.memory_space<vmem>> -> memref<1x128x128xf32, #tpu.memory_space<vmem>>
    %dma_start3A_393 = tpu.memref_squeeze %dma_start3A_392 : memref<1x128x128xf32, #tpu.memory_space<vmem>> -> memref<128x128xf32, #tpu.memory_space<vmem>>
    %dma_start3A_394 = arith.constant 0 : i32
    %dma_start3A_395 = tpu.memref_slice %arg5[%dma_start3A_387, %dma_start3A_388, %dma_start3A_394] : memref<4x16x128xi32, #tpu.memory_space<vmem>> -> memref<1x1x128xi32, #tpu.memory_space<vmem>>
    %dma_start3A_396 = tpu.memref_squeeze %dma_start3A_395 : memref<1x1x128xi32, #tpu.memory_space<vmem>> -> memref<128xi32, #tpu.memory_space<vmem>>
    %dma_start3A_397 = arith.constant 0 : i32
    %dma_start3A_398 = arith.constant 0 : i32
    %dma_start3A_399 = tpu.memref_slice %arg3[%dma_start3A_397, %dma_start3A_398] : memref<8192x128xf32, #tpu.memory_space<hbm>> -> memref<8192x128xf32, #tpu.memory_space<hbm>>
    tpu.enqueue_indirect_dma source(%dma_start3A_399 : memref<8192x128xf32, #tpu.memory_space<hbm>>) target(%dma_start3A_393 : memref<128x128xf32, #tpu.memory_space<vmem>>) offsets(%dma_start3A_396 : memref<128xi32, #tpu.memory_space<vmem>>) semaphore(%arg9 : memref<!tpu.dma_semaphore, #tpu.memory_space<semaphore_mem>>)
    %mul3A_400 = arith.constant 4 : i32
    %mul3A_401 = arith.muli %add3A, %mul3A_400 : i32
    %add3A_402 = arith.constant 3 : i32
    %add3A_403 = arith.addi %mul3A_401, %add3A_402 : i32
    %jit3A_404 = arith.constant 8 : i32
    %div3A_405 = arith.divsi %add3A_403, %jit3A_404 : i32
    %sign3A_406 = arith.constant 0 : i32
    %sign3A_407 = arith.cmpi sgt, %add3A_403, %sign3A_406 : i32
    %sign3A_408 = arith.extui %sign3A_407 : i1 to i32
    %sign3A_409 = arith.constant 0 : i32
    %sign3A_410 = arith.cmpi slt, %add3A_403, %sign3A_409 : i32
    %sign3A_411 = arith.extui %sign3A_410 : i1 to i32
    %sign3A_412 = arith.subi %sign3A_408, %sign3A_411 : i32
    %sign3A_413 = arith.constant 0 : i32
    %sign3A_414 = arith.cmpi sgt, %jit3A_404, %sign3A_413 : i32
    %sign3A_415 = arith.extui %sign3A_414 : i1 to i32
    %sign3A_416 = arith.constant 0 : i32
    %sign3A_417 = arith.cmpi slt, %jit3A_404, %sign3A_416 : i32
    %sign3A_418 = arith.extui %sign3A_417 : i1 to i32
    %sign3A_419 = arith.subi %sign3A_415, %sign3A_418 : i32
    %ne3A_420 = arith.cmpi ne, %sign3A_412, %sign3A_419 : i32
    %rem3A_421 = arith.remsi %add3A_403, %jit3A_404 : i32
    %ne3A_422 = arith.constant 0 : i32
    %ne3A_423 = arith.cmpi ne, %rem3A_421, %ne3A_422 : i32
    %and3A_424 = arith.andi %ne3A_420, %ne3A_423 : i1
    %sub3A_425 = arith.constant 1 : i32
    %sub3A_426 = arith.subi %div3A_405, %sub3A_425 : i32
    %select_n3A_427 = arith.select %and3A_424, %sub3A_426, %div3A_405 : i32
    %jit3A_428 = arith.constant 8 : i32
    %eq3A_429 = arith.constant 0 : i32
    %eq3A_430 = arith.cmpi eq, %jit3A_428, %eq3A_429 : i32
    %jit3A_431 = arith.constant 1 : i32
    %select_n3A_432 = arith.select %eq3A_430, %jit3A_431, %jit3A_428 : i32
    %rem3A_433 = arith.remsi %add3A_403, %select_n3A_432 : i32
    %ne3A_434 = arith.constant 0 : i32
    %ne3A_435 = arith.cmpi ne, %rem3A_433, %ne3A_434 : i32
    %lt3A_436 = arith.constant 0 : i32
    %lt3A_437 = arith.cmpi slt, %rem3A_433, %lt3A_436 : i32
    %lt3A_438 = arith.constant 0 : i32
    %lt3A_439 = arith.cmpi slt, %select_n3A_432, %lt3A_438 : i32
    %ne3A_440 = arith.xori %lt3A_437, %lt3A_439 : i1
    %and3A_441 = arith.andi %ne3A_440, %ne3A_435 : i1
    %add3A_442 = arith.addi %rem3A_433, %select_n3A_432 : i32
    %select_n3A_443 = arith.select %and3A_441, %add3A_442, %rem3A_433 : i32
    %mul3A_444 = arith.constant 128 : i32
    %mul3A_445 = arith.muli %select_n3A_443, %mul3A_444 : i32
    %dma_wait3A_446 = arith.constant 0 : i32
    %dma_wait3A_447 = arith.constant 0 : i32
    %dma_wait3A_448 = arith.constant 0 : i32
    %dma_wait3A_449 = tpu.memref_slice %arg7[%dma_wait3A_446, %dma_wait3A_447, %dma_wait3A_448] : memref<2x128x257xf32, #tpu.memory_space<vmem>> -> memref<1x128x256xf32, #tpu.memory_space<vmem>>
    %dma_wait3A_450 = tpu.memref_squeeze %dma_wait3A_449 : memref<1x128x256xf32, #tpu.memory_space<vmem>> -> memref<128x256xf32, #tpu.memory_space<vmem>>
    %dma_wait3A_451 = arith.constant 1024 : i32
    %dma_wait3A_452 = tpu.memref_slice %arg4[%select_n3A_427, %mul3A_445, %dma_wait3A_451] : memref<16x1024x2048xf32, #tpu.memory_space<hbm>> -> memref<1x128x256xf32, #tpu.memory_space<hbm>>
    %dma_wait3A_453 = tpu.memref_squeeze %dma_wait3A_452 : memref<1x128x256xf32, #tpu.memory_space<hbm>> -> memref<128x256xf32, #tpu.memory_space<hbm>>
    %dma_wait3A_454 = arith.constant 1024 : i32
    %dma_wait3A_455 = tpu.memref_slice %arg4[%select_n3A_427, %mul3A_445, %dma_wait3A_454] : memref<16x1024x2048xf32, #tpu.memory_space<hbm>> -> memref<1x128x256xf32, #tpu.memory_space<hbm>>
    %dma_wait3A_456 = tpu.memref_squeeze %dma_wait3A_455 : memref<1x128x256xf32, #tpu.memory_space<hbm>> -> memref<128x256xf32, #tpu.memory_space<hbm>>
    %dma_wait3A_457 = arith.constant 0 : i32
    %dma_wait3A_458 = arith.constant 0 : i32
    %dma_wait3A_459 = tpu.memref_slice %arg7[%dma_wait3A_446, %dma_wait3A_457, %dma_wait3A_458] : memref<2x128x257xf32, #tpu.memory_space<vmem>> -> memref<1x128x256xf32, #tpu.memory_space<vmem>>
    %dma_wait3A_460 = tpu.memref_squeeze %dma_wait3A_459 : memref<1x128x256xf32, #tpu.memory_space<vmem>> -> memref<128x256xf32, #tpu.memory_space<vmem>>
    tpu.wait_dma2 semaphore(%arg10 : memref<!tpu.dma_semaphore, #tpu.memory_space<semaphore_mem>>) src(%dma_wait3A_460 : memref<128x256xf32, #tpu.memory_space<vmem>>) dst(%dma_wait3A_456 : memref<128x256xf32, #tpu.memory_space<hbm>>)
    %parallel_loop3A_461 = arith.constant 0 : i32
    %parallel_loop3A_462 = arith.constant 128 : i32
    %parallel_loop3A_463 = arith.constant 1 : i32
    %parallel_loop3A_464 = arith.constant 0 : i32
    %parallel_loop3A_465 = arith.constant 0 : i32
    scf.for %parallel_loop3A_851 = %parallel_loop3A_461 to %parallel_loop3A_462 step %parallel_loop3A_463  : i32 {
      %parallel_loop3A_852 = arith.constant 0 : i32
      %parallel_loop3A_853 = arith.addi %parallel_loop3A_851, %parallel_loop3A_852 : i32
      %parallel_loop3A_854 = vector.broadcast %parallel_loop3A_853 : i32 to vector<16xi32>
      %parallel_loop3A_855 = arith.constant 0 : i32
      %parallel_loop3A_856 = arith.constant 0 : i32
      %parallel_loop3A_857 = tpu.memref_slice %arg6[%parallel_loop3A_464, %parallel_loop3A_855, %parallel_loop3A_856] : memref<2x128x128xf32, #tpu.memory_space<vmem>> -> memref<1x128x128xf32, #tpu.memory_space<vmem>>
      %parallel_loop3A_858 = tpu.memref_squeeze %parallel_loop3A_857 : memref<1x128x128xf32, #tpu.memory_space<vmem>> -> memref<128x128xf32, #tpu.memory_space<vmem>>
      %parallel_loop3A_859 = arith.index_cast %parallel_loop3A_851 : i32 to index
      %parallel_loop3A_860 = arith.constant 0 : index
      %parallel_loop3A_861 = tpu.vector_load %parallel_loop3A_858[%parallel_loop3A_859, %parallel_loop3A_860] {strides = array<i32>} : memref<128x128xf32, #tpu.memory_space<vmem>>, vector<16xf32>,
      %parallel_loop3A_862 = arith.constant 0 : i32
      %parallel_loop3A_863 = arith.constant 0 : i32
      %parallel_loop3A_864 = tpu.memref_slice %arg6[%parallel_loop3A_464, %parallel_loop3A_862, %parallel_loop3A_863] : memref<2x128x128xf32, #tpu.memory_space<vmem>> -> memref<1x128x128xf32, #tpu.memory_space<vmem>>
      %parallel_loop3A_865 = tpu.memref_squeeze %parallel_loop3A_864 : memref<1x128x128xf32, #tpu.memory_space<vmem>> -> memref<128x128xf32, #tpu.memory_space<vmem>>
      %parallel_loop3A_866 = arith.index_cast %parallel_loop3A_851 : i32 to index
      %parallel_loop3A_867 = arith.constant 16 : index
      %parallel_loop3A_868 = tpu.vector_load %parallel_loop3A_865[%parallel_loop3A_866, %parallel_loop3A_867] {strides = array<i32>} : memref<128x128xf32, #tpu.memory_space<vmem>>, vector<16xf32>,
      %parallel_loop3A_869 = arith.constant 0 : i32
      %parallel_loop3A_870 = arith.constant 0 : i32
      %parallel_loop3A_871 = tpu.memref_slice %arg6[%parallel_loop3A_464, %parallel_loop3A_869, %parallel_loop3A_870] : memref<2x128x128xf32, #tpu.memory_space<vmem>> -> memref<1x128x128xf32, #tpu.memory_space<vmem>>
      %parallel_loop3A_872 = tpu.memref_squeeze %parallel_loop3A_871 : memref<1x128x128xf32, #tpu.memory_space<vmem>> -> memref<128x128xf32, #tpu.memory_space<vmem>>
      %parallel_loop3A_873 = arith.index_cast %parallel_loop3A_851 : i32 to index
      %parallel_loop3A_874 = arith.constant 32 : index
      %parallel_loop3A_875 = tpu.vector_load %parallel_loop3A_872[%parallel_loop3A_873, %parallel_loop3A_874] {strides = array<i32>} : memref<128x128xf32, #tpu.memory_space<vmem>>, vector<16xf32>,
      %parallel_loop3A_876 = arith.constant 0 : i32
      %parallel_loop3A_877 = arith.constant 0 : i32
      %parallel_loop3A_878 = tpu.memref_slice %arg6[%parallel_loop3A_464, %parallel_loop3A_876, %parallel_loop3A_877] : memref<2x128x128xf32, #tpu.memory_space<vmem>> -> memref<1x128x128xf32, #tpu.memory_space<vmem>>
      %parallel_loop3A_879 = tpu.memref_squeeze %parallel_loop3A_878 : memref<1x128x128xf32, #tpu.memory_space<vmem>> -> memref<128x128xf32, #tpu.memory_space<vmem>>
      %parallel_loop3A_880 = arith.index_cast %parallel_loop3A_851 : i32 to index
      %parallel_loop3A_881 = arith.constant 48 : index
      %parallel_loop3A_882 = tpu.vector_load %parallel_loop3A_879[%parallel_loop3A_880, %parallel_loop3A_881] {strides = array<i32>} : memref<128x128xf32, #tpu.memory_space<vmem>>, vector<16xf32>,
      %parallel_loop3A_883 = arith.constant 0 : i32
      %parallel_loop3A_884 = arith.constant 0 : i32
      %parallel_loop3A_885 = tpu.memref_slice %arg6[%parallel_loop3A_464, %parallel_loop3A_883, %parallel_loop3A_884] : memref<2x128x128xf32, #tpu.memory_space<vmem>> -> memref<1x128x128xf32, #tpu.memory_space<vmem>>
      %parallel_loop3A_886 = tpu.memref_squeeze %parallel_loop3A_885 : memref<1x128x128xf32, #tpu.memory_space<vmem>> -> memref<128x128xf32, #tpu.memory_space<vmem>>
      %parallel_loop3A_887 = arith.index_cast %parallel_loop3A_851 : i32 to index
      %parallel_loop3A_888 = arith.constant 64 : index
      %parallel_loop3A_889 = tpu.vector_load %parallel_loop3A_886[%parallel_loop3A_887, %parallel_loop3A_888] {strides = array<i32>} : memref<128x128xf32, #tpu.memory_space<vmem>>, vector<16xf32>,
      %parallel_loop3A_890 = arith.constant 0 : i32
      %parallel_loop3A_891 = arith.constant 0 : i32
      %parallel_loop3A_892 = tpu.memref_slice %arg6[%parallel_loop3A_464, %parallel_loop3A_890, %parallel_loop3A_891] : memref<2x128x128xf32, #tpu.memory_space<vmem>> -> memref<1x128x128xf32, #tpu.memory_space<vmem>>
      %parallel_loop3A_893 = tpu.memref_squeeze %parallel_loop3A_892 : memref<1x128x128xf32, #tpu.memory_space<vmem>> -> memref<128x128xf32, #tpu.memory_space<vmem>>
      %parallel_loop3A_894 = arith.index_cast %parallel_loop3A_851 : i32 to index
      %parallel_loop3A_895 = arith.constant 80 : index
      %parallel_loop3A_896 = tpu.vector_load %parallel_loop3A_893[%parallel_loop3A_894, %parallel_loop3A_895] {strides = array<i32>} : memref<128x128xf32, #tpu.memory_space<vmem>>, vector<16xf32>,
      %parallel_loop3A_897 = arith.constant 0 : i32
      %parallel_loop3A_898 = arith.constant 0 : i32
      %parallel_loop3A_899 = tpu.memref_slice %arg6[%parallel_loop3A_464, %parallel_loop3A_897, %parallel_loop3A_898] : memref<2x128x128xf32, #tpu.memory_space<vmem>> -> memref<1x128x128xf32, #tpu.memory_space<vmem>>
      %parallel_loop3A_900 = tpu.memref_squeeze %parallel_loop3A_899 : memref<1x128x128xf32, #tpu.memory_space<vmem>> -> memref<128x128xf32, #tpu.memory_space<vmem>>
      %parallel_loop3A_901 = arith.index_cast %parallel_loop3A_851 : i32 to index
      %parallel_loop3A_902 = arith.constant 96 : index
      %parallel_loop3A_903 = tpu.vector_load %parallel_loop3A_900[%parallel_loop3A_901, %parallel_loop3A_902] {strides = array<i32>} : memref<128x128xf32, #tpu.memory_space<vmem>>, vector<16xf32>,
      %parallel_loop3A_904 = arith.constant 0 : i32
      %parallel_loop3A_905 = arith.constant 0 : i32
      %parallel_loop3A_906 = tpu.memref_slice %arg6[%parallel_loop3A_464, %parallel_loop3A_904, %parallel_loop3A_905] : memref<2x128x128xf32, #tpu.memory_space<vmem>> -> memref<1x128x128xf32, #tpu.memory_space<vmem>>
      %parallel_loop3A_907 = tpu.memref_squeeze %parallel_loop3A_906 : memref<1x128x128xf32, #tpu.memory_space<vmem>> -> memref<128x128xf32, #tpu.memory_space<vmem>>
      %parallel_loop3A_908 = arith.index_cast %parallel_loop3A_851 : i32 to index
      %parallel_loop3A_909 = arith.constant 112 : index
      %parallel_loop3A_910 = tpu.vector_load %parallel_loop3A_907[%parallel_loop3A_908, %parallel_loop3A_909] {strides = array<i32>} : memref<128x128xf32, #tpu.memory_space<vmem>>, vector<16xf32>,
      %parallel_loop3A_911 = arith.constant 0 : i32
      %parallel_loop3A_912 = vector.broadcast %parallel_loop3A_911 : i32 to vector<16xi32>
      %parallel_loop3A_913 = arith.addi %parallel_loop3A_912, %iota3A : vector<16xi32>
      %parallel_loop3A_914 = arith.constant 0 : i32
      %parallel_loop3A_915 = arith.constant 0 : i32
      %parallel_loop3A_916 = tpu.memref_slice %arg7[%parallel_loop3A_465, %parallel_loop3A_914, %parallel_loop3A_915] : memref<2x128x257xf32, #tpu.memory_space<vmem>> -> memref<1x128x257xf32, #tpu.memory_space<vmem>>
      %parallel_loop3A_917 = tpu.memref_squeeze %parallel_loop3A_916 : memref<1x128x257xf32, #tpu.memory_space<vmem>> -> memref<128x257xf32, #tpu.memory_space<vmem>>
      tpu.vector_store_idx %parallel_loop3A_917[%parallel_loop3A_913, %parallel_loop3A_854], %parallel_loop3A_861 : memref<128x257xf32, #tpu.memory_space<vmem>>[vector<16xi32>, vector<16xi32>], vector<16xf32>,
      %parallel_loop3A_918 = arith.constant 16 : i32
      %parallel_loop3A_919 = vector.broadcast %parallel_loop3A_918 : i32 to vector<16xi32>
      %parallel_loop3A_920 = arith.addi %parallel_loop3A_919, %iota3A : vector<16xi32>
      %parallel_loop3A_921 = arith.constant 0 : i32
      %parallel_loop3A_922 = arith.constant 0 : i32
      %parallel_loop3A_923 = tpu.memref_slice %arg7[%parallel_loop3A_465, %parallel_loop3A_921, %parallel_loop3A_922] : memref<2x128x257xf32, #tpu.memory_space<vmem>> -> memref<1x128x257xf32, #tpu.memory_space<vmem>>
      %parallel_loop3A_924 = tpu.memref_squeeze %parallel_loop3A_923 : memref<1x128x257xf32, #tpu.memory_space<vmem>> -> memref<128x257xf32, #tpu.memory_space<vmem>>
      tpu.vector_store_idx %parallel_loop3A_924[%parallel_loop3A_920, %parallel_loop3A_854], %parallel_loop3A_868 : memref<128x257xf32, #tpu.memory_space<vmem>>[vector<16xi32>, vector<16xi32>], vector<16xf32>,
      %parallel_loop3A_925 = arith.constant 32 : i32
      %parallel_loop3A_926 = vector.broadcast %parallel_loop3A_925 : i32 to vector<16xi32>
      %parallel_loop3A_927 = arith.addi %parallel_loop3A_926, %iota3A : vector<16xi32>
      %parallel_loop3A_928 = arith.constant 0 : i32
      %parallel_loop3A_929 = arith.constant 0 : i32
      %parallel_loop3A_930 = tpu.memref_slice %arg7[%parallel_loop3A_465, %parallel_loop3A_928, %parallel_loop3A_929] : memref<2x128x257xf32, #tpu.memory_space<vmem>> -> memref<1x128x257xf32, #tpu.memory_space<vmem>>
      %parallel_loop3A_931 = tpu.memref_squeeze %parallel_loop3A_930 : memref<1x128x257xf32, #tpu.memory_space<vmem>> -> memref<128x257xf32, #tpu.memory_space<vmem>>
      tpu.vector_store_idx %parallel_loop3A_931[%parallel_loop3A_927, %parallel_loop3A_854], %parallel_loop3A_875 : memref<128x257xf32, #tpu.memory_space<vmem>>[vector<16xi32>, vector<16xi32>], vector<16xf32>,
      %parallel_loop3A_932 = arith.constant 48 : i32
      %parallel_loop3A_933 = vector.broadcast %parallel_loop3A_932 : i32 to vector<16xi32>
      %parallel_loop3A_934 = arith.addi %parallel_loop3A_933, %iota3A : vector<16xi32>
      %parallel_loop3A_935 = arith.constant 0 : i32
      %parallel_loop3A_936 = arith.constant 0 : i32
      %parallel_loop3A_937 = tpu.memref_slice %arg7[%parallel_loop3A_465, %parallel_loop3A_935, %parallel_loop3A_936] : memref<2x128x257xf32, #tpu.memory_space<vmem>> -> memref<1x128x257xf32, #tpu.memory_space<vmem>>
      %parallel_loop3A_938 = tpu.memref_squeeze %parallel_loop3A_937 : memref<1x128x257xf32, #tpu.memory_space<vmem>> -> memref<128x257xf32, #tpu.memory_space<vmem>>
      tpu.vector_store_idx %parallel_loop3A_938[%parallel_loop3A_934, %parallel_loop3A_854], %parallel_loop3A_882 : memref<128x257xf32, #tpu.memory_space<vmem>>[vector<16xi32>, vector<16xi32>], vector<16xf32>,
      %parallel_loop3A_939 = arith.constant 64 : i32
      %parallel_loop3A_940 = vector.broadcast %parallel_loop3A_939 : i32 to vector<16xi32>
      %parallel_loop3A_941 = arith.addi %parallel_loop3A_940, %iota3A : vector<16xi32>
      %parallel_loop3A_942 = arith.constant 0 : i32
      %parallel_loop3A_943 = arith.constant 0 : i32
      %parallel_loop3A_944 = tpu.memref_slice %arg7[%parallel_loop3A_465, %parallel_loop3A_942, %parallel_loop3A_943] : memref<2x128x257xf32, #tpu.memory_space<vmem>> -> memref<1x128x257xf32, #tpu.memory_space<vmem>>
      %parallel_loop3A_945 = tpu.memref_squeeze %parallel_loop3A_944 : memref<1x128x257xf32, #tpu.memory_space<vmem>> -> memref<128x257xf32, #tpu.memory_space<vmem>>
      tpu.vector_store_idx %parallel_loop3A_945[%parallel_loop3A_941, %parallel_loop3A_854], %parallel_loop3A_889 : memref<128x257xf32, #tpu.memory_space<vmem>>[vector<16xi32>, vector<16xi32>], vector<16xf32>,
      %parallel_loop3A_946 = arith.constant 80 : i32
      %parallel_loop3A_947 = vector.broadcast %parallel_loop3A_946 : i32 to vector<16xi32>
      %parallel_loop3A_948 = arith.addi %parallel_loop3A_947, %iota3A : vector<16xi32>
      %parallel_loop3A_949 = arith.constant 0 : i32
      %parallel_loop3A_950 = arith.constant 0 : i32
      %parallel_loop3A_951 = tpu.memref_slice %arg7[%parallel_loop3A_465, %parallel_loop3A_949, %parallel_loop3A_950] : memref<2x128x257xf32, #tpu.memory_space<vmem>> -> memref<1x128x257xf32, #tpu.memory_space<vmem>>
      %parallel_loop3A_952 = tpu.memref_squeeze %parallel_loop3A_951 : memref<1x128x257xf32, #tpu.memory_space<vmem>> -> memref<128x257xf32, #tpu.memory_space<vmem>>
      tpu.vector_store_idx %parallel_loop3A_952[%parallel_loop3A_948, %parallel_loop3A_854], %parallel_loop3A_896 : memref<128x257xf32, #tpu.memory_space<vmem>>[vector<16xi32>, vector<16xi32>], vector<16xf32>,
      %parallel_loop3A_953 = arith.constant 96 : i32
      %parallel_loop3A_954 = vector.broadcast %parallel_loop3A_953 : i32 to vector<16xi32>
      %parallel_loop3A_955 = arith.addi %parallel_loop3A_954, %iota3A : vector<16xi32>
      %parallel_loop3A_956 = arith.constant 0 : i32
      %parallel_loop3A_957 = arith.constant 0 : i32
      %parallel_loop3A_958 = tpu.memref_slice %arg7[%parallel_loop3A_465, %parallel_loop3A_956, %parallel_loop3A_957] : memref<2x128x257xf32, #tpu.memory_space<vmem>> -> memref<1x128x257xf32, #tpu.memory_space<vmem>>
      %parallel_loop3A_959 = tpu.memref_squeeze %parallel_loop3A_958 : memref<1x128x257xf32, #tpu.memory_space<vmem>> -> memref<128x257xf32, #tpu.memory_space<vmem>>
      tpu.vector_store_idx %parallel_loop3A_959[%parallel_loop3A_955, %parallel_loop3A_854], %parallel_loop3A_903 : memref<128x257xf32, #tpu.memory_space<vmem>>[vector<16xi32>, vector<16xi32>], vector<16xf32>,
      %parallel_loop3A_960 = arith.constant 112 : i32
      %parallel_loop3A_961 = vector.broadcast %parallel_loop3A_960 : i32 to vector<16xi32>
      %parallel_loop3A_962 = arith.addi %parallel_loop3A_961, %iota3A : vector<16xi32>
      %parallel_loop3A_963 = arith.constant 0 : i32
      %parallel_loop3A_964 = arith.constant 0 : i32
      %parallel_loop3A_965 = tpu.memref_slice %arg7[%parallel_loop3A_465, %parallel_loop3A_963, %parallel_loop3A_964] : memref<2x128x257xf32, #tpu.memory_space<vmem>> -> memref<1x128x257xf32, #tpu.memory_space<vmem>>
      %parallel_loop3A_966 = tpu.memref_squeeze %parallel_loop3A_965 : memref<1x128x257xf32, #tpu.memory_space<vmem>> -> memref<128x257xf32, #tpu.memory_space<vmem>>
      tpu.vector_store_idx %parallel_loop3A_966[%parallel_loop3A_962, %parallel_loop3A_854], %parallel_loop3A_910 : memref<128x257xf32, #tpu.memory_space<vmem>>[vector<16xi32>, vector<16xi32>], vector<16xf32>,
    } {sc.loop_unroll_factor = 2 : i64, sc.parallel_access}
    %dma_wait3A_466 = arith.constant 0 : i32
    %dma_wait3A_467 = arith.constant 0 : i32
    %dma_wait3A_468 = arith.constant 1 : i32
    %dma_wait3A_469 = arith.constant 0 : i32
    %dma_wait3A_470 = arith.constant 0 : i32
    %dma_wait3A_471 = tpu.memref_slice %arg6[%dma_wait3A_468, %dma_wait3A_469, %dma_wait3A_470] : memref<2x128x128xf32, #tpu.memory_space<vmem>> -> memref<1x128x128xf32, #tpu.memory_space<vmem>>
    %dma_wait3A_472 = tpu.memref_squeeze %dma_wait3A_471 : memref<1x128x128xf32, #tpu.memory_space<vmem>> -> memref<128x128xf32, #tpu.memory_space<vmem>>
    %dma_wait3A_473 = arith.constant 0 : i32
    %dma_wait3A_474 = tpu.memref_slice %arg5[%dma_wait3A_466, %dma_wait3A_467, %dma_wait3A_473] : memref<4x16x128xi32, #tpu.memory_space<vmem>> -> memref<1x1x128xi32, #tpu.memory_space<vmem>>
    %dma_wait3A_475 = tpu.memref_squeeze %dma_wait3A_474 : memref<1x1x128xi32, #tpu.memory_space<vmem>> -> memref<128xi32, #tpu.memory_space<vmem>>
    %dma_wait3A_476 = arith.constant 0 : i32
    %dma_wait3A_477 = arith.constant 0 : i32
    %dma_wait3A_478 = tpu.memref_slice %arg3[%dma_wait3A_476, %dma_wait3A_477] : memref<8192x128xf32, #tpu.memory_space<hbm>> -> memref<8192x128xf32, #tpu.memory_space<hbm>>
    tpu.wait_indirect_dma semaphore(%arg9 : memref<!tpu.dma_semaphore, #tpu.memory_space<semaphore_mem>>) src(%dma_wait3A_478 : memref<8192x128xf32, #tpu.memory_space<hbm>>) dst(%dma_wait3A_472 : memref<128x128xf32, #tpu.memory_space<vmem>>)
    %dma_start3A_479 = arith.constant 3 : i32
    %dma_start3A_480 = arith.constant 14 : i32
    %dma_start3A_481 = arith.constant 0 : i32
    %dma_start3A_482 = arith.constant 0 : i32
    %dma_start3A_483 = arith.constant 0 : i32
    %dma_start3A_484 = tpu.memref_slice %arg6[%dma_start3A_481, %dma_start3A_482, %dma_start3A_483] : memref<2x128x128xf32, #tpu.memory_space<vmem>> -> memref<1x128x128xf32, #tpu.memory_space<vmem>>
    %dma_start3A_485 = tpu.memref_squeeze %dma_start3A_484 : memref<1x128x128xf32, #tpu.memory_space<vmem>> -> memref<128x128xf32, #tpu.memory_space<vmem>>
    %dma_start3A_486 = arith.constant 0 : i32
    %dma_start3A_487 = tpu.memref_slice %arg5[%dma_start3A_479, %dma_start3A_480, %dma_start3A_486] : memref<4x16x128xi32, #tpu.memory_space<vmem>> -> memref<1x1x128xi32, #tpu.memory_space<vmem>>
    %dma_start3A_488 = tpu.memref_squeeze %dma_start3A_487 : memref<1x1x128xi32, #tpu.memory_space<vmem>> -> memref<128xi32, #tpu.memory_space<vmem>>
    %dma_start3A_489 = arith.constant 0 : i32
    %dma_start3A_490 = arith.constant 0 : i32
    %dma_start3A_491 = tpu.memref_slice %arg3[%dma_start3A_489, %dma_start3A_490] : memref<8192x128xf32, #tpu.memory_space<hbm>> -> memref<8192x128xf32, #tpu.memory_space<hbm>>
    tpu.enqueue_indirect_dma source(%dma_start3A_491 : memref<8192x128xf32, #tpu.memory_space<hbm>>) target(%dma_start3A_485 : memref<128x128xf32, #tpu.memory_space<vmem>>) offsets(%dma_start3A_488 : memref<128xi32, #tpu.memory_space<vmem>>) semaphore(%arg8 : memref<!tpu.dma_semaphore, #tpu.memory_space<semaphore_mem>>)
    %parallel_loop3A_492 = arith.constant 0 : i32
    %parallel_loop3A_493 = arith.constant 128 : i32
    %parallel_loop3A_494 = arith.constant 1 : i32
    %parallel_loop3A_495 = arith.constant 1 : i32
    %parallel_loop3A_496 = arith.constant 0 : i32
    scf.for %parallel_loop3A_851 = %parallel_loop3A_492 to %parallel_loop3A_493 step %parallel_loop3A_494  : i32 {
      %parallel_loop3A_852 = arith.constant 128 : i32
      %parallel_loop3A_853 = arith.addi %parallel_loop3A_851, %parallel_loop3A_852 : i32
      %parallel_loop3A_854 = vector.broadcast %parallel_loop3A_853 : i32 to vector<16xi32>
      %parallel_loop3A_855 = arith.constant 0 : i32
      %parallel_loop3A_856 = arith.constant 0 : i32
      %parallel_loop3A_857 = tpu.memref_slice %arg6[%parallel_loop3A_495, %parallel_loop3A_855, %parallel_loop3A_856] : memref<2x128x128xf32, #tpu.memory_space<vmem>> -> memref<1x128x128xf32, #tpu.memory_space<vmem>>
      %parallel_loop3A_858 = tpu.memref_squeeze %parallel_loop3A_857 : memref<1x128x128xf32, #tpu.memory_space<vmem>> -> memref<128x128xf32, #tpu.memory_space<vmem>>
      %parallel_loop3A_859 = arith.index_cast %parallel_loop3A_851 : i32 to index
      %parallel_loop3A_860 = arith.constant 0 : index
      %parallel_loop3A_861 = tpu.vector_load %parallel_loop3A_858[%parallel_loop3A_859, %parallel_loop3A_860] {strides = array<i32>} : memref<128x128xf32, #tpu.memory_space<vmem>>, vector<16xf32>,
      %parallel_loop3A_862 = arith.constant 0 : i32
      %parallel_loop3A_863 = arith.constant 0 : i32
      %parallel_loop3A_864 = tpu.memref_slice %arg6[%parallel_loop3A_495, %parallel_loop3A_862, %parallel_loop3A_863] : memref<2x128x128xf32, #tpu.memory_space<vmem>> -> memref<1x128x128xf32, #tpu.memory_space<vmem>>
      %parallel_loop3A_865 = tpu.memref_squeeze %parallel_loop3A_864 : memref<1x128x128xf32, #tpu.memory_space<vmem>> -> memref<128x128xf32, #tpu.memory_space<vmem>>
      %parallel_loop3A_866 = arith.index_cast %parallel_loop3A_851 : i32 to index
      %parallel_loop3A_867 = arith.constant 16 : index
      %parallel_loop3A_868 = tpu.vector_load %parallel_loop3A_865[%parallel_loop3A_866, %parallel_loop3A_867] {strides = array<i32>} : memref<128x128xf32, #tpu.memory_space<vmem>>, vector<16xf32>,
      %parallel_loop3A_869 = arith.constant 0 : i32
      %parallel_loop3A_870 = arith.constant 0 : i32
      %parallel_loop3A_871 = tpu.memref_slice %arg6[%parallel_loop3A_495, %parallel_loop3A_869, %parallel_loop3A_870] : memref<2x128x128xf32, #tpu.memory_space<vmem>> -> memref<1x128x128xf32, #tpu.memory_space<vmem>>
      %parallel_loop3A_872 = tpu.memref_squeeze %parallel_loop3A_871 : memref<1x128x128xf32, #tpu.memory_space<vmem>> -> memref<128x128xf32, #tpu.memory_space<vmem>>
      %parallel_loop3A_873 = arith.index_cast %parallel_loop3A_851 : i32 to index
      %parallel_loop3A_874 = arith.constant 32 : index
      %parallel_loop3A_875 = tpu.vector_load %parallel_loop3A_872[%parallel_loop3A_873, %parallel_loop3A_874] {strides = array<i32>} : memref<128x128xf32, #tpu.memory_space<vmem>>, vector<16xf32>,
      %parallel_loop3A_876 = arith.constant 0 : i32
      %parallel_loop3A_877 = arith.constant 0 : i32
      %parallel_loop3A_878 = tpu.memref_slice %arg6[%parallel_loop3A_495, %parallel_loop3A_876, %parallel_loop3A_877] : memref<2x128x128xf32, #tpu.memory_space<vmem>> -> memref<1x128x128xf32, #tpu.memory_space<vmem>>
      %parallel_loop3A_879 = tpu.memref_squeeze %parallel_loop3A_878 : memref<1x128x128xf32, #tpu.memory_space<vmem>> -> memref<128x128xf32, #tpu.memory_space<vmem>>
      %parallel_loop3A_880 = arith.index_cast %parallel_loop3A_851 : i32 to index
      %parallel_loop3A_881 = arith.constant 48 : index
      %parallel_loop3A_882 = tpu.vector_load %parallel_loop3A_879[%parallel_loop3A_880, %parallel_loop3A_881] {strides = array<i32>} : memref<128x128xf32, #tpu.memory_space<vmem>>, vector<16xf32>,
      %parallel_loop3A_883 = arith.constant 0 : i32
      %parallel_loop3A_884 = arith.constant 0 : i32
      %parallel_loop3A_885 = tpu.memref_slice %arg6[%parallel_loop3A_495, %parallel_loop3A_883, %parallel_loop3A_884] : memref<2x128x128xf32, #tpu.memory_space<vmem>> -> memref<1x128x128xf32, #tpu.memory_space<vmem>>
      %parallel_loop3A_886 = tpu.memref_squeeze %parallel_loop3A_885 : memref<1x128x128xf32, #tpu.memory_space<vmem>> -> memref<128x128xf32, #tpu.memory_space<vmem>>
      %parallel_loop3A_887 = arith.index_cast %parallel_loop3A_851 : i32 to index
      %parallel_loop3A_888 = arith.constant 64 : index
      %parallel_loop3A_889 = tpu.vector_load %parallel_loop3A_886[%parallel_loop3A_887, %parallel_loop3A_888] {strides = array<i32>} : memref<128x128xf32, #tpu.memory_space<vmem>>, vector<16xf32>,
      %parallel_loop3A_890 = arith.constant 0 : i32
      %parallel_loop3A_891 = arith.constant 0 : i32
      %parallel_loop3A_892 = tpu.memref_slice %arg6[%parallel_loop3A_495, %parallel_loop3A_890, %parallel_loop3A_891] : memref<2x128x128xf32, #tpu.memory_space<vmem>> -> memref<1x128x128xf32, #tpu.memory_space<vmem>>
      %parallel_loop3A_893 = tpu.memref_squeeze %parallel_loop3A_892 : memref<1x128x128xf32, #tpu.memory_space<vmem>> -> memref<128x128xf32, #tpu.memory_space<vmem>>
      %parallel_loop3A_894 = arith.index_cast %parallel_loop3A_851 : i32 to index
      %parallel_loop3A_895 = arith.constant 80 : index
      %parallel_loop3A_896 = tpu.vector_load %parallel_loop3A_893[%parallel_loop3A_894, %parallel_loop3A_895] {strides = array<i32>} : memref<128x128xf32, #tpu.memory_space<vmem>>, vector<16xf32>,
      %parallel_loop3A_897 = arith.constant 0 : i32
      %parallel_loop3A_898 = arith.constant 0 : i32
      %parallel_loop3A_899 = tpu.memref_slice %arg6[%parallel_loop3A_495, %parallel_loop3A_897, %parallel_loop3A_898] : memref<2x128x128xf32, #tpu.memory_space<vmem>> -> memref<1x128x128xf32, #tpu.memory_space<vmem>>
      %parallel_loop3A_900 = tpu.memref_squeeze %parallel_loop3A_899 : memref<1x128x128xf32, #tpu.memory_space<vmem>> -> memref<128x128xf32, #tpu.memory_space<vmem>>
      %parallel_loop3A_901 = arith.index_cast %parallel_loop3A_851 : i32 to index
      %parallel_loop3A_902 = arith.constant 96 : index
      %parallel_loop3A_903 = tpu.vector_load %parallel_loop3A_900[%parallel_loop3A_901, %parallel_loop3A_902] {strides = array<i32>} : memref<128x128xf32, #tpu.memory_space<vmem>>, vector<16xf32>,
      %parallel_loop3A_904 = arith.constant 0 : i32
      %parallel_loop3A_905 = arith.constant 0 : i32
      %parallel_loop3A_906 = tpu.memref_slice %arg6[%parallel_loop3A_495, %parallel_loop3A_904, %parallel_loop3A_905] : memref<2x128x128xf32, #tpu.memory_space<vmem>> -> memref<1x128x128xf32, #tpu.memory_space<vmem>>
      %parallel_loop3A_907 = tpu.memref_squeeze %parallel_loop3A_906 : memref<1x128x128xf32, #tpu.memory_space<vmem>> -> memref<128x128xf32, #tpu.memory_space<vmem>>
      %parallel_loop3A_908 = arith.index_cast %parallel_loop3A_851 : i32 to index
      %parallel_loop3A_909 = arith.constant 112 : index
      %parallel_loop3A_910 = tpu.vector_load %parallel_loop3A_907[%parallel_loop3A_908, %parallel_loop3A_909] {strides = array<i32>} : memref<128x128xf32, #tpu.memory_space<vmem>>, vector<16xf32>,
      %parallel_loop3A_911 = arith.constant 0 : i32
      %parallel_loop3A_912 = vector.broadcast %parallel_loop3A_911 : i32 to vector<16xi32>
      %parallel_loop3A_913 = arith.addi %parallel_loop3A_912, %iota3A : vector<16xi32>
      %parallel_loop3A_914 = arith.constant 0 : i32
      %parallel_loop3A_915 = arith.constant 0 : i32
      %parallel_loop3A_916 = tpu.memref_slice %arg7[%parallel_loop3A_496, %parallel_loop3A_914, %parallel_loop3A_915] : memref<2x128x257xf32, #tpu.memory_space<vmem>> -> memref<1x128x257xf32, #tpu.memory_space<vmem>>
      %parallel_loop3A_917 = tpu.memref_squeeze %parallel_loop3A_916 : memref<1x128x257xf32, #tpu.memory_space<vmem>> -> memref<128x257xf32, #tpu.memory_space<vmem>>
      tpu.vector_store_idx %parallel_loop3A_917[%parallel_loop3A_913, %parallel_loop3A_854], %parallel_loop3A_861 : memref<128x257xf32, #tpu.memory_space<vmem>>[vector<16xi32>, vector<16xi32>], vector<16xf32>,
      %parallel_loop3A_918 = arith.constant 16 : i32
      %parallel_loop3A_919 = vector.broadcast %parallel_loop3A_918 : i32 to vector<16xi32>
      %parallel_loop3A_920 = arith.addi %parallel_loop3A_919, %iota3A : vector<16xi32>
      %parallel_loop3A_921 = arith.constant 0 : i32
      %parallel_loop3A_922 = arith.constant 0 : i32
      %parallel_loop3A_923 = tpu.memref_slice %arg7[%parallel_loop3A_496, %parallel_loop3A_921, %parallel_loop3A_922] : memref<2x128x257xf32, #tpu.memory_space<vmem>> -> memref<1x128x257xf32, #tpu.memory_space<vmem>>
      %parallel_loop3A_924 = tpu.memref_squeeze %parallel_loop3A_923 : memref<1x128x257xf32, #tpu.memory_space<vmem>> -> memref<128x257xf32, #tpu.memory_space<vmem>>
      tpu.vector_store_idx %parallel_loop3A_924[%parallel_loop3A_920, %parallel_loop3A_854], %parallel_loop3A_868 : memref<128x257xf32, #tpu.memory_space<vmem>>[vector<16xi32>, vector<16xi32>], vector<16xf32>,
      %parallel_loop3A_925 = arith.constant 32 : i32
      %parallel_loop3A_926 = vector.broadcast %parallel_loop3A_925 : i32 to vector<16xi32>
      %parallel_loop3A_927 = arith.addi %parallel_loop3A_926, %iota3A : vector<16xi32>
      %parallel_loop3A_928 = arith.constant 0 : i32
      %parallel_loop3A_929 = arith.constant 0 : i32
      %parallel_loop3A_930 = tpu.memref_slice %arg7[%parallel_loop3A_496, %parallel_loop3A_928, %parallel_loop3A_929] : memref<2x128x257xf32, #tpu.memory_space<vmem>> -> memref<1x128x257xf32, #tpu.memory_space<vmem>>
      %parallel_loop3A_931 = tpu.memref_squeeze %parallel_loop3A_930 : memref<1x128x257xf32, #tpu.memory_space<vmem>> -> memref<128x257xf32, #tpu.memory_space<vmem>>
      tpu.vector_store_idx %parallel_loop3A_931[%parallel_loop3A_927, %parallel_loop3A_854], %parallel_loop3A_875 : memref<128x257xf32, #tpu.memory_space<vmem>>[vector<16xi32>, vector<16xi32>], vector<16xf32>,
      %parallel_loop3A_932 = arith.constant 48 : i32
      %parallel_loop3A_933 = vector.broadcast %parallel_loop3A_932 : i32 to vector<16xi32>
      %parallel_loop3A_934 = arith.addi %parallel_loop3A_933, %iota3A : vector<16xi32>
      %parallel_loop3A_935 = arith.constant 0 : i32
      %parallel_loop3A_936 = arith.constant 0 : i32
      %parallel_loop3A_937 = tpu.memref_slice %arg7[%parallel_loop3A_496, %parallel_loop3A_935, %parallel_loop3A_936] : memref<2x128x257xf32, #tpu.memory_space<vmem>> -> memref<1x128x257xf32, #tpu.memory_space<vmem>>
      %parallel_loop3A_938 = tpu.memref_squeeze %parallel_loop3A_937 : memref<1x128x257xf32, #tpu.memory_space<vmem>> -> memref<128x257xf32, #tpu.memory_space<vmem>>
      tpu.vector_store_idx %parallel_loop3A_938[%parallel_loop3A_934, %parallel_loop3A_854], %parallel_loop3A_882 : memref<128x257xf32, #tpu.memory_space<vmem>>[vector<16xi32>, vector<16xi32>], vector<16xf32>,
      %parallel_loop3A_939 = arith.constant 64 : i32
      %parallel_loop3A_940 = vector.broadcast %parallel_loop3A_939 : i32 to vector<16xi32>
      %parallel_loop3A_941 = arith.addi %parallel_loop3A_940, %iota3A : vector<16xi32>
      %parallel_loop3A_942 = arith.constant 0 : i32
      %parallel_loop3A_943 = arith.constant 0 : i32
      %parallel_loop3A_944 = tpu.memref_slice %arg7[%parallel_loop3A_496, %parallel_loop3A_942, %parallel_loop3A_943] : memref<2x128x257xf32, #tpu.memory_space<vmem>> -> memref<1x128x257xf32, #tpu.memory_space<vmem>>
      %parallel_loop3A_945 = tpu.memref_squeeze %parallel_loop3A_944 : memref<1x128x257xf32, #tpu.memory_space<vmem>> -> memref<128x257xf32, #tpu.memory_space<vmem>>
      tpu.vector_store_idx %parallel_loop3A_945[%parallel_loop3A_941, %parallel_loop3A_854], %parallel_loop3A_889 : memref<128x257xf32, #tpu.memory_space<vmem>>[vector<16xi32>, vector<16xi32>], vector<16xf32>,
      %parallel_loop3A_946 = arith.constant 80 : i32
      %parallel_loop3A_947 = vector.broadcast %parallel_loop3A_946 : i32 to vector<16xi32>
      %parallel_loop3A_948 = arith.addi %parallel_loop3A_947, %iota3A : vector<16xi32>
      %parallel_loop3A_949 = arith.constant 0 : i32
      %parallel_loop3A_950 = arith.constant 0 : i32
      %parallel_loop3A_951 = tpu.memref_slice %arg7[%parallel_loop3A_496, %parallel_loop3A_949, %parallel_loop3A_950] : memref<2x128x257xf32, #tpu.memory_space<vmem>> -> memref<1x128x257xf32, #tpu.memory_space<vmem>>
      %parallel_loop3A_952 = tpu.memref_squeeze %parallel_loop3A_951 : memref<1x128x257xf32, #tpu.memory_space<vmem>> -> memref<128x257xf32, #tpu.memory_space<vmem>>
      tpu.vector_store_idx %parallel_loop3A_952[%parallel_loop3A_948, %parallel_loop3A_854], %parallel_loop3A_896 : memref<128x257xf32, #tpu.memory_space<vmem>>[vector<16xi32>, vector<16xi32>], vector<16xf32>,
      %parallel_loop3A_953 = arith.constant 96 : i32
      %parallel_loop3A_954 = vector.broadcast %parallel_loop3A_953 : i32 to vector<16xi32>
      %parallel_loop3A_955 = arith.addi %parallel_loop3A_954, %iota3A : vector<16xi32>
      %parallel_loop3A_956 = arith.constant 0 : i32
      %parallel_loop3A_957 = arith.constant 0 : i32
      %parallel_loop3A_958 = tpu.memref_slice %arg7[%parallel_loop3A_496, %parallel_loop3A_956, %parallel_loop3A_957] : memref<2x128x257xf32, #tpu.memory_space<vmem>> -> memref<1x128x257xf32, #tpu.memory_space<vmem>>
      %parallel_loop3A_959 = tpu.memref_squeeze %parallel_loop3A_958 : memref<1x128x257xf32, #tpu.memory_space<vmem>> -> memref<128x257xf32, #tpu.memory_space<vmem>>
      tpu.vector_store_idx %parallel_loop3A_959[%parallel_loop3A_955, %parallel_loop3A_854], %parallel_loop3A_903 : memref<128x257xf32, #tpu.memory_space<vmem>>[vector<16xi32>, vector<16xi32>], vector<16xf32>,
      %parallel_loop3A_960 = arith.constant 112 : i32
      %parallel_loop3A_961 = vector.broadcast %parallel_loop3A_960 : i32 to vector<16xi32>
      %parallel_loop3A_962 = arith.addi %parallel_loop3A_961, %iota3A : vector<16xi32>
      %parallel_loop3A_963 = arith.constant 0 : i32
      %parallel_loop3A_964 = arith.constant 0 : i32
      %parallel_loop3A_965 = tpu.memref_slice %arg7[%parallel_loop3A_496, %parallel_loop3A_963, %parallel_loop3A_964] : memref<2x128x257xf32, #tpu.memory_space<vmem>> -> memref<1x128x257xf32, #tpu.memory_space<vmem>>
      %parallel_loop3A_966 = tpu.memref_squeeze %parallel_loop3A_965 : memref<1x128x257xf32, #tpu.memory_space<vmem>> -> memref<128x257xf32, #tpu.memory_space<vmem>>
      tpu.vector_store_idx %parallel_loop3A_966[%parallel_loop3A_962, %parallel_loop3A_854], %parallel_loop3A_910 : memref<128x257xf32, #tpu.memory_space<vmem>>[vector<16xi32>, vector<16xi32>], vector<16xf32>,
    } {sc.loop_unroll_factor = 2 : i64, sc.parallel_access}
    %mul3A_497 = arith.constant 4 : i32
    %mul3A_498 = arith.muli %add3A, %mul3A_497 : i32
    %add3A_499 = arith.constant 3 : i32
    %add3A_500 = arith.addi %mul3A_498, %add3A_499 : i32
    %jit3A_501 = arith.constant 8 : i32
    %div3A_502 = arith.divsi %add3A_500, %jit3A_501 : i32
    %sign3A_503 = arith.constant 0 : i32
    %sign3A_504 = arith.cmpi sgt, %add3A_500, %sign3A_503 : i32
    %sign3A_505 = arith.extui %sign3A_504 : i1 to i32
    %sign3A_506 = arith.constant 0 : i32
    %sign3A_507 = arith.cmpi slt, %add3A_500, %sign3A_506 : i32
    %sign3A_508 = arith.extui %sign3A_507 : i1 to i32
    %sign3A_509 = arith.subi %sign3A_505, %sign3A_508 : i32
    %sign3A_510 = arith.constant 0 : i32
    %sign3A_511 = arith.cmpi sgt, %jit3A_501, %sign3A_510 : i32
    %sign3A_512 = arith.extui %sign3A_511 : i1 to i32
    %sign3A_513 = arith.constant 0 : i32
    %sign3A_514 = arith.cmpi slt, %jit3A_501, %sign3A_513 : i32
    %sign3A_515 = arith.extui %sign3A_514 : i1 to i32
    %sign3A_516 = arith.subi %sign3A_512, %sign3A_515 : i32
    %ne3A_517 = arith.cmpi ne, %sign3A_509, %sign3A_516 : i32
    %rem3A_518 = arith.remsi %add3A_500, %jit3A_501 : i32
    %ne3A_519 = arith.constant 0 : i32
    %ne3A_520 = arith.cmpi ne, %rem3A_518, %ne3A_519 : i32
    %and3A_521 = arith.andi %ne3A_517, %ne3A_520 : i1
    %sub3A_522 = arith.constant 1 : i32
    %sub3A_523 = arith.subi %div3A_502, %sub3A_522 : i32
    %select_n3A_524 = arith.select %and3A_521, %sub3A_523, %div3A_502 : i32
    %jit3A_525 = arith.constant 8 : i32
    %eq3A_526 = arith.constant 0 : i32
    %eq3A_527 = arith.cmpi eq, %jit3A_525, %eq3A_526 : i32
    %jit3A_528 = arith.constant 1 : i32
    %select_n3A_529 = arith.select %eq3A_527, %jit3A_528, %jit3A_525 : i32
    %rem3A_530 = arith.remsi %add3A_500, %select_n3A_529 : i32
    %ne3A_531 = arith.constant 0 : i32
    %ne3A_532 = arith.cmpi ne, %rem3A_530, %ne3A_531 : i32
    %lt3A_533 = arith.constant 0 : i32
    %lt3A_534 = arith.cmpi slt, %rem3A_530, %lt3A_533 : i32
    %lt3A_535 = arith.constant 0 : i32
    %lt3A_536 = arith.cmpi slt, %select_n3A_529, %lt3A_535 : i32
    %ne3A_537 = arith.xori %lt3A_534, %lt3A_536 : i1
    %and3A_538 = arith.andi %ne3A_537, %ne3A_532 : i1
    %add3A_539 = arith.addi %rem3A_530, %select_n3A_529 : i32
    %select_n3A_540 = arith.select %and3A_538, %add3A_539, %rem3A_530 : i32
    %mul3A_541 = arith.constant 128 : i32
    %mul3A_542 = arith.muli %select_n3A_540, %mul3A_541 : i32
    %dma_start3A_543 = arith.constant 0 : i32
    %dma_start3A_544 = arith.constant 0 : i32
    %dma_start3A_545 = arith.constant 0 : i32
    %dma_start3A_546 = tpu.memref_slice %arg7[%dma_start3A_543, %dma_start3A_544, %dma_start3A_545] : memref<2x128x257xf32, #tpu.memory_space<vmem>> -> memref<1x128x256xf32, #tpu.memory_space<vmem>>
    %dma_start3A_547 = tpu.memref_squeeze %dma_start3A_546 : memref<1x128x256xf32, #tpu.memory_space<vmem>> -> memref<128x256xf32, #tpu.memory_space<vmem>>
    %dma_start3A_548 = arith.constant 1536 : i32
    %dma_start3A_549 = tpu.memref_slice %arg4[%select_n3A_524, %mul3A_542, %dma_start3A_548] : memref<16x1024x2048xf32, #tpu.memory_space<hbm>> -> memref<1x128x256xf32, #tpu.memory_space<hbm>>
    %dma_start3A_550 = tpu.memref_squeeze %dma_start3A_549 : memref<1x128x256xf32, #tpu.memory_space<hbm>> -> memref<128x256xf32, #tpu.memory_space<hbm>>
    %dma_start3A_551 = arith.constant 1536 : i32
    %dma_start3A_552 = tpu.memref_slice %arg4[%select_n3A_524, %mul3A_542, %dma_start3A_551] : memref<16x1024x2048xf32, #tpu.memory_space<hbm>> -> memref<1x128x256xf32, #tpu.memory_space<hbm>>
    %dma_start3A_553 = tpu.memref_squeeze %dma_start3A_552 : memref<1x128x256xf32, #tpu.memory_space<hbm>> -> memref<128x256xf32, #tpu.memory_space<hbm>>
    %dma_start3A_554 = arith.constant 0 : i32
    %dma_start3A_555 = arith.constant 0 : i32
    %dma_start3A_556 = tpu.memref_slice %arg7[%dma_start3A_543, %dma_start3A_554, %dma_start3A_555] : memref<2x128x257xf32, #tpu.memory_space<vmem>> -> memref<1x128x256xf32, #tpu.memory_space<vmem>>
    %dma_start3A_557 = tpu.memref_squeeze %dma_start3A_556 : memref<1x128x256xf32, #tpu.memory_space<vmem>> -> memref<128x256xf32, #tpu.memory_space<vmem>>
    tpu.enqueue_dma source(%dma_start3A_557 : memref<128x256xf32, #tpu.memory_space<vmem>>) target(%dma_start3A_553 : memref<128x256xf32, #tpu.memory_space<hbm>>) target_semaphore(%arg10 : memref<!tpu.dma_semaphore, #tpu.memory_space<semaphore_mem>>)
    %dma_wait3A_558 = arith.constant 0 : i32
    %dma_wait3A_559 = arith.constant 0 : i32
    %dma_wait3A_560 = arith.constant 0 : i32
    %dma_wait3A_561 = arith.constant 0 : i32
    %dma_wait3A_562 = arith.constant 0 : i32
    %dma_wait3A_563 = tpu.memref_slice %arg6[%dma_wait3A_560, %dma_wait3A_561, %dma_wait3A_562] : memref<2x128x128xf32, #tpu.memory_space<vmem>> -> memref<1x128x128xf32, #tpu.memory_space<vmem>>
    %dma_wait3A_564 = tpu.memref_squeeze %dma_wait3A_563 : memref<1x128x128xf32, #tpu.memory_space<vmem>> -> memref<128x128xf32, #tpu.memory_space<vmem>>
    %dma_wait3A_565 = arith.constant 0 : i32
    %dma_wait3A_566 = tpu.memref_slice %arg5[%dma_wait3A_558, %dma_wait3A_559, %dma_wait3A_565] : memref<4x16x128xi32, #tpu.memory_space<vmem>> -> memref<1x1x128xi32, #tpu.memory_space<vmem>>
    %dma_wait3A_567 = tpu.memref_squeeze %dma_wait3A_566 : memref<1x1x128xi32, #tpu.memory_space<vmem>> -> memref<128xi32, #tpu.memory_space<vmem>>
    %dma_wait3A_568 = arith.constant 0 : i32
    %dma_wait3A_569 = arith.constant 0 : i32
    %dma_wait3A_570 = tpu.memref_slice %arg3[%dma_wait3A_568, %dma_wait3A_569] : memref<8192x128xf32, #tpu.memory_space<hbm>> -> memref<8192x128xf32, #tpu.memory_space<hbm>>
    tpu.wait_indirect_dma semaphore(%arg8 : memref<!tpu.dma_semaphore, #tpu.memory_space<semaphore_mem>>) src(%dma_wait3A_570 : memref<8192x128xf32, #tpu.memory_space<hbm>>) dst(%dma_wait3A_564 : memref<128x128xf32, #tpu.memory_space<vmem>>)
    %dma_start3A_571 = arith.constant 3 : i32
    %dma_start3A_572 = arith.constant 15 : i32
    %dma_start3A_573 = arith.constant 1 : i32
    %dma_start3A_574 = arith.constant 0 : i32
    %dma_start3A_575 = arith.constant 0 : i32
    %dma_start3A_576 = tpu.memref_slice %arg6[%dma_start3A_573, %dma_start3A_574, %dma_start3A_575] : memref<2x128x128xf32, #tpu.memory_space<vmem>> -> memref<1x128x128xf32, #tpu.memory_space<vmem>>
    %dma_start3A_577 = tpu.memref_squeeze %dma_start3A_576 : memref<1x128x128xf32, #tpu.memory_space<vmem>> -> memref<128x128xf32, #tpu.memory_space<vmem>>
    %dma_start3A_578 = arith.constant 0 : i32
    %dma_start3A_579 = tpu.memref_slice %arg5[%dma_start3A_571, %dma_start3A_572, %dma_start3A_578] : memref<4x16x128xi32, #tpu.memory_space<vmem>> -> memref<1x1x128xi32, #tpu.memory_space<vmem>>
    %dma_start3A_580 = tpu.memref_squeeze %dma_start3A_579 : memref<1x1x128xi32, #tpu.memory_space<vmem>> -> memref<128xi32, #tpu.memory_space<vmem>>
    %dma_start3A_581 = arith.constant 0 : i32
    %dma_start3A_582 = arith.constant 0 : i32
    %dma_start3A_583 = tpu.memref_slice %arg3[%dma_start3A_581, %dma_start3A_582] : memref<8192x128xf32, #tpu.memory_space<hbm>> -> memref<8192x128xf32, #tpu.memory_space<hbm>>
    tpu.enqueue_indirect_dma source(%dma_start3A_583 : memref<8192x128xf32, #tpu.memory_space<hbm>>) target(%dma_start3A_577 : memref<128x128xf32, #tpu.memory_space<vmem>>) offsets(%dma_start3A_580 : memref<128xi32, #tpu.memory_space<vmem>>) semaphore(%arg9 : memref<!tpu.dma_semaphore, #tpu.memory_space<semaphore_mem>>)
    %mul3A_584 = arith.constant 4 : i32
    %mul3A_585 = arith.muli %add3A, %mul3A_584 : i32
    %add3A_586 = arith.constant 3 : i32
    %add3A_587 = arith.addi %mul3A_585, %add3A_586 : i32
    %jit3A_588 = arith.constant 8 : i32
    %div3A_589 = arith.divsi %add3A_587, %jit3A_588 : i32
    %sign3A_590 = arith.constant 0 : i32
    %sign3A_591 = arith.cmpi sgt, %add3A_587, %sign3A_590 : i32
    %sign3A_592 = arith.extui %sign3A_591 : i1 to i32
    %sign3A_593 = arith.constant 0 : i32
    %sign3A_594 = arith.cmpi slt, %add3A_587, %sign3A_593 : i32
    %sign3A_595 = arith.extui %sign3A_594 : i1 to i32
    %sign3A_596 = arith.subi %sign3A_592, %sign3A_595 : i32
    %sign3A_597 = arith.constant 0 : i32
    %sign3A_598 = arith.cmpi sgt, %jit3A_588, %sign3A_597 : i32
    %sign3A_599 = arith.extui %sign3A_598 : i1 to i32
    %sign3A_600 = arith.constant 0 : i32
    %sign3A_601 = arith.cmpi slt, %jit3A_588, %sign3A_600 : i32
    %sign3A_602 = arith.extui %sign3A_601 : i1 to i32
    %sign3A_603 = arith.subi %sign3A_599, %sign3A_602 : i32
    %ne3A_604 = arith.cmpi ne, %sign3A_596, %sign3A_603 : i32
    %rem3A_605 = arith.remsi %add3A_587, %jit3A_588 : i32
    %ne3A_606 = arith.constant 0 : i32
    %ne3A_607 = arith.cmpi ne, %rem3A_605, %ne3A_606 : i32
    %and3A_608 = arith.andi %ne3A_604, %ne3A_607 : i1
    %sub3A_609 = arith.constant 1 : i32
    %sub3A_610 = arith.subi %div3A_589, %sub3A_609 : i32
    %select_n3A_611 = arith.select %and3A_608, %sub3A_610, %div3A_589 : i32
    %jit3A_612 = arith.constant 8 : i32
    %eq3A_613 = arith.constant 0 : i32
    %eq3A_614 = arith.cmpi eq, %jit3A_612, %eq3A_613 : i32
    %jit3A_615 = arith.constant 1 : i32
    %select_n3A_616 = arith.select %eq3A_614, %jit3A_615, %jit3A_612 : i32
    %rem3A_617 = arith.remsi %add3A_587, %select_n3A_616 : i32
    %ne3A_618 = arith.constant 0 : i32
    %ne3A_619 = arith.cmpi ne, %rem3A_617, %ne3A_618 : i32
    %lt3A_620 = arith.constant 0 : i32
    %lt3A_621 = arith.cmpi slt, %rem3A_617, %lt3A_620 : i32
    %lt3A_622 = arith.constant 0 : i32
    %lt3A_623 = arith.cmpi slt, %select_n3A_616, %lt3A_622 : i32
    %ne3A_624 = arith.xori %lt3A_621, %lt3A_623 : i1
    %and3A_625 = arith.andi %ne3A_624, %ne3A_619 : i1
    %add3A_626 = arith.addi %rem3A_617, %select_n3A_616 : i32
    %select_n3A_627 = arith.select %and3A_625, %add3A_626, %rem3A_617 : i32
    %mul3A_628 = arith.constant 128 : i32
    %mul3A_629 = arith.muli %select_n3A_627, %mul3A_628 : i32
    %dma_wait3A_630 = arith.constant 1 : i32
    %dma_wait3A_631 = arith.constant 0 : i32
    %dma_wait3A_632 = arith.constant 0 : i32
    %dma_wait3A_633 = tpu.memref_slice %arg7[%dma_wait3A_630, %dma_wait3A_631, %dma_wait3A_632] : memref<2x128x257xf32, #tpu.memory_space<vmem>> -> memref<1x128x256xf32, #tpu.memory_space<vmem>>
    %dma_wait3A_634 = tpu.memref_squeeze %dma_wait3A_633 : memref<1x128x256xf32, #tpu.memory_space<vmem>> -> memref<128x256xf32, #tpu.memory_space<vmem>>
    %dma_wait3A_635 = arith.constant 1280 : i32
    %dma_wait3A_636 = tpu.memref_slice %arg4[%select_n3A_611, %mul3A_629, %dma_wait3A_635] : memref<16x1024x2048xf32, #tpu.memory_space<hbm>> -> memref<1x128x256xf32, #tpu.memory_space<hbm>>
    %dma_wait3A_637 = tpu.memref_squeeze %dma_wait3A_636 : memref<1x128x256xf32, #tpu.memory_space<hbm>> -> memref<128x256xf32, #tpu.memory_space<hbm>>
    %dma_wait3A_638 = arith.constant 1280 : i32
    %dma_wait3A_639 = tpu.memref_slice %arg4[%select_n3A_611, %mul3A_629, %dma_wait3A_638] : memref<16x1024x2048xf32, #tpu.memory_space<hbm>> -> memref<1x128x256xf32, #tpu.memory_space<hbm>>
    %dma_wait3A_640 = tpu.memref_squeeze %dma_wait3A_639 : memref<1x128x256xf32, #tpu.memory_space<hbm>> -> memref<128x256xf32, #tpu.memory_space<hbm>>
    %dma_wait3A_641 = arith.constant 0 : i32
    %dma_wait3A_642 = arith.constant 0 : i32
    %dma_wait3A_643 = tpu.memref_slice %arg7[%dma_wait3A_630, %dma_wait3A_641, %dma_wait3A_642] : memref<2x128x257xf32, #tpu.memory_space<vmem>> -> memref<1x128x256xf32, #tpu.memory_space<vmem>>
    %dma_wait3A_644 = tpu.memref_squeeze %dma_wait3A_643 : memref<1x128x256xf32, #tpu.memory_space<vmem>> -> memref<128x256xf32, #tpu.memory_space<vmem>>
    tpu.wait_dma2 semaphore(%arg11 : memref<!tpu.dma_semaphore, #tpu.memory_space<semaphore_mem>>) src(%dma_wait3A_644 : memref<128x256xf32, #tpu.memory_space<vmem>>) dst(%dma_wait3A_640 : memref<128x256xf32, #tpu.memory_space<hbm>>)
    %parallel_loop3A_645 = arith.constant 0 : i32
    %parallel_loop3A_646 = arith.constant 128 : i32
    %parallel_loop3A_647 = arith.constant 1 : i32
    %parallel_loop3A_648 = arith.constant 0 : i32
    %parallel_loop3A_649 = arith.constant 1 : i32
    scf.for %parallel_loop3A_851 = %parallel_loop3A_645 to %parallel_loop3A_646 step %parallel_loop3A_647  : i32 {
      %parallel_loop3A_852 = arith.constant 0 : i32
      %parallel_loop3A_853 = arith.addi %parallel_loop3A_851, %parallel_loop3A_852 : i32
      %parallel_loop3A_854 = vector.broadcast %parallel_loop3A_853 : i32 to vector<16xi32>
      %parallel_loop3A_855 = arith.constant 0 : i32
      %parallel_loop3A_856 = arith.constant 0 : i32
      %parallel_loop3A_857 = tpu.memref_slice %arg6[%parallel_loop3A_648, %parallel_loop3A_855, %parallel_loop3A_856] : memref<2x128x128xf32, #tpu.memory_space<vmem>> -> memref<1x128x128xf32, #tpu.memory_space<vmem>>
      %parallel_loop3A_858 = tpu.memref_squeeze %parallel_loop3A_857 : memref<1x128x128xf32, #tpu.memory_space<vmem>> -> memref<128x128xf32, #tpu.memory_space<vmem>>
      %parallel_loop3A_859 = arith.index_cast %parallel_loop3A_851 : i32 to index
      %parallel_loop3A_860 = arith.constant 0 : index
      %parallel_loop3A_861 = tpu.vector_load %parallel_loop3A_858[%parallel_loop3A_859, %parallel_loop3A_860] {strides = array<i32>} : memref<128x128xf32, #tpu.memory_space<vmem>>, vector<16xf32>,
      %parallel_loop3A_862 = arith.constant 0 : i32
      %parallel_loop3A_863 = arith.constant 0 : i32
      %parallel_loop3A_864 = tpu.memref_slice %arg6[%parallel_loop3A_648, %parallel_loop3A_862, %parallel_loop3A_863] : memref<2x128x128xf32, #tpu.memory_space<vmem>> -> memref<1x128x128xf32, #tpu.memory_space<vmem>>
      %parallel_loop3A_865 = tpu.memref_squeeze %parallel_loop3A_864 : memref<1x128x128xf32, #tpu.memory_space<vmem>> -> memref<128x128xf32, #tpu.memory_space<vmem>>
      %parallel_loop3A_866 = arith.index_cast %parallel_loop3A_851 : i32 to index
      %parallel_loop3A_867 = arith.constant 16 : index
      %parallel_loop3A_868 = tpu.vector_load %parallel_loop3A_865[%parallel_loop3A_866, %parallel_loop3A_867] {strides = array<i32>} : memref<128x128xf32, #tpu.memory_space<vmem>>, vector<16xf32>,
      %parallel_loop3A_869 = arith.constant 0 : i32
      %parallel_loop3A_870 = arith.constant 0 : i32
      %parallel_loop3A_871 = tpu.memref_slice %arg6[%parallel_loop3A_648, %parallel_loop3A_869, %parallel_loop3A_870] : memref<2x128x128xf32, #tpu.memory_space<vmem>> -> memref<1x128x128xf32, #tpu.memory_space<vmem>>
      %parallel_loop3A_872 = tpu.memref_squeeze %parallel_loop3A_871 : memref<1x128x128xf32, #tpu.memory_space<vmem>> -> memref<128x128xf32, #tpu.memory_space<vmem>>
      %parallel_loop3A_873 = arith.index_cast %parallel_loop3A_851 : i32 to index
      %parallel_loop3A_874 = arith.constant 32 : index
      %parallel_loop3A_875 = tpu.vector_load %parallel_loop3A_872[%parallel_loop3A_873, %parallel_loop3A_874] {strides = array<i32>} : memref<128x128xf32, #tpu.memory_space<vmem>>, vector<16xf32>,
      %parallel_loop3A_876 = arith.constant 0 : i32
      %parallel_loop3A_877 = arith.constant 0 : i32
      %parallel_loop3A_878 = tpu.memref_slice %arg6[%parallel_loop3A_648, %parallel_loop3A_876, %parallel_loop3A_877] : memref<2x128x128xf32, #tpu.memory_space<vmem>> -> memref<1x128x128xf32, #tpu.memory_space<vmem>>
      %parallel_loop3A_879 = tpu.memref_squeeze %parallel_loop3A_878 : memref<1x128x128xf32, #tpu.memory_space<vmem>> -> memref<128x128xf32, #tpu.memory_space<vmem>>
      %parallel_loop3A_880 = arith.index_cast %parallel_loop3A_851 : i32 to index
      %parallel_loop3A_881 = arith.constant 48 : index
      %parallel_loop3A_882 = tpu.vector_load %parallel_loop3A_879[%parallel_loop3A_880, %parallel_loop3A_881] {strides = array<i32>} : memref<128x128xf32, #tpu.memory_space<vmem>>, vector<16xf32>,
      %parallel_loop3A_883 = arith.constant 0 : i32
      %parallel_loop3A_884 = arith.constant 0 : i32
      %parallel_loop3A_885 = tpu.memref_slice %arg6[%parallel_loop3A_648, %parallel_loop3A_883, %parallel_loop3A_884] : memref<2x128x128xf32, #tpu.memory_space<vmem>> -> memref<1x128x128xf32, #tpu.memory_space<vmem>>
      %parallel_loop3A_886 = tpu.memref_squeeze %parallel_loop3A_885 : memref<1x128x128xf32, #tpu.memory_space<vmem>> -> memref<128x128xf32, #tpu.memory_space<vmem>>
      %parallel_loop3A_887 = arith.index_cast %parallel_loop3A_851 : i32 to index
      %parallel_loop3A_888 = arith.constant 64 : index
      %parallel_loop3A_889 = tpu.vector_load %parallel_loop3A_886[%parallel_loop3A_887, %parallel_loop3A_888] {strides = array<i32>} : memref<128x128xf32, #tpu.memory_space<vmem>>, vector<16xf32>,
      %parallel_loop3A_890 = arith.constant 0 : i32
      %parallel_loop3A_891 = arith.constant 0 : i32
      %parallel_loop3A_892 = tpu.memref_slice %arg6[%parallel_loop3A_648, %parallel_loop3A_890, %parallel_loop3A_891] : memref<2x128x128xf32, #tpu.memory_space<vmem>> -> memref<1x128x128xf32, #tpu.memory_space<vmem>>
      %parallel_loop3A_893 = tpu.memref_squeeze %parallel_loop3A_892 : memref<1x128x128xf32, #tpu.memory_space<vmem>> -> memref<128x128xf32, #tpu.memory_space<vmem>>
      %parallel_loop3A_894 = arith.index_cast %parallel_loop3A_851 : i32 to index
      %parallel_loop3A_895 = arith.constant 80 : index
      %parallel_loop3A_896 = tpu.vector_load %parallel_loop3A_893[%parallel_loop3A_894, %parallel_loop3A_895] {strides = array<i32>} : memref<128x128xf32, #tpu.memory_space<vmem>>, vector<16xf32>,
      %parallel_loop3A_897 = arith.constant 0 : i32
      %parallel_loop3A_898 = arith.constant 0 : i32
      %parallel_loop3A_899 = tpu.memref_slice %arg6[%parallel_loop3A_648, %parallel_loop3A_897, %parallel_loop3A_898] : memref<2x128x128xf32, #tpu.memory_space<vmem>> -> memref<1x128x128xf32, #tpu.memory_space<vmem>>
      %parallel_loop3A_900 = tpu.memref_squeeze %parallel_loop3A_899 : memref<1x128x128xf32, #tpu.memory_space<vmem>> -> memref<128x128xf32, #tpu.memory_space<vmem>>
      %parallel_loop3A_901 = arith.index_cast %parallel_loop3A_851 : i32 to index
      %parallel_loop3A_902 = arith.constant 96 : index
      %parallel_loop3A_903 = tpu.vector_load %parallel_loop3A_900[%parallel_loop3A_901, %parallel_loop3A_902] {strides = array<i32>} : memref<128x128xf32, #tpu.memory_space<vmem>>, vector<16xf32>,
      %parallel_loop3A_904 = arith.constant 0 : i32
      %parallel_loop3A_905 = arith.constant 0 : i32
      %parallel_loop3A_906 = tpu.memref_slice %arg6[%parallel_loop3A_648, %parallel_loop3A_904, %parallel_loop3A_905] : memref<2x128x128xf32, #tpu.memory_space<vmem>> -> memref<1x128x128xf32, #tpu.memory_space<vmem>>
      %parallel_loop3A_907 = tpu.memref_squeeze %parallel_loop3A_906 : memref<1x128x128xf32, #tpu.memory_space<vmem>> -> memref<128x128xf32, #tpu.memory_space<vmem>>
      %parallel_loop3A_908 = arith.index_cast %parallel_loop3A_851 : i32 to index
      %parallel_loop3A_909 = arith.constant 112 : index
      %parallel_loop3A_910 = tpu.vector_load %parallel_loop3A_907[%parallel_loop3A_908, %parallel_loop3A_909] {strides = array<i32>} : memref<128x128xf32, #tpu.memory_space<vmem>>, vector<16xf32>,
      %parallel_loop3A_911 = arith.constant 0 : i32
      %parallel_loop3A_912 = vector.broadcast %parallel_loop3A_911 : i32 to vector<16xi32>
      %parallel_loop3A_913 = arith.addi %parallel_loop3A_912, %iota3A : vector<16xi32>
      %parallel_loop3A_914 = arith.constant 0 : i32
      %parallel_loop3A_915 = arith.constant 0 : i32
      %parallel_loop3A_916 = tpu.memref_slice %arg7[%parallel_loop3A_649, %parallel_loop3A_914, %parallel_loop3A_915] : memref<2x128x257xf32, #tpu.memory_space<vmem>> -> memref<1x128x257xf32, #tpu.memory_space<vmem>>
      %parallel_loop3A_917 = tpu.memref_squeeze %parallel_loop3A_916 : memref<1x128x257xf32, #tpu.memory_space<vmem>> -> memref<128x257xf32, #tpu.memory_space<vmem>>
      tpu.vector_store_idx %parallel_loop3A_917[%parallel_loop3A_913, %parallel_loop3A_854], %parallel_loop3A_861 : memref<128x257xf32, #tpu.memory_space<vmem>>[vector<16xi32>, vector<16xi32>], vector<16xf32>,
      %parallel_loop3A_918 = arith.constant 16 : i32
      %parallel_loop3A_919 = vector.broadcast %parallel_loop3A_918 : i32 to vector<16xi32>
      %parallel_loop3A_920 = arith.addi %parallel_loop3A_919, %iota3A : vector<16xi32>
      %parallel_loop3A_921 = arith.constant 0 : i32
      %parallel_loop3A_922 = arith.constant 0 : i32
      %parallel_loop3A_923 = tpu.memref_slice %arg7[%parallel_loop3A_649, %parallel_loop3A_921, %parallel_loop3A_922] : memref<2x128x257xf32, #tpu.memory_space<vmem>> -> memref<1x128x257xf32, #tpu.memory_space<vmem>>
      %parallel_loop3A_924 = tpu.memref_squeeze %parallel_loop3A_923 : memref<1x128x257xf32, #tpu.memory_space<vmem>> -> memref<128x257xf32, #tpu.memory_space<vmem>>
      tpu.vector_store_idx %parallel_loop3A_924[%parallel_loop3A_920, %parallel_loop3A_854], %parallel_loop3A_868 : memref<128x257xf32, #tpu.memory_space<vmem>>[vector<16xi32>, vector<16xi32>], vector<16xf32>,
      %parallel_loop3A_925 = arith.constant 32 : i32
      %parallel_loop3A_926 = vector.broadcast %parallel_loop3A_925 : i32 to vector<16xi32>
      %parallel_loop3A_927 = arith.addi %parallel_loop3A_926, %iota3A : vector<16xi32>
      %parallel_loop3A_928 = arith.constant 0 : i32
      %parallel_loop3A_929 = arith.constant 0 : i32
      %parallel_loop3A_930 = tpu.memref_slice %arg7[%parallel_loop3A_649, %parallel_loop3A_928, %parallel_loop3A_929] : memref<2x128x257xf32, #tpu.memory_space<vmem>> -> memref<1x128x257xf32, #tpu.memory_space<vmem>>
      %parallel_loop3A_931 = tpu.memref_squeeze %parallel_loop3A_930 : memref<1x128x257xf32, #tpu.memory_space<vmem>> -> memref<128x257xf32, #tpu.memory_space<vmem>>
      tpu.vector_store_idx %parallel_loop3A_931[%parallel_loop3A_927, %parallel_loop3A_854], %parallel_loop3A_875 : memref<128x257xf32, #tpu.memory_space<vmem>>[vector<16xi32>, vector<16xi32>], vector<16xf32>,
      %parallel_loop3A_932 = arith.constant 48 : i32
      %parallel_loop3A_933 = vector.broadcast %parallel_loop3A_932 : i32 to vector<16xi32>
      %parallel_loop3A_934 = arith.addi %parallel_loop3A_933, %iota3A : vector<16xi32>
      %parallel_loop3A_935 = arith.constant 0 : i32
      %parallel_loop3A_936 = arith.constant 0 : i32
      %parallel_loop3A_937 = tpu.memref_slice %arg7[%parallel_loop3A_649, %parallel_loop3A_935, %parallel_loop3A_936] : memref<2x128x257xf32, #tpu.memory_space<vmem>> -> memref<1x128x257xf32, #tpu.memory_space<vmem>>
      %parallel_loop3A_938 = tpu.memref_squeeze %parallel_loop3A_937 : memref<1x128x257xf32, #tpu.memory_space<vmem>> -> memref<128x257xf32, #tpu.memory_space<vmem>>
      tpu.vector_store_idx %parallel_loop3A_938[%parallel_loop3A_934, %parallel_loop3A_854], %parallel_loop3A_882 : memref<128x257xf32, #tpu.memory_space<vmem>>[vector<16xi32>, vector<16xi32>], vector<16xf32>,
      %parallel_loop3A_939 = arith.constant 64 : i32
      %parallel_loop3A_940 = vector.broadcast %parallel_loop3A_939 : i32 to vector<16xi32>
      %parallel_loop3A_941 = arith.addi %parallel_loop3A_940, %iota3A : vector<16xi32>
      %parallel_loop3A_942 = arith.constant 0 : i32
      %parallel_loop3A_943 = arith.constant 0 : i32
      %parallel_loop3A_944 = tpu.memref_slice %arg7[%parallel_loop3A_649, %parallel_loop3A_942, %parallel_loop3A_943] : memref<2x128x257xf32, #tpu.memory_space<vmem>> -> memref<1x128x257xf32, #tpu.memory_space<vmem>>
      %parallel_loop3A_945 = tpu.memref_squeeze %parallel_loop3A_944 : memref<1x128x257xf32, #tpu.memory_space<vmem>> -> memref<128x257xf32, #tpu.memory_space<vmem>>
      tpu.vector_store_idx %parallel_loop3A_945[%parallel_loop3A_941, %parallel_loop3A_854], %parallel_loop3A_889 : memref<128x257xf32, #tpu.memory_space<vmem>>[vector<16xi32>, vector<16xi32>], vector<16xf32>,
      %parallel_loop3A_946 = arith.constant 80 : i32
      %parallel_loop3A_947 = vector.broadcast %parallel_loop3A_946 : i32 to vector<16xi32>
      %parallel_loop3A_948 = arith.addi %parallel_loop3A_947, %iota3A : vector<16xi32>
      %parallel_loop3A_949 = arith.constant 0 : i32
      %parallel_loop3A_950 = arith.constant 0 : i32
      %parallel_loop3A_951 = tpu.memref_slice %arg7[%parallel_loop3A_649, %parallel_loop3A_949, %parallel_loop3A_950] : memref<2x128x257xf32, #tpu.memory_space<vmem>> -> memref<1x128x257xf32, #tpu.memory_space<vmem>>
      %parallel_loop3A_952 = tpu.memref_squeeze %parallel_loop3A_951 : memref<1x128x257xf32, #tpu.memory_space<vmem>> -> memref<128x257xf32, #tpu.memory_space<vmem>>
      tpu.vector_store_idx %parallel_loop3A_952[%parallel_loop3A_948, %parallel_loop3A_854], %parallel_loop3A_896 : memref<128x257xf32, #tpu.memory_space<vmem>>[vector<16xi32>, vector<16xi32>], vector<16xf32>,
      %parallel_loop3A_953 = arith.constant 96 : i32
      %parallel_loop3A_954 = vector.broadcast %parallel_loop3A_953 : i32 to vector<16xi32>
      %parallel_loop3A_955 = arith.addi %parallel_loop3A_954, %iota3A : vector<16xi32>
      %parallel_loop3A_956 = arith.constant 0 : i32
      %parallel_loop3A_957 = arith.constant 0 : i32
      %parallel_loop3A_958 = tpu.memref_slice %arg7[%parallel_loop3A_649, %parallel_loop3A_956, %parallel_loop3A_957] : memref<2x128x257xf32, #tpu.memory_space<vmem>> -> memref<1x128x257xf32, #tpu.memory_space<vmem>>
      %parallel_loop3A_959 = tpu.memref_squeeze %parallel_loop3A_958 : memref<1x128x257xf32, #tpu.memory_space<vmem>> -> memref<128x257xf32, #tpu.memory_space<vmem>>
      tpu.vector_store_idx %parallel_loop3A_959[%parallel_loop3A_955, %parallel_loop3A_854], %parallel_loop3A_903 : memref<128x257xf32, #tpu.memory_space<vmem>>[vector<16xi32>, vector<16xi32>], vector<16xf32>,
      %parallel_loop3A_960 = arith.constant 112 : i32
      %parallel_loop3A_961 = vector.broadcast %parallel_loop3A_960 : i32 to vector<16xi32>
      %parallel_loop3A_962 = arith.addi %parallel_loop3A_961, %iota3A : vector<16xi32>
      %parallel_loop3A_963 = arith.constant 0 : i32
      %parallel_loop3A_964 = arith.constant 0 : i32
      %parallel_loop3A_965 = tpu.memref_slice %arg7[%parallel_loop3A_649, %parallel_loop3A_963, %parallel_loop3A_964] : memref<2x128x257xf32, #tpu.memory_space<vmem>> -> memref<1x128x257xf32, #tpu.memory_space<vmem>>
      %parallel_loop3A_966 = tpu.memref_squeeze %parallel_loop3A_965 : memref<1x128x257xf32, #tpu.memory_space<vmem>> -> memref<128x257xf32, #tpu.memory_space<vmem>>
      tpu.vector_store_idx %parallel_loop3A_966[%parallel_loop3A_962, %parallel_loop3A_854], %parallel_loop3A_910 : memref<128x257xf32, #tpu.memory_space<vmem>>[vector<16xi32>, vector<16xi32>], vector<16xf32>,
    } {sc.loop_unroll_factor = 2 : i64, sc.parallel_access}
    %dma_wait3A_650 = arith.constant 0 : i32
    %dma_wait3A_651 = arith.constant 0 : i32
    %dma_wait3A_652 = arith.constant 1 : i32
    %dma_wait3A_653 = arith.constant 0 : i32
    %dma_wait3A_654 = arith.constant 0 : i32
    %dma_wait3A_655 = tpu.memref_slice %arg6[%dma_wait3A_652, %dma_wait3A_653, %dma_wait3A_654] : memref<2x128x128xf32, #tpu.memory_space<vmem>> -> memref<1x128x128xf32, #tpu.memory_space<vmem>>
    %dma_wait3A_656 = tpu.memref_squeeze %dma_wait3A_655 : memref<1x128x128xf32, #tpu.memory_space<vmem>> -> memref<128x128xf32, #tpu.memory_space<vmem>>
    %dma_wait3A_657 = arith.constant 0 : i32
    %dma_wait3A_658 = tpu.memref_slice %arg5[%dma_wait3A_650, %dma_wait3A_651, %dma_wait3A_657] : memref<4x16x128xi32, #tpu.memory_space<vmem>> -> memref<1x1x128xi32, #tpu.memory_space<vmem>>
    %dma_wait3A_659 = tpu.memref_squeeze %dma_wait3A_658 : memref<1x1x128xi32, #tpu.memory_space<vmem>> -> memref<128xi32, #tpu.memory_space<vmem>>
    %dma_wait3A_660 = arith.constant 0 : i32
    %dma_wait3A_661 = arith.constant 0 : i32
    %dma_wait3A_662 = tpu.memref_slice %arg3[%dma_wait3A_660, %dma_wait3A_661] : memref<8192x128xf32, #tpu.memory_space<hbm>> -> memref<8192x128xf32, #tpu.memory_space<hbm>>
    tpu.wait_indirect_dma semaphore(%arg9 : memref<!tpu.dma_semaphore, #tpu.memory_space<semaphore_mem>>) src(%dma_wait3A_662 : memref<8192x128xf32, #tpu.memory_space<hbm>>) dst(%dma_wait3A_656 : memref<128x128xf32, #tpu.memory_space<vmem>>)
    %parallel_loop3A_663 = arith.constant 0 : i32
    %parallel_loop3A_664 = arith.constant 128 : i32
    %parallel_loop3A_665 = arith.constant 1 : i32
    %parallel_loop3A_666 = arith.constant 1 : i32
    %parallel_loop3A_667 = arith.constant 1 : i32
    scf.for %parallel_loop3A_851 = %parallel_loop3A_663 to %parallel_loop3A_664 step %parallel_loop3A_665  : i32 {
      %parallel_loop3A_852 = arith.constant 128 : i32
      %parallel_loop3A_853 = arith.addi %parallel_loop3A_851, %parallel_loop3A_852 : i32
      %parallel_loop3A_854 = vector.broadcast %parallel_loop3A_853 : i32 to vector<16xi32>
      %parallel_loop3A_855 = arith.constant 0 : i32
      %parallel_loop3A_856 = arith.constant 0 : i32
      %parallel_loop3A_857 = tpu.memref_slice %arg6[%parallel_loop3A_666, %parallel_loop3A_855, %parallel_loop3A_856] : memref<2x128x128xf32, #tpu.memory_space<vmem>> -> memref<1x128x128xf32, #tpu.memory_space<vmem>>
      %parallel_loop3A_858 = tpu.memref_squeeze %parallel_loop3A_857 : memref<1x128x128xf32, #tpu.memory_space<vmem>> -> memref<128x128xf32, #tpu.memory_space<vmem>>
      %parallel_loop3A_859 = arith.index_cast %parallel_loop3A_851 : i32 to index
      %parallel_loop3A_860 = arith.constant 0 : index
      %parallel_loop3A_861 = tpu.vector_load %parallel_loop3A_858[%parallel_loop3A_859, %parallel_loop3A_860] {strides = array<i32>} : memref<128x128xf32, #tpu.memory_space<vmem>>, vector<16xf32>,
      %parallel_loop3A_862 = arith.constant 0 : i32
      %parallel_loop3A_863 = arith.constant 0 : i32
      %parallel_loop3A_864 = tpu.memref_slice %arg6[%parallel_loop3A_666, %parallel_loop3A_862, %parallel_loop3A_863] : memref<2x128x128xf32, #tpu.memory_space<vmem>> -> memref<1x128x128xf32, #tpu.memory_space<vmem>>
      %parallel_loop3A_865 = tpu.memref_squeeze %parallel_loop3A_864 : memref<1x128x128xf32, #tpu.memory_space<vmem>> -> memref<128x128xf32, #tpu.memory_space<vmem>>
      %parallel_loop3A_866 = arith.index_cast %parallel_loop3A_851 : i32 to index
      %parallel_loop3A_867 = arith.constant 16 : index
      %parallel_loop3A_868 = tpu.vector_load %parallel_loop3A_865[%parallel_loop3A_866, %parallel_loop3A_867] {strides = array<i32>} : memref<128x128xf32, #tpu.memory_space<vmem>>, vector<16xf32>,
      %parallel_loop3A_869 = arith.constant 0 : i32
      %parallel_loop3A_870 = arith.constant 0 : i32
      %parallel_loop3A_871 = tpu.memref_slice %arg6[%parallel_loop3A_666, %parallel_loop3A_869, %parallel_loop3A_870] : memref<2x128x128xf32, #tpu.memory_space<vmem>> -> memref<1x128x128xf32, #tpu.memory_space<vmem>>
      %parallel_loop3A_872 = tpu.memref_squeeze %parallel_loop3A_871 : memref<1x128x128xf32, #tpu.memory_space<vmem>> -> memref<128x128xf32, #tpu.memory_space<vmem>>
      %parallel_loop3A_873 = arith.index_cast %parallel_loop3A_851 : i32 to index
      %parallel_loop3A_874 = arith.constant 32 : index
      %parallel_loop3A_875 = tpu.vector_load %parallel_loop3A_872[%parallel_loop3A_873, %parallel_loop3A_874] {strides = array<i32>} : memref<128x128xf32, #tpu.memory_space<vmem>>, vector<16xf32>,
      %parallel_loop3A_876 = arith.constant 0 : i32
      %parallel_loop3A_877 = arith.constant 0 : i32
      %parallel_loop3A_878 = tpu.memref_slice %arg6[%parallel_loop3A_666, %parallel_loop3A_876, %parallel_loop3A_877] : memref<2x128x128xf32, #tpu.memory_space<vmem>> -> memref<1x128x128xf32, #tpu.memory_space<vmem>>
      %parallel_loop3A_879 = tpu.memref_squeeze %parallel_loop3A_878 : memref<1x128x128xf32, #tpu.memory_space<vmem>> -> memref<128x128xf32, #tpu.memory_space<vmem>>
      %parallel_loop3A_880 = arith.index_cast %parallel_loop3A_851 : i32 to index
      %parallel_loop3A_881 = arith.constant 48 : index
      %parallel_loop3A_882 = tpu.vector_load %parallel_loop3A_879[%parallel_loop3A_880, %parallel_loop3A_881] {strides = array<i32>} : memref<128x128xf32, #tpu.memory_space<vmem>>, vector<16xf32>,
      %parallel_loop3A_883 = arith.constant 0 : i32
      %parallel_loop3A_884 = arith.constant 0 : i32
      %parallel_loop3A_885 = tpu.memref_slice %arg6[%parallel_loop3A_666, %parallel_loop3A_883, %parallel_loop3A_884] : memref<2x128x128xf32, #tpu.memory_space<vmem>> -> memref<1x128x128xf32, #tpu.memory_space<vmem>>
      %parallel_loop3A_886 = tpu.memref_squeeze %parallel_loop3A_885 : memref<1x128x128xf32, #tpu.memory_space<vmem>> -> memref<128x128xf32, #tpu.memory_space<vmem>>
      %parallel_loop3A_887 = arith.index_cast %parallel_loop3A_851 : i32 to index
      %parallel_loop3A_888 = arith.constant 64 : index
      %parallel_loop3A_889 = tpu.vector_load %parallel_loop3A_886[%parallel_loop3A_887, %parallel_loop3A_888] {strides = array<i32>} : memref<128x128xf32, #tpu.memory_space<vmem>>, vector<16xf32>,
      %parallel_loop3A_890 = arith.constant 0 : i32
      %parallel_loop3A_891 = arith.constant 0 : i32
      %parallel_loop3A_892 = tpu.memref_slice %arg6[%parallel_loop3A_666, %parallel_loop3A_890, %parallel_loop3A_891] : memref<2x128x128xf32, #tpu.memory_space<vmem>> -> memref<1x128x128xf32, #tpu.memory_space<vmem>>
      %parallel_loop3A_893 = tpu.memref_squeeze %parallel_loop3A_892 : memref<1x128x128xf32, #tpu.memory_space<vmem>> -> memref<128x128xf32, #tpu.memory_space<vmem>>
      %parallel_loop3A_894 = arith.index_cast %parallel_loop3A_851 : i32 to index
      %parallel_loop3A_895 = arith.constant 80 : index
      %parallel_loop3A_896 = tpu.vector_load %parallel_loop3A_893[%parallel_loop3A_894, %parallel_loop3A_895] {strides = array<i32>} : memref<128x128xf32, #tpu.memory_space<vmem>>, vector<16xf32>,
      %parallel_loop3A_897 = arith.constant 0 : i32
      %parallel_loop3A_898 = arith.constant 0 : i32
      %parallel_loop3A_899 = tpu.memref_slice %arg6[%parallel_loop3A_666, %parallel_loop3A_897, %parallel_loop3A_898] : memref<2x128x128xf32, #tpu.memory_space<vmem>> -> memref<1x128x128xf32, #tpu.memory_space<vmem>>
      %parallel_loop3A_900 = tpu.memref_squeeze %parallel_loop3A_899 : memref<1x128x128xf32, #tpu.memory_space<vmem>> -> memref<128x128xf32, #tpu.memory_space<vmem>>
      %parallel_loop3A_901 = arith.index_cast %parallel_loop3A_851 : i32 to index
      %parallel_loop3A_902 = arith.constant 96 : index
      %parallel_loop3A_903 = tpu.vector_load %parallel_loop3A_900[%parallel_loop3A_901, %parallel_loop3A_902] {strides = array<i32>} : memref<128x128xf32, #tpu.memory_space<vmem>>, vector<16xf32>,
      %parallel_loop3A_904 = arith.constant 0 : i32
      %parallel_loop3A_905 = arith.constant 0 : i32
      %parallel_loop3A_906 = tpu.memref_slice %arg6[%parallel_loop3A_666, %parallel_loop3A_904, %parallel_loop3A_905] : memref<2x128x128xf32, #tpu.memory_space<vmem>> -> memref<1x128x128xf32, #tpu.memory_space<vmem>>
      %parallel_loop3A_907 = tpu.memref_squeeze %parallel_loop3A_906 : memref<1x128x128xf32, #tpu.memory_space<vmem>> -> memref<128x128xf32, #tpu.memory_space<vmem>>
      %parallel_loop3A_908 = arith.index_cast %parallel_loop3A_851 : i32 to index
      %parallel_loop3A_909 = arith.constant 112 : index
      %parallel_loop3A_910 = tpu.vector_load %parallel_loop3A_907[%parallel_loop3A_908, %parallel_loop3A_909] {strides = array<i32>} : memref<128x128xf32, #tpu.memory_space<vmem>>, vector<16xf32>,
      %parallel_loop3A_911 = arith.constant 0 : i32
      %parallel_loop3A_912 = vector.broadcast %parallel_loop3A_911 : i32 to vector<16xi32>
      %parallel_loop3A_913 = arith.addi %parallel_loop3A_912, %iota3A : vector<16xi32>
      %parallel_loop3A_914 = arith.constant 0 : i32
      %parallel_loop3A_915 = arith.constant 0 : i32
      %parallel_loop3A_916 = tpu.memref_slice %arg7[%parallel_loop3A_667, %parallel_loop3A_914, %parallel_loop3A_915] : memref<2x128x257xf32, #tpu.memory_space<vmem>> -> memref<1x128x257xf32, #tpu.memory_space<vmem>>
      %parallel_loop3A_917 = tpu.memref_squeeze %parallel_loop3A_916 : memref<1x128x257xf32, #tpu.memory_space<vmem>> -> memref<128x257xf32, #tpu.memory_space<vmem>>
      tpu.vector_store_idx %parallel_loop3A_917[%parallel_loop3A_913, %parallel_loop3A_854], %parallel_loop3A_861 : memref<128x257xf32, #tpu.memory_space<vmem>>[vector<16xi32>, vector<16xi32>], vector<16xf32>,
      %parallel_loop3A_918 = arith.constant 16 : i32
      %parallel_loop3A_919 = vector.broadcast %parallel_loop3A_918 : i32 to vector<16xi32>
      %parallel_loop3A_920 = arith.addi %parallel_loop3A_919, %iota3A : vector<16xi32>
      %parallel_loop3A_921 = arith.constant 0 : i32
      %parallel_loop3A_922 = arith.constant 0 : i32
      %parallel_loop3A_923 = tpu.memref_slice %arg7[%parallel_loop3A_667, %parallel_loop3A_921, %parallel_loop3A_922] : memref<2x128x257xf32, #tpu.memory_space<vmem>> -> memref<1x128x257xf32, #tpu.memory_space<vmem>>
      %parallel_loop3A_924 = tpu.memref_squeeze %parallel_loop3A_923 : memref<1x128x257xf32, #tpu.memory_space<vmem>> -> memref<128x257xf32, #tpu.memory_space<vmem>>
      tpu.vector_store_idx %parallel_loop3A_924[%parallel_loop3A_920, %parallel_loop3A_854], %parallel_loop3A_868 : memref<128x257xf32, #tpu.memory_space<vmem>>[vector<16xi32>, vector<16xi32>], vector<16xf32>,
      %parallel_loop3A_925 = arith.constant 32 : i32
      %parallel_loop3A_926 = vector.broadcast %parallel_loop3A_925 : i32 to vector<16xi32>
      %parallel_loop3A_927 = arith.addi %parallel_loop3A_926, %iota3A : vector<16xi32>
      %parallel_loop3A_928 = arith.constant 0 : i32
      %parallel_loop3A_929 = arith.constant 0 : i32
      %parallel_loop3A_930 = tpu.memref_slice %arg7[%parallel_loop3A_667, %parallel_loop3A_928, %parallel_loop3A_929] : memref<2x128x257xf32, #tpu.memory_space<vmem>> -> memref<1x128x257xf32, #tpu.memory_space<vmem>>
      %parallel_loop3A_931 = tpu.memref_squeeze %parallel_loop3A_930 : memref<1x128x257xf32, #tpu.memory_space<vmem>> -> memref<128x257xf32, #tpu.memory_space<vmem>>
      tpu.vector_store_idx %parallel_loop3A_931[%parallel_loop3A_927, %parallel_loop3A_854], %parallel_loop3A_875 : memref<128x257xf32, #tpu.memory_space<vmem>>[vector<16xi32>, vector<16xi32>], vector<16xf32>,
      %parallel_loop3A_932 = arith.constant 48 : i32
      %parallel_loop3A_933 = vector.broadcast %parallel_loop3A_932 : i32 to vector<16xi32>
      %parallel_loop3A_934 = arith.addi %parallel_loop3A_933, %iota3A : vector<16xi32>
      %parallel_loop3A_935 = arith.constant 0 : i32
      %parallel_loop3A_936 = arith.constant 0 : i32
      %parallel_loop3A_937 = tpu.memref_slice %arg7[%parallel_loop3A_667, %parallel_loop3A_935, %parallel_loop3A_936] : memref<2x128x257xf32, #tpu.memory_space<vmem>> -> memref<1x128x257xf32, #tpu.memory_space<vmem>>
      %parallel_loop3A_938 = tpu.memref_squeeze %parallel_loop3A_937 : memref<1x128x257xf32, #tpu.memory_space<vmem>> -> memref<128x257xf32, #tpu.memory_space<vmem>>
      tpu.vector_store_idx %parallel_loop3A_938[%parallel_loop3A_934, %parallel_loop3A_854], %parallel_loop3A_882 : memref<128x257xf32, #tpu.memory_space<vmem>>[vector<16xi32>, vector<16xi32>], vector<16xf32>,
      %parallel_loop3A_939 = arith.constant 64 : i32
      %parallel_loop3A_940 = vector.broadcast %parallel_loop3A_939 : i32 to vector<16xi32>
      %parallel_loop3A_941 = arith.addi %parallel_loop3A_940, %iota3A : vector<16xi32>
      %parallel_loop3A_942 = arith.constant 0 : i32
      %parallel_loop3A_943 = arith.constant 0 : i32
      %parallel_loop3A_944 = tpu.memref_slice %arg7[%parallel_loop3A_667, %parallel_loop3A_942, %parallel_loop3A_943] : memref<2x128x257xf32, #tpu.memory_space<vmem>> -> memref<1x128x257xf32, #tpu.memory_space<vmem>>
      %parallel_loop3A_945 = tpu.memref_squeeze %parallel_loop3A_944 : memref<1x128x257xf32, #tpu.memory_space<vmem>> -> memref<128x257xf32, #tpu.memory_space<vmem>>
      tpu.vector_store_idx %parallel_loop3A_945[%parallel_loop3A_941, %parallel_loop3A_854], %parallel_loop3A_889 : memref<128x257xf32, #tpu.memory_space<vmem>>[vector<16xi32>, vector<16xi32>], vector<16xf32>,
      %parallel_loop3A_946 = arith.constant 80 : i32
      %parallel_loop3A_947 = vector.broadcast %parallel_loop3A_946 : i32 to vector<16xi32>
      %parallel_loop3A_948 = arith.addi %parallel_loop3A_947, %iota3A : vector<16xi32>
      %parallel_loop3A_949 = arith.constant 0 : i32
      %parallel_loop3A_950 = arith.constant 0 : i32
      %parallel_loop3A_951 = tpu.memref_slice %arg7[%parallel_loop3A_667, %parallel_loop3A_949, %parallel_loop3A_950] : memref<2x128x257xf32, #tpu.memory_space<vmem>> -> memref<1x128x257xf32, #tpu.memory_space<vmem>>
      %parallel_loop3A_952 = tpu.memref_squeeze %parallel_loop3A_951 : memref<1x128x257xf32, #tpu.memory_space<vmem>> -> memref<128x257xf32, #tpu.memory_space<vmem>>
      tpu.vector_store_idx %parallel_loop3A_952[%parallel_loop3A_948, %parallel_loop3A_854], %parallel_loop3A_896 : memref<128x257xf32, #tpu.memory_space<vmem>>[vector<16xi32>, vector<16xi32>], vector<16xf32>,
      %parallel_loop3A_953 = arith.constant 96 : i32
      %parallel_loop3A_954 = vector.broadcast %parallel_loop3A_953 : i32 to vector<16xi32>
      %parallel_loop3A_955 = arith.addi %parallel_loop3A_954, %iota3A : vector<16xi32>
      %parallel_loop3A_956 = arith.constant 0 : i32
      %parallel_loop3A_957 = arith.constant 0 : i32
      %parallel_loop3A_958 = tpu.memref_slice %arg7[%parallel_loop3A_667, %parallel_loop3A_956, %parallel_loop3A_957] : memref<2x128x257xf32, #tpu.memory_space<vmem>> -> memref<1x128x257xf32, #tpu.memory_space<vmem>>
      %parallel_loop3A_959 = tpu.memref_squeeze %parallel_loop3A_958 : memref<1x128x257xf32, #tpu.memory_space<vmem>> -> memref<128x257xf32, #tpu.memory_space<vmem>>
      tpu.vector_store_idx %parallel_loop3A_959[%parallel_loop3A_955, %parallel_loop3A_854], %parallel_loop3A_903 : memref<128x257xf32, #tpu.memory_space<vmem>>[vector<16xi32>, vector<16xi32>], vector<16xf32>,
      %parallel_loop3A_960 = arith.constant 112 : i32
      %parallel_loop3A_961 = vector.broadcast %parallel_loop3A_960 : i32 to vector<16xi32>
      %parallel_loop3A_962 = arith.addi %parallel_loop3A_961, %iota3A : vector<16xi32>
      %parallel_loop3A_963 = arith.constant 0 : i32
      %parallel_loop3A_964 = arith.constant 0 : i32
      %parallel_loop3A_965 = tpu.memref_slice %arg7[%parallel_loop3A_667, %parallel_loop3A_963, %parallel_loop3A_964] : memref<2x128x257xf32, #tpu.memory_space<vmem>> -> memref<1x128x257xf32, #tpu.memory_space<vmem>>
      %parallel_loop3A_966 = tpu.memref_squeeze %parallel_loop3A_965 : memref<1x128x257xf32, #tpu.memory_space<vmem>> -> memref<128x257xf32, #tpu.memory_space<vmem>>
      tpu.vector_store_idx %parallel_loop3A_966[%parallel_loop3A_962, %parallel_loop3A_854], %parallel_loop3A_910 : memref<128x257xf32, #tpu.memory_space<vmem>>[vector<16xi32>, vector<16xi32>], vector<16xf32>,
    } {sc.loop_unroll_factor = 2 : i64, sc.parallel_access}
    %mul3A_668 = arith.constant 4 : i32
    %mul3A_669 = arith.muli %add3A, %mul3A_668 : i32
    %add3A_670 = arith.constant 3 : i32
    %add3A_671 = arith.addi %mul3A_669, %add3A_670 : i32
    %jit3A_672 = arith.constant 8 : i32
    %div3A_673 = arith.divsi %add3A_671, %jit3A_672 : i32
    %sign3A_674 = arith.constant 0 : i32
    %sign3A_675 = arith.cmpi sgt, %add3A_671, %sign3A_674 : i32
    %sign3A_676 = arith.extui %sign3A_675 : i1 to i32
    %sign3A_677 = arith.constant 0 : i32
    %sign3A_678 = arith.cmpi slt, %add3A_671, %sign3A_677 : i32
    %sign3A_679 = arith.extui %sign3A_678 : i1 to i32
    %sign3A_680 = arith.subi %sign3A_676, %sign3A_679 : i32
    %sign3A_681 = arith.constant 0 : i32
    %sign3A_682 = arith.cmpi sgt, %jit3A_672, %sign3A_681 : i32
    %sign3A_683 = arith.extui %sign3A_682 : i1 to i32
    %sign3A_684 = arith.constant 0 : i32
    %sign3A_685 = arith.cmpi slt, %jit3A_672, %sign3A_684 : i32
    %sign3A_686 = arith.extui %sign3A_685 : i1 to i32
    %sign3A_687 = arith.subi %sign3A_683, %sign3A_686 : i32
    %ne3A_688 = arith.cmpi ne, %sign3A_680, %sign3A_687 : i32
    %rem3A_689 = arith.remsi %add3A_671, %jit3A_672 : i32
    %ne3A_690 = arith.constant 0 : i32
    %ne3A_691 = arith.cmpi ne, %rem3A_689, %ne3A_690 : i32
    %and3A_692 = arith.andi %ne3A_688, %ne3A_691 : i1
    %sub3A_693 = arith.constant 1 : i32
    %sub3A_694 = arith.subi %div3A_673, %sub3A_693 : i32
    %select_n3A_695 = arith.select %and3A_692, %sub3A_694, %div3A_673 : i32
    %jit3A_696 = arith.constant 8 : i32
    %eq3A_697 = arith.constant 0 : i32
    %eq3A_698 = arith.cmpi eq, %jit3A_696, %eq3A_697 : i32
    %jit3A_699 = arith.constant 1 : i32
    %select_n3A_700 = arith.select %eq3A_698, %jit3A_699, %jit3A_696 : i32
    %rem3A_701 = arith.remsi %add3A_671, %select_n3A_700 : i32
    %ne3A_702 = arith.constant 0 : i32
    %ne3A_703 = arith.cmpi ne, %rem3A_701, %ne3A_702 : i32
    %lt3A_704 = arith.constant 0 : i32
    %lt3A_705 = arith.cmpi slt, %rem3A_701, %lt3A_704 : i32
    %lt3A_706 = arith.constant 0 : i32
    %lt3A_707 = arith.cmpi slt, %select_n3A_700, %lt3A_706 : i32
    %ne3A_708 = arith.xori %lt3A_705, %lt3A_707 : i1
    %and3A_709 = arith.andi %ne3A_708, %ne3A_703 : i1
    %add3A_710 = arith.addi %rem3A_701, %select_n3A_700 : i32
    %select_n3A_711 = arith.select %and3A_709, %add3A_710, %rem3A_701 : i32
    %mul3A_712 = arith.constant 128 : i32
    %mul3A_713 = arith.muli %select_n3A_711, %mul3A_712 : i32
    %dma_start3A_714 = arith.constant 1 : i32
    %dma_start3A_715 = arith.constant 0 : i32
    %dma_start3A_716 = arith.constant 0 : i32
    %dma_start3A_717 = tpu.memref_slice %arg7[%dma_start3A_714, %dma_start3A_715, %dma_start3A_716] : memref<2x128x257xf32, #tpu.memory_space<vmem>> -> memref<1x128x256xf32, #tpu.memory_space<vmem>>
    %dma_start3A_718 = tpu.memref_squeeze %dma_start3A_717 : memref<1x128x256xf32, #tpu.memory_space<vmem>> -> memref<128x256xf32, #tpu.memory_space<vmem>>
    %dma_start3A_719 = arith.constant 1792 : i32
    %dma_start3A_720 = tpu.memref_slice %arg4[%select_n3A_695, %mul3A_713, %dma_start3A_719] : memref<16x1024x2048xf32, #tpu.memory_space<hbm>> -> memref<1x128x256xf32, #tpu.memory_space<hbm>>
    %dma_start3A_721 = tpu.memref_squeeze %dma_start3A_720 : memref<1x128x256xf32, #tpu.memory_space<hbm>> -> memref<128x256xf32, #tpu.memory_space<hbm>>
    %dma_start3A_722 = arith.constant 1792 : i32
    %dma_start3A_723 = tpu.memref_slice %arg4[%select_n3A_695, %mul3A_713, %dma_start3A_722] : memref<16x1024x2048xf32, #tpu.memory_space<hbm>> -> memref<1x128x256xf32, #tpu.memory_space<hbm>>
    %dma_start3A_724 = tpu.memref_squeeze %dma_start3A_723 : memref<1x128x256xf32, #tpu.memory_space<hbm>> -> memref<128x256xf32, #tpu.memory_space<hbm>>
    %dma_start3A_725 = arith.constant 0 : i32
    %dma_start3A_726 = arith.constant 0 : i32
    %dma_start3A_727 = tpu.memref_slice %arg7[%dma_start3A_714, %dma_start3A_725, %dma_start3A_726] : memref<2x128x257xf32, #tpu.memory_space<vmem>> -> memref<1x128x256xf32, #tpu.memory_space<vmem>>
    %dma_start3A_728 = tpu.memref_squeeze %dma_start3A_727 : memref<1x128x256xf32, #tpu.memory_space<vmem>> -> memref<128x256xf32, #tpu.memory_space<vmem>>
    tpu.enqueue_dma source(%dma_start3A_728 : memref<128x256xf32, #tpu.memory_space<vmem>>) target(%dma_start3A_724 : memref<128x256xf32, #tpu.memory_space<hbm>>) target_semaphore(%arg11 : memref<!tpu.dma_semaphore, #tpu.memory_space<semaphore_mem>>)
    %mul3A_729 = arith.constant 4 : i32
    %mul3A_730 = arith.muli %add3A, %mul3A_729 : i32
    %add3A_731 = arith.constant 3 : i32
    %add3A_732 = arith.addi %mul3A_730, %add3A_731 : i32
    %jit3A_733 = arith.constant 8 : i32
    %div3A_734 = arith.divsi %add3A_732, %jit3A_733 : i32
    %sign3A_735 = arith.constant 0 : i32
    %sign3A_736 = arith.cmpi sgt, %add3A_732, %sign3A_735 : i32
    %sign3A_737 = arith.extui %sign3A_736 : i1 to i32
    %sign3A_738 = arith.constant 0 : i32
    %sign3A_739 = arith.cmpi slt, %add3A_732, %sign3A_738 : i32
    %sign3A_740 = arith.extui %sign3A_739 : i1 to i32
    %sign3A_741 = arith.subi %sign3A_737, %sign3A_740 : i32
    %sign3A_742 = arith.constant 0 : i32
    %sign3A_743 = arith.cmpi sgt, %jit3A_733, %sign3A_742 : i32
    %sign3A_744 = arith.extui %sign3A_743 : i1 to i32
    %sign3A_745 = arith.constant 0 : i32
    %sign3A_746 = arith.cmpi slt, %jit3A_733, %sign3A_745 : i32
    %sign3A_747 = arith.extui %sign3A_746 : i1 to i32
    %sign3A_748 = arith.subi %sign3A_744, %sign3A_747 : i32
    %ne3A_749 = arith.cmpi ne, %sign3A_741, %sign3A_748 : i32
    %rem3A_750 = arith.remsi %add3A_732, %jit3A_733 : i32
    %ne3A_751 = arith.constant 0 : i32
    %ne3A_752 = arith.cmpi ne, %rem3A_750, %ne3A_751 : i32
    %and3A_753 = arith.andi %ne3A_749, %ne3A_752 : i1
    %sub3A_754 = arith.constant 1 : i32
    %sub3A_755 = arith.subi %div3A_734, %sub3A_754 : i32
    %select_n3A_756 = arith.select %and3A_753, %sub3A_755, %div3A_734 : i32
    %jit3A_757 = arith.constant 8 : i32
    %eq3A_758 = arith.constant 0 : i32
    %eq3A_759 = arith.cmpi eq, %jit3A_757, %eq3A_758 : i32
    %jit3A_760 = arith.constant 1 : i32
    %select_n3A_761 = arith.select %eq3A_759, %jit3A_760, %jit3A_757 : i32
    %rem3A_762 = arith.remsi %add3A_732, %select_n3A_761 : i32
    %ne3A_763 = arith.constant 0 : i32
    %ne3A_764 = arith.cmpi ne, %rem3A_762, %ne3A_763 : i32
    %lt3A_765 = arith.constant 0 : i32
    %lt3A_766 = arith.cmpi slt, %rem3A_762, %lt3A_765 : i32
    %lt3A_767 = arith.constant 0 : i32
    %lt3A_768 = arith.cmpi slt, %select_n3A_761, %lt3A_767 : i32
    %ne3A_769 = arith.xori %lt3A_766, %lt3A_768 : i1
    %and3A_770 = arith.andi %ne3A_769, %ne3A_764 : i1
    %add3A_771 = arith.addi %rem3A_762, %select_n3A_761 : i32
    %select_n3A_772 = arith.select %and3A_770, %add3A_771, %rem3A_762 : i32
    %mul3A_773 = arith.constant 128 : i32
    %mul3A_774 = arith.muli %select_n3A_772, %mul3A_773 : i32
    %dma_wait3A_775 = arith.constant 0 : i32
    %dma_wait3A_776 = arith.constant 0 : i32
    %dma_wait3A_777 = arith.constant 0 : i32
    %dma_wait3A_778 = tpu.memref_slice %arg7[%dma_wait3A_775, %dma_wait3A_776, %dma_wait3A_777] : memref<2x128x257xf32, #tpu.memory_space<vmem>> -> memref<1x128x256xf32, #tpu.memory_space<vmem>>
    %dma_wait3A_779 = tpu.memref_squeeze %dma_wait3A_778 : memref<1x128x256xf32, #tpu.memory_space<vmem>> -> memref<128x256xf32, #tpu.memory_space<vmem>>
    %dma_wait3A_780 = arith.constant 1536 : i32
    %dma_wait3A_781 = tpu.memref_slice %arg4[%select_n3A_756, %mul3A_774, %dma_wait3A_780] : memref<16x1024x2048xf32, #tpu.memory_space<hbm>> -> memref<1x128x256xf32, #tpu.memory_space<hbm>>
    %dma_wait3A_782 = tpu.memref_squeeze %dma_wait3A_781 : memref<1x128x256xf32, #tpu.memory_space<hbm>> -> memref<128x256xf32, #tpu.memory_space<hbm>>
    %dma_wait3A_783 = arith.constant 1536 : i32
    %dma_wait3A_784 = tpu.memref_slice %arg4[%select_n3A_756, %mul3A_774, %dma_wait3A_783] : memref<16x1024x2048xf32, #tpu.memory_space<hbm>> -> memref<1x128x256xf32, #tpu.memory_space<hbm>>
    %dma_wait3A_785 = tpu.memref_squeeze %dma_wait3A_784 : memref<1x128x256xf32, #tpu.memory_space<hbm>> -> memref<128x256xf32, #tpu.memory_space<hbm>>
    %dma_wait3A_786 = arith.constant 0 : i32
    %dma_wait3A_787 = arith.constant 0 : i32
    %dma_wait3A_788 = tpu.memref_slice %arg7[%dma_wait3A_775, %dma_wait3A_786, %dma_wait3A_787] : memref<2x128x257xf32, #tpu.memory_space<vmem>> -> memref<1x128x256xf32, #tpu.memory_space<vmem>>
    %dma_wait3A_789 = tpu.memref_squeeze %dma_wait3A_788 : memref<1x128x256xf32, #tpu.memory_space<vmem>> -> memref<128x256xf32, #tpu.memory_space<vmem>>
    tpu.wait_dma2 semaphore(%arg10 : memref<!tpu.dma_semaphore, #tpu.memory_space<semaphore_mem>>) src(%dma_wait3A_789 : memref<128x256xf32, #tpu.memory_space<vmem>>) dst(%dma_wait3A_785 : memref<128x256xf32, #tpu.memory_space<hbm>>)
    %mul3A_790 = arith.constant 4 : i32
    %mul3A_791 = arith.muli %add3A, %mul3A_790 : i32
    %add3A_792 = arith.constant 3 : i32
    %add3A_793 = arith.addi %mul3A_791, %add3A_792 : i32
    %jit3A_794 = arith.constant 8 : i32
    %div3A_795 = arith.divsi %add3A_793, %jit3A_794 : i32
    %sign3A_796 = arith.constant 0 : i32
    %sign3A_797 = arith.cmpi sgt, %add3A_793, %sign3A_796 : i32
    %sign3A_798 = arith.extui %sign3A_797 : i1 to i32
    %sign3A_799 = arith.constant 0 : i32
    %sign3A_800 = arith.cmpi slt, %add3A_793, %sign3A_799 : i32
    %sign3A_801 = arith.extui %sign3A_800 : i1 to i32
    %sign3A_802 = arith.subi %sign3A_798, %sign3A_801 : i32
    %sign3A_803 = arith.constant 0 : i32
    %sign3A_804 = arith.cmpi sgt, %jit3A_794, %sign3A_803 : i32
    %sign3A_805 = arith.extui %sign3A_804 : i1 to i32
    %sign3A_806 = arith.constant 0 : i32
    %sign3A_807 = arith.cmpi slt, %jit3A_794, %sign3A_806 : i32
    %sign3A_808 = arith.extui %sign3A_807 : i1 to i32
    %sign3A_809 = arith.subi %sign3A_805, %sign3A_808 : i32
    %ne3A_810 = arith.cmpi ne, %sign3A_802, %sign3A_809 : i32
    %rem3A_811 = arith.remsi %add3A_793, %jit3A_794 : i32
    %ne3A_812 = arith.constant 0 : i32
    %ne3A_813 = arith.cmpi ne, %rem3A_811, %ne3A_812 : i32
    %and3A_814 = arith.andi %ne3A_810, %ne3A_813 : i1
    %sub3A_815 = arith.constant 1 : i32
    %sub3A_816 = arith.subi %div3A_795, %sub3A_815 : i32
    %select_n3A_817 = arith.select %and3A_814, %sub3A_816, %div3A_795 : i32
    %jit3A_818 = arith.constant 8 : i32
    %eq3A_819 = arith.constant 0 : i32
    %eq3A_820 = arith.cmpi eq, %jit3A_818, %eq3A_819 : i32
    %jit3A_821 = arith.constant 1 : i32
    %select_n3A_822 = arith.select %eq3A_820, %jit3A_821, %jit3A_818 : i32
    %rem3A_823 = arith.remsi %add3A_793, %select_n3A_822 : i32
    %ne3A_824 = arith.constant 0 : i32
    %ne3A_825 = arith.cmpi ne, %rem3A_823, %ne3A_824 : i32
    %lt3A_826 = arith.constant 0 : i32
    %lt3A_827 = arith.cmpi slt, %rem3A_823, %lt3A_826 : i32
    %lt3A_828 = arith.constant 0 : i32
    %lt3A_829 = arith.cmpi slt, %select_n3A_822, %lt3A_828 : i32
    %ne3A_830 = arith.xori %lt3A_827, %lt3A_829 : i1
    %and3A_831 = arith.andi %ne3A_830, %ne3A_825 : i1
    %add3A_832 = arith.addi %rem3A_823, %select_n3A_822 : i32
    %select_n3A_833 = arith.select %and3A_831, %add3A_832, %rem3A_823 : i32
    %mul3A_834 = arith.constant 128 : i32
    %mul3A_835 = arith.muli %select_n3A_833, %mul3A_834 : i32
    %dma_wait3A_836 = arith.constant 1 : i32
    %dma_wait3A_837 = arith.constant 0 : i32
    %dma_wait3A_838 = arith.constant 0 : i32
    %dma_wait3A_839 = tpu.memref_slice %arg7[%dma_wait3A_836, %dma_wait3A_837, %dma_wait3A_838] : memref<2x128x257xf32, #tpu.memory_space<vmem>> -> memref<1x128x256xf32, #tpu.memory_space<vmem>>
    %dma_wait3A_840 = tpu.memref_squeeze %dma_wait3A_839 : memref<1x128x256xf32, #tpu.memory_space<vmem>> -> memref<128x256xf32, #tpu.memory_space<vmem>>
    %dma_wait3A_841 = arith.constant 1792 : i32
    %dma_wait3A_842 = tpu.memref_slice %arg4[%select_n3A_817, %mul3A_835, %dma_wait3A_841] : memref<16x1024x2048xf32, #tpu.memory_space<hbm>> -> memref<1x128x256xf32, #tpu.memory_space<hbm>>
    %dma_wait3A_843 = tpu.memref_squeeze %dma_wait3A_842 : memref<1x128x256xf32, #tpu.memory_space<hbm>> -> memref<128x256xf32, #tpu.memory_space<hbm>>
    %dma_wait3A_844 = arith.constant 1792 : i32
    %dma_wait3A_845 = tpu.memref_slice %arg4[%select_n3A_817, %mul3A_835, %dma_wait3A_844] : memref<16x1024x2048xf32, #tpu.memory_space<hbm>> -> memref<1x128x256xf32, #tpu.memory_space<hbm>>
    %dma_wait3A_846 = tpu.memref_squeeze %dma_wait3A_845 : memref<1x128x256xf32, #tpu.memory_space<hbm>> -> memref<128x256xf32, #tpu.memory_space<hbm>>
    %dma_wait3A_847 = arith.constant 0 : i32
    %dma_wait3A_848 = arith.constant 0 : i32
    %dma_wait3A_849 = tpu.memref_slice %arg7[%dma_wait3A_836, %dma_wait3A_847, %dma_wait3A_848] : memref<2x128x257xf32, #tpu.memory_space<vmem>> -> memref<1x128x256xf32, #tpu.memory_space<vmem>>
    %dma_wait3A_850 = tpu.memref_squeeze %dma_wait3A_849 : memref<1x128x256xf32, #tpu.memory_space<vmem>> -> memref<128x256xf32, #tpu.memory_space<vmem>>
    tpu.wait_dma2 semaphore(%arg11 : memref<!tpu.dma_semaphore, #tpu.memory_space<semaphore_mem>>) src(%dma_wait3A_850 : memref<128x256xf32, #tpu.memory_space<vmem>>) dst(%dma_wait3A_846 : memref<128x256xf32, #tpu.memory_space<hbm>>)
    return
  }
}

</mosaic_0001>

<sc_bundles>
// kernel: _decode.3.cloned.1.call-start
scs
__scs_entry_jumppad:
0x0: {  	(pc) =	sbr.rel $0x88, $3  }
0x1: {  	(tag) =	ssettag $0x0;
	lr =	simm.s32 $0x1  }
0x2: {  	[smem:$0x3F9F] =	sst lr;
	_ =	strace $0xD0000000  }
0x3: {  	_ = 	snop  }
0x4: {  	_ = 	snop  }
0x5: {  	_ = 	snop  }
0x6: {  	_ = 	snop  }
0x7: {  	_ = 	snop  }
__scs_overlays_trampoline_lowered:
0x8: {  	[smem:$0x3FAE] =	sst s0  }
0x9: {  	[smem:$0x3FAF] =	sst s1  }
0xa: {  	[smem:$0x3FB0] =	sst s2  }
0xb: {  	[smem:$0x3FB1] =	sst s3  }
0xc: {  	[smem:$0x3FB2] =	sst s4  }
0xd: {  	[smem:$0x3FB3] =	sst s5  }
0xe: {  	[smem:$0x3FB4] =	sst s6  }
0xf: {  	[smem:$0x3FB5] =	sst s7  }
0x10: {  	[smem:$0x3FB6] =	sst s8  }
0x11: {  	[smem:$0x3FB7] =	sst s9;
	s0 =	simm.s32 @!p0 $0x0  }
0x12: {  	s1 =	sld [smem:$0x3F9D];
	s0 =	simm.s32 @p0 $0x1  }
0x13: {  	[smem:$0x3FB8] =	sst s0;
	s0 =	simm.s32 @!p1 $0x0  }
0x14: {  	s2 =	sld [smem:$0x3F9C];
	s0 =	simm.s32 @p1 $0x1  }
0x15: {  	[smem:$0x3FB9] =	sst s0;
	s0 =	simm.s32 @!p2 $0x0  }
0x16: {  	s3 =	sld [smem:$0x3FDB];
	s0 =	simm.s32 @p2 $0x1  }
0x17: {  	s4 =	simm.s32 $0x1BF5;
	[smem:$0x3FBB] =	sst s0  }
0x18: {  	s0 =	sld [smem:$0x3F9E];
	_ =	swait.ge [sflag:s4], $0x0  }
0x19: {  	s7 =	sld [smem:$0x3F9F]  }
0x1a: {  	s8 =	sadd.s32 $0xFFFFE003, lr  }
0x1b: {  	s9 =	sadd.s32 $0xFFFFFEF7, lr;
	s5 =	simm.s32 $0xFFFFFFFF;
	p2 =	slt.u32 s8, $0xFFFFF086  }
0x1c: {  	p1 =	slt.u32 s9, $0xF7A;
	s5 =	simm.s32 @!p2 $0x0  }
0x1d: {  	s5 =	simm.s32 @p1 $0x1;
	p0 =	seq.s32 s7, s2  }
0x1e: {  	s7 =	smul.u32 @!p0 $0xF7A, s2;
	p2 =	seq.s32 @!p0 s5, $0x0  }
0x1f: {  	s9 =	smul.u32 $0xF7A, s1;
	s8 =	simm.s32 @!p0 $0x1BF5;
	p2 =	por !p2, p0  }
0x20: {  	[sflag:s8] =	ssyncset.s32 @!p0 $0xFFFFF086;
	s6 =	sadd.s32 @!p0 s3, s7;
	s7 =	simm.s32 @!p0 $0x108  }
0x21: {  	s3 =	sadd.s32 s3, s9;
	s6 =	sadd.s32 @!p0 $0x88, s6;
	s7 =	simm.s32 @p2 $0x1082  }
0x22: {  	[simem:s7], [sflag:s8] =	dma.local @!p0 [hbm:s6], $0xF7A  }
0x23: {  	s9 =	sor.u32 $0xD0000000, s2;
	s6 =	simm.s32 $0x108;
	_ =	swait.ge @!p0 [sflag:s8], $0x0  }
0x24: {  	s3 =	sadd.s32 $0x88, s3;
	s6 =	simm.s32 @!p1 $0x1082;
	[sflag:s4] =	ssyncset.s32 $0xFFFFF086  }
0x25: {  	[simem:s6], [sflag:s4] =	dma.local [hbm:s3], $0xF7A  }
0x26: {  	[smem:$0x3F9F] =	sst s1;
	(tag) =	ssettag s2;
	_ =	strace s9  }
0x27: {  	s1 =	sld [smem:$0x3FAF]  }
0x28: {  	s2 =	sld [smem:$0x3FB0]  }
0x29: {  	s4 =	sld [smem:$0x3FB2]  }
0x2a: {  	p0 =	seq.s32 s5, $0x0;
	s5 =	sld [smem:$0x3FB3]  }
0x2b: {  	s6 =	sld [smem:$0x3FB4]  }
0x2c: {  	s7 =	sld [smem:$0x3FB5]  }
0x2d: {  	s3 =	simm.s32 $0x108;
	s8 =	sld [smem:$0x3FB6]  }
0x2e: {  	s3 =	simm.s32 @!p0 $0x1082;
	s9 =	sld [smem:$0x3FB7]  }
0x2f: {  	lr =	sadd.s32 s0, s3;
	s0 =	sld [smem:$0x3FAE]  }
0x30: {  	s3 =	sld [smem:$0x3FB1]  }
0x31: {  	[smem:$0x3FBA] =	sst s10  }
0x32: {  	s10 =	sld [smem:$0x3FB8];
	_ =	sdelay $0x3  }
0x33: {  	p0 =	seq.s32 s10, $0x1;
	s10 =	sld [smem:$0x3FBA];
	_ =	sdelay $0x3  }
0x34: {  	[smem:$0x3FBA] =	sst s10  }
0x35: {  	s10 =	sld [smem:$0x3FB9];
	_ =	sdelay $0x3  }
0x36: {  	p1 =	seq.s32 s10, $0x1;
	s10 =	sld [smem:$0x3FBA];
	_ =	sdelay $0x3  }
0x37: {  	[smem:$0x3FBA] =	sst s10  }
0x38: {  	s10 =	sld [smem:$0x3FBB]  }
0x39: {  	_ = 	snop;
	(pc) =	sbr.ind lr, $3  }
0x3a: {  	_ = 	snop  }
0x3b: {  	_ = 	snop  }
0x3c: {  	p2 =	seq.s32 s10, $0x1;
	s10 =	sld [smem:$0x3FBA]  }
0x3d: {  	_ =	shalt  }
0x3e: {  	_ =	shalt  }
0x3f: {  	_ =	shalt  }
0x40: {  	_ =	shalt  }
0x41: {  	_ =	shalt  }
0x42: {  	_ =	shalt  }
0x43: {  	_ =	shalt  }
0x44: {  	_ =	shalt  }
0x45: {  	_ =	shalt  }
0x46: {  	_ =	shalt  }
0x47: {  	_ =	shalt  }
0x48: {  	_ =	shalt  }
0x49: {  	_ =	shalt  }
0x4a: {  	_ =	shalt  }
0x4b: {  	_ =	shalt  }
0x4c: {  	_ =	shalt  }
0x4d: {  	_ =	shalt  }
0x4e: {  	_ =	shalt  }
0x4f: {  	_ =	shalt  }
0x50: {  	_ =	shalt  }
0x51: {  	_ =	shalt  }
0x52: {  	_ =	shalt  }
0x53: {  	_ =	shalt  }
0x54: {  	_ =	shalt  }
0x55: {  	_ =	shalt  }
0x56: {  	_ =	shalt  }
0x57: {  	_ =	shalt  }
0x58: {  	_ =	shalt  }
0x59: {  	_ =	shalt  }
0x5a: {  	_ =	shalt  }
0x5b: {  	_ =	shalt  }
0x5c: {  	_ =	shalt  }
0x5d: {  	_ =	shalt  }
0x5e: {  	_ =	shalt  }
0x5f: {  	_ =	shalt  }
0x60: {  	_ =	shalt  }
0x61: {  	_ =	shalt  }
0x62: {  	_ =	shalt  }
0x63: {  	_ =	shalt  }
0x64: {  	_ =	shalt  }
0x65: {  	_ =	shalt  }
0x66: {  	_ =	shalt  }
0x67: {  	_ =	shalt  }
0x68: {  	_ =	shalt  }
0x69: {  	_ =	shalt  }
0x6a: {  	_ =	shalt  }
0x6b: {  	_ =	shalt  }
0x6c: {  	_ =	shalt  }
0x6d: {  	_ =	shalt  }
0x6e: {  	_ =	shalt  }
0x6f: {  	_ =	shalt  }
0x70: {  	_ =	shalt  }
0x71: {  	_ =	shalt  }
0x72: {  	_ =	shalt  }
0x73: {  	_ =	shalt  }
0x74: {  	_ =	shalt  }
0x75: {  	_ =	shalt  }
0x76: {  	_ =	shalt  }
0x77: {  	_ =	shalt  }
0x78: {  	_ =	shalt  }
0x79: {  	_ =	shalt  }
0x7a: {  	_ =	shalt  }
0x7b: {  	_ =	shalt  }
0x7c: {  	_ =	shalt  }
0x7d: {  	_ =	shalt  }
0x7e: {  	_ =	shalt  }
0x7f: {  	_ =	shalt  }
0x80: {  	_ =	shalt  }
0x81: {  	_ =	shalt  }
0x82: {  	_ =	shalt  }
0x83: {  	_ =	shalt  }
0x84: {  	_ =	shalt  }
0x85: {  	_ =	shalt  }
0x86: {  	_ =	shalt  }
0x87: {  	_ =	shalt  }
.Lfunc_end0:
.L_simem_size_0:
called_computation_lowered:
.L_overlay_start_0:
0x88: {  	s2 =	sld [smem:$0x3FD9]  }
0x89: {  	s3 =	sld [smem:$0x3FFE];
	_ =	sdelay $0x1  }
0x8a: {  	s1 =	srdreg.scid  }
0x8b: {  	s0 =	sand.u32 $0x1, s1  }
0x8c: {  	s17 =	sshll.u32 s0, $0xA;
	s2 =	sadd.s32 s3, s2  }
0x8d: {  	s2 =	sadd.s32 s2, s17  }
0x8e: {  	[smem:$0x3FC6] =	sst s2  }
0x8f: {  	_ = 	snop  }
0x90: {  	s2 =	sld [smem:$0x3FC9]  }
0x91: {  	s18 =	sld [smem:$0x3FC8];
	(tm) =	ssettm $0x1  }
0x92: {  	s4 =	sld [smem:$0x3FFB];
	_ =	sdelay $0x3  }
0x93: {  	_ =	strace s4  }
0x94: {  	s4 =	sld [smem:$0x3FFC];
	_ =	sdelay $0x3  }
0x95: {  	_ =	strace s4  }
0x96: {  	s4 =	sld [smem:$0x3FFD];
	_ =	sdelay $0x3  }
0x97: {  	_ =	strace s4  }
0x98: {  	_ =	strace $0x8FFFFFFF  }
0x99: {  	s19 =	sld [smem:$0x3FDB];
	_ =	sdelay $0x1  }
0x9a: {  	s5 =	simm.s32 $_scs_section_size  }
0x9b: {  	s6 =	simm.s32 $_size__tile_overlayer_lowered;
	s7 =	simm.s32 $_tile_overlayer_lowered  }
0x9c: {  	s22 =	simm.s32 $0x1BFF;
	s21 =	sshll.u32 s7, $0x1;
	s4 =	sadd.s32 s5, s19  }
0x9d: {  	s8 =	simm.s32 $0x0;
	s20 =	sshll.u32 s6, $0x1;
	s6 =	sadd.s32 s21, s4  }
0x9e: {  	[timem:s8], [sflag:s22] =	dma.local [hbm:s6], s20  }
0x9f: {  	_ =	swait.ge [sflag:s22], s20  }
0xa0: {  	s5 =	ssub.s32 $0x0, s20;
	[sflag:s22] =	ssyncset.done $0x0  }
0xa1: {  	[sflag:s22] =	ssyncadd.s32 s5;
	_ =	sdelay $0x1  }
0xa2: {  	s23 =	simm.s32 $0x1B8B  }
0xa3: {  	_ =	swait.ge [sflag:s23], $0x1  }
0xa4: {  	[sflag:s23] =	ssyncset.done $0x0  }
0xa5: {  	s25 =	simm.s32 $0x1B8E;
	s24 =	sld [smem:$0x3FFE];
	[sflag:s23] =	ssyncadd.s32 $0xFFFFFFFF  }
0xa6: {  	s26 =	simm.s32 $execute0_lowered;
	[smem:$0x3FD2] =	sst s25  }
0xa7: {  	s6 =	sshll.u32 s26, $0x1;
	_ =	strace $0x80000046;
	[dreg:$0x1] =	wrdreg $0xFFFFFFFF  }
0xa8: {  	s28 =	simm.s32 $_size_execute0_lowered;
	s4 =	sadd.s32 s4, s6;
	[dreg:$0x0] =	wrdreg $0x0  }
0xa9: {  	s6 =	sshll.u32 s28, $0x1;
	[dreg:$0x2] =	wrdreg s4  }
0xaa: {  	[dreg:$0x3] =	wrdreg s6  }
0xab: {  	[dreg:$0x4] =	wrdreg $0xC0  }
0xac: {  	_ =	task [dreg:s8], $0x5FFFF  }
0xad: {  	[dreg:$0x1] =	wrdreg $0xFFFFFFFF  }
0xae: {  	[dreg:$0x0] =	wrdreg $0x60  }
0xaf: {  	[dreg:$0x2] =	wrdreg s2  }
0xb0: {  	[dreg:$0x3] =	wrdreg s18  }
0xb1: {  	[dreg:$0x4] =	wrdreg s24  }
0xb2: {  	[dreg:$0x5] =	wrdreg $0x9  }
0xb3: {  	_ =	task.clear_ibuf [dreg:s8], $0x6FFFF;
	_ =	strace $0x90000046  }
0xb4: {  	s29 =	simm.s32 $0x9;
	_ =	strace $0x80000048  }
0xb5: {  	_ =	swait.ge [sflag:s29], $0x1  }
0xb6: {  	[sflag:s29] =	ssyncadd.s32 $0xFFFFFFFF  }
0xb7: {  	_ =	strace $0x90000048  }
0xb8: {  	_ =	sfence  }
0xb9: {  	s30 =	sld [smem:$0x0];
	_ =	sdelay $0x2  }
0xba: {  	s31 =	sshll.u32 s1, $0xD;
	s1 =	sshrl.u32 s1, $0x2  }
0xbb: {  	s3 =	sand.u32 $0x4000, s31;
	s1 =	sadd.s32 s1, s30  }
0xbc: {  	s0 =	sor.u32 s3, s0;
	s1 =	sshll.u32 s1, $0x11  }
0xbd: {  	s0 =	sor.u32 s1, s0  }
0xbe: {  	s0 =	sadd.s32 $0x8F2B, s0  }
0xbf: {  	[sflag:s0] =	ssyncadd.remote.s32 $0x1  }
0xc0: {  	_ =	sfence.sel $0xFFFF  }
0xc1: {  	[dreg:$0x0] =	wrdreg $0xFFFFFFFF;
	(pc) =	sbr.abs _section_cstart, $3  }
0xc2: {  	[dreg:$0x1] =	wrdreg $0xFFFFFFFF  }
0xc3: {  	_ =	task.clear_ibuf [dreg:s8], $0x2FFFF;
	_ =	strace $0x9FFFFFFF  }
0xc4: {  	(tm) =	ssettm $0x7FFFFFFF  }
0xc5: {  	_ =	shalt  }
tec
execute0_lowered:
.L_overlay_start_1:
0x0: {  	(tag) =	ssettag $0x1  }
0x1: {  	s0 =	rddreg [dreg:$0x0]  }
0x2: {  	s1 =	rddreg [dreg:$0x1]  }
0x3: {  	s2 =	rddreg [dreg:$0x2];
	s4 =	srdreg.scid  }
0x4: {  	s3 =	simm.s32 $0x0;
	s11 =	stileid.u32;
	s14 =	simm.s32 $0x5  }
0x5: {  	s15 =	simm.s32 $0x80;
	s16 =	simm.s32 $0x2000;
	s17 =	simm.s32 $0x6000  }
0x6: {  	s19 =	simm.s32 $0x2;
	s22 =	simm.s32 $0x12400;
	s24 =	simm.s32 $0x3  }
0x7: {  	s25 =	simm.s32 $0x4;
	s29 =	simm.s32 $0x1F80;
	s30 =	simm.s32 $0x0  }
0x8: {  	s7 =	sand.u32 $0x1, s4;
	[smem:$0x7FF] =	sst s3;
	s8 =	sshll.u32 s11, $0x3  }
0x9: {  	s5 =	sadd.s32 $0x400, s2;
	s4 =	sshll.u32 s7, $0x2;
	_ =	strace $0x80000047  }
0xa: {  	s9 =	ssub.s32 $0x2, s7;
	p0 =	seq.s32 s7, $0x1;
	s6 =	sor.u32 s4, s8  }
0xb: {  	s18 =	sshll.u32 s7, $0xC;
	s10 =	sshllo.u32 s7, $0x2;
	p1 =	seq.s32 s6, $0x0  }
0xc: {  	s7 =	sshll.u32 s7, $0x14;
	s26 =	sshrl.u32 s9, $0x1;
	p0 =	por !p1, !p0  }
0xd: {  	s2 =	ssub.s32 s9, s26;
	s9 =	simm.s32 $0x1;
	p0 =	por !p0, !p0  }
0xe: {  	v0 =	vlaneseq.u32;
	s28 =	sor.u32 $0x400, s18;
	s20 =	sor.u32 $0x800, s18;
	s9 =	simm.s32 @!p0 $0x0  }
0xf: {  	v0 =	vmul.u32 $0x108, v0;
	s8 =	sor.u32 s8, s10;
	s21 =	sshll.u32 s10, $0xA;
	s9 =	ssub.s32 s11, s9  }
0x10: {  	s10 =	sshll.u32 s11, $0x12;
	v1 =	vmov s18;
	s18 =	simm.s32 $0xA000;
	s9 =	sshll.u32 s9, $0x15  }
0x11: {  	v5 =	vadd.s32 $0x1080, v0;
	s6 =	sshll.u32 s6, $0x8;
	s31 =	sshll.u32 s8, $0xF;
	s7 =	sor.u32 s7, s9  }
0x12: {  	v6 =	vadd.s32 $0x2100, v0;
	v7 =	vadd.s32 $0x3180, v0;
	v8 =	vadd.s32 $0x4200, v0;
	s6 =	sadd.s32 s0, s6;
	s12 =	sadd.s32 s31, s5;
	s9 =	sshrl.u32 s7, $0x3  }
0x13: {  	v9 =	vadd.s32 $0x5280, v0;
	v10 =	vadd.s32 $0x6300, v0;
	v11 =	vadd.s32 $0x7380, v0;
	s13 =	smax.u32 s2, $0x1;
	s11 =	sadd.s32 $0xC0, s12;
	s8 =	sadd.s32 s5, s9  }
0x14: {  	v2 =	vmov s28;
	v3 =	vmov s20;
	v4 =	vmov s21;
	s12 =	sadd.s32 $0xE0, s12;
	s7 =	simm.s32 $0x1;
	s9 =	sadd.s32 $0x20, s8  }
.LBB2_1:
0x15: {  	[tilespmem:s3], [sflag:$0x5] =	stream.linear.gather [hbm4b:s6+s3], $0x2000, $0x38;
	[tilespmem:$0x1A800] =	vst v63  }
0x16: {  	_ =	swait.ge [sflag:s14], $0x2000  }
0x17: {  	[sflag:s14] =	ssyncset.done $0x0  }
0x18: {  	s0 =	simm.s32 $0x0;
	[sflag:s14] =	ssyncadd.s32 $0xFFFFE000  }
0x19: {  	v14 =	vld [tilespmem:s0+$0x0]  }
0x1a: {  	v16 =	vld [tilespmem:s0+$0x10]  }
0x1b: {  	v15 =	vld [tilespmem:s0+$0x20]  }
0x1c: {  	v13 =	vld [tilespmem:s0+$0x30]  }
0x1d: {  	v12 =	vld [tilespmem:s0+$0x40]  }
0x1e: {  	v17 =	vadd.s32 v1, v14;
	v14 =	vld [tilespmem:s0+$0x50]  }
0x1f: {  	s2 =	simm.s32 $0x200;
	[tilespmem:s0+$0x0] =	vst v17;
	v17 =	vadd.s32 v1, v16;
	v16 =	vld [tilespmem:s0+$0x60]  }
.LBB2_2:
0x20: {  	s20 =	sshra.s32 s2, $0x2;
	p0 =	sne.s32 s2, $0x1E00;
	[tilespmem:s0+$0x10] =	vst v17;
	v15 =	vadd.s32 v1, v15;
	v17 =	vld [tilespmem:s0+$0x70]  }
0x21: {  	v18 =	vld [tilespmem:s20+$0x0];
	[tilespmem:s0+$0x20] =	vst v15;
	v13 =	vadd.s32 v1, v13  }
0x22: {  	v19 =	vld [tilespmem:s20+$0x10];
	[tilespmem:s0+$0x30] =	vst v13;
	v12 =	vadd.s32 v1, v12  }
.Ltmp0:
0x23: {  	v15 =	vld [tilespmem:s20+$0x20];
	[tilespmem:s0+$0x40] =	vst v12;
	v12 =	vadd.s32 v1, v14;
	(pc) =	sbr.rel @p0 .LBB2_2-.Ltmp0, $4  }
0x24: {  	v13 =	vld [tilespmem:s20+$0x30];
	[tilespmem:s0+$0x50] =	vst v12;
	v14 =	vadd.s32 v1, v16  }
0x25: {  	v12 =	vld [tilespmem:s20+$0x40];
	[tilespmem:s0+$0x60] =	vst v14;
	v16 =	vadd.s32 v1, v17  }
0x26: {  	v17 =	vadd.s32 v1, v18;
	v14 =	vld [tilespmem:s20+$0x50];
	[tilespmem:s0+$0x70] =	vst v16;
	s0 =	smov.u32 s20  }
0x27: {  	s2 =	sadd.s32 $0x200, s2;
	[tilespmem:s0+$0x0] =	vst v17;
	v17 =	vadd.s32 v1, v19;
	v16 =	vld [tilespmem:s0+$0x60]  }
0x28: {  	[tilespmem:s0+$0x10] =	vst v17;
	v15 =	vadd.s32 v1, v15;
	v17 =	vld [tilespmem:s0+$0x70]  }
0x29: {  	[tilespmem:s0+$0x20] =	vst v15;
	v13 =	vadd.s32 v1, v13  }
0x2a: {  	[tilespmem:s0+$0x30] =	vst v13;
	v12 =	vadd.s32 v1, v12  }
0x2b: {  	[tilespmem:s0+$0x40] =	vst v12;
	v12 =	vadd.s32 v1, v14  }
0x2c: {  	[tilespmem:s0+$0x50] =	vst v12;
	v12 =	vadd.s32 v1, v16  }
0x2d: {  	[tilespmem:s0+$0x60] =	vst v12;
	v12 =	vadd.s32 v1, v17  }
0x2e: {  	[tilespmem:s0+$0x70] =	vst v12;
	s0 =	simm.s32 $0x0  }
0x2f: {  	v14 =	vld [tilespmem:s0+$0x800]  }
0x30: {  	v16 =	vld [tilespmem:s0+$0x810]  }
0x31: {  	v15 =	vld [tilespmem:s0+$0x820]  }
0x32: {  	v13 =	vld [tilespmem:s0+$0x830]  }
0x33: {  	v12 =	vld [tilespmem:s0+$0x840]  }
0x34: {  	v17 =	vadd.s32 v2, v14;
	v14 =	vld [tilespmem:s0+$0x850]  }
0x35: {  	s20 =	simm.s32 $0x200;
	s2 =	simm.s32 $0x0;
	[tilespmem:s0+$0x800] =	vst v17;
	v17 =	vadd.s32 v2, v16;
	v16 =	vld [tilespmem:s0+$0x860]  }
.LBB2_4:
0x36: {  	s21 =	sshra.s32 s20, $0x2;
	p0 =	sne.s32 s20, $0x1E00;
	[tilespmem:s2+$0x810] =	vst v17;
	v15 =	vadd.s32 v2, v15;
	v17 =	vld [tilespmem:s2+$0x870]  }
0x37: {  	v18 =	vld [tilespmem:s21+$0x800];
	[tilespmem:s2+$0x820] =	vst v15;
	v13 =	vadd.s32 v2, v13  }
0x38: {  	v19 =	vld [tilespmem:s21+$0x810];
	[tilespmem:s2+$0x830] =	vst v13;
	v12 =	vadd.s32 v2, v12  }
.Ltmp1:
0x39: {  	v15 =	vld [tilespmem:s21+$0x820];
	[tilespmem:s2+$0x840] =	vst v12;
	v12 =	vadd.s32 v2, v14;
	(pc) =	sbr.rel @p0 .LBB2_4-.Ltmp1, $4  }
0x3a: {  	v13 =	vld [tilespmem:s21+$0x830];
	[tilespmem:s2+$0x850] =	vst v12;
	v14 =	vadd.s32 v2, v16  }
0x3b: {  	v12 =	vld [tilespmem:s21+$0x840];
	[tilespmem:s2+$0x860] =	vst v14;
	v16 =	vadd.s32 v2, v17  }
0x3c: {  	v17 =	vadd.s32 v2, v18;
	v14 =	vld [tilespmem:s21+$0x850];
	[tilespmem:s2+$0x870] =	vst v16;
	s2 =	smov.u32 s21  }
0x3d: {  	s20 =	sadd.s32 $0x200, s20;
	[tilespmem:s2+$0x800] =	vst v17;
	v17 =	vadd.s32 v2, v19;
	v16 =	vld [tilespmem:s2+$0x860]  }
0x3e: {  	[tilespmem:s2+$0x810] =	vst v17;
	v15 =	vadd.s32 v2, v15;
	v17 =	vld [tilespmem:s2+$0x870]  }
0x3f: {  	[tilespmem:s2+$0x820] =	vst v15;
	v13 =	vadd.s32 v2, v13  }
0x40: {  	[tilespmem:s2+$0x830] =	vst v13;
	v12 =	vadd.s32 v2, v12  }
0x41: {  	[tilespmem:s2+$0x840] =	vst v12;
	v12 =	vadd.s32 v2, v14  }
0x42: {  	[tilespmem:s2+$0x850] =	vst v12;
	v12 =	vadd.s32 v2, v16  }
0x43: {  	[tilespmem:s2+$0x860] =	vst v12;
	v12 =	vadd.s32 v2, v17  }
0x44: {  	[tilespmem:s2+$0x870] =	vst v12  }
0x45: {  	v14 =	vld [tilespmem:s0+$0x1000]  }
0x46: {  	v16 =	vld [tilespmem:s0+$0x1010]  }
0x47: {  	v15 =	vld [tilespmem:s0+$0x1020]  }
0x48: {  	v13 =	vld [tilespmem:s0+$0x1030]  }
0x49: {  	v12 =	vld [tilespmem:s0+$0x1040]  }
0x4a: {  	v17 =	vadd.s32 v3, v14;
	v14 =	vld [tilespmem:s0+$0x1050]  }
0x4b: {  	s2 =	simm.s32 $0x200;
	[tilespmem:s0+$0x1000] =	vst v17;
	v17 =	vadd.s32 v3, v16;
	v16 =	vld [tilespmem:s0+$0x1060]  }
.LBB2_6:
0x4c: {  	s20 =	sshra.s32 s2, $0x2;
	p0 =	sne.s32 s2, $0x1E00;
	[tilespmem:s0+$0x1010] =	vst v17;
	v15 =	vadd.s32 v3, v15;
	v17 =	vld [tilespmem:s0+$0x1070]  }
0x4d: {  	v18 =	vld [tilespmem:s20+$0x1000];
	[tilespmem:s0+$0x1020] =	vst v15;
	v13 =	vadd.s32 v3, v13  }
0x4e: {  	v19 =	vld [tilespmem:s20+$0x1010];
	[tilespmem:s0+$0x1030] =	vst v13;
	v12 =	vadd.s32 v3, v12  }
.Ltmp2:
0x4f: {  	v15 =	vld [tilespmem:s20+$0x1020];
	[tilespmem:s0+$0x1040] =	vst v12;
	v12 =	vadd.s32 v3, v14;
	(pc) =	sbr.rel @p0 .LBB2_6-.Ltmp2, $4  }
0x50: {  	v13 =	vld [tilespmem:s20+$0x1030];
	[tilespmem:s0+$0x1050] =	vst v12;
	v14 =	vadd.s32 v3, v16  }
0x51: {  	v12 =	vld [tilespmem:s20+$0x1040];
	[tilespmem:s0+$0x1060] =	vst v14;
	v16 =	vadd.s32 v3, v17  }
0x52: {  	v17 =	vadd.s32 v3, v18;
	v14 =	vld [tilespmem:s20+$0x1050];
	[tilespmem:s0+$0x1070] =	vst v16;
	s0 =	smov.u32 s20  }
0x53: {  	s2 =	sadd.s32 $0x200, s2;
	[tilespmem:s0+$0x1000] =	vst v17;
	v17 =	vadd.s32 v3, v19;
	v16 =	vld [tilespmem:s0+$0x1060]  }
0x54: {  	[tilespmem:s0+$0x1010] =	vst v17;
	v15 =	vadd.s32 v3, v15;
	v17 =	vld [tilespmem:s0+$0x1070]  }
0x55: {  	[tilespmem:s0+$0x1020] =	vst v15;
	v13 =	vadd.s32 v3, v13  }
0x56: {  	[tilespmem:s0+$0x1030] =	vst v13;
	v12 =	vadd.s32 v3, v12  }
0x57: {  	[tilespmem:s0+$0x1040] =	vst v12;
	v12 =	vadd.s32 v3, v14  }
0x58: {  	[tilespmem:s0+$0x1050] =	vst v12;
	v12 =	vadd.s32 v3, v16  }
0x59: {  	[tilespmem:s0+$0x1060] =	vst v12;
	v12 =	vadd.s32 v3, v17  }
0x5a: {  	[tilespmem:s0+$0x1070] =	vst v12;
	s0 =	simm.s32 $0x0  }
0x5b: {  	v14 =	vld [tilespmem:s0+$0x1800]  }
0x5c: {  	v16 =	vld [tilespmem:s0+$0x1810]  }
0x5d: {  	v15 =	vld [tilespmem:s0+$0x1820]  }
0x5e: {  	v13 =	vld [tilespmem:s0+$0x1830]  }
0x5f: {  	v12 =	vld [tilespmem:s0+$0x1840]  }
0x60: {  	v17 =	vadd.s32 v4, v14;
	v14 =	vld [tilespmem:s0+$0x1850]  }
0x61: {  	s2 =	simm.s32 $0x200;
	[tilespmem:s0+$0x1800] =	vst v17;
	v17 =	vadd.s32 v4, v16;
	v16 =	vld [tilespmem:s0+$0x1860]  }
.LBB2_8:
0x62: {  	s20 =	sshra.s32 s2, $0x2;
	p0 =	sne.s32 s2, $0x1E00;
	[tilespmem:s0+$0x1810] =	vst v17;
	v15 =	vadd.s32 v4, v15;
	v17 =	vld [tilespmem:s0+$0x1870]  }
0x63: {  	v18 =	vld [tilespmem:s20+$0x1800];
	[tilespmem:s0+$0x1820] =	vst v15;
	v13 =	vadd.s32 v4, v13  }
0x64: {  	v19 =	vld [tilespmem:s20+$0x1810];
	[tilespmem:s0+$0x1830] =	vst v13;
	v12 =	vadd.s32 v4, v12  }
.Ltmp3:
0x65: {  	v15 =	vld [tilespmem:s20+$0x1820];
	[tilespmem:s0+$0x1840] =	vst v12;
	v12 =	vadd.s32 v4, v14;
	(pc) =	sbr.rel @p0 .LBB2_8-.Ltmp3, $4  }
0x66: {  	v13 =	vld [tilespmem:s20+$0x1830];
	[tilespmem:s0+$0x1850] =	vst v12;
	v14 =	vadd.s32 v4, v16  }
0x67: {  	v12 =	vld [tilespmem:s20+$0x1840];
	[tilespmem:s0+$0x1860] =	vst v14;
	v16 =	vadd.s32 v4, v17  }
0x68: {  	v17 =	vadd.s32 v4, v18;
	v14 =	vld [tilespmem:s20+$0x1850];
	[tilespmem:s0+$0x1870] =	vst v16;
	s0 =	smov.u32 s20  }
0x69: {  	s2 =	sadd.s32 $0x200, s2;
	[tilespmem:s0+$0x1800] =	vst v17;
	v17 =	vadd.s32 v4, v19;
	v16 =	vld [tilespmem:s0+$0x1860]  }
0x6a: {  	[tilespmem:s0+$0x1810] =	vst v17;
	v15 =	vadd.s32 v4, v15;
	v17 =	vld [tilespmem:s0+$0x1870]  }
0x6b: {  	[tilespmem:s0+$0x1820] =	vst v15;
	v13 =	vadd.s32 v4, v13  }
0x6c: {  	[tilespmem:s0+$0x1830] =	vst v13;
	v12 =	vadd.s32 v4, v12  }
0x6d: {  	[tilespmem:s0+$0x1840] =	vst v12;
	v12 =	vadd.s32 v4, v14  }
0x6e: {  	[tilespmem:s0+$0x1850] =	vst v12;
	v12 =	vadd.s32 v4, v16  }
0x6f: {  	[tilespmem:s0+$0x1860] =	vst v12;
	v12 =	vadd.s32 v4, v17  }
0x70: {  	s2 =	simm.s32 $0x0;
	[tilespmem:s0+$0x1870] =	vst v12  }
0x71: {  	[tilespmem:s16], [sflag:$0x1] =	stream.indirect.gather [hbm4b:s1+s15], $0x80, s2, s15, $0xb8;
	[tilespmem:$0x1A800] =	vst v63  }
0x72: {  	_ =	swait.ge [sflag:s7], $0x4000  }
0x73: {  	[sflag:s7] =	ssyncset.done $0x0  }
0x74: {  	s20 =	simm.s32 $0x1;
	s0 =	simm.s32 $0x2080;
	[sflag:s7] =	ssyncadd.s32 $0xFFFFC000  }
0x75: {  	[tilespmem:s17], [sflag:$0x2] =	stream.indirect.gather [hbm4b:s1+s15], $0x80, s15, s15, $0xb8;
	[tilespmem:$0x1A800] =	vst v63  }
0x76: {  	v12 =	vmov s20;
	v19 =	vld [tilespmem:s0+$0x0]  }
0x77: {  	v15 =	vand.u32 $0x7F, v12;
	v18 =	vld [tilespmem:s0+$0x10]  }
0x78: {  	v24 =	vadd.s32 v0, v15;
	v17 =	vld [tilespmem:s0+$0x20]  }
0x79: {  	v23 =	vadd.s32 v5, v15;
	v16 =	vld [tilespmem:s0+$0x30]  }
0x7a: {  	v22 =	vadd.s32 v6, v15;
	v12 =	vld [tilespmem:s0+$0x40]  }
0x7b: {  	v21 =	vadd.s32 v7, v15;
	v13 =	vld [tilespmem:s0+$0x50]  }
0x7c: {  	s20 =	simm.s32 $0x2;
	v20 =	vadd.s32 v8, v15;
	v14 =	vld [tilespmem:s0+$0x60]  }
.LBB2_10:
0x7d: {  	p0 =	slt.u32 s20, $0x7E;
	v25 =	vld [tilespmem:s0+$0x70];
	[tilespmem:v24+s18+$0x0] =	vst.idx.msk $0xffff, v19;
	v19 =	vadd.s32 v9, v15  }
0x7e: {  	v24 =	vmov s2;
	s2 =	smov.u32 s20;
	v26 =	vld [tilespmem:s0+$0xFFFFFF80];
	[tilespmem:v23+s18+$0x0] =	vst.idx.msk $0xffff, v18;
	v18 =	vadd.s32 v10, v15  }
0x7f: {  	v24 =	vand.u32 $0x7E, v24;
	v15 =	vadd.s32 v11, v15;
	v23 =	vld [tilespmem:s0+$0xFFFFFF90];
	[tilespmem:v22+s18+$0x0] =	vst.idx.msk $0xffff, v17  }
0x80: {  	v22 =	vadd.s32 v0, v24;
	v17 =	vld [tilespmem:s0+$0xFFFFFFA0];
	[tilespmem:v21+s18+$0x0] =	vst.idx.msk $0xffff, v16  }
0x81: {  	v21 =	vadd.s32 v5, v24;
	v16 =	vld [tilespmem:s0+$0xFFFFFFB0];
	[tilespmem:v20+s18+$0x0] =	vst.idx.msk $0xffff, v12  }
0x82: {  	v20 =	vadd.s32 v6, v24;
	v12 =	vld [tilespmem:s0+$0xFFFFFFC0];
	[tilespmem:v19+s18+$0x0] =	vst.idx.msk $0xffff, v13  }
0x83: {  	v27 =	vadd.s32 v7, v24;
	v13 =	vld [tilespmem:s0+$0xFFFFFFD0];
	[tilespmem:v18+s18+$0x0] =	vst.idx.msk $0xffff, v14  }
0x84: {  	v28 =	vadd.s32 v8, v24;
	v14 =	vld [tilespmem:s0+$0xFFFFFFE0];
	[tilespmem:v15+s18+$0x0] =	vst.idx.msk $0xffff, v25  }
0x85: {  	s21 =	sadd.s32 $0x1, s20;
	v25 =	vld [tilespmem:s0+$0xFFFFFFF0];
	[tilespmem:v22+s18+$0x0] =	vst.idx.msk $0xffff, v26;
	v26 =	vadd.s32 v9, v24;
	s0 =	sadd.s32 $0x100, s0  }
0x86: {  	v29 =	vadd.s32 v10, v24;
	v15 =	vmov s21;
	v19 =	vld [tilespmem:s0+$0x0];
	[tilespmem:v21+s18+$0x0] =	vst.idx.msk $0xffff, v23  }
0x87: {  	v30 =	vadd.s32 v11, v24;
	v15 =	vand.u32 $0x7F, v15;
	v18 =	vld [tilespmem:s0+$0x10];
	[tilespmem:v20+s18+$0x0] =	vst.idx.msk $0xffff, v17  }
.Ltmp4:
0x88: {  	v24 =	vadd.s32 v0, v15;
	v17 =	vld [tilespmem:s0+$0x20];
	[tilespmem:v27+s18+$0x0] =	vst.idx.msk $0xffff, v16;
	(pc) =	sbr.rel @p0 .LBB2_10-.Ltmp4, $4  }
0x89: {  	v23 =	vadd.s32 v5, v15;
	v16 =	vld [tilespmem:s0+$0x30];
	[tilespmem:v28+s18+$0x0] =	vst.idx.msk $0xffff, v12  }
0x8a: {  	v22 =	vadd.s32 v6, v15;
	v12 =	vld [tilespmem:s0+$0x40];
	[tilespmem:v26+s18+$0x0] =	vst.idx.msk $0xffff, v13  }
0x8b: {  	v21 =	vadd.s32 v7, v15;
	v13 =	vld [tilespmem:s0+$0x50];
	[tilespmem:v29+s18+$0x0] =	vst.idx.msk $0xffff, v14  }
0x8c: {  	s20 =	sadd.s32 $0x2, s20;
	v20 =	vadd.s32 v8, v15;
	v14 =	vld [tilespmem:s0+$0x60];
	[tilespmem:v30+s18+$0x0] =	vst.idx.msk $0xffff, v25  }
0x8d: {  	_ =	sdelay $0x3  }
0x8e: {  	v25 =	vld [tilespmem:s0+$0x70];
	[tilespmem:v24+s18+$0x0] =	vst.idx.msk $0xffff, v19;
	v19 =	vadd.s32 v9, v15  }
0x8f: {  	v24 =	vld [tilespmem:s0+$0xFFFFFF80];
	v26 =	vmov s2;
	[tilespmem:v23+s18+$0x0] =	vst.idx.msk $0xffff, v18;
	v18 =	vadd.s32 v10, v15  }
0x90: {  	v23 =	vld [tilespmem:s0+$0xFFFFFF90];
	v26 =	vand.u32 $0x7E, v26;
	v15 =	vadd.s32 v11, v15;
	[tilespmem:v22+s18+$0x0] =	vst.idx.msk $0xffff, v17  }
0x91: {  	v17 =	vld [tilespmem:s0+$0xFFFFFFA0];
	v22 =	vadd.s32 v0, v26;
	[tilespmem:v21+s18+$0x0] =	vst.idx.msk $0xffff, v16  }
0x92: {  	v16 =	vld [tilespmem:s0+$0xFFFFFFB0];
	v21 =	vadd.s32 v5, v26;
	[tilespmem:v20+s18+$0x0] =	vst.idx.msk $0xffff, v12  }
0x93: {  	v12 =	vld [tilespmem:s0+$0xFFFFFFC0];
	v20 =	vadd.s32 v6, v26;
	[tilespmem:v19+s18+$0x0] =	vst.idx.msk $0xffff, v13  }
0x94: {  	v13 =	vld [tilespmem:s0+$0xFFFFFFD0];
	v19 =	vadd.s32 v7, v26;
	[tilespmem:v18+s18+$0x0] =	vst.idx.msk $0xffff, v14  }
0x95: {  	v14 =	vld [tilespmem:s0+$0xFFFFFFE0];
	v18 =	vadd.s32 v8, v26;
	[tilespmem:v15+s18+$0x0] =	vst.idx.msk $0xffff, v25  }
0x96: {  	v15 =	vld [tilespmem:s0+$0xFFFFFFF0];
	[tilespmem:v22+s18+$0x0] =	vst.idx.msk $0xffff, v24;
	v22 =	vadd.s32 v9, v26  }
0x97: {  	[tilespmem:v21+s18+$0x0] =	vst.idx.msk $0xffff, v23;
	v21 =	vadd.s32 v10, v26  }
0x98: {  	[tilespmem:v20+s18+$0x0] =	vst.idx.msk $0xffff, v17;
	v17 =	vadd.s32 v11, v26  }
0x99: {  	[tilespmem:v19+s18+$0x0] =	vst.idx.msk $0xffff, v16  }
0x9a: {  	[tilespmem:v18+s18+$0x0] =	vst.idx.msk $0xffff, v12  }
0x9b: {  	[tilespmem:v22+s18+$0x0] =	vst.idx.msk $0xffff, v13  }
0x9c: {  	[tilespmem:v21+s18+$0x0] =	vst.idx.msk $0xffff, v14  }
0x9d: {  	[tilespmem:v17+s18+$0x0] =	vst.idx.msk $0xffff, v15  }
0x9e: {  	_ =	swait.ge [sflag:s19], $0x4000  }
0x9f: {  	s26 =	simm.s32 $0x100;
	[sflag:s19] =	ssyncset.done $0x0  }
0xa0: {  	s28 =	simm.s32 $0x81;
	s0 =	simm.s32 $0x6000;
	[sflag:s19] =	ssyncadd.s32 $0xFFFFC000  }
0xa1: {  	[tilespmem:s16], [sflag:$0x1] =	stream.indirect.gather [hbm4b:s1+s15], $0x80, s26, s15, $0xb8;
	[tilespmem:$0x1A800] =	vst v63  }
0xa2: {  	v13 =	vmov s28;
	v12 =	vld [tilespmem:s0+$0x80]  }
0xa3: {  	v16 =	vand.u32 $0xFF, v13;
	v15 =	vld [tilespmem:s0+$0x90]  }
0xa4: {  	v13 =	vadd.s32 v0, v16;
	v17 =	vld [tilespmem:s0+$0xA0]  }
0xa5: {  	v19 =	vadd.s32 v5, v16;
	v18 =	vld [tilespmem:s0+$0xB0]  }
0xa6: {  	v21 =	vadd.s32 v6, v16;
	v20 =	vld [tilespmem:s0+$0xC0]  }
0xa7: {  	v23 =	vadd.s32 v7, v16;
	v22 =	vld [tilespmem:s0+$0xD0]  }
0xa8: {  	v24 =	vadd.s32 v8, v16;
	v25 =	vld [tilespmem:s0+$0xE0]  }
0xa9: {  	v27 =	vadd.s32 v9, v16;
	v26 =	vld [tilespmem:s0+$0xF0];
	[tilespmem:v13+s18+$0x0] =	vst.idx.msk $0xffff, v12  }
0xaa: {  	s31 =	simm.s32 $0x80;
	[tilespmem:v19+s18+$0x0] =	vst.idx.msk $0xffff, v15  }
0xab: {  	v14 =	vld [tilespmem:s0+$0x0];
	v12 =	vmov s31;
	v19 =	vadd.s32 v10, v16;
	[tilespmem:v21+s18+$0x0] =	vst.idx.msk $0xffff, v17  }
0xac: {  	v28 =	vadd.s32 v11, v16;
	v13 =	vld [tilespmem:s0+$0x10];
	v12 =	vand.u32 $0xFE, v12;
	[tilespmem:v23+s18+$0x0] =	vst.idx.msk $0xffff, v18  }
0xad: {  	v15 =	vld [tilespmem:s0+$0x20];
	[tilespmem:v24+s18+$0x0] =	vst.idx.msk $0xffff, v20;
	v24 =	vadd.s32 v0, v12  }
0xae: {  	v16 =	vld [tilespmem:s0+$0x30];
	[tilespmem:v27+s18+$0x0] =	vst.idx.msk $0xffff, v22;
	v22 =	vadd.s32 v5, v12  }
0xaf: {  	v17 =	vld [tilespmem:s0+$0x40];
	v20 =	vadd.s32 v6, v12  }
0xb0: {  	v21 =	vadd.s32 v7, v12;
	v18 =	vld [tilespmem:s0+$0x50];
	[tilespmem:v19+s18+$0x0] =	vst.idx.msk $0xffff, v25  }
0xb1: {  	s2 =	simm.s32 $0x0;
	v23 =	vadd.s32 v8, v12;
	v19 =	vld [tilespmem:s0+$0x60];
	[tilespmem:v28+s18+$0x0] =	vst.idx.msk $0xffff, v26  }
.LBB2_12:
0xb2: {  	s20 =	sadd.s32 $0x83, s2;
	v25 =	vld [tilespmem:s0+$0x70];
	[tilespmem:v24+s18+$0x0] =	vst.idx.msk $0xffff, v14;
	v14 =	vadd.s32 v9, v12;
	s0 =	sadd.s32 $0x100, s0;
	s21 =	smov.u32 s2  }
0xb3: {  	v24 =	vmov s20;
	v26 =	vld [tilespmem:s0+$0x80];
	[tilespmem:v22+s18+$0x0] =	vst.idx.msk $0xffff, v13;
	v13 =	vadd.s32 v10, v12  }
0xb4: {  	v12 =	vadd.s32 v11, v12;
	v22 =	vld [tilespmem:s0+$0x90];
	v24 =	vand.u32 $0xFF, v24;
	[tilespmem:v20+s18+$0x0] =	vst.idx.msk $0xffff, v15  }
0xb5: {  	v15 =	vld [tilespmem:s0+$0xA0];
	v20 =	vadd.s32 v0, v24;
	[tilespmem:v21+s18+$0x0] =	vst.idx.msk $0xffff, v16  }
0xb6: {  	v21 =	vadd.s32 v5, v24;
	v16 =	vld [tilespmem:s0+$0xB0];
	[tilespmem:v23+s18+$0x0] =	vst.idx.msk $0xffff, v17  }
0xb7: {  	v23 =	vadd.s32 v6, v24;
	v17 =	vld [tilespmem:s0+$0xC0];
	[tilespmem:v14+s18+$0x0] =	vst.idx.msk $0xffff, v18  }
0xb8: {  	v27 =	vadd.s32 v7, v24;
	v18 =	vld [tilespmem:s0+$0xD0];
	[tilespmem:v13+s18+$0x0] =	vst.idx.msk $0xffff, v19  }
0xb9: {  	s2 =	sadd.s32 $0x2, s2;
	v28 =	vadd.s32 v8, v24;
	v19 =	vld [tilespmem:s0+$0xE0];
	[tilespmem:v12+s18+$0x0] =	vst.idx.msk $0xffff, v25  }
0xba: {  	s20 =	sadd.s32 $0x82, s21;
	p0 =	slt.u32 s2, $0x7E;
	v25 =	vld [tilespmem:s0+$0xF0];
	[tilespmem:v20+s18+$0x0] =	vst.idx.msk $0xffff, v26;
	v26 =	vadd.s32 v9, v24  }
0xbb: {  	v29 =	vadd.s32 v10, v24;
	v12 =	vmov s20;
	v14 =	vld [tilespmem:s0+$0x0];
	[tilespmem:v21+s18+$0x0] =	vst.idx.msk $0xffff, v22  }
0xbc: {  	v30 =	vadd.s32 v11, v24;
	v12 =	vand.u32 $0xFE, v12;
	v13 =	vld [tilespmem:s0+$0x10];
	[tilespmem:v23+s18+$0x0] =	vst.idx.msk $0xffff, v15  }
.Ltmp5:
0xbd: {  	v24 =	vadd.s32 v0, v12;
	v15 =	vld [tilespmem:s0+$0x20];
	[tilespmem:v27+s18+$0x0] =	vst.idx.msk $0xffff, v16;
	(pc) =	sbr.rel @p0 .LBB2_12-.Ltmp5, $4  }
0xbe: {  	v22 =	vadd.s32 v5, v12;
	v16 =	vld [tilespmem:s0+$0x30];
	[tilespmem:v28+s18+$0x0] =	vst.idx.msk $0xffff, v17  }
0xbf: {  	v20 =	vadd.s32 v6, v12;
	v17 =	vld [tilespmem:s0+$0x40];
	[tilespmem:v26+s18+$0x0] =	vst.idx.msk $0xffff, v18  }
0xc0: {  	v21 =	vadd.s32 v7, v12;
	v18 =	vld [tilespmem:s0+$0x50];
	[tilespmem:v29+s18+$0x0] =	vst.idx.msk $0xffff, v19  }
0xc1: {  	v23 =	vadd.s32 v8, v12;
	v19 =	vld [tilespmem:s0+$0x60];
	[tilespmem:v30+s18+$0x0] =	vst.idx.msk $0xffff, v25  }
0xc2: {  	_ =	sdelay $0x3  }
0xc3: {  	v25 =	vld [tilespmem:s0+$0x70];
	[tilespmem:v24+s18+$0x0] =	vst.idx.msk $0xffff, v14;
	v61 =	vadd.s32 v9, v12  }
0xc4: {  	v62 =	vadd.s32 v10, v12;
	[tilespmem:v22+s18+$0x0] =	vst.idx.msk $0xffff, v13  }
0xc5: {  	v63 =	vadd.s32 v11, v12;
	[tilespmem:v20+s18+$0x0] =	vst.idx.msk $0xffff, v15  }
0xc6: {  	[tilespmem:v21+s18+$0x0] =	vst.idx.msk $0xffff, v16  }
0xc7: {  	[tilespmem:v23+s18+$0x0] =	vst.idx.msk $0xffff, v17  }
0xc8: {  	[tilespmem:v61+s18+$0x0] =	vst.idx.msk $0xffff, v18  }
0xc9: {  	s0 =	simm.s32 $0xA000;
	[tilespmem:v62+s18+$0x0] =	vst.idx.msk $0xffff, v19  }
0xca: {  	s2 =	simm.s32 $0x100;
	s21 =	sadd.s32 $0x0, s8;
	s20 =	simm.s32 $0xA108;
	[tilespmem:v63+s18+$0x0] =	vst.idx.msk $0xffff, v25  }
.LBB2_14:
0xcb: {  	[hbm4b:s21+s3] =	stream.linear.scatter [tilespmem:s0], [sflag:$0x3], $0x100, $0x38;
	[tilespmem:$0x1A800] =	vst v63  }
0xcc: {  	s21 =	smov.u32 s2;
	s0 =	smov.u32 s20;
	p0 =	sne.s32 s2, $0x7F00  }
.Ltmp6:
0xcd: {  	s2 =	sadd.s32 $0x100, s2;
	(pc) =	sbr.rel @p0 .LBB2_14-.Ltmp6, $2  }
0xce: {  	_ =	sdelay $0x2  }
0xcf: {  	s20 =	sadd.s32 $0x108, s20;
	s21 =	sadd.s32 s21, s8  }
0xd0: {  	[hbm4b:s21+s3] =	stream.linear.scatter [tilespmem:s0], [sflag:$0x3], $0x100, $0x38;
	[tilespmem:$0x1A800] =	vst v63  }
0xd1: {  	_ =	swait.ge [sflag:s7], $0x4000  }
0xd2: {  	s31 =	simm.s32 $0x180;
	[sflag:s7] =	ssyncset.done $0x0  }
0xd3: {  	s0 =	simm.s32 $0x2080;
	s2 =	simm.s32 $0x1;
	[sflag:s7] =	ssyncadd.s32 $0xFFFFC000  }
0xd4: {  	[tilespmem:s17], [sflag:$0x2] =	stream.indirect.gather [hbm4b:s1+s15], $0x80, s31, s15, $0xb8;
	[tilespmem:$0x1A800] =	vst v63  }
0xd5: {  	v12 =	vmov s2;
	v19 =	vld [tilespmem:s0+$0x0]  }
0xd6: {  	v14 =	vand.u32 $0x7F, v12;
	v18 =	vld [tilespmem:s0+$0x10]  }
0xd7: {  	v24 =	vadd.s32 v0, v14;
	v17 =	vld [tilespmem:s0+$0x20]  }
0xd8: {  	v23 =	vadd.s32 v5, v14;
	v15 =	vld [tilespmem:s0+$0x30]  }
0xd9: {  	v22 =	vadd.s32 v6, v14;
	v12 =	vld [tilespmem:s0+$0x40]  }
0xda: {  	v21 =	vadd.s32 v7, v14;
	v13 =	vld [tilespmem:s0+$0x50]  }
0xdb: {  	s20 =	simm.s32 $0x2;
	s2 =	simm.s32 $0x0;
	v20 =	vadd.s32 v8, v14;
	v16 =	vld [tilespmem:s0+$0x60]  }
.LBB2_16:
0xdc: {  	p0 =	slt.u32 s20, $0x7E;
	v25 =	vld [tilespmem:s0+$0x70];
	[tilespmem:v24+s22+$0x0] =	vst.idx.msk $0xffff, v19;
	v19 =	vadd.s32 v9, v14  }
0xdd: {  	v24 =	vmov s2;
	s2 =	smov.u32 s20;
	v26 =	vld [tilespmem:s0+$0xFFFFFF80];
	[tilespmem:v23+s22+$0x0] =	vst.idx.msk $0xffff, v18;
	v18 =	vadd.s32 v10, v14  }
0xde: {  	v24 =	vand.u32 $0x7E, v24;
	v14 =	vadd.s32 v11, v14;
	v23 =	vld [tilespmem:s0+$0xFFFFFF90];
	[tilespmem:v22+s22+$0x0] =	vst.idx.msk $0xffff, v17  }
0xdf: {  	v22 =	vadd.s32 v0, v24;
	v17 =	vld [tilespmem:s0+$0xFFFFFFA0];
	[tilespmem:v21+s22+$0x0] =	vst.idx.msk $0xffff, v15  }
0xe0: {  	v21 =	vadd.s32 v5, v24;
	v15 =	vld [tilespmem:s0+$0xFFFFFFB0];
	[tilespmem:v20+s22+$0x0] =	vst.idx.msk $0xffff, v12  }
0xe1: {  	v20 =	vadd.s32 v6, v24;
	v12 =	vld [tilespmem:s0+$0xFFFFFFC0];
	[tilespmem:v19+s22+$0x0] =	vst.idx.msk $0xffff, v13  }
0xe2: {  	v27 =	vadd.s32 v7, v24;
	v13 =	vld [tilespmem:s0+$0xFFFFFFD0];
	[tilespmem:v18+s22+$0x0] =	vst.idx.msk $0xffff, v16  }
0xe3: {  	v28 =	vadd.s32 v8, v24;
	v16 =	vld [tilespmem:s0+$0xFFFFFFE0];
	[tilespmem:v14+s22+$0x0] =	vst.idx.msk $0xffff, v25  }
0xe4: {  	s21 =	sadd.s32 $0x1, s20;
	v25 =	vld [tilespmem:s0+$0xFFFFFFF0];
	[tilespmem:v22+s22+$0x0] =	vst.idx.msk $0xffff, v26;
	v26 =	vadd.s32 v9, v24;
	s0 =	sadd.s32 $0x100, s0  }
0xe5: {  	v29 =	vadd.s32 v10, v24;
	v14 =	vmov s21;
	v19 =	vld [tilespmem:s0+$0x0];
	[tilespmem:v21+s22+$0x0] =	vst.idx.msk $0xffff, v23  }
0xe6: {  	v30 =	vadd.s32 v11, v24;
	v14 =	vand.u32 $0x7F, v14;
	v18 =	vld [tilespmem:s0+$0x10];
	[tilespmem:v20+s22+$0x0] =	vst.idx.msk $0xffff, v17  }
.Ltmp7:
0xe7: {  	v24 =	vadd.s32 v0, v14;
	v17 =	vld [tilespmem:s0+$0x20];
	[tilespmem:v27+s22+$0x0] =	vst.idx.msk $0xffff, v15;
	(pc) =	sbr.rel @p0 .LBB2_16-.Ltmp7, $4  }
0xe8: {  	v23 =	vadd.s32 v5, v14;
	v15 =	vld [tilespmem:s0+$0x30];
	[tilespmem:v28+s22+$0x0] =	vst.idx.msk $0xffff, v12  }
0xe9: {  	v22 =	vadd.s32 v6, v14;
	v12 =	vld [tilespmem:s0+$0x40];
	[tilespmem:v26+s22+$0x0] =	vst.idx.msk $0xffff, v13  }
0xea: {  	v21 =	vadd.s32 v7, v14;
	v13 =	vld [tilespmem:s0+$0x50];
	[tilespmem:v29+s22+$0x0] =	vst.idx.msk $0xffff, v16  }
0xeb: {  	s20 =	sadd.s32 $0x2, s20;
	v20 =	vadd.s32 v8, v14;
	v16 =	vld [tilespmem:s0+$0x60];
	[tilespmem:v30+s22+$0x0] =	vst.idx.msk $0xffff, v25  }
0xec: {  	_ =	sdelay $0x3  }
0xed: {  	v25 =	vld [tilespmem:s0+$0x70];
	[tilespmem:v24+s22+$0x0] =	vst.idx.msk $0xffff, v19;
	v19 =	vadd.s32 v9, v14  }
0xee: {  	v24 =	vld [tilespmem:s0+$0xFFFFFF80];
	v26 =	vmov s2;
	[tilespmem:v23+s22+$0x0] =	vst.idx.msk $0xffff, v18;
	v18 =	vadd.s32 v10, v14  }
0xef: {  	v23 =	vld [tilespmem:s0+$0xFFFFFF90];
	v26 =	vand.u32 $0x7E, v26;
	v14 =	vadd.s32 v11, v14;
	[tilespmem:v22+s22+$0x0] =	vst.idx.msk $0xffff, v17  }
0xf0: {  	v17 =	vld [tilespmem:s0+$0xFFFFFFA0];
	v22 =	vadd.s32 v0, v26;
	[tilespmem:v21+s22+$0x0] =	vst.idx.msk $0xffff, v15  }
0xf1: {  	v15 =	vld [tilespmem:s0+$0xFFFFFFB0];
	v21 =	vadd.s32 v5, v26;
	[tilespmem:v20+s22+$0x0] =	vst.idx.msk $0xffff, v12  }
0xf2: {  	v12 =	vld [tilespmem:s0+$0xFFFFFFC0];
	v20 =	vadd.s32 v6, v26;
	[tilespmem:v19+s22+$0x0] =	vst.idx.msk $0xffff, v13  }
0xf3: {  	v13 =	vld [tilespmem:s0+$0xFFFFFFD0];
	v19 =	vadd.s32 v7, v26;
	[tilespmem:v18+s22+$0x0] =	vst.idx.msk $0xffff, v16  }
0xf4: {  	v16 =	vld [tilespmem:s0+$0xFFFFFFE0];
	v18 =	vadd.s32 v8, v26;
	[tilespmem:v14+s22+$0x0] =	vst.idx.msk $0xffff, v25  }
0xf5: {  	v14 =	vld [tilespmem:s0+$0xFFFFFFF0];
	[tilespmem:v22+s22+$0x0] =	vst.idx.msk $0xffff, v24;
	v22 =	vadd.s32 v9, v26  }
0xf6: {  	[tilespmem:v21+s22+$0x0] =	vst.idx.msk $0xffff, v23;
	v21 =	vadd.s32 v10, v26  }
0xf7: {  	[tilespmem:v20+s22+$0x0] =	vst.idx.msk $0xffff, v17;
	v17 =	vadd.s32 v11, v26  }
0xf8: {  	[tilespmem:v19+s22+$0x0] =	vst.idx.msk $0xffff, v15  }
0xf9: {  	[tilespmem:v18+s22+$0x0] =	vst.idx.msk $0xffff, v12  }
0xfa: {  	[tilespmem:v22+s22+$0x0] =	vst.idx.msk $0xffff, v13  }
0xfb: {  	[tilespmem:v21+s22+$0x0] =	vst.idx.msk $0xffff, v16  }
0xfc: {  	[tilespmem:v17+s22+$0x0] =	vst.idx.msk $0xffff, v14  }
0xfd: {  	_ =	swait.ge [sflag:s19], $0x4000  }
0xfe: {  	s26 =	simm.s32 $0x200;
	[sflag:s19] =	ssyncset.done $0x0  }
0xff: {  	s28 =	simm.s32 $0x81;
	s0 =	simm.s32 $0x6000;
	[sflag:s19] =	ssyncadd.s32 $0xFFFFC000  }
0x100: {  	[tilespmem:s16], [sflag:$0x1] =	stream.indirect.gather [hbm4b:s1+s15], $0x80, s26, s15, $0xb8;
	[tilespmem:$0x1A800] =	vst v63  }
0x101: {  	v13 =	vmov s28;
	v12 =	vld [tilespmem:s0+$0x80]  }
0x102: {  	v16 =	vand.u32 $0xFF, v13;
	v15 =	vld [tilespmem:s0+$0x90]  }
0x103: {  	v13 =	vadd.s32 v0, v16;
	v17 =	vld [tilespmem:s0+$0xA0]  }
0x104: {  	v19 =	vadd.s32 v5, v16;
	v18 =	vld [tilespmem:s0+$0xB0]  }
0x105: {  	v21 =	vadd.s32 v6, v16;
	v20 =	vld [tilespmem:s0+$0xC0]  }
0x106: {  	v23 =	vadd.s32 v7, v16;
	v22 =	vld [tilespmem:s0+$0xD0]  }
0x107: {  	v24 =	vadd.s32 v8, v16;
	v25 =	vld [tilespmem:s0+$0xE0]  }
0x108: {  	v27 =	vadd.s32 v9, v16;
	v26 =	vld [tilespmem:s0+$0xF0];
	[tilespmem:v13+s22+$0x0] =	vst.idx.msk $0xffff, v12  }
0x109: {  	s31 =	simm.s32 $0x80;
	[tilespmem:v19+s22+$0x0] =	vst.idx.msk $0xffff, v15  }
0x10a: {  	v14 =	vld [tilespmem:s0+$0x0];
	v12 =	vmov s31;
	v19 =	vadd.s32 v10, v16;
	[tilespmem:v21+s22+$0x0] =	vst.idx.msk $0xffff, v17  }
0x10b: {  	v28 =	vadd.s32 v11, v16;
	v13 =	vld [tilespmem:s0+$0x10];
	v12 =	vand.u32 $0xFE, v12;
	[tilespmem:v23+s22+$0x0] =	vst.idx.msk $0xffff, v18  }
0x10c: {  	v15 =	vld [tilespmem:s0+$0x20];
	[tilespmem:v24+s22+$0x0] =	vst.idx.msk $0xffff, v20;
	v24 =	vadd.s32 v0, v12  }
0x10d: {  	v16 =	vld [tilespmem:s0+$0x30];
	[tilespmem:v27+s22+$0x0] =	vst.idx.msk $0xffff, v22;
	v22 =	vadd.s32 v5, v12  }
0x10e: {  	v17 =	vld [tilespmem:s0+$0x40];
	v20 =	vadd.s32 v6, v12  }
0x10f: {  	v21 =	vadd.s32 v7, v12;
	v18 =	vld [tilespmem:s0+$0x50];
	[tilespmem:v19+s22+$0x0] =	vst.idx.msk $0xffff, v25  }
0x110: {  	s2 =	simm.s32 $0x0;
	v23 =	vadd.s32 v8, v12;
	v19 =	vld [tilespmem:s0+$0x60];
	[tilespmem:v28+s22+$0x0] =	vst.idx.msk $0xffff, v26  }
.LBB2_18:
0x111: {  	s20 =	sadd.s32 $0x83, s2;
	v25 =	vld [tilespmem:s0+$0x70];
	[tilespmem:v24+s22+$0x0] =	vst.idx.msk $0xffff, v14;
	v14 =	vadd.s32 v9, v12;
	s0 =	sadd.s32 $0x100, s0;
	s21 =	smov.u32 s2  }
0x112: {  	v24 =	vmov s20;
	v26 =	vld [tilespmem:s0+$0x80];
	[tilespmem:v22+s22+$0x0] =	vst.idx.msk $0xffff, v13;
	v13 =	vadd.s32 v10, v12  }
0x113: {  	v12 =	vadd.s32 v11, v12;
	v22 =	vld [tilespmem:s0+$0x90];
	v24 =	vand.u32 $0xFF, v24;
	[tilespmem:v20+s22+$0x0] =	vst.idx.msk $0xffff, v15  }
0x114: {  	v15 =	vld [tilespmem:s0+$0xA0];
	v20 =	vadd.s32 v0, v24;
	[tilespmem:v21+s22+$0x0] =	vst.idx.msk $0xffff, v16  }
0x115: {  	v21 =	vadd.s32 v5, v24;
	v16 =	vld [tilespmem:s0+$0xB0];
	[tilespmem:v23+s22+$0x0] =	vst.idx.msk $0xffff, v17  }
0x116: {  	v23 =	vadd.s32 v6, v24;
	v17 =	vld [tilespmem:s0+$0xC0];
	[tilespmem:v14+s22+$0x0] =	vst.idx.msk $0xffff, v18  }
0x117: {  	v27 =	vadd.s32 v7, v24;
	v18 =	vld [tilespmem:s0+$0xD0];
	[tilespmem:v13+s22+$0x0] =	vst.idx.msk $0xffff, v19  }
0x118: {  	s2 =	sadd.s32 $0x2, s2;
	v28 =	vadd.s32 v8, v24;
	v19 =	vld [tilespmem:s0+$0xE0];
	[tilespmem:v12+s22+$0x0] =	vst.idx.msk $0xffff, v25  }
0x119: {  	s20 =	sadd.s32 $0x82, s21;
	p0 =	slt.u32 s2, $0x7E;
	v25 =	vld [tilespmem:s0+$0xF0];
	[tilespmem:v20+s22+$0x0] =	vst.idx.msk $0xffff, v26;
	v26 =	vadd.s32 v9, v24  }
0x11a: {  	v29 =	vadd.s32 v10, v24;
	v12 =	vmov s20;
	v14 =	vld [tilespmem:s0+$0x0];
	[tilespmem:v21+s22+$0x0] =	vst.idx.msk $0xffff, v22  }
0x11b: {  	v30 =	vadd.s32 v11, v24;
	v12 =	vand.u32 $0xFE, v12;
	v13 =	vld [tilespmem:s0+$0x10];
	[tilespmem:v23+s22+$0x0] =	vst.idx.msk $0xffff, v15  }
.Ltmp8:
0x11c: {  	v24 =	vadd.s32 v0, v12;
	v15 =	vld [tilespmem:s0+$0x20];
	[tilespmem:v27+s22+$0x0] =	vst.idx.msk $0xffff, v16;
	(pc) =	sbr.rel @p0 .LBB2_18-.Ltmp8, $4  }
0x11d: {  	v22 =	vadd.s32 v5, v12;
	v16 =	vld [tilespmem:s0+$0x30];
	[tilespmem:v28+s22+$0x0] =	vst.idx.msk $0xffff, v17  }
0x11e: {  	v20 =	vadd.s32 v6, v12;
	v17 =	vld [tilespmem:s0+$0x40];
	[tilespmem:v26+s22+$0x0] =	vst.idx.msk $0xffff, v18  }
0x11f: {  	v21 =	vadd.s32 v7, v12;
	v18 =	vld [tilespmem:s0+$0x50];
	[tilespmem:v29+s22+$0x0] =	vst.idx.msk $0xffff, v19  }
0x120: {  	v23 =	vadd.s32 v8, v12;
	v19 =	vld [tilespmem:s0+$0x60];
	[tilespmem:v30+s22+$0x0] =	vst.idx.msk $0xffff, v25  }
0x121: {  	_ =	sdelay $0x3  }
0x122: {  	v25 =	vld [tilespmem:s0+$0x70];
	[tilespmem:v24+s22+$0x0] =	vst.idx.msk $0xffff, v14;
	v61 =	vadd.s32 v9, v12  }
0x123: {  	v62 =	vadd.s32 v10, v12;
	[tilespmem:v22+s22+$0x0] =	vst.idx.msk $0xffff, v13  }
0x124: {  	v63 =	vadd.s32 v11, v12;
	[tilespmem:v20+s22+$0x0] =	vst.idx.msk $0xffff, v15  }
0x125: {  	[tilespmem:v21+s22+$0x0] =	vst.idx.msk $0xffff, v16  }
0x126: {  	[tilespmem:v23+s22+$0x0] =	vst.idx.msk $0xffff, v17  }
0x127: {  	[tilespmem:v61+s22+$0x0] =	vst.idx.msk $0xffff, v18  }
0x128: {  	[tilespmem:v62+s22+$0x0] =	vst.idx.msk $0xffff, v19  }
0x129: {  	s0 =	simm.s32 $0x0;
	s2 =	simm.s32 $0x12400;
	[tilespmem:v63+s22+$0x0] =	vst.idx.msk $0xffff, v25  }
.LBB2_20:
0x12a: {  	p0 =	sne.s32 s0, $0x7F00  }
.Ltmp9:
0x12b: {  	_ = 	snop;
	(pc) =	sbr.rel @p0 .LBB2_20-.Ltmp9, $4  }
0x12c: {  	_ = 	snop  }
0x12d: {  	s20 =	sadd.s32 s0, s9  }
0x12e: {  	[hbm4b:s20+s3] =	stream.linear.scatter [tilespmem:s2], [sflag:$0x4], $0x100, $0x38;
	[tilespmem:$0x1A800] =	vst v63  }
0x12f: {  	s0 =	sadd.s32 $0x100, s0;
	s2 =	sadd.s32 $0x108, s2  }
0x130: {  	s31 =	simm.s32 $0x1  }
.LBB2_22:
0x131: {  	_ =	swait.ge [sflag:s7], $0x4000;
	s2 =	sshll.u32 s31, $0x9  }
0x132: {  	[sflag:s7] =	ssyncset.done $0x0;
	s0 =	sand.u32 $0x1E00, s2  }
0x133: {  	[sflag:s7] =	ssyncadd.s32 $0xFFFFC000;
	s20 =	sor.u32 $0x80, s0  }
0x134: {  	[tilespmem:s17], [sflag:$0x2] =	stream.indirect.gather [hbm4b:s1+s15], $0x80, s20, s15, $0xb8;
	[tilespmem:$0x1A800] =	vst v63  }
0x135: {  	_ =	swait.ge [sflag:s24], $0x8000  }
0x136: {  	[sflag:s24] =	ssyncset.done $0x0  }
0x137: {  	s21 =	simm.s32 $0x1;
	s20 =	simm.s32 $0x2080;
	[sflag:s24] =	ssyncadd.s32 $0xFFFF8000  }
0x138: {  	v12 =	vmov s21;
	v19 =	vld [tilespmem:s20+$0x0]  }
0x139: {  	v14 =	vand.u32 $0x7F, v12;
	v18 =	vld [tilespmem:s20+$0x10]  }
0x13a: {  	v24 =	vadd.s32 v0, v14;
	v17 =	vld [tilespmem:s20+$0x20]  }
0x13b: {  	v23 =	vadd.s32 v5, v14;
	v15 =	vld [tilespmem:s20+$0x30]  }
0x13c: {  	v22 =	vadd.s32 v6, v14;
	v12 =	vld [tilespmem:s20+$0x40]  }
0x13d: {  	v21 =	vadd.s32 v7, v14;
	v13 =	vld [tilespmem:s20+$0x50]  }
0x13e: {  	s23 =	simm.s32 $0x2;
	s2 =	sand.u32 $0x1800, s2;
	s21 =	simm.s32 $0x0;
	v20 =	vadd.s32 v8, v14;
	v16 =	vld [tilespmem:s20+$0x60]  }
.LBB2_23:
0x13f: {  	p0 =	slt.u32 s23, $0x7E;
	v25 =	vld [tilespmem:s20+$0x70];
	[tilespmem:v24+s18+$0x0] =	vst.idx.msk $0xffff, v19;
	v19 =	vadd.s32 v9, v14  }
0x140: {  	v24 =	vmov s21;
	s21 =	smov.u32 s23;
	v26 =	vld [tilespmem:s20+$0xFFFFFF80];
	[tilespmem:v23+s18+$0x0] =	vst.idx.msk $0xffff, v18;
	v18 =	vadd.s32 v10, v14  }
0x141: {  	v24 =	vand.u32 $0x7E, v24;
	v14 =	vadd.s32 v11, v14;
	v23 =	vld [tilespmem:s20+$0xFFFFFF90];
	[tilespmem:v22+s18+$0x0] =	vst.idx.msk $0xffff, v17  }
0x142: {  	v22 =	vadd.s32 v0, v24;
	v17 =	vld [tilespmem:s20+$0xFFFFFFA0];
	[tilespmem:v21+s18+$0x0] =	vst.idx.msk $0xffff, v15  }
0x143: {  	v21 =	vadd.s32 v5, v24;
	v15 =	vld [tilespmem:s20+$0xFFFFFFB0];
	[tilespmem:v20+s18+$0x0] =	vst.idx.msk $0xffff, v12  }
0x144: {  	v20 =	vadd.s32 v6, v24;
	v12 =	vld [tilespmem:s20+$0xFFFFFFC0];
	[tilespmem:v19+s18+$0x0] =	vst.idx.msk $0xffff, v13  }
0x145: {  	v27 =	vadd.s32 v7, v24;
	v13 =	vld [tilespmem:s20+$0xFFFFFFD0];
	[tilespmem:v18+s18+$0x0] =	vst.idx.msk $0xffff, v16  }
0x146: {  	v28 =	vadd.s32 v8, v24;
	v16 =	vld [tilespmem:s20+$0xFFFFFFE0];
	[tilespmem:v14+s18+$0x0] =	vst.idx.msk $0xffff, v25  }
0x147: {  	s26 =	sadd.s32 $0x1, s23;
	v25 =	vld [tilespmem:s20+$0xFFFFFFF0];
	[tilespmem:v22+s18+$0x0] =	vst.idx.msk $0xffff, v26;
	v26 =	vadd.s32 v9, v24;
	s20 =	sadd.s32 $0x100, s20  }
0x148: {  	v29 =	vadd.s32 v10, v24;
	v14 =	vmov s26;
	v19 =	vld [tilespmem:s20+$0x0];
	[tilespmem:v21+s18+$0x0] =	vst.idx.msk $0xffff, v23  }
0x149: {  	v30 =	vadd.s32 v11, v24;
	v14 =	vand.u32 $0x7F, v14;
	v18 =	vld [tilespmem:s20+$0x10];
	[tilespmem:v20+s18+$0x0] =	vst.idx.msk $0xffff, v17  }
.Ltmp10:
0x14a: {  	v24 =	vadd.s32 v0, v14;
	v17 =	vld [tilespmem:s20+$0x20];
	[tilespmem:v27+s18+$0x0] =	vst.idx.msk $0xffff, v15;
	(pc) =	sbr.rel @p0 .LBB2_23-.Ltmp10, $4  }
0x14b: {  	v23 =	vadd.s32 v5, v14;
	v15 =	vld [tilespmem:s20+$0x30];
	[tilespmem:v28+s18+$0x0] =	vst.idx.msk $0xffff, v12  }
0x14c: {  	v22 =	vadd.s32 v6, v14;
	v12 =	vld [tilespmem:s20+$0x40];
	[tilespmem:v26+s18+$0x0] =	vst.idx.msk $0xffff, v13  }
0x14d: {  	v21 =	vadd.s32 v7, v14;
	v13 =	vld [tilespmem:s20+$0x50];
	[tilespmem:v29+s18+$0x0] =	vst.idx.msk $0xffff, v16  }
0x14e: {  	s23 =	sadd.s32 $0x2, s23;
	v20 =	vadd.s32 v8, v14;
	v16 =	vld [tilespmem:s20+$0x60];
	[tilespmem:v30+s18+$0x0] =	vst.idx.msk $0xffff, v25  }
0x14f: {  	_ =	sdelay $0x3  }
0x150: {  	v25 =	vld [tilespmem:s20+$0x70];
	[tilespmem:v24+s18+$0x0] =	vst.idx.msk $0xffff, v19;
	v19 =	vadd.s32 v9, v14  }
0x151: {  	v24 =	vld [tilespmem:s20+$0xFFFFFF80];
	v26 =	vmov s21;
	[tilespmem:v23+s18+$0x0] =	vst.idx.msk $0xffff, v18;
	v18 =	vadd.s32 v10, v14  }
0x152: {  	v23 =	vld [tilespmem:s20+$0xFFFFFF90];
	v26 =	vand.u32 $0x7E, v26;
	v14 =	vadd.s32 v11, v14;
	[tilespmem:v22+s18+$0x0] =	vst.idx.msk $0xffff, v17  }
0x153: {  	v17 =	vld [tilespmem:s20+$0xFFFFFFA0];
	v22 =	vadd.s32 v0, v26;
	[tilespmem:v21+s18+$0x0] =	vst.idx.msk $0xffff, v15  }
0x154: {  	v15 =	vld [tilespmem:s20+$0xFFFFFFB0];
	v21 =	vadd.s32 v5, v26;
	[tilespmem:v20+s18+$0x0] =	vst.idx.msk $0xffff, v12  }
0x155: {  	v12 =	vld [tilespmem:s20+$0xFFFFFFC0];
	v20 =	vadd.s32 v6, v26;
	[tilespmem:v19+s18+$0x0] =	vst.idx.msk $0xffff, v13  }
0x156: {  	v13 =	vld [tilespmem:s20+$0xFFFFFFD0];
	v19 =	vadd.s32 v7, v26;
	[tilespmem:v18+s18+$0x0] =	vst.idx.msk $0xffff, v16  }
0x157: {  	v16 =	vld [tilespmem:s20+$0xFFFFFFE0];
	v18 =	vadd.s32 v8, v26;
	[tilespmem:v14+s18+$0x0] =	vst.idx.msk $0xffff, v25  }
0x158: {  	v14 =	vld [tilespmem:s20+$0xFFFFFFF0];
	[tilespmem:v22+s18+$0x0] =	vst.idx.msk $0xffff, v24;
	v22 =	vadd.s32 v9, v26  }
0x159: {  	[tilespmem:v21+s18+$0x0] =	vst.idx.msk $0xffff, v23;
	v21 =	vadd.s32 v10, v26  }
0x15a: {  	[tilespmem:v20+s18+$0x0] =	vst.idx.msk $0xffff, v17;
	v17 =	vadd.s32 v11, v26  }
0x15b: {  	[tilespmem:v19+s18+$0x0] =	vst.idx.msk $0xffff, v15  }
0x15c: {  	[tilespmem:v18+s18+$0x0] =	vst.idx.msk $0xffff, v12  }
0x15d: {  	[tilespmem:v22+s18+$0x0] =	vst.idx.msk $0xffff, v13  }
0x15e: {  	[tilespmem:v21+s18+$0x0] =	vst.idx.msk $0xffff, v16  }
0x15f: {  	[tilespmem:v17+s18+$0x0] =	vst.idx.msk $0xffff, v14  }
0x160: {  	_ =	swait.ge [sflag:s19], $0x4000  }
0x161: {  	[sflag:s19] =	ssyncset.done $0x0  }
0x162: {  	s0 =	sadd.s32 $0x100, s0;
	[sflag:s19] =	ssyncadd.s32 $0xFFFFC000  }
0x163: {  	[tilespmem:s16], [sflag:$0x1] =	stream.indirect.gather [hbm4b:s1+s15], $0x80, s0, s15, $0xb8;
	[tilespmem:$0x1A800] =	vst v63  }
0x164: {  	s26 =	simm.s32 $0x81;
	s0 =	simm.s32 $0x6000  }
0x165: {  	v13 =	vmov s26;
	v12 =	vld [tilespmem:s0+$0x80]  }
0x166: {  	v16 =	vand.u32 $0xFF, v13;
	v15 =	vld [tilespmem:s0+$0x90]  }
0x167: {  	v13 =	vadd.s32 v0, v16;
	v17 =	vld [tilespmem:s0+$0xA0]  }
0x168: {  	v19 =	vadd.s32 v5, v16;
	v18 =	vld [tilespmem:s0+$0xB0]  }
0x169: {  	v21 =	vadd.s32 v6, v16;
	v20 =	vld [tilespmem:s0+$0xC0]  }
0x16a: {  	v23 =	vadd.s32 v7, v16;
	v22 =	vld [tilespmem:s0+$0xD0]  }
0x16b: {  	v24 =	vadd.s32 v8, v16;
	v25 =	vld [tilespmem:s0+$0xE0]  }
0x16c: {  	v26 =	vld [tilespmem:s0+$0xF0];
	[tilespmem:v13+s18+$0x0] =	vst.idx.msk $0xffff, v12  }
0x16d: {  	s28 =	simm.s32 $0x80;
	v27 =	vadd.s32 v9, v16;
	[tilespmem:v19+s18+$0x0] =	vst.idx.msk $0xffff, v15  }
0x16e: {  	v14 =	vld [tilespmem:s0+$0x0];
	v12 =	vmov s28;
	v19 =	vadd.s32 v10, v16;
	[tilespmem:v21+s18+$0x0] =	vst.idx.msk $0xffff, v17  }
0x16f: {  	v28 =	vadd.s32 v11, v16;
	v13 =	vld [tilespmem:s0+$0x10];
	v12 =	vand.u32 $0xFE, v12;
	[tilespmem:v23+s18+$0x0] =	vst.idx.msk $0xffff, v18  }
0x170: {  	v15 =	vld [tilespmem:s0+$0x30];
	[tilespmem:v24+s18+$0x0] =	vst.idx.msk $0xffff, v20;
	v24 =	vadd.s32 v0, v12  }
0x171: {  	v16 =	vld [tilespmem:s0+$0x40];
	v23 =	vadd.s32 v5, v12  }
0x172: {  	v17 =	vld [tilespmem:s0+$0x20];
	v21 =	vadd.s32 v6, v12;
	[tilespmem:v27+s18+$0x0] =	vst.idx.msk $0xffff, v22  }
0x173: {  	v18 =	vld [tilespmem:s0+$0x50];
	v22 =	vadd.s32 v7, v12;
	[tilespmem:v19+s18+$0x0] =	vst.idx.msk $0xffff, v25  }
0x174: {  	s20 =	simm.s32 $0x0;
	v20 =	vadd.s32 v8, v12;
	v19 =	vld [tilespmem:s0+$0x60];
	[tilespmem:v28+s18+$0x0] =	vst.idx.msk $0xffff, v26  }
.LBB2_25:
0x175: {  	s21 =	sadd.s32 $0x83, s20;
	v25 =	vld [tilespmem:s0+$0x70];
	[tilespmem:v24+s18+$0x0] =	vst.idx.msk $0xffff, v14;
	v14 =	vadd.s32 v9, v12;
	s0 =	sadd.s32 $0x100, s0;
	s23 =	smov.u32 s20  }
0x176: {  	v24 =	vmov s21;
	v26 =	vld [tilespmem:s0+$0x80];
	[tilespmem:v23+s18+$0x0] =	vst.idx.msk $0xffff, v13;
	v13 =	vadd.s32 v10, v12  }
0x177: {  	v12 =	vadd.s32 v11, v12;
	v23 =	vld [tilespmem:s0+$0x90];
	v24 =	vand.u32 $0xFF, v24;
	[tilespmem:v21+s18+$0x0] =	vst.idx.msk $0xffff, v17  }
0x178: {  	v17 =	vld [tilespmem:s0+$0xA0];
	v21 =	vadd.s32 v0, v24;
	[tilespmem:v22+s18+$0x0] =	vst.idx.msk $0xffff, v15  }
0x179: {  	v22 =	vadd.s32 v5, v24;
	v15 =	vld [tilespmem:s0+$0xB0];
	[tilespmem:v20+s18+$0x0] =	vst.idx.msk $0xffff, v16  }
0x17a: {  	v20 =	vadd.s32 v6, v24;
	v16 =	vld [tilespmem:s0+$0xC0];
	[tilespmem:v14+s18+$0x0] =	vst.idx.msk $0xffff, v18  }
0x17b: {  	v27 =	vadd.s32 v7, v24;
	v18 =	vld [tilespmem:s0+$0xD0];
	[tilespmem:v13+s18+$0x0] =	vst.idx.msk $0xffff, v19  }
0x17c: {  	s20 =	sadd.s32 $0x2, s20;
	v28 =	vadd.s32 v8, v24;
	v19 =	vld [tilespmem:s0+$0xE0];
	[tilespmem:v12+s18+$0x0] =	vst.idx.msk $0xffff, v25  }
0x17d: {  	s21 =	sadd.s32 $0x82, s23;
	p0 =	slt.u32 s20, $0x7E;
	v25 =	vld [tilespmem:s0+$0xF0];
	[tilespmem:v21+s18+$0x0] =	vst.idx.msk $0xffff, v26;
	v26 =	vadd.s32 v9, v24  }
0x17e: {  	v29 =	vadd.s32 v10, v24;
	v12 =	vmov s21;
	v14 =	vld [tilespmem:s0+$0x0];
	[tilespmem:v22+s18+$0x0] =	vst.idx.msk $0xffff, v23  }
0x17f: {  	v30 =	vadd.s32 v11, v24;
	v12 =	vand.u32 $0xFE, v12;
	v13 =	vld [tilespmem:s0+$0x10];
	[tilespmem:v20+s18+$0x0] =	vst.idx.msk $0xffff, v17  }
.Ltmp11:
0x180: {  	v24 =	vadd.s32 v0, v12;
	v17 =	vld [tilespmem:s0+$0x20];
	[tilespmem:v27+s18+$0x0] =	vst.idx.msk $0xffff, v15;
	(pc) =	sbr.rel @p0 .LBB2_25-.Ltmp11, $4  }
0x181: {  	v23 =	vadd.s32 v5, v12;
	v15 =	vld [tilespmem:s0+$0x30];
	[tilespmem:v28+s18+$0x0] =	vst.idx.msk $0xffff, v16  }
0x182: {  	v21 =	vadd.s32 v6, v12;
	v16 =	vld [tilespmem:s0+$0x40];
	[tilespmem:v26+s18+$0x0] =	vst.idx.msk $0xffff, v18  }
0x183: {  	v22 =	vadd.s32 v7, v12;
	v18 =	vld [tilespmem:s0+$0x50];
	[tilespmem:v29+s18+$0x0] =	vst.idx.msk $0xffff, v19  }
0x184: {  	v20 =	vadd.s32 v8, v12;
	v19 =	vld [tilespmem:s0+$0x60];
	[tilespmem:v30+s18+$0x0] =	vst.idx.msk $0xffff, v25  }
0x185: {  	_ =	sdelay $0x3  }
0x186: {  	v25 =	vld [tilespmem:s0+$0x70];
	[tilespmem:v24+s18+$0x0] =	vst.idx.msk $0xffff, v14;
	v61 =	vadd.s32 v9, v12  }
0x187: {  	v62 =	vadd.s32 v10, v12;
	[tilespmem:v23+s18+$0x0] =	vst.idx.msk $0xffff, v13  }
0x188: {  	v63 =	vadd.s32 v11, v12;
	s26 =	sshrl.u32 s31, $0x2;
	[tilespmem:v21+s18+$0x0] =	vst.idx.msk $0xffff, v17  }
0x189: {  	s20 =	sshll.u32 s31, $0x6;
	s0 =	sadd.s32 s4, s26;
	[tilespmem:v22+s18+$0x0] =	vst.idx.msk $0xffff, v15  }
0x18a: {  	s20 =	sand.u32 $0xC0, s20;
	s0 =	sshll.u32 s0, $0xF;
	[tilespmem:v20+s18+$0x0] =	vst.idx.msk $0xffff, v16  }
0x18b: {  	s20 =	sadd.s32 s5, s20;
	s0 =	sadd.s32 s10, s0;
	[tilespmem:v61+s18+$0x0] =	vst.idx.msk $0xffff, v18  }
0x18c: {  	s21 =	simm.s32 $0xA000;
	s20 =	sadd.s32 s0, s20;
	[tilespmem:v62+s18+$0x0] =	vst.idx.msk $0xffff, v19  }
0x18d: {  	s23 =	simm.s32 $0x100;
	s26 =	simm.s32 $0xA108;
	s28 =	sadd.s32 $0x0, s20;
	[tilespmem:v63+s18+$0x0] =	vst.idx.msk $0xffff, v25  }
.LBB2_27:
0x18e: {  	[hbm4b:s28+s3] =	stream.linear.scatter [tilespmem:s21], [sflag:$0x3], $0x100, $0x38;
	[tilespmem:$0x1A800] =	vst v63  }
0x18f: {  	s28 =	smov.u32 s23;
	s21 =	smov.u32 s26;
	p0 =	sne.s32 s23, $0x7F00  }
.Ltmp12:
0x190: {  	s23 =	sadd.s32 $0x100, s23;
	(pc) =	sbr.rel @p0 .LBB2_27-.Ltmp12, $2  }
0x191: {  	_ =	sdelay $0x2  }
0x192: {  	s26 =	sadd.s32 $0x108, s26;
	s28 =	sadd.s32 s28, s20  }
0x193: {  	[hbm4b:s28+s3] =	stream.linear.scatter [tilespmem:s21], [sflag:$0x3], $0x100, $0x38;
	[tilespmem:$0x1A800] =	vst v63  }
0x194: {  	s20 =	sshllo.u32 s31, $0x2  }
0x195: {  	_ =	swait.ge [sflag:s7], $0x4000;
	s26 =	sshll.u32 s20, $0x7  }
0x196: {  	[sflag:s7] =	ssyncset.done $0x0;
	s21 =	sand.u32 $0x780, s26  }
0x197: {  	[sflag:s7] =	ssyncadd.s32 $0xFFFFC000;
	s2 =	sadd.s32 s21, s2  }
0x198: {  	[tilespmem:s17], [sflag:$0x2] =	stream.indirect.gather [hbm4b:s1+s15], $0x80, s2, s15, $0xb8;
	[tilespmem:$0x1A800] =	vst v63  }
0x199: {  	_ =	swait.ge [sflag:s25], $0x8000  }
0x19a: {  	[sflag:s25] =	ssyncset.done $0x0  }
0x19b: {  	s28 =	simm.s32 $0x1;
	s21 =	simm.s32 $0x2080;
	[sflag:s25] =	ssyncadd.s32 $0xFFFF8000  }
0x19c: {  	v12 =	vmov s28;
	v19 =	vld [tilespmem:s21+$0x0]  }
0x19d: {  	v14 =	vand.u32 $0x7F, v12;
	v18 =	vld [tilespmem:s21+$0x10]  }
0x19e: {  	v24 =	vadd.s32 v0, v14;
	v17 =	vld [tilespmem:s21+$0x20]  }
0x19f: {  	v23 =	vadd.s32 v5, v14;
	v15 =	vld [tilespmem:s21+$0x30]  }
0x1a0: {  	v22 =	vadd.s32 v6, v14;
	v12 =	vld [tilespmem:s21+$0x40]  }
0x1a1: {  	v21 =	vadd.s32 v7, v14;
	v13 =	vld [tilespmem:s21+$0x50]  }
0x1a2: {  	s23 =	simm.s32 $0x0;
	s26 =	simm.s32 $0x2;
	v20 =	vadd.s32 v8, v14;
	s2 =	sshll.u32 s31, $0x2;
	v16 =	vld [tilespmem:s21+$0x60]  }
.LBB2_29:
0x1a3: {  	p0 =	slt.u32 s26, $0x7E;
	v25 =	vld [tilespmem:s21+$0x70];
	[tilespmem:v24+s22+$0x0] =	vst.idx.msk $0xffff, v19;
	v19 =	vadd.s32 v9, v14  }
0x1a4: {  	v24 =	vmov s23;
	s23 =	smov.u32 s26;
	v26 =	vld [tilespmem:s21+$0xFFFFFF80];
	[tilespmem:v23+s22+$0x0] =	vst.idx.msk $0xffff, v18;
	v18 =	vadd.s32 v10, v14  }
0x1a5: {  	v24 =	vand.u32 $0x7E, v24;
	v14 =	vadd.s32 v11, v14;
	v23 =	vld [tilespmem:s21+$0xFFFFFF90];
	[tilespmem:v22+s22+$0x0] =	vst.idx.msk $0xffff, v17  }
0x1a6: {  	v22 =	vadd.s32 v0, v24;
	v17 =	vld [tilespmem:s21+$0xFFFFFFA0];
	[tilespmem:v21+s22+$0x0] =	vst.idx.msk $0xffff, v15  }
0x1a7: {  	v21 =	vadd.s32 v5, v24;
	v15 =	vld [tilespmem:s21+$0xFFFFFFB0];
	[tilespmem:v20+s22+$0x0] =	vst.idx.msk $0xffff, v12  }
0x1a8: {  	v20 =	vadd.s32 v6, v24;
	v12 =	vld [tilespmem:s21+$0xFFFFFFC0];
	[tilespmem:v19+s22+$0x0] =	vst.idx.msk $0xffff, v13  }
0x1a9: {  	v27 =	vadd.s32 v7, v24;
	v13 =	vld [tilespmem:s21+$0xFFFFFFD0];
	[tilespmem:v18+s22+$0x0] =	vst.idx.msk $0xffff, v16  }
0x1aa: {  	v28 =	vadd.s32 v8, v24;
	v16 =	vld [tilespmem:s21+$0xFFFFFFE0];
	[tilespmem:v14+s22+$0x0] =	vst.idx.msk $0xffff, v25  }
0x1ab: {  	s28 =	sadd.s32 $0x1, s26;
	v25 =	vld [tilespmem:s21+$0xFFFFFFF0];
	[tilespmem:v22+s22+$0x0] =	vst.idx.msk $0xffff, v26;
	v26 =	vadd.s32 v9, v24;
	s21 =	sadd.s32 $0x100, s21  }
0x1ac: {  	v29 =	vadd.s32 v10, v24;
	v14 =	vmov s28;
	v19 =	vld [tilespmem:s21+$0x0];
	[tilespmem:v21+s22+$0x0] =	vst.idx.msk $0xffff, v23  }
0x1ad: {  	v30 =	vadd.s32 v11, v24;
	v14 =	vand.u32 $0x7F, v14;
	v18 =	vld [tilespmem:s21+$0x10];
	[tilespmem:v20+s22+$0x0] =	vst.idx.msk $0xffff, v17  }
.Ltmp13:
0x1ae: {  	v24 =	vadd.s32 v0, v14;
	v17 =	vld [tilespmem:s21+$0x20];
	[tilespmem:v27+s22+$0x0] =	vst.idx.msk $0xffff, v15;
	(pc) =	sbr.rel @p0 .LBB2_29-.Ltmp13, $4  }
0x1af: {  	v23 =	vadd.s32 v5, v14;
	v15 =	vld [tilespmem:s21+$0x30];
	[tilespmem:v28+s22+$0x0] =	vst.idx.msk $0xffff, v12  }
0x1b0: {  	v22 =	vadd.s32 v6, v14;
	v12 =	vld [tilespmem:s21+$0x40];
	[tilespmem:v26+s22+$0x0] =	vst.idx.msk $0xffff, v13  }
0x1b1: {  	v21 =	vadd.s32 v7, v14;
	v13 =	vld [tilespmem:s21+$0x50];
	[tilespmem:v29+s22+$0x0] =	vst.idx.msk $0xffff, v16  }
0x1b2: {  	s26 =	sadd.s32 $0x2, s26;
	v20 =	vadd.s32 v8, v14;
	v16 =	vld [tilespmem:s21+$0x60];
	[tilespmem:v30+s22+$0x0] =	vst.idx.msk $0xffff, v25  }
0x1b3: {  	_ =	sdelay $0x3  }
0x1b4: {  	v25 =	vld [tilespmem:s21+$0x70];
	[tilespmem:v24+s22+$0x0] =	vst.idx.msk $0xffff, v19;
	v19 =	vadd.s32 v9, v14  }
0x1b5: {  	v24 =	vld [tilespmem:s21+$0xFFFFFF80];
	v26 =	vmov s23;
	[tilespmem:v23+s22+$0x0] =	vst.idx.msk $0xffff, v18;
	v18 =	vadd.s32 v10, v14  }
0x1b6: {  	v23 =	vld [tilespmem:s21+$0xFFFFFF90];
	v26 =	vand.u32 $0x7E, v26;
	v14 =	vadd.s32 v11, v14;
	[tilespmem:v22+s22+$0x0] =	vst.idx.msk $0xffff, v17  }
0x1b7: {  	v17 =	vld [tilespmem:s21+$0xFFFFFFA0];
	v22 =	vadd.s32 v0, v26;
	[tilespmem:v21+s22+$0x0] =	vst.idx.msk $0xffff, v15  }
0x1b8: {  	v15 =	vld [tilespmem:s21+$0xFFFFFFB0];
	v21 =	vadd.s32 v5, v26;
	[tilespmem:v20+s22+$0x0] =	vst.idx.msk $0xffff, v12  }
0x1b9: {  	v12 =	vld [tilespmem:s21+$0xFFFFFFC0];
	v20 =	vadd.s32 v6, v26;
	[tilespmem:v19+s22+$0x0] =	vst.idx.msk $0xffff, v13  }
0x1ba: {  	v13 =	vld [tilespmem:s21+$0xFFFFFFD0];
	v19 =	vadd.s32 v7, v26;
	[tilespmem:v18+s22+$0x0] =	vst.idx.msk $0xffff, v16  }
0x1bb: {  	v16 =	vld [tilespmem:s21+$0xFFFFFFE0];
	v18 =	vadd.s32 v8, v26;
	[tilespmem:v14+s22+$0x0] =	vst.idx.msk $0xffff, v25  }
0x1bc: {  	v14 =	vld [tilespmem:s21+$0xFFFFFFF0];
	[tilespmem:v22+s22+$0x0] =	vst.idx.msk $0xffff, v24;
	v22 =	vadd.s32 v9, v26  }
0x1bd: {  	[tilespmem:v21+s22+$0x0] =	vst.idx.msk $0xffff, v23;
	v21 =	vadd.s32 v10, v26  }
0x1be: {  	[tilespmem:v20+s22+$0x0] =	vst.idx.msk $0xffff, v17;
	v17 =	vadd.s32 v11, v26  }
0x1bf: {  	[tilespmem:v19+s22+$0x0] =	vst.idx.msk $0xffff, v15  }
0x1c0: {  	[tilespmem:v18+s22+$0x0] =	vst.idx.msk $0xffff, v12  }
0x1c1: {  	[tilespmem:v22+s22+$0x0] =	vst.idx.msk $0xffff, v13  }
0x1c2: {  	[tilespmem:v21+s22+$0x0] =	vst.idx.msk $0xffff, v16  }
0x1c3: {  	[tilespmem:v17+s22+$0x0] =	vst.idx.msk $0xffff, v14  }
0x1c4: {  	s2 =	sshll.u32 s2, $0x7;
	_ =	swait.ge [sflag:s19], $0x4000  }
0x1c5: {  	s2 =	sadd.s32 $0x200, s2;
	[sflag:s19] =	ssyncset.done $0x0  }
0x1c6: {  	s2 =	sand.u32 $0x3E00, s2;
	[sflag:s19] =	ssyncadd.s32 $0xFFFFC000  }
0x1c7: {  	[tilespmem:s16], [sflag:$0x1] =	stream.indirect.gather [hbm4b:s1+s15], $0x80, s2, s15, $0xb8;
	[tilespmem:$0x1A800] =	vst v63  }
0x1c8: {  	s26 =	simm.s32 $0x81;
	s2 =	simm.s32 $0x6000  }
0x1c9: {  	v13 =	vmov s26;
	v12 =	vld [tilespmem:s2+$0x80]  }
0x1ca: {  	v16 =	vand.u32 $0xFF, v13;
	v15 =	vld [tilespmem:s2+$0x90]  }
0x1cb: {  	v13 =	vadd.s32 v0, v16;
	v17 =	vld [tilespmem:s2+$0xA0]  }
0x1cc: {  	v19 =	vadd.s32 v5, v16;
	v18 =	vld [tilespmem:s2+$0xB0]  }
0x1cd: {  	v21 =	vadd.s32 v6, v16;
	v20 =	vld [tilespmem:s2+$0xC0]  }
0x1ce: {  	v23 =	vadd.s32 v7, v16;
	v22 =	vld [tilespmem:s2+$0xD0]  }
0x1cf: {  	v24 =	vadd.s32 v8, v16;
	v25 =	vld [tilespmem:s2+$0xE0]  }
0x1d0: {  	v26 =	vld [tilespmem:s2+$0xF0];
	[tilespmem:v13+s22+$0x0] =	vst.idx.msk $0xffff, v12  }
0x1d1: {  	s28 =	simm.s32 $0x80;
	v27 =	vadd.s32 v9, v16;
	[tilespmem:v19+s22+$0x0] =	vst.idx.msk $0xffff, v15  }
0x1d2: {  	v14 =	vld [tilespmem:s2+$0x0];
	v12 =	vmov s28;
	v19 =	vadd.s32 v10, v16;
	[tilespmem:v21+s22+$0x0] =	vst.idx.msk $0xffff, v17  }
0x1d3: {  	v28 =	vadd.s32 v11, v16;
	v13 =	vld [tilespmem:s2+$0x10];
	v12 =	vand.u32 $0xFE, v12;
	[tilespmem:v23+s22+$0x0] =	vst.idx.msk $0xffff, v18  }
0x1d4: {  	v15 =	vld [tilespmem:s2+$0x20];
	[tilespmem:v24+s22+$0x0] =	vst.idx.msk $0xffff, v20;
	v24 =	vadd.s32 v0, v12  }
0x1d5: {  	v16 =	vld [tilespmem:s2+$0x30];
	v23 =	vadd.s32 v5, v12  }
0x1d6: {  	v17 =	vld [tilespmem:s2+$0x40];
	v20 =	vadd.s32 v6, v12;
	[tilespmem:v27+s22+$0x0] =	vst.idx.msk $0xffff, v22  }
0x1d7: {  	v21 =	vadd.s32 v7, v12;
	v18 =	vld [tilespmem:s2+$0x50];
	[tilespmem:v19+s22+$0x0] =	vst.idx.msk $0xffff, v25  }
0x1d8: {  	s21 =	simm.s32 $0x0;
	v22 =	vadd.s32 v8, v12;
	v19 =	vld [tilespmem:s2+$0x60];
	[tilespmem:v28+s22+$0x0] =	vst.idx.msk $0xffff, v26  }
.LBB2_31:
0x1d9: {  	s23 =	sadd.s32 $0x83, s21;
	v25 =	vld [tilespmem:s2+$0x70];
	[tilespmem:v24+s22+$0x0] =	vst.idx.msk $0xffff, v14;
	v14 =	vadd.s32 v9, v12;
	s2 =	sadd.s32 $0x100, s2;
	s26 =	smov.u32 s21  }
0x1da: {  	v24 =	vmov s23;
	v26 =	vld [tilespmem:s2+$0x80];
	[tilespmem:v23+s22+$0x0] =	vst.idx.msk $0xffff, v13;
	v13 =	vadd.s32 v10, v12  }
0x1db: {  	v12 =	vadd.s32 v11, v12;
	v23 =	vld [tilespmem:s2+$0x90];
	v24 =	vand.u32 $0xFF, v24;
	[tilespmem:v20+s22+$0x0] =	vst.idx.msk $0xffff, v15  }
0x1dc: {  	v15 =	vld [tilespmem:s2+$0xA0];
	v20 =	vadd.s32 v0, v24;
	[tilespmem:v21+s22+$0x0] =	vst.idx.msk $0xffff, v16  }
0x1dd: {  	v21 =	vadd.s32 v5, v24;
	v16 =	vld [tilespmem:s2+$0xB0];
	[tilespmem:v22+s22+$0x0] =	vst.idx.msk $0xffff, v17  }
0x1de: {  	v22 =	vadd.s32 v6, v24;
	v17 =	vld [tilespmem:s2+$0xC0];
	[tilespmem:v14+s22+$0x0] =	vst.idx.msk $0xffff, v18  }
0x1df: {  	v27 =	vadd.s32 v7, v24;
	v18 =	vld [tilespmem:s2+$0xD0];
	[tilespmem:v13+s22+$0x0] =	vst.idx.msk $0xffff, v19  }
0x1e0: {  	s21 =	sadd.s32 $0x2, s21;
	v28 =	vadd.s32 v8, v24;
	v19 =	vld [tilespmem:s2+$0xE0];
	[tilespmem:v12+s22+$0x0] =	vst.idx.msk $0xffff, v25  }
0x1e1: {  	s23 =	sadd.s32 $0x82, s26;
	p0 =	slt.u32 s21, $0x7E;
	v25 =	vld [tilespmem:s2+$0xF0];
	[tilespmem:v20+s22+$0x0] =	vst.idx.msk $0xffff, v26;
	v26 =	vadd.s32 v9, v24  }
0x1e2: {  	v29 =	vadd.s32 v10, v24;
	v12 =	vmov s23;
	v14 =	vld [tilespmem:s2+$0x0];
	[tilespmem:v21+s22+$0x0] =	vst.idx.msk $0xffff, v23  }
0x1e3: {  	v30 =	vadd.s32 v11, v24;
	v12 =	vand.u32 $0xFE, v12;
	v13 =	vld [tilespmem:s2+$0x10];
	[tilespmem:v22+s22+$0x0] =	vst.idx.msk $0xffff, v15  }
.Ltmp14:
0x1e4: {  	v24 =	vadd.s32 v0, v12;
	v15 =	vld [tilespmem:s2+$0x20];
	[tilespmem:v27+s22+$0x0] =	vst.idx.msk $0xffff, v16;
	(pc) =	sbr.rel @p0 .LBB2_31-.Ltmp14, $4  }
0x1e5: {  	v23 =	vadd.s32 v5, v12;
	v16 =	vld [tilespmem:s2+$0x30];
	[tilespmem:v28+s22+$0x0] =	vst.idx.msk $0xffff, v17  }
0x1e6: {  	v20 =	vadd.s32 v6, v12;
	v17 =	vld [tilespmem:s2+$0x40];
	[tilespmem:v26+s22+$0x0] =	vst.idx.msk $0xffff, v18  }
0x1e7: {  	v21 =	vadd.s32 v7, v12;
	v18 =	vld [tilespmem:s2+$0x50];
	[tilespmem:v29+s22+$0x0] =	vst.idx.msk $0xffff, v19  }
0x1e8: {  	v22 =	vadd.s32 v8, v12;
	v19 =	vld [tilespmem:s2+$0x60];
	[tilespmem:v30+s22+$0x0] =	vst.idx.msk $0xffff, v25  }
0x1e9: {  	_ =	sdelay $0x3  }
0x1ea: {  	v25 =	vld [tilespmem:s2+$0x70];
	[tilespmem:v24+s22+$0x0] =	vst.idx.msk $0xffff, v14;
	v61 =	vadd.s32 v9, v12  }
0x1eb: {  	v62 =	vadd.s32 v10, v12;
	[tilespmem:v23+s22+$0x0] =	vst.idx.msk $0xffff, v13  }
0x1ec: {  	v63 =	vadd.s32 v11, v12;
	[tilespmem:v20+s22+$0x0] =	vst.idx.msk $0xffff, v15  }
0x1ed: {  	s28 =	sshll.u32 s20, $0x4;
	[tilespmem:v21+s22+$0x0] =	vst.idx.msk $0xffff, v16  }
0x1ee: {  	s2 =	sand.u32 $0xE0, s28;
	[tilespmem:v22+s22+$0x0] =	vst.idx.msk $0xffff, v17  }
0x1ef: {  	s2 =	sadd.s32 s5, s2;
	[tilespmem:v61+s22+$0x0] =	vst.idx.msk $0xffff, v18  }
0x1f0: {  	s20 =	simm.s32 $0x100;
	s0 =	sadd.s32 s0, s2;
	[tilespmem:v62+s22+$0x0] =	vst.idx.msk $0xffff, v19  }
0x1f1: {  	s21 =	simm.s32 $0x12508;
	s2 =	simm.s32 $0x12400;
	s23 =	sadd.s32 $0x0, s0;
	[tilespmem:v63+s22+$0x0] =	vst.idx.msk $0xffff, v25  }
.LBB2_33:
0x1f2: {  	[hbm4b:s23+s3] =	stream.linear.scatter [tilespmem:s2], [sflag:$0x4], $0x100, $0x38;
	[tilespmem:$0x1A800] =	vst v63  }
0x1f3: {  	s23 =	smov.u32 s20;
	s2 =	smov.u32 s21;
	p0 =	sne.s32 s20, $0x7F00  }
.Ltmp15:
0x1f4: {  	s20 =	sadd.s32 $0x100, s20;
	(pc) =	sbr.rel @p0 .LBB2_33-.Ltmp15, $2  }
0x1f5: {  	_ =	sdelay $0x2  }
0x1f6: {  	s21 =	sadd.s32 $0x108, s21;
	s23 =	sadd.s32 s23, s0  }
0x1f7: {  	s31 =	sadd.s32 $0x1, s31  }
0x1f8: {  	p0 =	sne.s32 s31, $0xF  }
.Ltmp16:
0x1f9: {  	_ = 	snop;
	(pc) =	sbr.rel @p0 .LBB2_22-.Ltmp16, $2  }
0x1fa: {  	_ =	sdelay $0x2  }
0x1fb: {  	[hbm4b:s23+s3] =	stream.linear.scatter [tilespmem:s2], [sflag:$0x4], $0x100, $0x38;
	[tilespmem:$0x1A800] =	vst v63  }
0x1fc: {  	_ =	swait.ge [sflag:s7], $0x4000  }
0x1fd: {  	[sflag:s7] =	ssyncset.done $0x0  }
0x1fe: {  	s0 =	simm.s32 $0x1E80;
	[sflag:s7] =	ssyncadd.s32 $0xFFFFC000  }
0x1ff: {  	[tilespmem:s17], [sflag:$0x2] =	stream.indirect.gather [hbm4b:s1+s15], $0x80, s0, s15, $0xb8;
	[tilespmem:$0x1A800] =	vst v63  }
0x200: {  	_ =	swait.ge [sflag:s24], $0x8000  }
0x201: {  	[sflag:s24] =	ssyncset.done $0x0  }
0x202: {  	s2 =	simm.s32 $0x1;
	s0 =	simm.s32 $0x2080;
	[sflag:s24] =	ssyncadd.s32 $0xFFFF8000  }
0x203: {  	v12 =	vmov s2;
	v19 =	vld [tilespmem:s0+$0x0]  }
0x204: {  	v14 =	vand.u32 $0x7F, v12;
	v18 =	vld [tilespmem:s0+$0x10]  }
0x205: {  	v24 =	vadd.s32 v0, v14;
	v17 =	vld [tilespmem:s0+$0x20]  }
0x206: {  	v23 =	vadd.s32 v5, v14;
	v15 =	vld [tilespmem:s0+$0x30]  }
0x207: {  	v22 =	vadd.s32 v6, v14;
	v12 =	vld [tilespmem:s0+$0x40]  }
0x208: {  	v21 =	vadd.s32 v7, v14;
	v13 =	vld [tilespmem:s0+$0x50]  }
0x209: {  	s20 =	simm.s32 $0x2;
	s2 =	simm.s32 $0x0;
	v20 =	vadd.s32 v8, v14;
	v16 =	vld [tilespmem:s0+$0x60]  }
.LBB2_36:
0x20a: {  	p0 =	slt.u32 s20, $0x7E;
	v25 =	vld [tilespmem:s0+$0x70];
	[tilespmem:v24+s18+$0x0] =	vst.idx.msk $0xffff, v19;
	v19 =	vadd.s32 v9, v14  }
0x20b: {  	v24 =	vmov s2;
	s2 =	smov.u32 s20;
	v26 =	vld [tilespmem:s0+$0xFFFFFF80];
	[tilespmem:v23+s18+$0x0] =	vst.idx.msk $0xffff, v18;
	v18 =	vadd.s32 v10, v14  }
0x20c: {  	v24 =	vand.u32 $0x7E, v24;
	v14 =	vadd.s32 v11, v14;
	v23 =	vld [tilespmem:s0+$0xFFFFFF90];
	[tilespmem:v22+s18+$0x0] =	vst.idx.msk $0xffff, v17  }
0x20d: {  	v22 =	vadd.s32 v0, v24;
	v17 =	vld [tilespmem:s0+$0xFFFFFFA0];
	[tilespmem:v21+s18+$0x0] =	vst.idx.msk $0xffff, v15  }
0x20e: {  	v21 =	vadd.s32 v5, v24;
	v15 =	vld [tilespmem:s0+$0xFFFFFFB0];
	[tilespmem:v20+s18+$0x0] =	vst.idx.msk $0xffff, v12  }
0x20f: {  	v20 =	vadd.s32 v6, v24;
	v12 =	vld [tilespmem:s0+$0xFFFFFFC0];
	[tilespmem:v19+s18+$0x0] =	vst.idx.msk $0xffff, v13  }
0x210: {  	v27 =	vadd.s32 v7, v24;
	v13 =	vld [tilespmem:s0+$0xFFFFFFD0];
	[tilespmem:v18+s18+$0x0] =	vst.idx.msk $0xffff, v16  }
0x211: {  	v28 =	vadd.s32 v8, v24;
	v16 =	vld [tilespmem:s0+$0xFFFFFFE0];
	[tilespmem:v14+s18+$0x0] =	vst.idx.msk $0xffff, v25  }
0x212: {  	s21 =	sadd.s32 $0x1, s20;
	v25 =	vld [tilespmem:s0+$0xFFFFFFF0];
	[tilespmem:v22+s18+$0x0] =	vst.idx.msk $0xffff, v26;
	v26 =	vadd.s32 v9, v24;
	s0 =	sadd.s32 $0x100, s0  }
0x213: {  	v29 =	vadd.s32 v10, v24;
	v14 =	vmov s21;
	v19 =	vld [tilespmem:s0+$0x0];
	[tilespmem:v21+s18+$0x0] =	vst.idx.msk $0xffff, v23  }
0x214: {  	v30 =	vadd.s32 v11, v24;
	v14 =	vand.u32 $0x7F, v14;
	v18 =	vld [tilespmem:s0+$0x10];
	[tilespmem:v20+s18+$0x0] =	vst.idx.msk $0xffff, v17  }
.Ltmp17:
0x215: {  	v24 =	vadd.s32 v0, v14;
	v17 =	vld [tilespmem:s0+$0x20];
	[tilespmem:v27+s18+$0x0] =	vst.idx.msk $0xffff, v15;
	(pc) =	sbr.rel @p0 .LBB2_36-.Ltmp17, $4  }
0x216: {  	v23 =	vadd.s32 v5, v14;
	v15 =	vld [tilespmem:s0+$0x30];
	[tilespmem:v28+s18+$0x0] =	vst.idx.msk $0xffff, v12  }
0x217: {  	v22 =	vadd.s32 v6, v14;
	v12 =	vld [tilespmem:s0+$0x40];
	[tilespmem:v26+s18+$0x0] =	vst.idx.msk $0xffff, v13  }
0x218: {  	v21 =	vadd.s32 v7, v14;
	v13 =	vld [tilespmem:s0+$0x50];
	[tilespmem:v29+s18+$0x0] =	vst.idx.msk $0xffff, v16  }
0x219: {  	s20 =	sadd.s32 $0x2, s20;
	v20 =	vadd.s32 v8, v14;
	v16 =	vld [tilespmem:s0+$0x60];
	[tilespmem:v30+s18+$0x0] =	vst.idx.msk $0xffff, v25  }
0x21a: {  	_ =	sdelay $0x3  }
0x21b: {  	v25 =	vld [tilespmem:s0+$0x70];
	[tilespmem:v24+s18+$0x0] =	vst.idx.msk $0xffff, v19;
	v19 =	vadd.s32 v9, v14  }
0x21c: {  	v24 =	vld [tilespmem:s0+$0xFFFFFF80];
	v26 =	vmov s2;
	[tilespmem:v23+s18+$0x0] =	vst.idx.msk $0xffff, v18;
	v18 =	vadd.s32 v10, v14  }
0x21d: {  	v23 =	vld [tilespmem:s0+$0xFFFFFF90];
	v26 =	vand.u32 $0x7E, v26;
	v14 =	vadd.s32 v11, v14;
	[tilespmem:v22+s18+$0x0] =	vst.idx.msk $0xffff, v17  }
0x21e: {  	v17 =	vld [tilespmem:s0+$0xFFFFFFA0];
	v22 =	vadd.s32 v0, v26;
	[tilespmem:v21+s18+$0x0] =	vst.idx.msk $0xffff, v15  }
0x21f: {  	v15 =	vld [tilespmem:s0+$0xFFFFFFB0];
	v21 =	vadd.s32 v5, v26;
	[tilespmem:v20+s18+$0x0] =	vst.idx.msk $0xffff, v12  }
0x220: {  	v12 =	vld [tilespmem:s0+$0xFFFFFFC0];
	v20 =	vadd.s32 v6, v26;
	[tilespmem:v19+s18+$0x0] =	vst.idx.msk $0xffff, v13  }
0x221: {  	v13 =	vld [tilespmem:s0+$0xFFFFFFD0];
	v19 =	vadd.s32 v7, v26;
	[tilespmem:v18+s18+$0x0] =	vst.idx.msk $0xffff, v16  }
0x222: {  	v16 =	vld [tilespmem:s0+$0xFFFFFFE0];
	v18 =	vadd.s32 v8, v26;
	[tilespmem:v14+s18+$0x0] =	vst.idx.msk $0xffff, v25  }
0x223: {  	v14 =	vld [tilespmem:s0+$0xFFFFFFF0];
	[tilespmem:v22+s18+$0x0] =	vst.idx.msk $0xffff, v24;
	v22 =	vadd.s32 v9, v26  }
0x224: {  	[tilespmem:v21+s18+$0x0] =	vst.idx.msk $0xffff, v23;
	v21 =	vadd.s32 v10, v26  }
0x225: {  	[tilespmem:v20+s18+$0x0] =	vst.idx.msk $0xffff, v17;
	v17 =	vadd.s32 v11, v26  }
0x226: {  	[tilespmem:v19+s18+$0x0] =	vst.idx.msk $0xffff, v15  }
0x227: {  	[tilespmem:v18+s18+$0x0] =	vst.idx.msk $0xffff, v12  }
0x228: {  	[tilespmem:v22+s18+$0x0] =	vst.idx.msk $0xffff, v13  }
0x229: {  	[tilespmem:v21+s18+$0x0] =	vst.idx.msk $0xffff, v16  }
0x22a: {  	[tilespmem:v17+s18+$0x0] =	vst.idx.msk $0xffff, v14  }
0x22b: {  	_ =	swait.ge [sflag:s19], $0x4000  }
0x22c: {  	s26 =	simm.s32 $0x1F00;
	[sflag:s19] =	ssyncset.done $0x0  }
0x22d: {  	s28 =	simm.s32 $0x81;
	s0 =	simm.s32 $0x6000;
	[sflag:s19] =	ssyncadd.s32 $0xFFFFC000  }
0x22e: {  	[tilespmem:s16], [sflag:$0x1] =	stream.indirect.gather [hbm4b:s1+s15], $0x80, s26, s15, $0xb8;
	[tilespmem:$0x1A800] =	vst v63  }
0x22f: {  	v13 =	vmov s28;
	v12 =	vld [tilespmem:s0+$0x80]  }
0x230: {  	v16 =	vand.u32 $0xFF, v13;
	v15 =	vld [tilespmem:s0+$0x90]  }
0x231: {  	v13 =	vadd.s32 v0, v16;
	v17 =	vld [tilespmem:s0+$0xA0]  }
0x232: {  	v19 =	vadd.s32 v5, v16;
	v18 =	vld [tilespmem:s0+$0xB0]  }
0x233: {  	v21 =	vadd.s32 v6, v16;
	v20 =	vld [tilespmem:s0+$0xC0]  }
0x234: {  	v23 =	vadd.s32 v7, v16;
	v22 =	vld [tilespmem:s0+$0xD0]  }
0x235: {  	v24 =	vadd.s32 v8, v16;
	v25 =	vld [tilespmem:s0+$0xE0]  }
0x236: {  	v27 =	vadd.s32 v9, v16;
	v26 =	vld [tilespmem:s0+$0xF0];
	[tilespmem:v13+s18+$0x0] =	vst.idx.msk $0xffff, v12  }
0x237: {  	s31 =	simm.s32 $0x80;
	[tilespmem:v19+s18+$0x0] =	vst.idx.msk $0xffff, v15  }
0x238: {  	v14 =	vld [tilespmem:s0+$0x0];
	v12 =	vmov s31;
	v19 =	vadd.s32 v10, v16;
	[tilespmem:v21+s18+$0x0] =	vst.idx.msk $0xffff, v17  }
0x239: {  	v28 =	vadd.s32 v11, v16;
	v13 =	vld [tilespmem:s0+$0x10];
	v12 =	vand.u32 $0xFE, v12;
	[tilespmem:v23+s18+$0x0] =	vst.idx.msk $0xffff, v18  }
0x23a: {  	v15 =	vld [tilespmem:s0+$0x20];
	[tilespmem:v24+s18+$0x0] =	vst.idx.msk $0xffff, v20;
	v24 =	vadd.s32 v0, v12  }
0x23b: {  	v16 =	vld [tilespmem:s0+$0x30];
	[tilespmem:v27+s18+$0x0] =	vst.idx.msk $0xffff, v22;
	v22 =	vadd.s32 v5, v12  }
0x23c: {  	v17 =	vld [tilespmem:s0+$0x40];
	v20 =	vadd.s32 v6, v12  }
0x23d: {  	v21 =	vadd.s32 v7, v12;
	v18 =	vld [tilespmem:s0+$0x50];
	[tilespmem:v19+s18+$0x0] =	vst.idx.msk $0xffff, v25  }
0x23e: {  	s2 =	simm.s32 $0x0;
	v23 =	vadd.s32 v8, v12;
	v19 =	vld [tilespmem:s0+$0x60];
	[tilespmem:v28+s18+$0x0] =	vst.idx.msk $0xffff, v26  }
.LBB2_38:
0x23f: {  	s20 =	sadd.s32 $0x83, s2;
	v25 =	vld [tilespmem:s0+$0x70];
	[tilespmem:v24+s18+$0x0] =	vst.idx.msk $0xffff, v14;
	v14 =	vadd.s32 v9, v12;
	s0 =	sadd.s32 $0x100, s0;
	s21 =	smov.u32 s2  }
0x240: {  	v24 =	vmov s20;
	v26 =	vld [tilespmem:s0+$0x80];
	[tilespmem:v22+s18+$0x0] =	vst.idx.msk $0xffff, v13;
	v13 =	vadd.s32 v10, v12  }
0x241: {  	v12 =	vadd.s32 v11, v12;
	v22 =	vld [tilespmem:s0+$0x90];
	v24 =	vand.u32 $0xFF, v24;
	[tilespmem:v20+s18+$0x0] =	vst.idx.msk $0xffff, v15  }
0x242: {  	v15 =	vld [tilespmem:s0+$0xA0];
	v20 =	vadd.s32 v0, v24;
	[tilespmem:v21+s18+$0x0] =	vst.idx.msk $0xffff, v16  }
0x243: {  	v21 =	vadd.s32 v5, v24;
	v16 =	vld [tilespmem:s0+$0xB0];
	[tilespmem:v23+s18+$0x0] =	vst.idx.msk $0xffff, v17  }
0x244: {  	v23 =	vadd.s32 v6, v24;
	v17 =	vld [tilespmem:s0+$0xC0];
	[tilespmem:v14+s18+$0x0] =	vst.idx.msk $0xffff, v18  }
0x245: {  	v27 =	vadd.s32 v7, v24;
	v18 =	vld [tilespmem:s0+$0xD0];
	[tilespmem:v13+s18+$0x0] =	vst.idx.msk $0xffff, v19  }
0x246: {  	s2 =	sadd.s32 $0x2, s2;
	v28 =	vadd.s32 v8, v24;
	v19 =	vld [tilespmem:s0+$0xE0];
	[tilespmem:v12+s18+$0x0] =	vst.idx.msk $0xffff, v25  }
0x247: {  	s20 =	sadd.s32 $0x82, s21;
	p0 =	slt.u32 s2, $0x7E;
	v25 =	vld [tilespmem:s0+$0xF0];
	[tilespmem:v20+s18+$0x0] =	vst.idx.msk $0xffff, v26;
	v26 =	vadd.s32 v9, v24  }
0x248: {  	v29 =	vadd.s32 v10, v24;
	v12 =	vmov s20;
	v14 =	vld [tilespmem:s0+$0x0];
	[tilespmem:v21+s18+$0x0] =	vst.idx.msk $0xffff, v22  }
0x249: {  	v30 =	vadd.s32 v11, v24;
	v12 =	vand.u32 $0xFE, v12;
	v13 =	vld [tilespmem:s0+$0x10];
	[tilespmem:v23+s18+$0x0] =	vst.idx.msk $0xffff, v15  }
.Ltmp18:
0x24a: {  	v24 =	vadd.s32 v0, v12;
	v15 =	vld [tilespmem:s0+$0x20];
	[tilespmem:v27+s18+$0x0] =	vst.idx.msk $0xffff, v16;
	(pc) =	sbr.rel @p0 .LBB2_38-.Ltmp18, $4  }
0x24b: {  	v22 =	vadd.s32 v5, v12;
	v16 =	vld [tilespmem:s0+$0x30];
	[tilespmem:v28+s18+$0x0] =	vst.idx.msk $0xffff, v17  }
0x24c: {  	v20 =	vadd.s32 v6, v12;
	v17 =	vld [tilespmem:s0+$0x40];
	[tilespmem:v26+s18+$0x0] =	vst.idx.msk $0xffff, v18  }
0x24d: {  	v21 =	vadd.s32 v7, v12;
	v18 =	vld [tilespmem:s0+$0x50];
	[tilespmem:v29+s18+$0x0] =	vst.idx.msk $0xffff, v19  }
0x24e: {  	v23 =	vadd.s32 v8, v12;
	v19 =	vld [tilespmem:s0+$0x60];
	[tilespmem:v30+s18+$0x0] =	vst.idx.msk $0xffff, v25  }
0x24f: {  	_ =	sdelay $0x3  }
0x250: {  	v25 =	vld [tilespmem:s0+$0x70];
	[tilespmem:v24+s18+$0x0] =	vst.idx.msk $0xffff, v14;
	v61 =	vadd.s32 v9, v12  }
0x251: {  	v62 =	vadd.s32 v10, v12;
	[tilespmem:v22+s18+$0x0] =	vst.idx.msk $0xffff, v13  }
0x252: {  	v63 =	vadd.s32 v11, v12;
	[tilespmem:v20+s18+$0x0] =	vst.idx.msk $0xffff, v15  }
0x253: {  	[tilespmem:v21+s18+$0x0] =	vst.idx.msk $0xffff, v16  }
0x254: {  	[tilespmem:v23+s18+$0x0] =	vst.idx.msk $0xffff, v17  }
0x255: {  	[tilespmem:v61+s18+$0x0] =	vst.idx.msk $0xffff, v18  }
0x256: {  	s0 =	simm.s32 $0xA000;
	[tilespmem:v62+s18+$0x0] =	vst.idx.msk $0xffff, v19  }
0x257: {  	s2 =	simm.s32 $0x100;
	s21 =	sadd.s32 $0x0, s11;
	s20 =	simm.s32 $0xA108;
	[tilespmem:v63+s18+$0x0] =	vst.idx.msk $0xffff, v25  }
.LBB2_40:
0x258: {  	[hbm4b:s21+s3] =	stream.linear.scatter [tilespmem:s0], [sflag:$0x3], $0x100, $0x38;
	[tilespmem:$0x1A800] =	vst v63  }
0x259: {  	s21 =	smov.u32 s2;
	s0 =	smov.u32 s20;
	p0 =	sne.s32 s2, $0x7F00  }
.Ltmp19:
0x25a: {  	s2 =	sadd.s32 $0x100, s2;
	(pc) =	sbr.rel @p0 .LBB2_40-.Ltmp19, $2  }
0x25b: {  	_ =	sdelay $0x2  }
0x25c: {  	s20 =	sadd.s32 $0x108, s20;
	s21 =	sadd.s32 s21, s11  }
0x25d: {  	[hbm4b:s21+s3] =	stream.linear.scatter [tilespmem:s0], [sflag:$0x3], $0x100, $0x38;
	[tilespmem:$0x1A800] =	vst v63  }
0x25e: {  	_ =	swait.ge [sflag:s7], $0x4000  }
0x25f: {  	[sflag:s7] =	ssyncset.done $0x0  }
0x260: {  	[sflag:s7] =	ssyncadd.s32 $0xFFFFC000  }
0x261: {  	[tilespmem:s17], [sflag:$0x2] =	stream.indirect.gather [hbm4b:s1+s15], $0x80, s29, s15, $0xb8;
	[tilespmem:$0x1A800] =	vst v63  }
0x262: {  	_ =	swait.ge [sflag:s25], $0x8000  }
0x263: {  	[sflag:s25] =	ssyncset.done $0x0  }
0x264: {  	s0 =	simm.s32 $0x2080;
	s2 =	simm.s32 $0x1;
	[sflag:s25] =	ssyncadd.s32 $0xFFFF8000  }
0x265: {  	v12 =	vmov s2;
	v19 =	vld [tilespmem:s0+$0x0]  }
0x266: {  	v14 =	vand.u32 $0x7F, v12;
	v18 =	vld [tilespmem:s0+$0x10]  }
0x267: {  	v24 =	vadd.s32 v0, v14;
	v17 =	vld [tilespmem:s0+$0x20]  }
0x268: {  	v23 =	vadd.s32 v5, v14;
	v15 =	vld [tilespmem:s0+$0x30]  }
0x269: {  	v22 =	vadd.s32 v6, v14;
	v12 =	vld [tilespmem:s0+$0x40]  }
0x26a: {  	v21 =	vadd.s32 v7, v14;
	v13 =	vld [tilespmem:s0+$0x50]  }
0x26b: {  	s20 =	simm.s32 $0x2;
	s2 =	simm.s32 $0x0;
	v20 =	vadd.s32 v8, v14;
	v16 =	vld [tilespmem:s0+$0x60]  }
.LBB2_42:
0x26c: {  	p0 =	slt.u32 s20, $0x7E;
	v25 =	vld [tilespmem:s0+$0x70];
	[tilespmem:v24+s22+$0x0] =	vst.idx.msk $0xffff, v19;
	v19 =	vadd.s32 v9, v14  }
0x26d: {  	v24 =	vmov s2;
	s2 =	smov.u32 s20;
	v26 =	vld [tilespmem:s0+$0xFFFFFF80];
	[tilespmem:v23+s22+$0x0] =	vst.idx.msk $0xffff, v18;
	v18 =	vadd.s32 v10, v14  }
0x26e: {  	v24 =	vand.u32 $0x7E, v24;
	v14 =	vadd.s32 v11, v14;
	v23 =	vld [tilespmem:s0+$0xFFFFFF90];
	[tilespmem:v22+s22+$0x0] =	vst.idx.msk $0xffff, v17  }
0x26f: {  	v22 =	vadd.s32 v0, v24;
	v17 =	vld [tilespmem:s0+$0xFFFFFFA0];
	[tilespmem:v21+s22+$0x0] =	vst.idx.msk $0xffff, v15  }
0x270: {  	v21 =	vadd.s32 v5, v24;
	v15 =	vld [tilespmem:s0+$0xFFFFFFB0];
	[tilespmem:v20+s22+$0x0] =	vst.idx.msk $0xffff, v12  }
0x271: {  	v20 =	vadd.s32 v6, v24;
	v12 =	vld [tilespmem:s0+$0xFFFFFFC0];
	[tilespmem:v19+s22+$0x0] =	vst.idx.msk $0xffff, v13  }
0x272: {  	v27 =	vadd.s32 v7, v24;
	v13 =	vld [tilespmem:s0+$0xFFFFFFD0];
	[tilespmem:v18+s22+$0x0] =	vst.idx.msk $0xffff, v16  }
0x273: {  	v28 =	vadd.s32 v8, v24;
	v16 =	vld [tilespmem:s0+$0xFFFFFFE0];
	[tilespmem:v14+s22+$0x0] =	vst.idx.msk $0xffff, v25  }
0x274: {  	s21 =	sadd.s32 $0x1, s20;
	v25 =	vld [tilespmem:s0+$0xFFFFFFF0];
	[tilespmem:v22+s22+$0x0] =	vst.idx.msk $0xffff, v26;
	v26 =	vadd.s32 v9, v24;
	s0 =	sadd.s32 $0x100, s0  }
0x275: {  	v29 =	vadd.s32 v10, v24;
	v14 =	vmov s21;
	v19 =	vld [tilespmem:s0+$0x0];
	[tilespmem:v21+s22+$0x0] =	vst.idx.msk $0xffff, v23  }
0x276: {  	v30 =	vadd.s32 v11, v24;
	v14 =	vand.u32 $0x7F, v14;
	v18 =	vld [tilespmem:s0+$0x10];
	[tilespmem:v20+s22+$0x0] =	vst.idx.msk $0xffff, v17  }
.Ltmp20:
0x277: {  	v24 =	vadd.s32 v0, v14;
	v17 =	vld [tilespmem:s0+$0x20];
	[tilespmem:v27+s22+$0x0] =	vst.idx.msk $0xffff, v15;
	(pc) =	sbr.rel @p0 .LBB2_42-.Ltmp20, $4  }
0x278: {  	v23 =	vadd.s32 v5, v14;
	v15 =	vld [tilespmem:s0+$0x30];
	[tilespmem:v28+s22+$0x0] =	vst.idx.msk $0xffff, v12  }
0x279: {  	v22 =	vadd.s32 v6, v14;
	v12 =	vld [tilespmem:s0+$0x40];
	[tilespmem:v26+s22+$0x0] =	vst.idx.msk $0xffff, v13  }
0x27a: {  	v21 =	vadd.s32 v7, v14;
	v13 =	vld [tilespmem:s0+$0x50];
	[tilespmem:v29+s22+$0x0] =	vst.idx.msk $0xffff, v16  }
0x27b: {  	s20 =	sadd.s32 $0x2, s20;
	v20 =	vadd.s32 v8, v14;
	v16 =	vld [tilespmem:s0+$0x60];
	[tilespmem:v30+s22+$0x0] =	vst.idx.msk $0xffff, v25  }
0x27c: {  	_ =	sdelay $0x3  }
0x27d: {  	v25 =	vld [tilespmem:s0+$0x70];
	[tilespmem:v24+s22+$0x0] =	vst.idx.msk $0xffff, v19;
	v19 =	vadd.s32 v9, v14  }
0x27e: {  	v24 =	vld [tilespmem:s0+$0xFFFFFF80];
	v26 =	vmov s2;
	[tilespmem:v23+s22+$0x0] =	vst.idx.msk $0xffff, v18;
	v18 =	vadd.s32 v10, v14  }
0x27f: {  	v23 =	vld [tilespmem:s0+$0xFFFFFF90];
	v26 =	vand.u32 $0x7E, v26;
	v14 =	vadd.s32 v11, v14;
	[tilespmem:v22+s22+$0x0] =	vst.idx.msk $0xffff, v17  }
0x280: {  	v17 =	vld [tilespmem:s0+$0xFFFFFFA0];
	v22 =	vadd.s32 v0, v26;
	[tilespmem:v21+s22+$0x0] =	vst.idx.msk $0xffff, v15  }
0x281: {  	v15 =	vld [tilespmem:s0+$0xFFFFFFB0];
	v21 =	vadd.s32 v5, v26;
	[tilespmem:v20+s22+$0x0] =	vst.idx.msk $0xffff, v12  }
0x282: {  	v12 =	vld [tilespmem:s0+$0xFFFFFFC0];
	v20 =	vadd.s32 v6, v26;
	[tilespmem:v19+s22+$0x0] =	vst.idx.msk $0xffff, v13  }
0x283: {  	v13 =	vld [tilespmem:s0+$0xFFFFFFD0];
	v19 =	vadd.s32 v7, v26;
	[tilespmem:v18+s22+$0x0] =	vst.idx.msk $0xffff, v16  }
0x284: {  	v16 =	vld [tilespmem:s0+$0xFFFFFFE0];
	v18 =	vadd.s32 v8, v26;
	[tilespmem:v14+s22+$0x0] =	vst.idx.msk $0xffff, v25  }
0x285: {  	v14 =	vld [tilespmem:s0+$0xFFFFFFF0];
	[tilespmem:v22+s22+$0x0] =	vst.idx.msk $0xffff, v24;
	v22 =	vadd.s32 v9, v26  }
0x286: {  	[tilespmem:v21+s22+$0x0] =	vst.idx.msk $0xffff, v23;
	v21 =	vadd.s32 v10, v26  }
0x287: {  	[tilespmem:v20+s22+$0x0] =	vst.idx.msk $0xffff, v17;
	v17 =	vadd.s32 v11, v26  }
0x288: {  	[tilespmem:v19+s22+$0x0] =	vst.idx.msk $0xffff, v15  }
0x289: {  	[tilespmem:v18+s22+$0x0] =	vst.idx.msk $0xffff, v12  }
0x28a: {  	[tilespmem:v22+s22+$0x0] =	vst.idx.msk $0xffff, v13  }
0x28b: {  	[tilespmem:v21+s22+$0x0] =	vst.idx.msk $0xffff, v16  }
0x28c: {  	[tilespmem:v17+s22+$0x0] =	vst.idx.msk $0xffff, v14  }
0x28d: {  	_ =	swait.ge [sflag:s19], $0x4000  }
0x28e: {  	[sflag:s19] =	ssyncset.done $0x0  }
0x28f: {  	s28 =	simm.s32 $0x81;
	s0 =	simm.s32 $0x6000;
	[sflag:s19] =	ssyncadd.s32 $0xFFFFC000  }
0x290: {  	v13 =	vmov s28;
	v12 =	vld [tilespmem:s0+$0x80]  }
0x291: {  	v16 =	vand.u32 $0xFF, v13;
	v15 =	vld [tilespmem:s0+$0x90]  }
0x292: {  	v13 =	vadd.s32 v0, v16;
	v17 =	vld [tilespmem:s0+$0xA0]  }
0x293: {  	v19 =	vadd.s32 v5, v16;
	v18 =	vld [tilespmem:s0+$0xB0]  }
0x294: {  	v21 =	vadd.s32 v6, v16;
	v20 =	vld [tilespmem:s0+$0xC0]  }
0x295: {  	v23 =	vadd.s32 v7, v16;
	v22 =	vld [tilespmem:s0+$0xD0]  }
0x296: {  	v24 =	vadd.s32 v8, v16;
	v25 =	vld [tilespmem:s0+$0xE0]  }
0x297: {  	v27 =	vadd.s32 v9, v16;
	v26 =	vld [tilespmem:s0+$0xF0];
	[tilespmem:v13+s22+$0x0] =	vst.idx.msk $0xffff, v12  }
0x298: {  	s31 =	simm.s32 $0x80;
	[tilespmem:v19+s22+$0x0] =	vst.idx.msk $0xffff, v15  }
0x299: {  	v14 =	vld [tilespmem:s0+$0x0];
	v12 =	vmov s31;
	v19 =	vadd.s32 v10, v16;
	[tilespmem:v21+s22+$0x0] =	vst.idx.msk $0xffff, v17  }
0x29a: {  	v28 =	vadd.s32 v11, v16;
	v13 =	vld [tilespmem:s0+$0x10];
	v12 =	vand.u32 $0xFE, v12;
	[tilespmem:v23+s22+$0x0] =	vst.idx.msk $0xffff, v18  }
0x29b: {  	v15 =	vld [tilespmem:s0+$0x20];
	[tilespmem:v24+s22+$0x0] =	vst.idx.msk $0xffff, v20;
	v24 =	vadd.s32 v0, v12  }
0x29c: {  	v16 =	vld [tilespmem:s0+$0x30];
	[tilespmem:v27+s22+$0x0] =	vst.idx.msk $0xffff, v22;
	v22 =	vadd.s32 v5, v12  }
0x29d: {  	v17 =	vld [tilespmem:s0+$0x40];
	v20 =	vadd.s32 v6, v12  }
0x29e: {  	v21 =	vadd.s32 v7, v12;
	v18 =	vld [tilespmem:s0+$0x50];
	[tilespmem:v19+s22+$0x0] =	vst.idx.msk $0xffff, v25  }
0x29f: {  	s2 =	simm.s32 $0x0;
	v23 =	vadd.s32 v8, v12;
	v19 =	vld [tilespmem:s0+$0x60];
	[tilespmem:v28+s22+$0x0] =	vst.idx.msk $0xffff, v26  }
.LBB2_44:
0x2a0: {  	s20 =	sadd.s32 $0x83, s2;
	v25 =	vld [tilespmem:s0+$0x70];
	[tilespmem:v24+s22+$0x0] =	vst.idx.msk $0xffff, v14;
	v14 =	vadd.s32 v9, v12;
	s0 =	sadd.s32 $0x100, s0;
	s21 =	smov.u32 s2  }
0x2a1: {  	v24 =	vmov s20;
	v26 =	vld [tilespmem:s0+$0x80];
	[tilespmem:v22+s22+$0x0] =	vst.idx.msk $0xffff, v13;
	v13 =	vadd.s32 v10, v12  }
0x2a2: {  	v12 =	vadd.s32 v11, v12;
	v22 =	vld [tilespmem:s0+$0x90];
	v24 =	vand.u32 $0xFF, v24;
	[tilespmem:v20+s22+$0x0] =	vst.idx.msk $0xffff, v15  }
0x2a3: {  	v15 =	vld [tilespmem:s0+$0xA0];
	v20 =	vadd.s32 v0, v24;
	[tilespmem:v21+s22+$0x0] =	vst.idx.msk $0xffff, v16  }
0x2a4: {  	v21 =	vadd.s32 v5, v24;
	v16 =	vld [tilespmem:s0+$0xB0];
	[tilespmem:v23+s22+$0x0] =	vst.idx.msk $0xffff, v17  }
0x2a5: {  	v23 =	vadd.s32 v6, v24;
	v17 =	vld [tilespmem:s0+$0xC0];
	[tilespmem:v14+s22+$0x0] =	vst.idx.msk $0xffff, v18  }
0x2a6: {  	v27 =	vadd.s32 v7, v24;
	v18 =	vld [tilespmem:s0+$0xD0];
	[tilespmem:v13+s22+$0x0] =	vst.idx.msk $0xffff, v19  }
0x2a7: {  	s2 =	sadd.s32 $0x2, s2;
	v28 =	vadd.s32 v8, v24;
	v19 =	vld [tilespmem:s0+$0xE0];
	[tilespmem:v12+s22+$0x0] =	vst.idx.msk $0xffff, v25  }
0x2a8: {  	s20 =	sadd.s32 $0x82, s21;
	p0 =	slt.u32 s2, $0x7E;
	v25 =	vld [tilespmem:s0+$0xF0];
	[tilespmem:v20+s22+$0x0] =	vst.idx.msk $0xffff, v26;
	v26 =	vadd.s32 v9, v24  }
0x2a9: {  	v29 =	vadd.s32 v10, v24;
	v12 =	vmov s20;
	v14 =	vld [tilespmem:s0+$0x0];
	[tilespmem:v21+s22+$0x0] =	vst.idx.msk $0xffff, v22  }
0x2aa: {  	v30 =	vadd.s32 v11, v24;
	v12 =	vand.u32 $0xFE, v12;
	v13 =	vld [tilespmem:s0+$0x10];
	[tilespmem:v23+s22+$0x0] =	vst.idx.msk $0xffff, v15  }
.Ltmp21:
0x2ab: {  	v24 =	vadd.s32 v0, v12;
	v15 =	vld [tilespmem:s0+$0x20];
	[tilespmem:v27+s22+$0x0] =	vst.idx.msk $0xffff, v16;
	(pc) =	sbr.rel @p0 .LBB2_44-.Ltmp21, $4  }
0x2ac: {  	v22 =	vadd.s32 v5, v12;
	v16 =	vld [tilespmem:s0+$0x30];
	[tilespmem:v28+s22+$0x0] =	vst.idx.msk $0xffff, v17  }
0x2ad: {  	v20 =	vadd.s32 v6, v12;
	v17 =	vld [tilespmem:s0+$0x40];
	[tilespmem:v26+s22+$0x0] =	vst.idx.msk $0xffff, v18  }
0x2ae: {  	v21 =	vadd.s32 v7, v12;
	v18 =	vld [tilespmem:s0+$0x50];
	[tilespmem:v29+s22+$0x0] =	vst.idx.msk $0xffff, v19  }
0x2af: {  	v23 =	vadd.s32 v8, v12;
	v19 =	vld [tilespmem:s0+$0x60];
	[tilespmem:v30+s22+$0x0] =	vst.idx.msk $0xffff, v25  }
0x2b0: {  	_ =	sdelay $0x3  }
0x2b1: {  	v25 =	vld [tilespmem:s0+$0x70];
	[tilespmem:v24+s22+$0x0] =	vst.idx.msk $0xffff, v14;
	v61 =	vadd.s32 v9, v12  }
0x2b2: {  	v62 =	vadd.s32 v10, v12;
	[tilespmem:v22+s22+$0x0] =	vst.idx.msk $0xffff, v13  }
0x2b3: {  	v63 =	vadd.s32 v11, v12;
	[tilespmem:v20+s22+$0x0] =	vst.idx.msk $0xffff, v15  }
0x2b4: {  	[tilespmem:v21+s22+$0x0] =	vst.idx.msk $0xffff, v16  }
0x2b5: {  	[tilespmem:v23+s22+$0x0] =	vst.idx.msk $0xffff, v17  }
0x2b6: {  	[tilespmem:v61+s22+$0x0] =	vst.idx.msk $0xffff, v18  }
0x2b7: {  	s0 =	simm.s32 $0x12400;
	[tilespmem:v62+s22+$0x0] =	vst.idx.msk $0xffff, v19  }
0x2b8: {  	s2 =	simm.s32 $0x100;
	s21 =	sadd.s32 $0x0, s12;
	s20 =	simm.s32 $0x12508;
	[tilespmem:v63+s22+$0x0] =	vst.idx.msk $0xffff, v25  }
.LBB2_46:
0x2b9: {  	[hbm4b:s21+s3] =	stream.linear.scatter [tilespmem:s0], [sflag:$0x4], $0x100, $0x38;
	[tilespmem:$0x1A800] =	vst v63  }
0x2ba: {  	s21 =	smov.u32 s2;
	s0 =	smov.u32 s20;
	p0 =	sne.s32 s2, $0x7F00  }
.Ltmp22:
0x2bb: {  	s2 =	sadd.s32 $0x100, s2;
	(pc) =	sbr.rel @p0 .LBB2_46-.Ltmp22, $2  }
0x2bc: {  	_ =	sdelay $0x2  }
0x2bd: {  	s20 =	sadd.s32 $0x108, s20;
	s21 =	sadd.s32 s21, s12  }
0x2be: {  	[hbm4b:s21+s3] =	stream.linear.scatter [tilespmem:s0], [sflag:$0x4], $0x100, $0x38;
	[tilespmem:$0x1A800] =	vst v63  }
0x2bf: {  	s30 =	sadd.s32 $0x1, s30  }
0x2c0: {  	_ =	swait.ge [sflag:s24], $0x8000;
	p0 =	sne.s32 s30, s13  }
.Ltmp23:
0x2c1: {  	[sflag:s24] =	ssyncset.done $0x0;
	(pc) =	sbr.rel @p0 .LBB2_1-.Ltmp23, $4  }
0x2c2: {  	[sflag:s24] =	ssyncadd.s32 $0xFFFF8000  }
0x2c3: {  	_ =	swait.ge [sflag:s25], $0x8000  }
0x2c4: {  	[sflag:s25] =	ssyncset.done $0x0  }
0x2c5: {  	[sflag:s25] =	ssyncadd.s32 $0xFFFF8000  }
0x2c6: {  	_ =	sfence.sel $0x180000  }
0x2c7: {  	[bflag:$0x0] =	sbarrier.arrive $0xFFFF  }
0x2c8: {  	_ =	strace $0x90000047  }
0x2c9: {  	s0 =	stileid.u32;
	[bflag:$0x2] =	sbarrier.arrive $0xFFFF  }
0x2ca: {  	p0 =	sne.s32 s0, $0x0;
	s0 =	rddreg [dreg:$0x3]  }
0x2cb: {  	s0 =	sadd.s32 @!p0 $0x100000, s0  }
0x2cc: {  	[sflag:s0] =	ssyncadd.tile.s32 @!p0 $0x1;
	_ =	shalt  }
.Lfunc_end2:
_tile_overlayer_lowered:
.L_overlay_start_2:
0x2cd: {  	(tag) =	ssettag $0x2  }
0x2ce: {  	s0 =	rddreg [dreg:$0x0];
	s2 =	stileid.u32  }
0x2cf: {  	s1 =	rddreg [dreg:$0x1];
	p0 =	sne.s32 s2, $0x0  }
0x2d0: {  	s3 =	rddreg [dreg:$0x2];
	[bflag:$0x3] =	sbarrier.arrive $0xFFFF;
	s2 =	simm.s32 @!p0 $0x1C05  }
0x2d1: {  	[timem:s3], [sflag:s2] =	dma.local @!p0 [hbm:s0], s1  }
0x2d2: {  	s0 =	simm.s32 @!p0 $0x5  }
0x2d3: {  	_ =	swait.ge @!p0 [sflag:s0], s1  }
0x2d4: {  	s1 =	ssub.s32 @!p0 $0x0, s1;
	[sflag:s0] =	ssyncset.done @!p0 $0x0  }
0x2d5: {  	[sflag:s0] =	ssyncadd.s32 @!p0 s1  }
0x2d6: {  	[bflag:$0x3] =	sbarrier.arrive $0xFFFF  }
0x2d7: {  	_ =	shalt  }

</sc_bundles>
